<compile_context>
chip_gen: v7x
topology: tpu7x:2x2x1
jax: 0.10.2.dev20260603
libtpu: 0.0.44.dev20260713+nightly
codegen_flags: <defaults>
</compile_context>

<pallas_src>
import functools

import jax
import jax.numpy as jnp
from jax import lax
from jax.experimental import pallas as pl
from jax.experimental.pallas import tpu as pltpu
from jax.experimental.pallas import tpu_sc as plsc


def _prep_body(table_ref, tabt_ref, lse_ref):
    t = table_ref[...]
    m = jnp.max(t, axis=1, keepdims=True)
    lse = (m + jnp.log(jnp.sum(jnp.exp(t - m), axis=1, keepdims=True)))[:, 0]
    lse_ref[...] = jnp.pad(lse, (0, lse_ref.shape[0] - lse.shape[0]))
    cp, vp = tabt_ref.shape
    v, d = t.shape
    tabt_ref[...] = jnp.pad(t, ((0, vp - v), (0, cp - d))).T


def _compute_prep(table, cp, vp):
    return pl.pallas_call(
        _prep_body,
        out_shape=(
            jax.ShapeDtypeStruct((cp, vp), jnp.float32),
            jax.ShapeDtypeStruct((vp,), jnp.float32),
        ),
    )(table)


_INFO = plsc.get_sparse_core_info()
_NC, _NS, _L = _INFO.num_cores, _INFO.num_subcores, _INFO.num_lanes
_NW = _NC * _NS


@functools.lru_cache(maxsize=None)
def _make_sc_kernel(bsz, t, v, d):
    dp = ((d + 127) // 128) * 128
    vp = ((v + 127) // 128) * 128
    n = bsz * t
    ncb = (d + 7) // 8
    cb_per_w = (ncb + _NW - 1) // _NW
    tokw = n // _NW
    ngrp = tokw // _L
    nbb = bsz // _L
    assert t % 2 == 0 and bsz % _L == 0 and tokw % _L == 0
    mesh = plsc.VectorSubcoreMesh(core_axis_name="c", subcore_axis_name="s")

    @functools.partial(
        pl.kernel,
        mesh=mesh,
        compiler_params=pltpu.CompilerParams(
            needs_layout_passes=False, use_tc_tiling_on_sc=True
        ),
        out_type=(
            jax.ShapeDtypeStruct((t, d, bsz), jnp.float32),
            jax.ShapeDtypeStruct((_NW * _L,), jnp.float32),
        ),
        scratch_types=[
            pltpu.VMEM((8 * cb_per_w, vp), jnp.float32),
            pltpu.VMEM((8, bsz), jnp.float32),
            pltpu.VMEM((8, bsz), jnp.float32),
            pltpu.VMEM((bsz,), jnp.int32),
            pltpu.VMEM((bsz,), jnp.int32),
            pltpu.VMEM((tokw,), jnp.int32),
            pltpu.VMEM((tokw,), jnp.int32),
            pltpu.VMEM((dp,), jnp.float32),
            pltpu.VMEM((tokw,), jnp.int32),
            pltpu.VMEM((tokw,), jnp.float32),
            pltpu.VMEM((_L,), jnp.float32),
            pltpu.SemaphoreType.DMA,
            pltpu.SemaphoreType.DMA,
            pltpu.SemaphoreType.DMA,
            pltpu.SemaphoreType.DMA,
            pltpu.SemaphoreType.DMA,
        ],
    )
    def sc_kernel(idxt_hbm, tgt_hbm, tabt_hbm, tabflat_hbm, lse_hbm,
                  out_hbm, part_hbm,
                  tabw, st0, st1, ib0, ib1, idxw, tgtw, lse_v, fi_v, vals_v,
                  acc_v, is0, is1, ws0, ws1, vsem):
        wid = lax.axis_index("s") * _NC + lax.axis_index("c")
        w_tok0 = wid * tokw
        cb0 = wid * cb_per_w
        stage = (st0, st1)
        ibuf = (ib0, ib1)
        isem = (is0, is1)
        wsem = (ws0, ws1)

        pltpu.sync_copy(lse_hbm, lse_v)
        pltpu.sync_copy(idxt_hbm.at[pl.ds(w_tok0, tokw)], idxw)
        pltpu.sync_copy(tgt_hbm.at[pl.ds(w_tok0, tokw)], tgtw)

        def fi_body(g, carry):
            iv = idxw[pl.ds(g * _L, _L)]
            tv = tgtw[pl.ds(g * _L, _L)]
            fi_v[pl.ds(g * _L, _L)] = iv * dp + tv
            return carry

        lax.fori_loop(0, ngrp, fi_body, 0)
        pltpu.async_copy(tabflat_hbm.at[fi_v], vals_v, vsem)

        pltpu.sync_copy(tabt_hbm.at[pl.ds(cb0 * 8, 8 * cb_per_w)], tabw)

        def start_idx(tt, b):
            pltpu.async_copy(
                idxt_hbm.at[pl.ds(tt * bsz, bsz)], ibuf[b], isem[b])

        def wait_idx(b):
            pltpu.make_async_copy(
                idxt_hbm.at[pl.ds(0, bsz)], ibuf[b], isem[b]).wait()

        def wait_write(s):
            pltpu.make_async_copy(
                stage[s], out_hbm.at[0, pl.ds(0, 8), :], wsem[s]).wait()

        start_idx(0, 0)
        start_idx(1, 1)

        def do_t(tt, b):
            wait_idx(b)
            for cbl in range(cb_per_w):
                cb = cb0 + cbl
                s = cbl % 2

                @pl.when(cb < ncb)
                def _():
                    if cbl >= 2:
                        wait_write(s)
                    else:
                        @pl.when(tt > 0)
                        def _():
                            wait_write(s)

                    @plsc.parallel_loop(0, nbb, 1, unroll=4)
                    def _(bb):
                        iv = ibuf[b][pl.ds(bb * _L, _L)]
                        for ri in range(8):
                            rid = jnp.full((_L,), cbl * 8 + ri, jnp.int32)
                            val = plsc.load_gather(tabw, [rid, iv])
                            stage[s][ri, pl.ds(bb * _L, _L)] = val
                    pltpu.async_copy(
                        stage[s],
                        out_hbm.at[tt, pl.ds(cb * 8, 8), :],
                        wsem[s],
                    )

            @pl.when(tt + 2 < t)
            def _():
                start_idx(tt + 2, b)

        def body(g, carry):
            for b in range(2):
                do_t(g * 2 + b, b)
            return carry

        lax.fori_loop(0, t // 2, body, 0)
        for s in range(2):
            @pl.when(cb0 + s < ncb)
            def _():
                wait_write(s)

        pltpu.make_async_copy(
            tabflat_hbm.at[pl.ds(0, tokw)], vals_v, vsem).wait()

        def loss_body(g, acc):
            iv = idxw[pl.ds(g * _L, _L)]
            lse_g = plsc.load_gather(lse_v, [iv])
            vv = vals_v[pl.ds(g * _L, _L)]
            return acc + (lse_g - vv)

        acc = lax.fori_loop(0, ngrp, loss_body, jnp.zeros((_L,), jnp.float32))
        acc_v[...] = acc
        pltpu.sync_copy(acc_v, part_hbm.at[pl.ds(wid * _L, _L)])

    return sc_kernel


def kernel(idx, targets, table):
    bsz, t = idx.shape
    v, d = table.shape
    dp = ((d + 127) // 128) * 128
    bp = ((bsz + 127) // 128) * 128
    assert bp == bsz
    n = bsz * t
    idxt_f = idx.T.astype(jnp.int32).reshape(t * bsz)
    tgtt_f = targets.T.astype(jnp.int32).reshape(t * bsz)
    ncb_pad = ((d + 7) // 8 + _NW - 1) // _NW * _NW * 8
    vpad = ((v + 127) // 128) * 128
    tabflat = jnp.pad(table, ((0, 0), (0, dp - d))).reshape(v * dp)
    tabt, lse = _compute_prep(table.astype(jnp.float32), ncb_pad, vpad)
    out3, part = _make_sc_kernel(bsz, t, v, d)(
        idxt_f, tgtt_f, tabt, tabflat, lse)
    logits = out3.transpose(2, 0, 1)
    loss = jnp.sum(part) / n
    return (logits, loss)

# --- scband reference (transcript-rebuilt; emitter-appended) ---
"""Pipeline reference for scband-bigram-model-7730941133064 (READ-ONLY COPY).

The authoritative reference and input builder live on the scoring server;
editing this copy changes nothing except your own understanding.
"""

import jax, jax.numpy as jnp
import numpy as np

VOCAB = 1000
B, T = 1024, 50

def setup_inputs(seed: int = 0) -> dict:
    key = jax.random.key(seed)
    k1, k2, k3 = jax.random.split(key, 3)
    idx = jax.random.randint(k1, (B, T), 0, VOCAB)
    targets = jax.random.randint(k2, (B, T), 0, VOCAB)
    # nn.Embedding default init: N(0, 1)
    table = jax.random.normal(k3, (VOCAB, VOCAB), dtype=jnp.float32)
    return {"idx": idx, "targets": targets, "table": table}

def reference(idx, targets, table):
    # logits = self.token_embedding_table(idx)
    logits = jnp.take(table, idx, axis=0)  # [B, T, C]
    Bd, Td, C = logits.shape
    flat_logits = logits.reshape(Bd * Td, C)
    flat_targets = targets.reshape(-1)
    # F.cross_entropy with mean reduction
    logp = jax.nn.log_softmax(flat_logits, axis=-1)
    nll = -jnp.take_along_axis(logp, flat_targets[:, None], axis=1)[:, 0]
    loss = jnp.mean(nll)
    return (logits, loss)

if __name__ == "__main__":
    import jax
    _d = setup_inputs()
    print(jax.jit(kernel)(*tuple(_d.values())))

</pallas_src>

<mosaic_0001>
#map = affine_map<(d0, d1) -> (0)>
#map1 = affine_map<(d0, d1) -> (0, 0)>
#map2 = affine_map<(d0, d1) -> (0, 0, 0)>
module attributes {stable_mosaic.version = 14 : i64} {
  func.func @sc_kernel(%arg0: i32, %arg1: i32, %arg2: memref<51200xi32, #tpu.memory_space<hbm>>, %arg3: memref<51200xi32, #tpu.memory_space<hbm>>, %arg4: memref<1024x1024xf32, #tpu.memory_space<hbm>>, %arg5: memref<1024000xf32, #tpu.memory_space<hbm>>, %arg6: memref<1024xf32, #tpu.memory_space<hbm>>, %arg7: memref<50x1000x1024xf32, #tpu.memory_space<hbm>>, %arg8: memref<512xf32, #tpu.memory_space<hbm>>, %arg9: memref<32x1024xf32, #tpu.memory_space<vmem>>, %arg10: memref<8x1024xf32, #tpu.memory_space<vmem>>, %arg11: memref<8x1024xf32, #tpu.memory_space<vmem>>, %arg12: memref<1024xi32, #tpu.memory_space<vmem>>, %arg13: memref<1024xi32, #tpu.memory_space<vmem>>, %arg14: memref<1600xi32, #tpu.memory_space<vmem>>, %arg15: memref<1600xi32, #tpu.memory_space<vmem>>, %arg16: memref<1024xf32, #tpu.memory_space<vmem>>, %arg17: memref<1600xi32, #tpu.memory_space<vmem>>, %arg18: memref<1600xf32, #tpu.memory_space<vmem>>, %arg19: memref<16xf32, #tpu.memory_space<vmem>>, %arg20: memref<!tpu.dma_semaphore, #tpu.memory_space<semaphore_mem>>, %arg21: memref<!tpu.dma_semaphore, #tpu.memory_space<semaphore_mem>>, %arg22: memref<!tpu.dma_semaphore, #tpu.memory_space<semaphore_mem>>, %arg23: memref<!tpu.dma_semaphore, #tpu.memory_space<semaphore_mem>>, %arg24: memref<!tpu.dma_semaphore, #tpu.memory_space<semaphore_mem>>) attributes {dimension_semantics = [#tpu.dimension_semantics<core_parallel>, #tpu.dimension_semantics<subcore_parallel>], iteration_bounds = array<i64: 2, 16>, scalar_prefetch = 0 : i64, scratch_operands = 16 : i64, tpu.core_type = #tpu.core_type<sc_vector_subcore>, window_params = [{transform_indices = #map}, {transform_indices = #map}, {transform_indices = #map1}, {transform_indices = #map}, {transform_indices = #map}, {transform_indices = #map2}, {transform_indices = #map}]} {
    %mul3A = arith.constant 2 : i32
    %mul3A_0 = arith.muli %arg1, %mul3A : i32
    %add3A = arith.addi %mul3A_0, %arg0 : i32
    %mul3A_1 = arith.constant 1600 : i32
    %mul3A_2 = arith.muli %add3A, %mul3A_1 : i32
    %mul3A_3 = arith.constant 4 : i32
    %mul3A_4 = arith.muli %add3A, %mul3A_3 : i32
    "tpu.region"() ({
      %run_scoped3A = tpu.sem_alloc : memref<!tpu.dma_semaphore, #tpu.memory_space<semaphore_mem>>
      tpu.enqueue_dma source(%arg6 : memref<1024xf32, #tpu.memory_space<hbm>>) target(%arg16 : memref<1024xf32, #tpu.memory_space<vmem>>) target_semaphore(%run_scoped3A : memref<!tpu.dma_semaphore, #tpu.memory_space<semaphore_mem>>)
      tpu.wait_dma2 semaphore(%run_scoped3A : memref<!tpu.dma_semaphore, #tpu.memory_space<semaphore_mem>>) src(%arg6 : memref<1024xf32, #tpu.memory_space<hbm>>) dst(%arg16 : memref<1024xf32, #tpu.memory_space<vmem>>)
      tpu.yield
    }) : () -> ()
    "tpu.region"() ({
      %run_scoped3A = tpu.sem_alloc : memref<!tpu.dma_semaphore, #tpu.memory_space<semaphore_mem>>
      %dma_start3A_51 = tpu.memref_slice %arg2[%mul3A_2] : memref<51200xi32, #tpu.memory_space<hbm>> -> memref<1600xi32, #tpu.memory_space<hbm>>
      %dma_start3A_52 = tpu.memref_slice %arg2[%mul3A_2] : memref<51200xi32, #tpu.memory_space<hbm>> -> memref<1600xi32, #tpu.memory_space<hbm>>
      tpu.enqueue_dma source(%dma_start3A_52 : memref<1600xi32, #tpu.memory_space<hbm>>) target(%arg14 : memref<1600xi32, #tpu.memory_space<vmem>>) target_semaphore(%run_scoped3A : memref<!tpu.dma_semaphore, #tpu.memory_space<semaphore_mem>>)
      %dma_wait3A_53 = tpu.memref_slice %arg2[%mul3A_2] : memref<51200xi32, #tpu.memory_space<hbm>> -> memref<1600xi32, #tpu.memory_space<hbm>>
      %dma_wait3A_54 = tpu.memref_slice %arg2[%mul3A_2] : memref<51200xi32, #tpu.memory_space<hbm>> -> memref<1600xi32, #tpu.memory_space<hbm>>
      tpu.wait_dma2 semaphore(%run_scoped3A : memref<!tpu.dma_semaphore, #tpu.memory_space<semaphore_mem>>) src(%dma_wait3A_54 : memref<1600xi32, #tpu.memory_space<hbm>>) dst(%arg14 : memref<1600xi32, #tpu.memory_space<vmem>>)
      tpu.yield
    }) : () -> ()
    "tpu.region"() ({
      %run_scoped3A = tpu.sem_alloc : memref<!tpu.dma_semaphore, #tpu.memory_space<semaphore_mem>>
      %dma_start3A_51 = tpu.memref_slice %arg3[%mul3A_2] : memref<51200xi32, #tpu.memory_space<hbm>> -> memref<1600xi32, #tpu.memory_space<hbm>>
      %dma_start3A_52 = tpu.memref_slice %arg3[%mul3A_2] : memref<51200xi32, #tpu.memory_space<hbm>> -> memref<1600xi32, #tpu.memory_space<hbm>>
      tpu.enqueue_dma source(%dma_start3A_52 : memref<1600xi32, #tpu.memory_space<hbm>>) target(%arg15 : memref<1600xi32, #tpu.memory_space<vmem>>) target_semaphore(%run_scoped3A : memref<!tpu.dma_semaphore, #tpu.memory_space<semaphore_mem>>)
      %dma_wait3A_53 = tpu.memref_slice %arg3[%mul3A_2] : memref<51200xi32, #tpu.memory_space<hbm>> -> memref<1600xi32, #tpu.memory_space<hbm>>
      %dma_wait3A_54 = tpu.memref_slice %arg3[%mul3A_2] : memref<51200xi32, #tpu.memory_space<hbm>> -> memref<1600xi32, #tpu.memory_space<hbm>>
      tpu.wait_dma2 semaphore(%run_scoped3A : memref<!tpu.dma_semaphore, #tpu.memory_space<semaphore_mem>>) src(%dma_wait3A_54 : memref<1600xi32, #tpu.memory_space<hbm>>) dst(%arg15 : memref<1600xi32, #tpu.memory_space<vmem>>)
      tpu.yield
    }) : () -> ()
    %scan3A = arith.constant 0 : i32
    %scan3A_5 = arith.constant 0 : i32
    %scan3A_6 = arith.constant 100 : i32
    %scan3A_7 = arith.addi %scan3A_5, %scan3A_6 : i32
    %scan3A_8 = arith.constant 1 : i32
    scf.for %scan3A_51 = %scan3A_5 to %scan3A_7 step %scan3A_8  : i32 {
      %mul3A_52 = arith.constant 16 : i32
      %mul3A_53 = arith.muli %scan3A_51, %mul3A_52 : i32
      %get3A = arith.index_cast %mul3A_53 : i32 to index
      %get3A_54 = tpu.vector_load %arg14[%get3A] {strides = array<i32>} : memref<1600xi32, #tpu.memory_space<vmem>>, vector<16xi32>,
      %mul3A_55 = arith.constant 16 : i32
      %mul3A_56 = arith.muli %scan3A_51, %mul3A_55 : i32
      %get3A_57 = arith.index_cast %mul3A_56 : i32 to index
      %get3A_58 = tpu.vector_load %arg15[%get3A_57] {strides = array<i32>} : memref<1600xi32, #tpu.memory_space<vmem>>, vector<16xi32>,
      %mul3A_59 = arith.constant 1024 : i32
      %mul3A_60 = vector.broadcast %mul3A_59 : i32 to vector<16xi32>
      %mul3A_61 = arith.muli %get3A_54, %mul3A_60 : vector<16xi32>
      %add3A_62 = arith.addi %mul3A_61, %get3A_58 : vector<16xi32>
      %mul3A_63 = arith.constant 16 : i32
      %mul3A_64 = arith.muli %scan3A_51, %mul3A_63 : i32
      %swap3A_65 = arith.index_cast %mul3A_64 : i32 to index
      %swap3A_66 = tpu.vector_load %arg17[%swap3A_65] {strides = array<i32>} : memref<1600xi32, #tpu.memory_space<vmem>>, vector<16xi32>,
      tpu.vector_store %arg17[%swap3A_65], %add3A_62 {strides = array<i32>} : memref<1600xi32, #tpu.memory_space<vmem>>, vector<16xi32>,
    }
    %scan3A_9 = arith.constant 100 : i32
    %dma_start3A = arith.constant 0 : i32
    %dma_start3A_10 = tpu.memref_slice %arg5[%dma_start3A] : memref<1024000xf32, #tpu.memory_space<hbm>> -> memref<1024000xf32, #tpu.memory_space<hbm>>
    tpu.enqueue_indirect_dma source(%dma_start3A_10 : memref<1024000xf32, #tpu.memory_space<hbm>>) target(%arg18 : memref<1600xf32, #tpu.memory_space<vmem>>) offsets(%arg17 : memref<1600xi32, #tpu.memory_space<vmem>>) semaphore(%arg24 : memref<!tpu.dma_semaphore, #tpu.memory_space<semaphore_mem>>)
    %mul3A_11 = arith.constant 8 : i32
    %mul3A_12 = arith.muli %mul3A_4, %mul3A_11 : i32
    "tpu.region"() ({
      %run_scoped3A = tpu.sem_alloc : memref<!tpu.dma_semaphore, #tpu.memory_space<semaphore_mem>>
      %dma_start3A_51 = arith.constant 0 : i32
      %dma_start3A_52 = tpu.memref_slice %arg4[%mul3A_12, %dma_start3A_51] : memref<1024x1024xf32, #tpu.memory_space<hbm>> -> memref<32x1024xf32, #tpu.memory_space<hbm>>
      %dma_start3A_53 = arith.constant 0 : i32
      %dma_start3A_54 = tpu.memref_slice %arg4[%mul3A_12, %dma_start3A_53] : memref<1024x1024xf32, #tpu.memory_space<hbm>> -> memref<32x1024xf32, #tpu.memory_space<hbm>>
      tpu.enqueue_dma source(%dma_start3A_54 : memref<32x1024xf32, #tpu.memory_space<hbm>>) target(%arg9 : memref<32x1024xf32, #tpu.memory_space<vmem>>) target_semaphore(%run_scoped3A : memref<!tpu.dma_semaphore, #tpu.memory_space<semaphore_mem>>)
      %dma_wait3A_55 = arith.constant 0 : i32
      %dma_wait3A_56 = tpu.memref_slice %arg4[%mul3A_12, %dma_wait3A_55] : memref<1024x1024xf32, #tpu.memory_space<hbm>> -> memref<32x1024xf32, #tpu.memory_space<hbm>>
      %dma_wait3A_57 = arith.constant 0 : i32
      %dma_wait3A_58 = tpu.memref_slice %arg4[%mul3A_12, %dma_wait3A_57] : memref<1024x1024xf32, #tpu.memory_space<hbm>> -> memref<32x1024xf32, #tpu.memory_space<hbm>>
      tpu.wait_dma2 semaphore(%run_scoped3A : memref<!tpu.dma_semaphore, #tpu.memory_space<semaphore_mem>>) src(%dma_wait3A_58 : memref<32x1024xf32, #tpu.memory_space<hbm>>) dst(%arg9 : memref<32x1024xf32, #tpu.memory_space<vmem>>)
      tpu.yield
    }) : () -> ()
    %dma_start3A_13 = arith.constant 0 : i32
    %dma_start3A_14 = tpu.memref_slice %arg2[%dma_start3A_13] : memref<51200xi32, #tpu.memory_space<hbm>> -> memref<1024xi32, #tpu.memory_space<hbm>>
    %dma_start3A_15 = arith.constant 0 : i32
    %dma_start3A_16 = tpu.memref_slice %arg2[%dma_start3A_15] : memref<51200xi32, #tpu.memory_space<hbm>> -> memref<1024xi32, #tpu.memory_space<hbm>>
    tpu.enqueue_dma source(%dma_start3A_16 : memref<1024xi32, #tpu.memory_space<hbm>>) target(%arg12 : memref<1024xi32, #tpu.memory_space<vmem>>) target_semaphore(%arg20 : memref<!tpu.dma_semaphore, #tpu.memory_space<semaphore_mem>>)
    %dma_start3A_17 = arith.constant 1024 : i32
    %dma_start3A_18 = tpu.memref_slice %arg2[%dma_start3A_17] : memref<51200xi32, #tpu.memory_space<hbm>> -> memref<1024xi32, #tpu.memory_space<hbm>>
    %dma_start3A_19 = arith.constant 1024 : i32
    %dma_start3A_20 = tpu.memref_slice %arg2[%dma_start3A_19] : memref<51200xi32, #tpu.memory_space<hbm>> -> memref<1024xi32, #tpu.memory_space<hbm>>
    tpu.enqueue_dma source(%dma_start3A_20 : memref<1024xi32, #tpu.memory_space<hbm>>) target(%arg13 : memref<1024xi32, #tpu.memory_space<vmem>>) target_semaphore(%arg21 : memref<!tpu.dma_semaphore, #tpu.memory_space<semaphore_mem>>)
    %scan3A_21 = arith.constant 0 : i32
    %scan3A_22 = arith.constant 0 : i32
    %scan3A_23 = arith.constant 25 : i32
    %scan3A_24 = arith.addi %scan3A_22, %scan3A_23 : i32
    %scan3A_25 = arith.constant 1 : i32
    scf.for %scan3A_51 = %scan3A_22 to %scan3A_24 step %scan3A_25  : i32 {
      %mul3A_52 = arith.constant 2 : i32
      %mul3A_53 = arith.muli %scan3A_51, %mul3A_52 : i32
      %add3A_54 = arith.constant 0 : i32
      %add3A_55 = arith.addi %mul3A_53, %add3A_54 : i32
      %dma_wait3A_56 = arith.constant 0 : i32
      %dma_wait3A_57 = tpu.memref_slice %arg2[%dma_wait3A_56] : memref<51200xi32, #tpu.memory_space<hbm>> -> memref<1024xi32, #tpu.memory_space<hbm>>
      %dma_wait3A_58 = arith.constant 0 : i32
      %dma_wait3A_59 = tpu.memref_slice %arg2[%dma_wait3A_58] : memref<51200xi32, #tpu.memory_space<hbm>> -> memref<1024xi32, #tpu.memory_space<hbm>>
      tpu.wait_dma2 semaphore(%arg20 : memref<!tpu.dma_semaphore, #tpu.memory_space<semaphore_mem>>) src(%dma_wait3A_59 : memref<1024xi32, #tpu.memory_space<hbm>>) dst(%arg12 : memref<1024xi32, #tpu.memory_space<vmem>>)
      %add3A_60 = arith.constant 0 : i32
      %add3A_61 = arith.addi %mul3A_4, %add3A_60 : i32
      %lt3A_62 = arith.constant 125 : i32
      %lt3A_63 = arith.cmpi slt, %add3A_61, %lt3A_62 : i32
      %convert_element_type3A_64 = arith.extui %lt3A_63 : i1 to i32
      %cond3A_65 = arith.constant 0 : i32
      %cond3A_66 = arith.cmpi ne, %convert_element_type3A_64, %cond3A_65 : i32
      scf.if %cond3A_66 {
        %gt3A = arith.constant 0 : i32
        %gt3A_138 = arith.cmpi sgt, %add3A_55, %gt3A : i32
        %convert_element_type3A_139 = arith.extui %gt3A_138 : i1 to i32
        %cond3A_140 = arith.constant 0 : i32
        %cond3A_141 = arith.cmpi ne, %convert_element_type3A_139, %cond3A_140 : i32
        scf.if %cond3A_141 {
          %dma_wait3A_152 = arith.constant 0 : i32
          %dma_wait3A_153 = arith.constant 0 : i32
          %dma_wait3A_154 = arith.constant 0 : i32
          %dma_wait3A_155 = tpu.memref_slice %arg7[%dma_wait3A_152, %dma_wait3A_153, %dma_wait3A_154] : memref<50x1000x1024xf32, #tpu.memory_space<hbm>> -> memref<1x8x1024xf32, #tpu.memory_space<hbm>>
          %dma_wait3A_156 = tpu.memref_squeeze %dma_wait3A_155 : memref<1x8x1024xf32, #tpu.memory_space<hbm>> -> memref<8x1024xf32, #tpu.memory_space<hbm>>
          %dma_wait3A_157 = arith.constant 0 : i32
          %dma_wait3A_158 = arith.constant 0 : i32
          %dma_wait3A_159 = tpu.memref_slice %arg7[%dma_wait3A_152, %dma_wait3A_157, %dma_wait3A_158] : memref<50x1000x1024xf32, #tpu.memory_space<hbm>> -> memref<1x8x1024xf32, #tpu.memory_space<hbm>>
          %dma_wait3A_160 = tpu.memref_squeeze %dma_wait3A_159 : memref<1x8x1024xf32, #tpu.memory_space<hbm>> -> memref<8x1024xf32, #tpu.memory_space<hbm>>
          tpu.wait_dma2 semaphore(%arg22 : memref<!tpu.dma_semaphore, #tpu.memory_space<semaphore_mem>>) src(%arg10 : memref<8x1024xf32, #tpu.memory_space<vmem>>) dst(%dma_wait3A_160 : memref<8x1024xf32, #tpu.memory_space<hbm>>)
        } else {
        }
        %parallel_loop3A = arith.constant 0 : i32
        %parallel_loop3A_142 = arith.constant 64 : i32
        %parallel_loop3A_143 = arith.constant 1 : i32
        scf.for %parallel_loop3A_152 = %parallel_loop3A to %parallel_loop3A_142 step %parallel_loop3A_143  : i32 {
          %parallel_loop3A_153 = arith.constant 16 : i32
          %parallel_loop3A_154 = arith.muli %parallel_loop3A_152, %parallel_loop3A_153 : i32
          %parallel_loop3A_155 = arith.index_cast %parallel_loop3A_154 : i32 to index
          %parallel_loop3A_156 = tpu.vector_load %arg12[%parallel_loop3A_155] {strides = array<i32>} : memref<1024xi32, #tpu.memory_space<vmem>>, vector<16xi32>,
          %parallel_loop3A_157 = arith.constant 0 : i32
          %parallel_loop3A_158 = vector.broadcast %parallel_loop3A_157 : i32 to vector<16xi32>
          %parallel_loop3A_159 = tpu.vector_load_idx %arg9[%parallel_loop3A_158, %parallel_loop3A_156] : memref<32x1024xf32, #tpu.memory_space<vmem>>[vector<16xi32>, vector<16xi32>], vector<16xf32>,
          %parallel_loop3A_160 = arith.constant 16 : i32
          %parallel_loop3A_161 = arith.muli %parallel_loop3A_152, %parallel_loop3A_160 : i32
          %parallel_loop3A_162 = arith.constant 0 : i32
          %parallel_loop3A_163 = arith.index_cast %parallel_loop3A_162 : i32 to index
          %parallel_loop3A_164 = arith.index_cast %parallel_loop3A_161 : i32 to index
          %parallel_loop3A_165 = tpu.vector_load %arg10[%parallel_loop3A_163, %parallel_loop3A_164] {strides = array<i32>} : memref<8x1024xf32, #tpu.memory_space<vmem>>, vector<16xf32>,
          tpu.vector_store %arg10[%parallel_loop3A_163, %parallel_loop3A_164], %parallel_loop3A_159 {strides = array<i32>} : memref<8x1024xf32, #tpu.memory_space<vmem>>, vector<16xf32>,
          %parallel_loop3A_166 = arith.constant 1 : i32
          %parallel_loop3A_167 = vector.broadcast %parallel_loop3A_166 : i32 to vector<16xi32>
          %parallel_loop3A_168 = tpu.vector_load_idx %arg9[%parallel_loop3A_167, %parallel_loop3A_156] : memref<32x1024xf32, #tpu.memory_space<vmem>>[vector<16xi32>, vector<16xi32>], vector<16xf32>,
          %parallel_loop3A_169 = arith.constant 16 : i32
          %parallel_loop3A_170 = arith.muli %parallel_loop3A_152, %parallel_loop3A_169 : i32
          %parallel_loop3A_171 = arith.constant 1 : i32
          %parallel_loop3A_172 = arith.index_cast %parallel_loop3A_171 : i32 to index
          %parallel_loop3A_173 = arith.index_cast %parallel_loop3A_170 : i32 to index
          %parallel_loop3A_174 = tpu.vector_load %arg10[%parallel_loop3A_172, %parallel_loop3A_173] {strides = array<i32>} : memref<8x1024xf32, #tpu.memory_space<vmem>>, vector<16xf32>,
          tpu.vector_store %arg10[%parallel_loop3A_172, %parallel_loop3A_173], %parallel_loop3A_168 {strides = array<i32>} : memref<8x1024xf32, #tpu.memory_space<vmem>>, vector<16xf32>,
          %parallel_loop3A_175 = arith.constant 2 : i32
          %parallel_loop3A_176 = vector.broadcast %parallel_loop3A_175 : i32 to vector<16xi32>
          %parallel_loop3A_177 = tpu.vector_load_idx %arg9[%parallel_loop3A_176, %parallel_loop3A_156] : memref<32x1024xf32, #tpu.memory_space<vmem>>[vector<16xi32>, vector<16xi32>], vector<16xf32>,
          %parallel_loop3A_178 = arith.constant 16 : i32
          %parallel_loop3A_179 = arith.muli %parallel_loop3A_152, %parallel_loop3A_178 : i32
          %parallel_loop3A_180 = arith.constant 2 : i32
          %parallel_loop3A_181 = arith.index_cast %parallel_loop3A_180 : i32 to index
          %parallel_loop3A_182 = arith.index_cast %parallel_loop3A_179 : i32 to index
          %parallel_loop3A_183 = tpu.vector_load %arg10[%parallel_loop3A_181, %parallel_loop3A_182] {strides = array<i32>} : memref<8x1024xf32, #tpu.memory_space<vmem>>, vector<16xf32>,
          tpu.vector_store %arg10[%parallel_loop3A_181, %parallel_loop3A_182], %parallel_loop3A_177 {strides = array<i32>} : memref<8x1024xf32, #tpu.memory_space<vmem>>, vector<16xf32>,
          %parallel_loop3A_184 = arith.constant 3 : i32
          %parallel_loop3A_185 = vector.broadcast %parallel_loop3A_184 : i32 to vector<16xi32>
          %parallel_loop3A_186 = tpu.vector_load_idx %arg9[%parallel_loop3A_185, %parallel_loop3A_156] : memref<32x1024xf32, #tpu.memory_space<vmem>>[vector<16xi32>, vector<16xi32>], vector<16xf32>,
          %parallel_loop3A_187 = arith.constant 16 : i32
          %parallel_loop3A_188 = arith.muli %parallel_loop3A_152, %parallel_loop3A_187 : i32
          %parallel_loop3A_189 = arith.constant 3 : i32
          %parallel_loop3A_190 = arith.index_cast %parallel_loop3A_189 : i32 to index
          %parallel_loop3A_191 = arith.index_cast %parallel_loop3A_188 : i32 to index
          %parallel_loop3A_192 = tpu.vector_load %arg10[%parallel_loop3A_190, %parallel_loop3A_191] {strides = array<i32>} : memref<8x1024xf32, #tpu.memory_space<vmem>>, vector<16xf32>,
          tpu.vector_store %arg10[%parallel_loop3A_190, %parallel_loop3A_191], %parallel_loop3A_186 {strides = array<i32>} : memref<8x1024xf32, #tpu.memory_space<vmem>>, vector<16xf32>,
          %parallel_loop3A_193 = arith.constant 4 : i32
          %parallel_loop3A_194 = vector.broadcast %parallel_loop3A_193 : i32 to vector<16xi32>
          %parallel_loop3A_195 = tpu.vector_load_idx %arg9[%parallel_loop3A_194, %parallel_loop3A_156] : memref<32x1024xf32, #tpu.memory_space<vmem>>[vector<16xi32>, vector<16xi32>], vector<16xf32>,
          %parallel_loop3A_196 = arith.constant 16 : i32
          %parallel_loop3A_197 = arith.muli %parallel_loop3A_152, %parallel_loop3A_196 : i32
          %parallel_loop3A_198 = arith.constant 4 : i32
          %parallel_loop3A_199 = arith.index_cast %parallel_loop3A_198 : i32 to index
          %parallel_loop3A_200 = arith.index_cast %parallel_loop3A_197 : i32 to index
          %parallel_loop3A_201 = tpu.vector_load %arg10[%parallel_loop3A_199, %parallel_loop3A_200] {strides = array<i32>} : memref<8x1024xf32, #tpu.memory_space<vmem>>, vector<16xf32>,
          tpu.vector_store %arg10[%parallel_loop3A_199, %parallel_loop3A_200], %parallel_loop3A_195 {strides = array<i32>} : memref<8x1024xf32, #tpu.memory_space<vmem>>, vector<16xf32>,
          %parallel_loop3A_202 = arith.constant 5 : i32
          %parallel_loop3A_203 = vector.broadcast %parallel_loop3A_202 : i32 to vector<16xi32>
          %parallel_loop3A_204 = tpu.vector_load_idx %arg9[%parallel_loop3A_203, %parallel_loop3A_156] : memref<32x1024xf32, #tpu.memory_space<vmem>>[vector<16xi32>, vector<16xi32>], vector<16xf32>,
          %parallel_loop3A_205 = arith.constant 16 : i32
          %parallel_loop3A_206 = arith.muli %parallel_loop3A_152, %parallel_loop3A_205 : i32
          %parallel_loop3A_207 = arith.constant 5 : i32
          %parallel_loop3A_208 = arith.index_cast %parallel_loop3A_207 : i32 to index
          %parallel_loop3A_209 = arith.index_cast %parallel_loop3A_206 : i32 to index
          %parallel_loop3A_210 = tpu.vector_load %arg10[%parallel_loop3A_208, %parallel_loop3A_209] {strides = array<i32>} : memref<8x1024xf32, #tpu.memory_space<vmem>>, vector<16xf32>,
          tpu.vector_store %arg10[%parallel_loop3A_208, %parallel_loop3A_209], %parallel_loop3A_204 {strides = array<i32>} : memref<8x1024xf32, #tpu.memory_space<vmem>>, vector<16xf32>,
          %parallel_loop3A_211 = arith.constant 6 : i32
          %parallel_loop3A_212 = vector.broadcast %parallel_loop3A_211 : i32 to vector<16xi32>
          %parallel_loop3A_213 = tpu.vector_load_idx %arg9[%parallel_loop3A_212, %parallel_loop3A_156] : memref<32x1024xf32, #tpu.memory_space<vmem>>[vector<16xi32>, vector<16xi32>], vector<16xf32>,
          %parallel_loop3A_214 = arith.constant 16 : i32
          %parallel_loop3A_215 = arith.muli %parallel_loop3A_152, %parallel_loop3A_214 : i32
          %parallel_loop3A_216 = arith.constant 6 : i32
          %parallel_loop3A_217 = arith.index_cast %parallel_loop3A_216 : i32 to index
          %parallel_loop3A_218 = arith.index_cast %parallel_loop3A_215 : i32 to index
          %parallel_loop3A_219 = tpu.vector_load %arg10[%parallel_loop3A_217, %parallel_loop3A_218] {strides = array<i32>} : memref<8x1024xf32, #tpu.memory_space<vmem>>, vector<16xf32>,
          tpu.vector_store %arg10[%parallel_loop3A_217, %parallel_loop3A_218], %parallel_loop3A_213 {strides = array<i32>} : memref<8x1024xf32, #tpu.memory_space<vmem>>, vector<16xf32>,
          %parallel_loop3A_220 = arith.constant 7 : i32
          %parallel_loop3A_221 = vector.broadcast %parallel_loop3A_220 : i32 to vector<16xi32>
          %parallel_loop3A_222 = tpu.vector_load_idx %arg9[%parallel_loop3A_221, %parallel_loop3A_156] : memref<32x1024xf32, #tpu.memory_space<vmem>>[vector<16xi32>, vector<16xi32>], vector<16xf32>,
          %parallel_loop3A_223 = arith.constant 16 : i32
          %parallel_loop3A_224 = arith.muli %parallel_loop3A_152, %parallel_loop3A_223 : i32
          %parallel_loop3A_225 = arith.constant 7 : i32
          %parallel_loop3A_226 = arith.index_cast %parallel_loop3A_225 : i32 to index
          %parallel_loop3A_227 = arith.index_cast %parallel_loop3A_224 : i32 to index
          %parallel_loop3A_228 = tpu.vector_load %arg10[%parallel_loop3A_226, %parallel_loop3A_227] {strides = array<i32>} : memref<8x1024xf32, #tpu.memory_space<vmem>>, vector<16xf32>,
          tpu.vector_store %arg10[%parallel_loop3A_226, %parallel_loop3A_227], %parallel_loop3A_222 {strides = array<i32>} : memref<8x1024xf32, #tpu.memory_space<vmem>>, vector<16xf32>,
        } {sc.loop_unroll_factor = 4 : i64, sc.parallel_access}
        %mul3A_144 = arith.constant 8 : i32
        %mul3A_145 = arith.muli %add3A_61, %mul3A_144 : i32
        %dma_start3A_146 = arith.constant 0 : i32
        %dma_start3A_147 = tpu.memref_slice %arg7[%add3A_55, %mul3A_145, %dma_start3A_146] : memref<50x1000x1024xf32, #tpu.memory_space<hbm>> -> memref<1x8x1024xf32, #tpu.memory_space<hbm>>
        %dma_start3A_148 = tpu.memref_squeeze %dma_start3A_147 : memref<1x8x1024xf32, #tpu.memory_space<hbm>> -> memref<8x1024xf32, #tpu.memory_space<hbm>>
        %dma_start3A_149 = arith.constant 0 : i32
        %dma_start3A_150 = tpu.memref_slice %arg7[%add3A_55, %mul3A_145, %dma_start3A_149] : memref<50x1000x1024xf32, #tpu.memory_space<hbm>> -> memref<1x8x1024xf32, #tpu.memory_space<hbm>>
        %dma_start3A_151 = tpu.memref_squeeze %dma_start3A_150 : memref<1x8x1024xf32, #tpu.memory_space<hbm>> -> memref<8x1024xf32, #tpu.memory_space<hbm>>
        tpu.enqueue_dma source(%arg10 : memref<8x1024xf32, #tpu.memory_space<vmem>>) target(%dma_start3A_151 : memref<8x1024xf32, #tpu.memory_space<hbm>>) target_semaphore(%arg22 : memref<!tpu.dma_semaphore, #tpu.memory_space<semaphore_mem>>)
      } else {
      }
      %add3A_67 = arith.constant 1 : i32
      %add3A_68 = arith.addi %mul3A_4, %add3A_67 : i32
      %lt3A_69 = arith.constant 125 : i32
      %lt3A_70 = arith.cmpi slt, %add3A_68, %lt3A_69 : i32
      %convert_element_type3A_71 = arith.extui %lt3A_70 : i1 to i32
      %cond3A_72 = arith.constant 0 : i32
      %cond3A_73 = arith.cmpi ne, %convert_element_type3A_71, %cond3A_72 : i32
      scf.if %cond3A_73 {
        %gt3A = arith.constant 0 : i32
        %gt3A_138 = arith.cmpi sgt, %add3A_55, %gt3A : i32
        %convert_element_type3A_139 = arith.extui %gt3A_138 : i1 to i32
        %cond3A_140 = arith.constant 0 : i32
        %cond3A_141 = arith.cmpi ne, %convert_element_type3A_139, %cond3A_140 : i32
        scf.if %cond3A_141 {
          %dma_wait3A_152 = arith.constant 0 : i32
          %dma_wait3A_153 = arith.constant 0 : i32
          %dma_wait3A_154 = arith.constant 0 : i32
          %dma_wait3A_155 = tpu.memref_slice %arg7[%dma_wait3A_152, %dma_wait3A_153, %dma_wait3A_154] : memref<50x1000x1024xf32, #tpu.memory_space<hbm>> -> memref<1x8x1024xf32, #tpu.memory_space<hbm>>
          %dma_wait3A_156 = tpu.memref_squeeze %dma_wait3A_155 : memref<1x8x1024xf32, #tpu.memory_space<hbm>> -> memref<8x1024xf32, #tpu.memory_space<hbm>>
          %dma_wait3A_157 = arith.constant 0 : i32
          %dma_wait3A_158 = arith.constant 0 : i32
          %dma_wait3A_159 = tpu.memref_slice %arg7[%dma_wait3A_152, %dma_wait3A_157, %dma_wait3A_158] : memref<50x1000x1024xf32, #tpu.memory_space<hbm>> -> memref<1x8x1024xf32, #tpu.memory_space<hbm>>
          %dma_wait3A_160 = tpu.memref_squeeze %dma_wait3A_159 : memref<1x8x1024xf32, #tpu.memory_space<hbm>> -> memref<8x1024xf32, #tpu.memory_space<hbm>>
          tpu.wait_dma2 semaphore(%arg23 : memref<!tpu.dma_semaphore, #tpu.memory_space<semaphore_mem>>) src(%arg11 : memref<8x1024xf32, #tpu.memory_space<vmem>>) dst(%dma_wait3A_160 : memref<8x1024xf32, #tpu.memory_space<hbm>>)
        } else {
        }
        %parallel_loop3A = arith.constant 0 : i32
        %parallel_loop3A_142 = arith.constant 64 : i32
        %parallel_loop3A_143 = arith.constant 1 : i32
        scf.for %parallel_loop3A_152 = %parallel_loop3A to %parallel_loop3A_142 step %parallel_loop3A_143  : i32 {
          %parallel_loop3A_153 = arith.constant 16 : i32
          %parallel_loop3A_154 = arith.muli %parallel_loop3A_152, %parallel_loop3A_153 : i32
          %parallel_loop3A_155 = arith.index_cast %parallel_loop3A_154 : i32 to index
          %parallel_loop3A_156 = tpu.vector_load %arg12[%parallel_loop3A_155] {strides = array<i32>} : memref<1024xi32, #tpu.memory_space<vmem>>, vector<16xi32>,
          %parallel_loop3A_157 = arith.constant 8 : i32
          %parallel_loop3A_158 = vector.broadcast %parallel_loop3A_157 : i32 to vector<16xi32>
          %parallel_loop3A_159 = tpu.vector_load_idx %arg9[%parallel_loop3A_158, %parallel_loop3A_156] : memref<32x1024xf32, #tpu.memory_space<vmem>>[vector<16xi32>, vector<16xi32>], vector<16xf32>,
          %parallel_loop3A_160 = arith.constant 16 : i32
          %parallel_loop3A_161 = arith.muli %parallel_loop3A_152, %parallel_loop3A_160 : i32
          %parallel_loop3A_162 = arith.constant 0 : i32
          %parallel_loop3A_163 = arith.index_cast %parallel_loop3A_162 : i32 to index
          %parallel_loop3A_164 = arith.index_cast %parallel_loop3A_161 : i32 to index
          %parallel_loop3A_165 = tpu.vector_load %arg11[%parallel_loop3A_163, %parallel_loop3A_164] {strides = array<i32>} : memref<8x1024xf32, #tpu.memory_space<vmem>>, vector<16xf32>,
          tpu.vector_store %arg11[%parallel_loop3A_163, %parallel_loop3A_164], %parallel_loop3A_159 {strides = array<i32>} : memref<8x1024xf32, #tpu.memory_space<vmem>>, vector<16xf32>,
          %parallel_loop3A_166 = arith.constant 9 : i32
          %parallel_loop3A_167 = vector.broadcast %parallel_loop3A_166 : i32 to vector<16xi32>
          %parallel_loop3A_168 = tpu.vector_load_idx %arg9[%parallel_loop3A_167, %parallel_loop3A_156] : memref<32x1024xf32, #tpu.memory_space<vmem>>[vector<16xi32>, vector<16xi32>], vector<16xf32>,
          %parallel_loop3A_169 = arith.constant 16 : i32
          %parallel_loop3A_170 = arith.muli %parallel_loop3A_152, %parallel_loop3A_169 : i32
          %parallel_loop3A_171 = arith.constant 1 : i32
          %parallel_loop3A_172 = arith.index_cast %parallel_loop3A_171 : i32 to index
          %parallel_loop3A_173 = arith.index_cast %parallel_loop3A_170 : i32 to index
          %parallel_loop3A_174 = tpu.vector_load %arg11[%parallel_loop3A_172, %parallel_loop3A_173] {strides = array<i32>} : memref<8x1024xf32, #tpu.memory_space<vmem>>, vector<16xf32>,
          tpu.vector_store %arg11[%parallel_loop3A_172, %parallel_loop3A_173], %parallel_loop3A_168 {strides = array<i32>} : memref<8x1024xf32, #tpu.memory_space<vmem>>, vector<16xf32>,
          %parallel_loop3A_175 = arith.constant 10 : i32
          %parallel_loop3A_176 = vector.broadcast %parallel_loop3A_175 : i32 to vector<16xi32>
          %parallel_loop3A_177 = tpu.vector_load_idx %arg9[%parallel_loop3A_176, %parallel_loop3A_156] : memref<32x1024xf32, #tpu.memory_space<vmem>>[vector<16xi32>, vector<16xi32>], vector<16xf32>,
          %parallel_loop3A_178 = arith.constant 16 : i32
          %parallel_loop3A_179 = arith.muli %parallel_loop3A_152, %parallel_loop3A_178 : i32
          %parallel_loop3A_180 = arith.constant 2 : i32
          %parallel_loop3A_181 = arith.index_cast %parallel_loop3A_180 : i32 to index
          %parallel_loop3A_182 = arith.index_cast %parallel_loop3A_179 : i32 to index
          %parallel_loop3A_183 = tpu.vector_load %arg11[%parallel_loop3A_181, %parallel_loop3A_182] {strides = array<i32>} : memref<8x1024xf32, #tpu.memory_space<vmem>>, vector<16xf32>,
          tpu.vector_store %arg11[%parallel_loop3A_181, %parallel_loop3A_182], %parallel_loop3A_177 {strides = array<i32>} : memref<8x1024xf32, #tpu.memory_space<vmem>>, vector<16xf32>,
          %parallel_loop3A_184 = arith.constant 11 : i32
          %parallel_loop3A_185 = vector.broadcast %parallel_loop3A_184 : i32 to vector<16xi32>
          %parallel_loop3A_186 = tpu.vector_load_idx %arg9[%parallel_loop3A_185, %parallel_loop3A_156] : memref<32x1024xf32, #tpu.memory_space<vmem>>[vector<16xi32>, vector<16xi32>], vector<16xf32>,
          %parallel_loop3A_187 = arith.constant 16 : i32
          %parallel_loop3A_188 = arith.muli %parallel_loop3A_152, %parallel_loop3A_187 : i32
          %parallel_loop3A_189 = arith.constant 3 : i32
          %parallel_loop3A_190 = arith.index_cast %parallel_loop3A_189 : i32 to index
          %parallel_loop3A_191 = arith.index_cast %parallel_loop3A_188 : i32 to index
          %parallel_loop3A_192 = tpu.vector_load %arg11[%parallel_loop3A_190, %parallel_loop3A_191] {strides = array<i32>} : memref<8x1024xf32, #tpu.memory_space<vmem>>, vector<16xf32>,
          tpu.vector_store %arg11[%parallel_loop3A_190, %parallel_loop3A_191], %parallel_loop3A_186 {strides = array<i32>} : memref<8x1024xf32, #tpu.memory_space<vmem>>, vector<16xf32>,
          %parallel_loop3A_193 = arith.constant 12 : i32
          %parallel_loop3A_194 = vector.broadcast %parallel_loop3A_193 : i32 to vector<16xi32>
          %parallel_loop3A_195 = tpu.vector_load_idx %arg9[%parallel_loop3A_194, %parallel_loop3A_156] : memref<32x1024xf32, #tpu.memory_space<vmem>>[vector<16xi32>, vector<16xi32>], vector<16xf32>,
          %parallel_loop3A_196 = arith.constant 16 : i32
          %parallel_loop3A_197 = arith.muli %parallel_loop3A_152, %parallel_loop3A_196 : i32
          %parallel_loop3A_198 = arith.constant 4 : i32
          %parallel_loop3A_199 = arith.index_cast %parallel_loop3A_198 : i32 to index
          %parallel_loop3A_200 = arith.index_cast %parallel_loop3A_197 : i32 to index
          %parallel_loop3A_201 = tpu.vector_load %arg11[%parallel_loop3A_199, %parallel_loop3A_200] {strides = array<i32>} : memref<8x1024xf32, #tpu.memory_space<vmem>>, vector<16xf32>,
          tpu.vector_store %arg11[%parallel_loop3A_199, %parallel_loop3A_200], %parallel_loop3A_195 {strides = array<i32>} : memref<8x1024xf32, #tpu.memory_space<vmem>>, vector<16xf32>,
          %parallel_loop3A_202 = arith.constant 13 : i32
          %parallel_loop3A_203 = vector.broadcast %parallel_loop3A_202 : i32 to vector<16xi32>
          %parallel_loop3A_204 = tpu.vector_load_idx %arg9[%parallel_loop3A_203, %parallel_loop3A_156] : memref<32x1024xf32, #tpu.memory_space<vmem>>[vector<16xi32>, vector<16xi32>], vector<16xf32>,
          %parallel_loop3A_205 = arith.constant 16 : i32
          %parallel_loop3A_206 = arith.muli %parallel_loop3A_152, %parallel_loop3A_205 : i32
          %parallel_loop3A_207 = arith.constant 5 : i32
          %parallel_loop3A_208 = arith.index_cast %parallel_loop3A_207 : i32 to index
          %parallel_loop3A_209 = arith.index_cast %parallel_loop3A_206 : i32 to index
          %parallel_loop3A_210 = tpu.vector_load %arg11[%parallel_loop3A_208, %parallel_loop3A_209] {strides = array<i32>} : memref<8x1024xf32, #tpu.memory_space<vmem>>, vector<16xf32>,
          tpu.vector_store %arg11[%parallel_loop3A_208, %parallel_loop3A_209], %parallel_loop3A_204 {strides = array<i32>} : memref<8x1024xf32, #tpu.memory_space<vmem>>, vector<16xf32>,
          %parallel_loop3A_211 = arith.constant 14 : i32
          %parallel_loop3A_212 = vector.broadcast %parallel_loop3A_211 : i32 to vector<16xi32>
          %parallel_loop3A_213 = tpu.vector_load_idx %arg9[%parallel_loop3A_212, %parallel_loop3A_156] : memref<32x1024xf32, #tpu.memory_space<vmem>>[vector<16xi32>, vector<16xi32>], vector<16xf32>,
          %parallel_loop3A_214 = arith.constant 16 : i32
          %parallel_loop3A_215 = arith.muli %parallel_loop3A_152, %parallel_loop3A_214 : i32
          %parallel_loop3A_216 = arith.constant 6 : i32
          %parallel_loop3A_217 = arith.index_cast %parallel_loop3A_216 : i32 to index
          %parallel_loop3A_218 = arith.index_cast %parallel_loop3A_215 : i32 to index
          %parallel_loop3A_219 = tpu.vector_load %arg11[%parallel_loop3A_217, %parallel_loop3A_218] {strides = array<i32>} : memref<8x1024xf32, #tpu.memory_space<vmem>>, vector<16xf32>,
          tpu.vector_store %arg11[%parallel_loop3A_217, %parallel_loop3A_218], %parallel_loop3A_213 {strides = array<i32>} : memref<8x1024xf32, #tpu.memory_space<vmem>>, vector<16xf32>,
          %parallel_loop3A_220 = arith.constant 15 : i32
          %parallel_loop3A_221 = vector.broadcast %parallel_loop3A_220 : i32 to vector<16xi32>
          %parallel_loop3A_222 = tpu.vector_load_idx %arg9[%parallel_loop3A_221, %parallel_loop3A_156] : memref<32x1024xf32, #tpu.memory_space<vmem>>[vector<16xi32>, vector<16xi32>], vector<16xf32>,
          %parallel_loop3A_223 = arith.constant 16 : i32
          %parallel_loop3A_224 = arith.muli %parallel_loop3A_152, %parallel_loop3A_223 : i32
          %parallel_loop3A_225 = arith.constant 7 : i32
          %parallel_loop3A_226 = arith.index_cast %parallel_loop3A_225 : i32 to index
          %parallel_loop3A_227 = arith.index_cast %parallel_loop3A_224 : i32 to index
          %parallel_loop3A_228 = tpu.vector_load %arg11[%parallel_loop3A_226, %parallel_loop3A_227] {strides = array<i32>} : memref<8x1024xf32, #tpu.memory_space<vmem>>, vector<16xf32>,
          tpu.vector_store %arg11[%parallel_loop3A_226, %parallel_loop3A_227], %parallel_loop3A_222 {strides = array<i32>} : memref<8x1024xf32, #tpu.memory_space<vmem>>, vector<16xf32>,
        } {sc.loop_unroll_factor = 4 : i64, sc.parallel_access}
        %mul3A_144 = arith.constant 8 : i32
        %mul3A_145 = arith.muli %add3A_68, %mul3A_144 : i32
        %dma_start3A_146 = arith.constant 0 : i32
        %dma_start3A_147 = tpu.memref_slice %arg7[%add3A_55, %mul3A_145, %dma_start3A_146] : memref<50x1000x1024xf32, #tpu.memory_space<hbm>> -> memref<1x8x1024xf32, #tpu.memory_space<hbm>>
        %dma_start3A_148 = tpu.memref_squeeze %dma_start3A_147 : memref<1x8x1024xf32, #tpu.memory_space<hbm>> -> memref<8x1024xf32, #tpu.memory_space<hbm>>
        %dma_start3A_149 = arith.constant 0 : i32
        %dma_start3A_150 = tpu.memref_slice %arg7[%add3A_55, %mul3A_145, %dma_start3A_149] : memref<50x1000x1024xf32, #tpu.memory_space<hbm>> -> memref<1x8x1024xf32, #tpu.memory_space<hbm>>
        %dma_start3A_151 = tpu.memref_squeeze %dma_start3A_150 : memref<1x8x1024xf32, #tpu.memory_space<hbm>> -> memref<8x1024xf32, #tpu.memory_space<hbm>>
        tpu.enqueue_dma source(%arg11 : memref<8x1024xf32, #tpu.memory_space<vmem>>) target(%dma_start3A_151 : memref<8x1024xf32, #tpu.memory_space<hbm>>) target_semaphore(%arg23 : memref<!tpu.dma_semaphore, #tpu.memory_space<semaphore_mem>>)
      } else {
      }
      %add3A_74 = arith.constant 2 : i32
      %add3A_75 = arith.addi %mul3A_4, %add3A_74 : i32
      %lt3A_76 = arith.constant 125 : i32
      %lt3A_77 = arith.cmpi slt, %add3A_75, %lt3A_76 : i32
      %convert_element_type3A_78 = arith.extui %lt3A_77 : i1 to i32
      %cond3A_79 = arith.constant 0 : i32
      %cond3A_80 = arith.cmpi ne, %convert_element_type3A_78, %cond3A_79 : i32
      scf.if %cond3A_80 {
        %dma_wait3A_138 = arith.constant 0 : i32
        %dma_wait3A_139 = arith.constant 0 : i32
        %dma_wait3A_140 = arith.constant 0 : i32
        %dma_wait3A_141 = tpu.memref_slice %arg7[%dma_wait3A_138, %dma_wait3A_139, %dma_wait3A_140] : memref<50x1000x1024xf32, #tpu.memory_space<hbm>> -> memref<1x8x1024xf32, #tpu.memory_space<hbm>>
        %dma_wait3A_142 = tpu.memref_squeeze %dma_wait3A_141 : memref<1x8x1024xf32, #tpu.memory_space<hbm>> -> memref<8x1024xf32, #tpu.memory_space<hbm>>
        %dma_wait3A_143 = arith.constant 0 : i32
        %dma_wait3A_144 = arith.constant 0 : i32
        %dma_wait3A_145 = tpu.memref_slice %arg7[%dma_wait3A_138, %dma_wait3A_143, %dma_wait3A_144] : memref<50x1000x1024xf32, #tpu.memory_space<hbm>> -> memref<1x8x1024xf32, #tpu.memory_space<hbm>>
        %dma_wait3A_146 = tpu.memref_squeeze %dma_wait3A_145 : memref<1x8x1024xf32, #tpu.memory_space<hbm>> -> memref<8x1024xf32, #tpu.memory_space<hbm>>
        tpu.wait_dma2 semaphore(%arg22 : memref<!tpu.dma_semaphore, #tpu.memory_space<semaphore_mem>>) src(%arg10 : memref<8x1024xf32, #tpu.memory_space<vmem>>) dst(%dma_wait3A_146 : memref<8x1024xf32, #tpu.memory_space<hbm>>)
        %parallel_loop3A = arith.constant 0 : i32
        %parallel_loop3A_147 = arith.constant 64 : i32
        %parallel_loop3A_148 = arith.constant 1 : i32
        scf.for %parallel_loop3A_157 = %parallel_loop3A to %parallel_loop3A_147 step %parallel_loop3A_148  : i32 {
          %parallel_loop3A_158 = arith.constant 16 : i32
          %parallel_loop3A_159 = arith.muli %parallel_loop3A_157, %parallel_loop3A_158 : i32
          %parallel_loop3A_160 = arith.index_cast %parallel_loop3A_159 : i32 to index
          %parallel_loop3A_161 = tpu.vector_load %arg12[%parallel_loop3A_160] {strides = array<i32>} : memref<1024xi32, #tpu.memory_space<vmem>>, vector<16xi32>,
          %parallel_loop3A_162 = arith.constant 16 : i32
          %parallel_loop3A_163 = vector.broadcast %parallel_loop3A_162 : i32 to vector<16xi32>
          %parallel_loop3A_164 = tpu.vector_load_idx %arg9[%parallel_loop3A_163, %parallel_loop3A_161] : memref<32x1024xf32, #tpu.memory_space<vmem>>[vector<16xi32>, vector<16xi32>], vector<16xf32>,
          %parallel_loop3A_165 = arith.constant 16 : i32
          %parallel_loop3A_166 = arith.muli %parallel_loop3A_157, %parallel_loop3A_165 : i32
          %parallel_loop3A_167 = arith.constant 0 : i32
          %parallel_loop3A_168 = arith.index_cast %parallel_loop3A_167 : i32 to index
          %parallel_loop3A_169 = arith.index_cast %parallel_loop3A_166 : i32 to index
          %parallel_loop3A_170 = tpu.vector_load %arg10[%parallel_loop3A_168, %parallel_loop3A_169] {strides = array<i32>} : memref<8x1024xf32, #tpu.memory_space<vmem>>, vector<16xf32>,
          tpu.vector_store %arg10[%parallel_loop3A_168, %parallel_loop3A_169], %parallel_loop3A_164 {strides = array<i32>} : memref<8x1024xf32, #tpu.memory_space<vmem>>, vector<16xf32>,
          %parallel_loop3A_171 = arith.constant 17 : i32
          %parallel_loop3A_172 = vector.broadcast %parallel_loop3A_171 : i32 to vector<16xi32>
          %parallel_loop3A_173 = tpu.vector_load_idx %arg9[%parallel_loop3A_172, %parallel_loop3A_161] : memref<32x1024xf32, #tpu.memory_space<vmem>>[vector<16xi32>, vector<16xi32>], vector<16xf32>,
          %parallel_loop3A_174 = arith.constant 16 : i32
          %parallel_loop3A_175 = arith.muli %parallel_loop3A_157, %parallel_loop3A_174 : i32
          %parallel_loop3A_176 = arith.constant 1 : i32
          %parallel_loop3A_177 = arith.index_cast %parallel_loop3A_176 : i32 to index
          %parallel_loop3A_178 = arith.index_cast %parallel_loop3A_175 : i32 to index
          %parallel_loop3A_179 = tpu.vector_load %arg10[%parallel_loop3A_177, %parallel_loop3A_178] {strides = array<i32>} : memref<8x1024xf32, #tpu.memory_space<vmem>>, vector<16xf32>,
          tpu.vector_store %arg10[%parallel_loop3A_177, %parallel_loop3A_178], %parallel_loop3A_173 {strides = array<i32>} : memref<8x1024xf32, #tpu.memory_space<vmem>>, vector<16xf32>,
          %parallel_loop3A_180 = arith.constant 18 : i32
          %parallel_loop3A_181 = vector.broadcast %parallel_loop3A_180 : i32 to vector<16xi32>
          %parallel_loop3A_182 = tpu.vector_load_idx %arg9[%parallel_loop3A_181, %parallel_loop3A_161] : memref<32x1024xf32, #tpu.memory_space<vmem>>[vector<16xi32>, vector<16xi32>], vector<16xf32>,
          %parallel_loop3A_183 = arith.constant 16 : i32
          %parallel_loop3A_184 = arith.muli %parallel_loop3A_157, %parallel_loop3A_183 : i32
          %parallel_loop3A_185 = arith.constant 2 : i32
          %parallel_loop3A_186 = arith.index_cast %parallel_loop3A_185 : i32 to index
          %parallel_loop3A_187 = arith.index_cast %parallel_loop3A_184 : i32 to index
          %parallel_loop3A_188 = tpu.vector_load %arg10[%parallel_loop3A_186, %parallel_loop3A_187] {strides = array<i32>} : memref<8x1024xf32, #tpu.memory_space<vmem>>, vector<16xf32>,
          tpu.vector_store %arg10[%parallel_loop3A_186, %parallel_loop3A_187], %parallel_loop3A_182 {strides = array<i32>} : memref<8x1024xf32, #tpu.memory_space<vmem>>, vector<16xf32>,
          %parallel_loop3A_189 = arith.constant 19 : i32
          %parallel_loop3A_190 = vector.broadcast %parallel_loop3A_189 : i32 to vector<16xi32>
          %parallel_loop3A_191 = tpu.vector_load_idx %arg9[%parallel_loop3A_190, %parallel_loop3A_161] : memref<32x1024xf32, #tpu.memory_space<vmem>>[vector<16xi32>, vector<16xi32>], vector<16xf32>,
          %parallel_loop3A_192 = arith.constant 16 : i32
          %parallel_loop3A_193 = arith.muli %parallel_loop3A_157, %parallel_loop3A_192 : i32
          %parallel_loop3A_194 = arith.constant 3 : i32
          %parallel_loop3A_195 = arith.index_cast %parallel_loop3A_194 : i32 to index
          %parallel_loop3A_196 = arith.index_cast %parallel_loop3A_193 : i32 to index
          %parallel_loop3A_197 = tpu.vector_load %arg10[%parallel_loop3A_195, %parallel_loop3A_196] {strides = array<i32>} : memref<8x1024xf32, #tpu.memory_space<vmem>>, vector<16xf32>,
          tpu.vector_store %arg10[%parallel_loop3A_195, %parallel_loop3A_196], %parallel_loop3A_191 {strides = array<i32>} : memref<8x1024xf32, #tpu.memory_space<vmem>>, vector<16xf32>,
          %parallel_loop3A_198 = arith.constant 20 : i32
          %parallel_loop3A_199 = vector.broadcast %parallel_loop3A_198 : i32 to vector<16xi32>
          %parallel_loop3A_200 = tpu.vector_load_idx %arg9[%parallel_loop3A_199, %parallel_loop3A_161] : memref<32x1024xf32, #tpu.memory_space<vmem>>[vector<16xi32>, vector<16xi32>], vector<16xf32>,
          %parallel_loop3A_201 = arith.constant 16 : i32
          %parallel_loop3A_202 = arith.muli %parallel_loop3A_157, %parallel_loop3A_201 : i32
          %parallel_loop3A_203 = arith.constant 4 : i32
          %parallel_loop3A_204 = arith.index_cast %parallel_loop3A_203 : i32 to index
          %parallel_loop3A_205 = arith.index_cast %parallel_loop3A_202 : i32 to index
          %parallel_loop3A_206 = tpu.vector_load %arg10[%parallel_loop3A_204, %parallel_loop3A_205] {strides = array<i32>} : memref<8x1024xf32, #tpu.memory_space<vmem>>, vector<16xf32>,
          tpu.vector_store %arg10[%parallel_loop3A_204, %parallel_loop3A_205], %parallel_loop3A_200 {strides = array<i32>} : memref<8x1024xf32, #tpu.memory_space<vmem>>, vector<16xf32>,
          %parallel_loop3A_207 = arith.constant 21 : i32
          %parallel_loop3A_208 = vector.broadcast %parallel_loop3A_207 : i32 to vector<16xi32>
          %parallel_loop3A_209 = tpu.vector_load_idx %arg9[%parallel_loop3A_208, %parallel_loop3A_161] : memref<32x1024xf32, #tpu.memory_space<vmem>>[vector<16xi32>, vector<16xi32>], vector<16xf32>,
          %parallel_loop3A_210 = arith.constant 16 : i32
          %parallel_loop3A_211 = arith.muli %parallel_loop3A_157, %parallel_loop3A_210 : i32
          %parallel_loop3A_212 = arith.constant 5 : i32
          %parallel_loop3A_213 = arith.index_cast %parallel_loop3A_212 : i32 to index
          %parallel_loop3A_214 = arith.index_cast %parallel_loop3A_211 : i32 to index
          %parallel_loop3A_215 = tpu.vector_load %arg10[%parallel_loop3A_213, %parallel_loop3A_214] {strides = array<i32>} : memref<8x1024xf32, #tpu.memory_space<vmem>>, vector<16xf32>,
          tpu.vector_store %arg10[%parallel_loop3A_213, %parallel_loop3A_214], %parallel_loop3A_209 {strides = array<i32>} : memref<8x1024xf32, #tpu.memory_space<vmem>>, vector<16xf32>,
          %parallel_loop3A_216 = arith.constant 22 : i32
          %parallel_loop3A_217 = vector.broadcast %parallel_loop3A_216 : i32 to vector<16xi32>
          %parallel_loop3A_218 = tpu.vector_load_idx %arg9[%parallel_loop3A_217, %parallel_loop3A_161] : memref<32x1024xf32, #tpu.memory_space<vmem>>[vector<16xi32>, vector<16xi32>], vector<16xf32>,
          %parallel_loop3A_219 = arith.constant 16 : i32
          %parallel_loop3A_220 = arith.muli %parallel_loop3A_157, %parallel_loop3A_219 : i32
          %parallel_loop3A_221 = arith.constant 6 : i32
          %parallel_loop3A_222 = arith.index_cast %parallel_loop3A_221 : i32 to index
          %parallel_loop3A_223 = arith.index_cast %parallel_loop3A_220 : i32 to index
          %parallel_loop3A_224 = tpu.vector_load %arg10[%parallel_loop3A_222, %parallel_loop3A_223] {strides = array<i32>} : memref<8x1024xf32, #tpu.memory_space<vmem>>, vector<16xf32>,
          tpu.vector_store %arg10[%parallel_loop3A_222, %parallel_loop3A_223], %parallel_loop3A_218 {strides = array<i32>} : memref<8x1024xf32, #tpu.memory_space<vmem>>, vector<16xf32>,
          %parallel_loop3A_225 = arith.constant 23 : i32
          %parallel_loop3A_226 = vector.broadcast %parallel_loop3A_225 : i32 to vector<16xi32>
          %parallel_loop3A_227 = tpu.vector_load_idx %arg9[%parallel_loop3A_226, %parallel_loop3A_161] : memref<32x1024xf32, #tpu.memory_space<vmem>>[vector<16xi32>, vector<16xi32>], vector<16xf32>,
          %parallel_loop3A_228 = arith.constant 16 : i32
          %parallel_loop3A_229 = arith.muli %parallel_loop3A_157, %parallel_loop3A_228 : i32
          %parallel_loop3A_230 = arith.constant 7 : i32
          %parallel_loop3A_231 = arith.index_cast %parallel_loop3A_230 : i32 to index
          %parallel_loop3A_232 = arith.index_cast %parallel_loop3A_229 : i32 to index
          %parallel_loop3A_233 = tpu.vector_load %arg10[%parallel_loop3A_231, %parallel_loop3A_232] {strides = array<i32>} : memref<8x1024xf32, #tpu.memory_space<vmem>>, vector<16xf32>,
          tpu.vector_store %arg10[%parallel_loop3A_231, %parallel_loop3A_232], %parallel_loop3A_227 {strides = array<i32>} : memref<8x1024xf32, #tpu.memory_space<vmem>>, vector<16xf32>,
        } {sc.loop_unroll_factor = 4 : i64, sc.parallel_access}
        %mul3A_149 = arith.constant 8 : i32
        %mul3A_150 = arith.muli %add3A_75, %mul3A_149 : i32
        %dma_start3A_151 = arith.constant 0 : i32
        %dma_start3A_152 = tpu.memref_slice %arg7[%add3A_55, %mul3A_150, %dma_start3A_151] : memref<50x1000x1024xf32, #tpu.memory_space<hbm>> -> memref<1x8x1024xf32, #tpu.memory_space<hbm>>
        %dma_start3A_153 = tpu.memref_squeeze %dma_start3A_152 : memref<1x8x1024xf32, #tpu.memory_space<hbm>> -> memref<8x1024xf32, #tpu.memory_space<hbm>>
        %dma_start3A_154 = arith.constant 0 : i32
        %dma_start3A_155 = tpu.memref_slice %arg7[%add3A_55, %mul3A_150, %dma_start3A_154] : memref<50x1000x1024xf32, #tpu.memory_space<hbm>> -> memref<1x8x1024xf32, #tpu.memory_space<hbm>>
        %dma_start3A_156 = tpu.memref_squeeze %dma_start3A_155 : memref<1x8x1024xf32, #tpu.memory_space<hbm>> -> memref<8x1024xf32, #tpu.memory_space<hbm>>
        tpu.enqueue_dma source(%arg10 : memref<8x1024xf32, #tpu.memory_space<vmem>>) target(%dma_start3A_156 : memref<8x1024xf32, #tpu.memory_space<hbm>>) target_semaphore(%arg22 : memref<!tpu.dma_semaphore, #tpu.memory_space<semaphore_mem>>)
      } else {
      }
      %add3A_81 = arith.constant 3 : i32
      %add3A_82 = arith.addi %mul3A_4, %add3A_81 : i32
      %lt3A_83 = arith.constant 125 : i32
      %lt3A_84 = arith.cmpi slt, %add3A_82, %lt3A_83 : i32
      %convert_element_type3A_85 = arith.extui %lt3A_84 : i1 to i32
      %cond3A_86 = arith.constant 0 : i32
      %cond3A_87 = arith.cmpi ne, %convert_element_type3A_85, %cond3A_86 : i32
      scf.if %cond3A_87 {
        %dma_wait3A_138 = arith.constant 0 : i32
        %dma_wait3A_139 = arith.constant 0 : i32
        %dma_wait3A_140 = arith.constant 0 : i32
        %dma_wait3A_141 = tpu.memref_slice %arg7[%dma_wait3A_138, %dma_wait3A_139, %dma_wait3A_140] : memref<50x1000x1024xf32, #tpu.memory_space<hbm>> -> memref<1x8x1024xf32, #tpu.memory_space<hbm>>
        %dma_wait3A_142 = tpu.memref_squeeze %dma_wait3A_141 : memref<1x8x1024xf32, #tpu.memory_space<hbm>> -> memref<8x1024xf32, #tpu.memory_space<hbm>>
        %dma_wait3A_143 = arith.constant 0 : i32
        %dma_wait3A_144 = arith.constant 0 : i32
        %dma_wait3A_145 = tpu.memref_slice %arg7[%dma_wait3A_138, %dma_wait3A_143, %dma_wait3A_144] : memref<50x1000x1024xf32, #tpu.memory_space<hbm>> -> memref<1x8x1024xf32, #tpu.memory_space<hbm>>
        %dma_wait3A_146 = tpu.memref_squeeze %dma_wait3A_145 : memref<1x8x1024xf32, #tpu.memory_space<hbm>> -> memref<8x1024xf32, #tpu.memory_space<hbm>>
        tpu.wait_dma2 semaphore(%arg23 : memref<!tpu.dma_semaphore, #tpu.memory_space<semaphore_mem>>) src(%arg11 : memref<8x1024xf32, #tpu.memory_space<vmem>>) dst(%dma_wait3A_146 : memref<8x1024xf32, #tpu.memory_space<hbm>>)
        %parallel_loop3A = arith.constant 0 : i32
        %parallel_loop3A_147 = arith.constant 64 : i32
        %parallel_loop3A_148 = arith.constant 1 : i32
        scf.for %parallel_loop3A_157 = %parallel_loop3A to %parallel_loop3A_147 step %parallel_loop3A_148  : i32 {
          %parallel_loop3A_158 = arith.constant 16 : i32
          %parallel_loop3A_159 = arith.muli %parallel_loop3A_157, %parallel_loop3A_158 : i32
          %parallel_loop3A_160 = arith.index_cast %parallel_loop3A_159 : i32 to index
          %parallel_loop3A_161 = tpu.vector_load %arg12[%parallel_loop3A_160] {strides = array<i32>} : memref<1024xi32, #tpu.memory_space<vmem>>, vector<16xi32>,
          %parallel_loop3A_162 = arith.constant 24 : i32
          %parallel_loop3A_163 = vector.broadcast %parallel_loop3A_162 : i32 to vector<16xi32>
          %parallel_loop3A_164 = tpu.vector_load_idx %arg9[%parallel_loop3A_163, %parallel_loop3A_161] : memref<32x1024xf32, #tpu.memory_space<vmem>>[vector<16xi32>, vector<16xi32>], vector<16xf32>,
          %parallel_loop3A_165 = arith.constant 16 : i32
          %parallel_loop3A_166 = arith.muli %parallel_loop3A_157, %parallel_loop3A_165 : i32
          %parallel_loop3A_167 = arith.constant 0 : i32
          %parallel_loop3A_168 = arith.index_cast %parallel_loop3A_167 : i32 to index
          %parallel_loop3A_169 = arith.index_cast %parallel_loop3A_166 : i32 to index
          %parallel_loop3A_170 = tpu.vector_load %arg11[%parallel_loop3A_168, %parallel_loop3A_169] {strides = array<i32>} : memref<8x1024xf32, #tpu.memory_space<vmem>>, vector<16xf32>,
          tpu.vector_store %arg11[%parallel_loop3A_168, %parallel_loop3A_169], %parallel_loop3A_164 {strides = array<i32>} : memref<8x1024xf32, #tpu.memory_space<vmem>>, vector<16xf32>,
          %parallel_loop3A_171 = arith.constant 25 : i32
          %parallel_loop3A_172 = vector.broadcast %parallel_loop3A_171 : i32 to vector<16xi32>
          %parallel_loop3A_173 = tpu.vector_load_idx %arg9[%parallel_loop3A_172, %parallel_loop3A_161] : memref<32x1024xf32, #tpu.memory_space<vmem>>[vector<16xi32>, vector<16xi32>], vector<16xf32>,
          %parallel_loop3A_174 = arith.constant 16 : i32
          %parallel_loop3A_175 = arith.muli %parallel_loop3A_157, %parallel_loop3A_174 : i32
          %parallel_loop3A_176 = arith.constant 1 : i32
          %parallel_loop3A_177 = arith.index_cast %parallel_loop3A_176 : i32 to index
          %parallel_loop3A_178 = arith.index_cast %parallel_loop3A_175 : i32 to index
          %parallel_loop3A_179 = tpu.vector_load %arg11[%parallel_loop3A_177, %parallel_loop3A_178] {strides = array<i32>} : memref<8x1024xf32, #tpu.memory_space<vmem>>, vector<16xf32>,
          tpu.vector_store %arg11[%parallel_loop3A_177, %parallel_loop3A_178], %parallel_loop3A_173 {strides = array<i32>} : memref<8x1024xf32, #tpu.memory_space<vmem>>, vector<16xf32>,
          %parallel_loop3A_180 = arith.constant 26 : i32
          %parallel_loop3A_181 = vector.broadcast %parallel_loop3A_180 : i32 to vector<16xi32>
          %parallel_loop3A_182 = tpu.vector_load_idx %arg9[%parallel_loop3A_181, %parallel_loop3A_161] : memref<32x1024xf32, #tpu.memory_space<vmem>>[vector<16xi32>, vector<16xi32>], vector<16xf32>,
          %parallel_loop3A_183 = arith.constant 16 : i32
          %parallel_loop3A_184 = arith.muli %parallel_loop3A_157, %parallel_loop3A_183 : i32
          %parallel_loop3A_185 = arith.constant 2 : i32
          %parallel_loop3A_186 = arith.index_cast %parallel_loop3A_185 : i32 to index
          %parallel_loop3A_187 = arith.index_cast %parallel_loop3A_184 : i32 to index
          %parallel_loop3A_188 = tpu.vector_load %arg11[%parallel_loop3A_186, %parallel_loop3A_187] {strides = array<i32>} : memref<8x1024xf32, #tpu.memory_space<vmem>>, vector<16xf32>,
          tpu.vector_store %arg11[%parallel_loop3A_186, %parallel_loop3A_187], %parallel_loop3A_182 {strides = array<i32>} : memref<8x1024xf32, #tpu.memory_space<vmem>>, vector<16xf32>,
          %parallel_loop3A_189 = arith.constant 27 : i32
          %parallel_loop3A_190 = vector.broadcast %parallel_loop3A_189 : i32 to vector<16xi32>
          %parallel_loop3A_191 = tpu.vector_load_idx %arg9[%parallel_loop3A_190, %parallel_loop3A_161] : memref<32x1024xf32, #tpu.memory_space<vmem>>[vector<16xi32>, vector<16xi32>], vector<16xf32>,
          %parallel_loop3A_192 = arith.constant 16 : i32
          %parallel_loop3A_193 = arith.muli %parallel_loop3A_157, %parallel_loop3A_192 : i32
          %parallel_loop3A_194 = arith.constant 3 : i32
          %parallel_loop3A_195 = arith.index_cast %parallel_loop3A_194 : i32 to index
          %parallel_loop3A_196 = arith.index_cast %parallel_loop3A_193 : i32 to index
          %parallel_loop3A_197 = tpu.vector_load %arg11[%parallel_loop3A_195, %parallel_loop3A_196] {strides = array<i32>} : memref<8x1024xf32, #tpu.memory_space<vmem>>, vector<16xf32>,
          tpu.vector_store %arg11[%parallel_loop3A_195, %parallel_loop3A_196], %parallel_loop3A_191 {strides = array<i32>} : memref<8x1024xf32, #tpu.memory_space<vmem>>, vector<16xf32>,
          %parallel_loop3A_198 = arith.constant 28 : i32
          %parallel_loop3A_199 = vector.broadcast %parallel_loop3A_198 : i32 to vector<16xi32>
          %parallel_loop3A_200 = tpu.vector_load_idx %arg9[%parallel_loop3A_199, %parallel_loop3A_161] : memref<32x1024xf32, #tpu.memory_space<vmem>>[vector<16xi32>, vector<16xi32>], vector<16xf32>,
          %parallel_loop3A_201 = arith.constant 16 : i32
          %parallel_loop3A_202 = arith.muli %parallel_loop3A_157, %parallel_loop3A_201 : i32
          %parallel_loop3A_203 = arith.constant 4 : i32
          %parallel_loop3A_204 = arith.index_cast %parallel_loop3A_203 : i32 to index
          %parallel_loop3A_205 = arith.index_cast %parallel_loop3A_202 : i32 to index
          %parallel_loop3A_206 = tpu.vector_load %arg11[%parallel_loop3A_204, %parallel_loop3A_205] {strides = array<i32>} : memref<8x1024xf32, #tpu.memory_space<vmem>>, vector<16xf32>,
          tpu.vector_store %arg11[%parallel_loop3A_204, %parallel_loop3A_205], %parallel_loop3A_200 {strides = array<i32>} : memref<8x1024xf32, #tpu.memory_space<vmem>>, vector<16xf32>,
          %parallel_loop3A_207 = arith.constant 29 : i32
          %parallel_loop3A_208 = vector.broadcast %parallel_loop3A_207 : i32 to vector<16xi32>
          %parallel_loop3A_209 = tpu.vector_load_idx %arg9[%parallel_loop3A_208, %parallel_loop3A_161] : memref<32x1024xf32, #tpu.memory_space<vmem>>[vector<16xi32>, vector<16xi32>], vector<16xf32>,
          %parallel_loop3A_210 = arith.constant 16 : i32
          %parallel_loop3A_211 = arith.muli %parallel_loop3A_157, %parallel_loop3A_210 : i32
          %parallel_loop3A_212 = arith.constant 5 : i32
          %parallel_loop3A_213 = arith.index_cast %parallel_loop3A_212 : i32 to index
          %parallel_loop3A_214 = arith.index_cast %parallel_loop3A_211 : i32 to index
          %parallel_loop3A_215 = tpu.vector_load %arg11[%parallel_loop3A_213, %parallel_loop3A_214] {strides = array<i32>} : memref<8x1024xf32, #tpu.memory_space<vmem>>, vector<16xf32>,
          tpu.vector_store %arg11[%parallel_loop3A_213, %parallel_loop3A_214], %parallel_loop3A_209 {strides = array<i32>} : memref<8x1024xf32, #tpu.memory_space<vmem>>, vector<16xf32>,
          %parallel_loop3A_216 = arith.constant 30 : i32
          %parallel_loop3A_217 = vector.broadcast %parallel_loop3A_216 : i32 to vector<16xi32>
          %parallel_loop3A_218 = tpu.vector_load_idx %arg9[%parallel_loop3A_217, %parallel_loop3A_161] : memref<32x1024xf32, #tpu.memory_space<vmem>>[vector<16xi32>, vector<16xi32>], vector<16xf32>,
          %parallel_loop3A_219 = arith.constant 16 : i32
          %parallel_loop3A_220 = arith.muli %parallel_loop3A_157, %parallel_loop3A_219 : i32
          %parallel_loop3A_221 = arith.constant 6 : i32
          %parallel_loop3A_222 = arith.index_cast %parallel_loop3A_221 : i32 to index
          %parallel_loop3A_223 = arith.index_cast %parallel_loop3A_220 : i32 to index
          %parallel_loop3A_224 = tpu.vector_load %arg11[%parallel_loop3A_222, %parallel_loop3A_223] {strides = array<i32>} : memref<8x1024xf32, #tpu.memory_space<vmem>>, vector<16xf32>,
          tpu.vector_store %arg11[%parallel_loop3A_222, %parallel_loop3A_223], %parallel_loop3A_218 {strides = array<i32>} : memref<8x1024xf32, #tpu.memory_space<vmem>>, vector<16xf32>,
          %parallel_loop3A_225 = arith.constant 31 : i32
          %parallel_loop3A_226 = vector.broadcast %parallel_loop3A_225 : i32 to vector<16xi32>
          %parallel_loop3A_227 = tpu.vector_load_idx %arg9[%parallel_loop3A_226, %parallel_loop3A_161] : memref<32x1024xf32, #tpu.memory_space<vmem>>[vector<16xi32>, vector<16xi32>], vector<16xf32>,
          %parallel_loop3A_228 = arith.constant 16 : i32
          %parallel_loop3A_229 = arith.muli %parallel_loop3A_157, %parallel_loop3A_228 : i32
          %parallel_loop3A_230 = arith.constant 7 : i32
          %parallel_loop3A_231 = arith.index_cast %parallel_loop3A_230 : i32 to index
          %parallel_loop3A_232 = arith.index_cast %parallel_loop3A_229 : i32 to index
          %parallel_loop3A_233 = tpu.vector_load %arg11[%parallel_loop3A_231, %parallel_loop3A_232] {strides = array<i32>} : memref<8x1024xf32, #tpu.memory_space<vmem>>, vector<16xf32>,
          tpu.vector_store %arg11[%parallel_loop3A_231, %parallel_loop3A_232], %parallel_loop3A_227 {strides = array<i32>} : memref<8x1024xf32, #tpu.memory_space<vmem>>, vector<16xf32>,
        } {sc.loop_unroll_factor = 4 : i64, sc.parallel_access}
        %mul3A_149 = arith.constant 8 : i32
        %mul3A_150 = arith.muli %add3A_82, %mul3A_149 : i32
        %dma_start3A_151 = arith.constant 0 : i32
        %dma_start3A_152 = tpu.memref_slice %arg7[%add3A_55, %mul3A_150, %dma_start3A_151] : memref<50x1000x1024xf32, #tpu.memory_space<hbm>> -> memref<1x8x1024xf32, #tpu.memory_space<hbm>>
        %dma_start3A_153 = tpu.memref_squeeze %dma_start3A_152 : memref<1x8x1024xf32, #tpu.memory_space<hbm>> -> memref<8x1024xf32, #tpu.memory_space<hbm>>
        %dma_start3A_154 = arith.constant 0 : i32
        %dma_start3A_155 = tpu.memref_slice %arg7[%add3A_55, %mul3A_150, %dma_start3A_154] : memref<50x1000x1024xf32, #tpu.memory_space<hbm>> -> memref<1x8x1024xf32, #tpu.memory_space<hbm>>
        %dma_start3A_156 = tpu.memref_squeeze %dma_start3A_155 : memref<1x8x1024xf32, #tpu.memory_space<hbm>> -> memref<8x1024xf32, #tpu.memory_space<hbm>>
        tpu.enqueue_dma source(%arg11 : memref<8x1024xf32, #tpu.memory_space<vmem>>) target(%dma_start3A_156 : memref<8x1024xf32, #tpu.memory_space<hbm>>) target_semaphore(%arg23 : memref<!tpu.dma_semaphore, #tpu.memory_space<semaphore_mem>>)
      } else {
      }
      %add3A_88 = arith.constant 2 : i32
      %add3A_89 = arith.addi %add3A_55, %add3A_88 : i32
      %lt3A_90 = arith.constant 50 : i32
      %lt3A_91 = arith.cmpi slt, %add3A_89, %lt3A_90 : i32
      %convert_element_type3A_92 = arith.extui %lt3A_91 : i1 to i32
      %cond3A_93 = arith.constant 0 : i32
      %cond3A_94 = arith.cmpi ne, %convert_element_type3A_92, %cond3A_93 : i32
      scf.if %cond3A_94 {
        %add3A_138 = arith.constant 2 : i32
        %add3A_139 = arith.addi %add3A_55, %add3A_138 : i32
        %mul3A_140 = arith.constant 1024 : i32
        %mul3A_141 = arith.muli %add3A_139, %mul3A_140 : i32
        %dma_start3A_142 = tpu.memref_slice %arg2[%mul3A_141] : memref<51200xi32, #tpu.memory_space<hbm>> -> memref<1024xi32, #tpu.memory_space<hbm>>
        %dma_start3A_143 = tpu.memref_slice %arg2[%mul3A_141] : memref<51200xi32, #tpu.memory_space<hbm>> -> memref<1024xi32, #tpu.memory_space<hbm>>
        tpu.enqueue_dma source(%dma_start3A_143 : memref<1024xi32, #tpu.memory_space<hbm>>) target(%arg12 : memref<1024xi32, #tpu.memory_space<vmem>>) target_semaphore(%arg20 : memref<!tpu.dma_semaphore, #tpu.memory_space<semaphore_mem>>)
      } else {
      }
      %mul3A_95 = arith.constant 2 : i32
      %mul3A_96 = arith.muli %scan3A_51, %mul3A_95 : i32
      %add3A_97 = arith.constant 1 : i32
      %add3A_98 = arith.addi %mul3A_96, %add3A_97 : i32
      %dma_wait3A_99 = arith.constant 0 : i32
      %dma_wait3A_100 = tpu.memref_slice %arg2[%dma_wait3A_99] : memref<51200xi32, #tpu.memory_space<hbm>> -> memref<1024xi32, #tpu.memory_space<hbm>>
      %dma_wait3A_101 = arith.constant 0 : i32
      %dma_wait3A_102 = tpu.memref_slice %arg2[%dma_wait3A_101] : memref<51200xi32, #tpu.memory_space<hbm>> -> memref<1024xi32, #tpu.memory_space<hbm>>
      tpu.wait_dma2 semaphore(%arg21 : memref<!tpu.dma_semaphore, #tpu.memory_space<semaphore_mem>>) src(%dma_wait3A_102 : memref<1024xi32, #tpu.memory_space<hbm>>) dst(%arg13 : memref<1024xi32, #tpu.memory_space<vmem>>)
      %add3A_103 = arith.constant 0 : i32
      %add3A_104 = arith.addi %mul3A_4, %add3A_103 : i32
      %lt3A_105 = arith.constant 125 : i32
      %lt3A_106 = arith.cmpi slt, %add3A_104, %lt3A_105 : i32
      %convert_element_type3A_107 = arith.extui %lt3A_106 : i1 to i32
      %cond3A_108 = arith.constant 0 : i32
      %cond3A_109 = arith.cmpi ne, %convert_element_type3A_107, %cond3A_108 : i32
      scf.if %cond3A_109 {
        %gt3A = arith.constant 0 : i32
        %gt3A_138 = arith.cmpi sgt, %add3A_98, %gt3A : i32
        %convert_element_type3A_139 = arith.extui %gt3A_138 : i1 to i32
        %cond3A_140 = arith.constant 0 : i32
        %cond3A_141 = arith.cmpi ne, %convert_element_type3A_139, %cond3A_140 : i32
        scf.if %cond3A_141 {
          %dma_wait3A_152 = arith.constant 0 : i32
          %dma_wait3A_153 = arith.constant 0 : i32
          %dma_wait3A_154 = arith.constant 0 : i32
          %dma_wait3A_155 = tpu.memref_slice %arg7[%dma_wait3A_152, %dma_wait3A_153, %dma_wait3A_154] : memref<50x1000x1024xf32, #tpu.memory_space<hbm>> -> memref<1x8x1024xf32, #tpu.memory_space<hbm>>
          %dma_wait3A_156 = tpu.memref_squeeze %dma_wait3A_155 : memref<1x8x1024xf32, #tpu.memory_space<hbm>> -> memref<8x1024xf32, #tpu.memory_space<hbm>>
          %dma_wait3A_157 = arith.constant 0 : i32
          %dma_wait3A_158 = arith.constant 0 : i32
          %dma_wait3A_159 = tpu.memref_slice %arg7[%dma_wait3A_152, %dma_wait3A_157, %dma_wait3A_158] : memref<50x1000x1024xf32, #tpu.memory_space<hbm>> -> memref<1x8x1024xf32, #tpu.memory_space<hbm>>
          %dma_wait3A_160 = tpu.memref_squeeze %dma_wait3A_159 : memref<1x8x1024xf32, #tpu.memory_space<hbm>> -> memref<8x1024xf32, #tpu.memory_space<hbm>>
          tpu.wait_dma2 semaphore(%arg22 : memref<!tpu.dma_semaphore, #tpu.memory_space<semaphore_mem>>) src(%arg10 : memref<8x1024xf32, #tpu.memory_space<vmem>>) dst(%dma_wait3A_160 : memref<8x1024xf32, #tpu.memory_space<hbm>>)
        } else {
        }
        %parallel_loop3A = arith.constant 0 : i32
        %parallel_loop3A_142 = arith.constant 64 : i32
        %parallel_loop3A_143 = arith.constant 1 : i32
        scf.for %parallel_loop3A_152 = %parallel_loop3A to %parallel_loop3A_142 step %parallel_loop3A_143  : i32 {
          %parallel_loop3A_153 = arith.constant 16 : i32
          %parallel_loop3A_154 = arith.muli %parallel_loop3A_152, %parallel_loop3A_153 : i32
          %parallel_loop3A_155 = arith.index_cast %parallel_loop3A_154 : i32 to index
          %parallel_loop3A_156 = tpu.vector_load %arg13[%parallel_loop3A_155] {strides = array<i32>} : memref<1024xi32, #tpu.memory_space<vmem>>, vector<16xi32>,
          %parallel_loop3A_157 = arith.constant 0 : i32
          %parallel_loop3A_158 = vector.broadcast %parallel_loop3A_157 : i32 to vector<16xi32>
          %parallel_loop3A_159 = tpu.vector_load_idx %arg9[%parallel_loop3A_158, %parallel_loop3A_156] : memref<32x1024xf32, #tpu.memory_space<vmem>>[vector<16xi32>, vector<16xi32>], vector<16xf32>,
          %parallel_loop3A_160 = arith.constant 16 : i32
          %parallel_loop3A_161 = arith.muli %parallel_loop3A_152, %parallel_loop3A_160 : i32
          %parallel_loop3A_162 = arith.constant 0 : i32
          %parallel_loop3A_163 = arith.index_cast %parallel_loop3A_162 : i32 to index
          %parallel_loop3A_164 = arith.index_cast %parallel_loop3A_161 : i32 to index
          %parallel_loop3A_165 = tpu.vector_load %arg10[%parallel_loop3A_163, %parallel_loop3A_164] {strides = array<i32>} : memref<8x1024xf32, #tpu.memory_space<vmem>>, vector<16xf32>,
          tpu.vector_store %arg10[%parallel_loop3A_163, %parallel_loop3A_164], %parallel_loop3A_159 {strides = array<i32>} : memref<8x1024xf32, #tpu.memory_space<vmem>>, vector<16xf32>,
          %parallel_loop3A_166 = arith.constant 1 : i32
          %parallel_loop3A_167 = vector.broadcast %parallel_loop3A_166 : i32 to vector<16xi32>
          %parallel_loop3A_168 = tpu.vector_load_idx %arg9[%parallel_loop3A_167, %parallel_loop3A_156] : memref<32x1024xf32, #tpu.memory_space<vmem>>[vector<16xi32>, vector<16xi32>], vector<16xf32>,
          %parallel_loop3A_169 = arith.constant 16 : i32
          %parallel_loop3A_170 = arith.muli %parallel_loop3A_152, %parallel_loop3A_169 : i32
          %parallel_loop3A_171 = arith.constant 1 : i32
          %parallel_loop3A_172 = arith.index_cast %parallel_loop3A_171 : i32 to index
          %parallel_loop3A_173 = arith.index_cast %parallel_loop3A_170 : i32 to index
          %parallel_loop3A_174 = tpu.vector_load %arg10[%parallel_loop3A_172, %parallel_loop3A_173] {strides = array<i32>} : memref<8x1024xf32, #tpu.memory_space<vmem>>, vector<16xf32>,
          tpu.vector_store %arg10[%parallel_loop3A_172, %parallel_loop3A_173], %parallel_loop3A_168 {strides = array<i32>} : memref<8x1024xf32, #tpu.memory_space<vmem>>, vector<16xf32>,
          %parallel_loop3A_175 = arith.constant 2 : i32
          %parallel_loop3A_176 = vector.broadcast %parallel_loop3A_175 : i32 to vector<16xi32>
          %parallel_loop3A_177 = tpu.vector_load_idx %arg9[%parallel_loop3A_176, %parallel_loop3A_156] : memref<32x1024xf32, #tpu.memory_space<vmem>>[vector<16xi32>, vector<16xi32>], vector<16xf32>,
          %parallel_loop3A_178 = arith.constant 16 : i32
          %parallel_loop3A_179 = arith.muli %parallel_loop3A_152, %parallel_loop3A_178 : i32
          %parallel_loop3A_180 = arith.constant 2 : i32
          %parallel_loop3A_181 = arith.index_cast %parallel_loop3A_180 : i32 to index
          %parallel_loop3A_182 = arith.index_cast %parallel_loop3A_179 : i32 to index
          %parallel_loop3A_183 = tpu.vector_load %arg10[%parallel_loop3A_181, %parallel_loop3A_182] {strides = array<i32>} : memref<8x1024xf32, #tpu.memory_space<vmem>>, vector<16xf32>,
          tpu.vector_store %arg10[%parallel_loop3A_181, %parallel_loop3A_182], %parallel_loop3A_177 {strides = array<i32>} : memref<8x1024xf32, #tpu.memory_space<vmem>>, vector<16xf32>,
          %parallel_loop3A_184 = arith.constant 3 : i32
          %parallel_loop3A_185 = vector.broadcast %parallel_loop3A_184 : i32 to vector<16xi32>
          %parallel_loop3A_186 = tpu.vector_load_idx %arg9[%parallel_loop3A_185, %parallel_loop3A_156] : memref<32x1024xf32, #tpu.memory_space<vmem>>[vector<16xi32>, vector<16xi32>], vector<16xf32>,
          %parallel_loop3A_187 = arith.constant 16 : i32
          %parallel_loop3A_188 = arith.muli %parallel_loop3A_152, %parallel_loop3A_187 : i32
          %parallel_loop3A_189 = arith.constant 3 : i32
          %parallel_loop3A_190 = arith.index_cast %parallel_loop3A_189 : i32 to index
          %parallel_loop3A_191 = arith.index_cast %parallel_loop3A_188 : i32 to index
          %parallel_loop3A_192 = tpu.vector_load %arg10[%parallel_loop3A_190, %parallel_loop3A_191] {strides = array<i32>} : memref<8x1024xf32, #tpu.memory_space<vmem>>, vector<16xf32>,
          tpu.vector_store %arg10[%parallel_loop3A_190, %parallel_loop3A_191], %parallel_loop3A_186 {strides = array<i32>} : memref<8x1024xf32, #tpu.memory_space<vmem>>, vector<16xf32>,
          %parallel_loop3A_193 = arith.constant 4 : i32
          %parallel_loop3A_194 = vector.broadcast %parallel_loop3A_193 : i32 to vector<16xi32>
          %parallel_loop3A_195 = tpu.vector_load_idx %arg9[%parallel_loop3A_194, %parallel_loop3A_156] : memref<32x1024xf32, #tpu.memory_space<vmem>>[vector<16xi32>, vector<16xi32>], vector<16xf32>,
          %parallel_loop3A_196 = arith.constant 16 : i32
          %parallel_loop3A_197 = arith.muli %parallel_loop3A_152, %parallel_loop3A_196 : i32
          %parallel_loop3A_198 = arith.constant 4 : i32
          %parallel_loop3A_199 = arith.index_cast %parallel_loop3A_198 : i32 to index
          %parallel_loop3A_200 = arith.index_cast %parallel_loop3A_197 : i32 to index
          %parallel_loop3A_201 = tpu.vector_load %arg10[%parallel_loop3A_199, %parallel_loop3A_200] {strides = array<i32>} : memref<8x1024xf32, #tpu.memory_space<vmem>>, vector<16xf32>,
          tpu.vector_store %arg10[%parallel_loop3A_199, %parallel_loop3A_200], %parallel_loop3A_195 {strides = array<i32>} : memref<8x1024xf32, #tpu.memory_space<vmem>>, vector<16xf32>,
          %parallel_loop3A_202 = arith.constant 5 : i32
          %parallel_loop3A_203 = vector.broadcast %parallel_loop3A_202 : i32 to vector<16xi32>
          %parallel_loop3A_204 = tpu.vector_load_idx %arg9[%parallel_loop3A_203, %parallel_loop3A_156] : memref<32x1024xf32, #tpu.memory_space<vmem>>[vector<16xi32>, vector<16xi32>], vector<16xf32>,
          %parallel_loop3A_205 = arith.constant 16 : i32
          %parallel_loop3A_206 = arith.muli %parallel_loop3A_152, %parallel_loop3A_205 : i32
          %parallel_loop3A_207 = arith.constant 5 : i32
          %parallel_loop3A_208 = arith.index_cast %parallel_loop3A_207 : i32 to index
          %parallel_loop3A_209 = arith.index_cast %parallel_loop3A_206 : i32 to index
          %parallel_loop3A_210 = tpu.vector_load %arg10[%parallel_loop3A_208, %parallel_loop3A_209] {strides = array<i32>} : memref<8x1024xf32, #tpu.memory_space<vmem>>, vector<16xf32>,
          tpu.vector_store %arg10[%parallel_loop3A_208, %parallel_loop3A_209], %parallel_loop3A_204 {strides = array<i32>} : memref<8x1024xf32, #tpu.memory_space<vmem>>, vector<16xf32>,
          %parallel_loop3A_211 = arith.constant 6 : i32
          %parallel_loop3A_212 = vector.broadcast %parallel_loop3A_211 : i32 to vector<16xi32>
          %parallel_loop3A_213 = tpu.vector_load_idx %arg9[%parallel_loop3A_212, %parallel_loop3A_156] : memref<32x1024xf32, #tpu.memory_space<vmem>>[vector<16xi32>, vector<16xi32>], vector<16xf32>,
          %parallel_loop3A_214 = arith.constant 16 : i32
          %parallel_loop3A_215 = arith.muli %parallel_loop3A_152, %parallel_loop3A_214 : i32
          %parallel_loop3A_216 = arith.constant 6 : i32
          %parallel_loop3A_217 = arith.index_cast %parallel_loop3A_216 : i32 to index
          %parallel_loop3A_218 = arith.index_cast %parallel_loop3A_215 : i32 to index
          %parallel_loop3A_219 = tpu.vector_load %arg10[%parallel_loop3A_217, %parallel_loop3A_218] {strides = array<i32>} : memref<8x1024xf32, #tpu.memory_space<vmem>>, vector<16xf32>,
          tpu.vector_store %arg10[%parallel_loop3A_217, %parallel_loop3A_218], %parallel_loop3A_213 {strides = array<i32>} : memref<8x1024xf32, #tpu.memory_space<vmem>>, vector<16xf32>,
          %parallel_loop3A_220 = arith.constant 7 : i32
          %parallel_loop3A_221 = vector.broadcast %parallel_loop3A_220 : i32 to vector<16xi32>
          %parallel_loop3A_222 = tpu.vector_load_idx %arg9[%parallel_loop3A_221, %parallel_loop3A_156] : memref<32x1024xf32, #tpu.memory_space<vmem>>[vector<16xi32>, vector<16xi32>], vector<16xf32>,
          %parallel_loop3A_223 = arith.constant 16 : i32
          %parallel_loop3A_224 = arith.muli %parallel_loop3A_152, %parallel_loop3A_223 : i32
          %parallel_loop3A_225 = arith.constant 7 : i32
          %parallel_loop3A_226 = arith.index_cast %parallel_loop3A_225 : i32 to index
          %parallel_loop3A_227 = arith.index_cast %parallel_loop3A_224 : i32 to index
          %parallel_loop3A_228 = tpu.vector_load %arg10[%parallel_loop3A_226, %parallel_loop3A_227] {strides = array<i32>} : memref<8x1024xf32, #tpu.memory_space<vmem>>, vector<16xf32>,
          tpu.vector_store %arg10[%parallel_loop3A_226, %parallel_loop3A_227], %parallel_loop3A_222 {strides = array<i32>} : memref<8x1024xf32, #tpu.memory_space<vmem>>, vector<16xf32>,
        } {sc.loop_unroll_factor = 4 : i64, sc.parallel_access}
        %mul3A_144 = arith.constant 8 : i32
        %mul3A_145 = arith.muli %add3A_104, %mul3A_144 : i32
        %dma_start3A_146 = arith.constant 0 : i32
        %dma_start3A_147 = tpu.memref_slice %arg7[%add3A_98, %mul3A_145, %dma_start3A_146] : memref<50x1000x1024xf32, #tpu.memory_space<hbm>> -> memref<1x8x1024xf32, #tpu.memory_space<hbm>>
        %dma_start3A_148 = tpu.memref_squeeze %dma_start3A_147 : memref<1x8x1024xf32, #tpu.memory_space<hbm>> -> memref<8x1024xf32, #tpu.memory_space<hbm>>
        %dma_start3A_149 = arith.constant 0 : i32
        %dma_start3A_150 = tpu.memref_slice %arg7[%add3A_98, %mul3A_145, %dma_start3A_149] : memref<50x1000x1024xf32, #tpu.memory_space<hbm>> -> memref<1x8x1024xf32, #tpu.memory_space<hbm>>
        %dma_start3A_151 = tpu.memref_squeeze %dma_start3A_150 : memref<1x8x1024xf32, #tpu.memory_space<hbm>> -> memref<8x1024xf32, #tpu.memory_space<hbm>>
        tpu.enqueue_dma source(%arg10 : memref<8x1024xf32, #tpu.memory_space<vmem>>) target(%dma_start3A_151 : memref<8x1024xf32, #tpu.memory_space<hbm>>) target_semaphore(%arg22 : memref<!tpu.dma_semaphore, #tpu.memory_space<semaphore_mem>>)
      } else {
      }
      %add3A_110 = arith.constant 1 : i32
      %add3A_111 = arith.addi %mul3A_4, %add3A_110 : i32
      %lt3A_112 = arith.constant 125 : i32
      %lt3A_113 = arith.cmpi slt, %add3A_111, %lt3A_112 : i32
      %convert_element_type3A_114 = arith.extui %lt3A_113 : i1 to i32
      %cond3A_115 = arith.constant 0 : i32
      %cond3A_116 = arith.cmpi ne, %convert_element_type3A_114, %cond3A_115 : i32
      scf.if %cond3A_116 {
        %gt3A = arith.constant 0 : i32
        %gt3A_138 = arith.cmpi sgt, %add3A_98, %gt3A : i32
        %convert_element_type3A_139 = arith.extui %gt3A_138 : i1 to i32
        %cond3A_140 = arith.constant 0 : i32
        %cond3A_141 = arith.cmpi ne, %convert_element_type3A_139, %cond3A_140 : i32
        scf.if %cond3A_141 {
          %dma_wait3A_152 = arith.constant 0 : i32
          %dma_wait3A_153 = arith.constant 0 : i32
          %dma_wait3A_154 = arith.constant 0 : i32
          %dma_wait3A_155 = tpu.memref_slice %arg7[%dma_wait3A_152, %dma_wait3A_153, %dma_wait3A_154] : memref<50x1000x1024xf32, #tpu.memory_space<hbm>> -> memref<1x8x1024xf32, #tpu.memory_space<hbm>>
          %dma_wait3A_156 = tpu.memref_squeeze %dma_wait3A_155 : memref<1x8x1024xf32, #tpu.memory_space<hbm>> -> memref<8x1024xf32, #tpu.memory_space<hbm>>
          %dma_wait3A_157 = arith.constant 0 : i32
          %dma_wait3A_158 = arith.constant 0 : i32
          %dma_wait3A_159 = tpu.memref_slice %arg7[%dma_wait3A_152, %dma_wait3A_157, %dma_wait3A_158] : memref<50x1000x1024xf32, #tpu.memory_space<hbm>> -> memref<1x8x1024xf32, #tpu.memory_space<hbm>>
          %dma_wait3A_160 = tpu.memref_squeeze %dma_wait3A_159 : memref<1x8x1024xf32, #tpu.memory_space<hbm>> -> memref<8x1024xf32, #tpu.memory_space<hbm>>
          tpu.wait_dma2 semaphore(%arg23 : memref<!tpu.dma_semaphore, #tpu.memory_space<semaphore_mem>>) src(%arg11 : memref<8x1024xf32, #tpu.memory_space<vmem>>) dst(%dma_wait3A_160 : memref<8x1024xf32, #tpu.memory_space<hbm>>)
        } else {
        }
        %parallel_loop3A = arith.constant 0 : i32
        %parallel_loop3A_142 = arith.constant 64 : i32
        %parallel_loop3A_143 = arith.constant 1 : i32
        scf.for %parallel_loop3A_152 = %parallel_loop3A to %parallel_loop3A_142 step %parallel_loop3A_143  : i32 {
          %parallel_loop3A_153 = arith.constant 16 : i32
          %parallel_loop3A_154 = arith.muli %parallel_loop3A_152, %parallel_loop3A_153 : i32
          %parallel_loop3A_155 = arith.index_cast %parallel_loop3A_154 : i32 to index
          %parallel_loop3A_156 = tpu.vector_load %arg13[%parallel_loop3A_155] {strides = array<i32>} : memref<1024xi32, #tpu.memory_space<vmem>>, vector<16xi32>,
          %parallel_loop3A_157 = arith.constant 8 : i32
          %parallel_loop3A_158 = vector.broadcast %parallel_loop3A_157 : i32 to vector<16xi32>
          %parallel_loop3A_159 = tpu.vector_load_idx %arg9[%parallel_loop3A_158, %parallel_loop3A_156] : memref<32x1024xf32, #tpu.memory_space<vmem>>[vector<16xi32>, vector<16xi32>], vector<16xf32>,
          %parallel_loop3A_160 = arith.constant 16 : i32
          %parallel_loop3A_161 = arith.muli %parallel_loop3A_152, %parallel_loop3A_160 : i32
          %parallel_loop3A_162 = arith.constant 0 : i32
          %parallel_loop3A_163 = arith.index_cast %parallel_loop3A_162 : i32 to index
          %parallel_loop3A_164 = arith.index_cast %parallel_loop3A_161 : i32 to index
          %parallel_loop3A_165 = tpu.vector_load %arg11[%parallel_loop3A_163, %parallel_loop3A_164] {strides = array<i32>} : memref<8x1024xf32, #tpu.memory_space<vmem>>, vector<16xf32>,
          tpu.vector_store %arg11[%parallel_loop3A_163, %parallel_loop3A_164], %parallel_loop3A_159 {strides = array<i32>} : memref<8x1024xf32, #tpu.memory_space<vmem>>, vector<16xf32>,
          %parallel_loop3A_166 = arith.constant 9 : i32
          %parallel_loop3A_167 = vector.broadcast %parallel_loop3A_166 : i32 to vector<16xi32>
          %parallel_loop3A_168 = tpu.vector_load_idx %arg9[%parallel_loop3A_167, %parallel_loop3A_156] : memref<32x1024xf32, #tpu.memory_space<vmem>>[vector<16xi32>, vector<16xi32>], vector<16xf32>,
          %parallel_loop3A_169 = arith.constant 16 : i32
          %parallel_loop3A_170 = arith.muli %parallel_loop3A_152, %parallel_loop3A_169 : i32
          %parallel_loop3A_171 = arith.constant 1 : i32
          %parallel_loop3A_172 = arith.index_cast %parallel_loop3A_171 : i32 to index
          %parallel_loop3A_173 = arith.index_cast %parallel_loop3A_170 : i32 to index
          %parallel_loop3A_174 = tpu.vector_load %arg11[%parallel_loop3A_172, %parallel_loop3A_173] {strides = array<i32>} : memref<8x1024xf32, #tpu.memory_space<vmem>>, vector<16xf32>,
          tpu.vector_store %arg11[%parallel_loop3A_172, %parallel_loop3A_173], %parallel_loop3A_168 {strides = array<i32>} : memref<8x1024xf32, #tpu.memory_space<vmem>>, vector<16xf32>,
          %parallel_loop3A_175 = arith.constant 10 : i32
          %parallel_loop3A_176 = vector.broadcast %parallel_loop3A_175 : i32 to vector<16xi32>
          %parallel_loop3A_177 = tpu.vector_load_idx %arg9[%parallel_loop3A_176, %parallel_loop3A_156] : memref<32x1024xf32, #tpu.memory_space<vmem>>[vector<16xi32>, vector<16xi32>], vector<16xf32>,
          %parallel_loop3A_178 = arith.constant 16 : i32
          %parallel_loop3A_179 = arith.muli %parallel_loop3A_152, %parallel_loop3A_178 : i32
          %parallel_loop3A_180 = arith.constant 2 : i32
          %parallel_loop3A_181 = arith.index_cast %parallel_loop3A_180 : i32 to index
          %parallel_loop3A_182 = arith.index_cast %parallel_loop3A_179 : i32 to index
          %parallel_loop3A_183 = tpu.vector_load %arg11[%parallel_loop3A_181, %parallel_loop3A_182] {strides = array<i32>} : memref<8x1024xf32, #tpu.memory_space<vmem>>, vector<16xf32>,
          tpu.vector_store %arg11[%parallel_loop3A_181, %parallel_loop3A_182], %parallel_loop3A_177 {strides = array<i32>} : memref<8x1024xf32, #tpu.memory_space<vmem>>, vector<16xf32>,
          %parallel_loop3A_184 = arith.constant 11 : i32
          %parallel_loop3A_185 = vector.broadcast %parallel_loop3A_184 : i32 to vector<16xi32>
          %parallel_loop3A_186 = tpu.vector_load_idx %arg9[%parallel_loop3A_185, %parallel_loop3A_156] : memref<32x1024xf32, #tpu.memory_space<vmem>>[vector<16xi32>, vector<16xi32>], vector<16xf32>,
          %parallel_loop3A_187 = arith.constant 16 : i32
          %parallel_loop3A_188 = arith.muli %parallel_loop3A_152, %parallel_loop3A_187 : i32
          %parallel_loop3A_189 = arith.constant 3 : i32
          %parallel_loop3A_190 = arith.index_cast %parallel_loop3A_189 : i32 to index
          %parallel_loop3A_191 = arith.index_cast %parallel_loop3A_188 : i32 to index
          %parallel_loop3A_192 = tpu.vector_load %arg11[%parallel_loop3A_190, %parallel_loop3A_191] {strides = array<i32>} : memref<8x1024xf32, #tpu.memory_space<vmem>>, vector<16xf32>,
          tpu.vector_store %arg11[%parallel_loop3A_190, %parallel_loop3A_191], %parallel_loop3A_186 {strides = array<i32>} : memref<8x1024xf32, #tpu.memory_space<vmem>>, vector<16xf32>,
          %parallel_loop3A_193 = arith.constant 12 : i32
          %parallel_loop3A_194 = vector.broadcast %parallel_loop3A_193 : i32 to vector<16xi32>
          %parallel_loop3A_195 = tpu.vector_load_idx %arg9[%parallel_loop3A_194, %parallel_loop3A_156] : memref<32x1024xf32, #tpu.memory_space<vmem>>[vector<16xi32>, vector<16xi32>], vector<16xf32>,
          %parallel_loop3A_196 = arith.constant 16 : i32
          %parallel_loop3A_197 = arith.muli %parallel_loop3A_152, %parallel_loop3A_196 : i32
          %parallel_loop3A_198 = arith.constant 4 : i32
          %parallel_loop3A_199 = arith.index_cast %parallel_loop3A_198 : i32 to index
          %parallel_loop3A_200 = arith.index_cast %parallel_loop3A_197 : i32 to index
          %parallel_loop3A_201 = tpu.vector_load %arg11[%parallel_loop3A_199, %parallel_loop3A_200] {strides = array<i32>} : memref<8x1024xf32, #tpu.memory_space<vmem>>, vector<16xf32>,
          tpu.vector_store %arg11[%parallel_loop3A_199, %parallel_loop3A_200], %parallel_loop3A_195 {strides = array<i32>} : memref<8x1024xf32, #tpu.memory_space<vmem>>, vector<16xf32>,
          %parallel_loop3A_202 = arith.constant 13 : i32
          %parallel_loop3A_203 = vector.broadcast %parallel_loop3A_202 : i32 to vector<16xi32>
          %parallel_loop3A_204 = tpu.vector_load_idx %arg9[%parallel_loop3A_203, %parallel_loop3A_156] : memref<32x1024xf32, #tpu.memory_space<vmem>>[vector<16xi32>, vector<16xi32>], vector<16xf32>,
          %parallel_loop3A_205 = arith.constant 16 : i32
          %parallel_loop3A_206 = arith.muli %parallel_loop3A_152, %parallel_loop3A_205 : i32
          %parallel_loop3A_207 = arith.constant 5 : i32
          %parallel_loop3A_208 = arith.index_cast %parallel_loop3A_207 : i32 to index
          %parallel_loop3A_209 = arith.index_cast %parallel_loop3A_206 : i32 to index
          %parallel_loop3A_210 = tpu.vector_load %arg11[%parallel_loop3A_208, %parallel_loop3A_209] {strides = array<i32>} : memref<8x1024xf32, #tpu.memory_space<vmem>>, vector<16xf32>,
          tpu.vector_store %arg11[%parallel_loop3A_208, %parallel_loop3A_209], %parallel_loop3A_204 {strides = array<i32>} : memref<8x1024xf32, #tpu.memory_space<vmem>>, vector<16xf32>,
          %parallel_loop3A_211 = arith.constant 14 : i32
          %parallel_loop3A_212 = vector.broadcast %parallel_loop3A_211 : i32 to vector<16xi32>
          %parallel_loop3A_213 = tpu.vector_load_idx %arg9[%parallel_loop3A_212, %parallel_loop3A_156] : memref<32x1024xf32, #tpu.memory_space<vmem>>[vector<16xi32>, vector<16xi32>], vector<16xf32>,
          %parallel_loop3A_214 = arith.constant 16 : i32
          %parallel_loop3A_215 = arith.muli %parallel_loop3A_152, %parallel_loop3A_214 : i32
          %parallel_loop3A_216 = arith.constant 6 : i32
          %parallel_loop3A_217 = arith.index_cast %parallel_loop3A_216 : i32 to index
          %parallel_loop3A_218 = arith.index_cast %parallel_loop3A_215 : i32 to index
          %parallel_loop3A_219 = tpu.vector_load %arg11[%parallel_loop3A_217, %parallel_loop3A_218] {strides = array<i32>} : memref<8x1024xf32, #tpu.memory_space<vmem>>, vector<16xf32>,
          tpu.vector_store %arg11[%parallel_loop3A_217, %parallel_loop3A_218], %parallel_loop3A_213 {strides = array<i32>} : memref<8x1024xf32, #tpu.memory_space<vmem>>, vector<16xf32>,
          %parallel_loop3A_220 = arith.constant 15 : i32
          %parallel_loop3A_221 = vector.broadcast %parallel_loop3A_220 : i32 to vector<16xi32>
          %parallel_loop3A_222 = tpu.vector_load_idx %arg9[%parallel_loop3A_221, %parallel_loop3A_156] : memref<32x1024xf32, #tpu.memory_space<vmem>>[vector<16xi32>, vector<16xi32>], vector<16xf32>,
          %parallel_loop3A_223 = arith.constant 16 : i32
          %parallel_loop3A_224 = arith.muli %parallel_loop3A_152, %parallel_loop3A_223 : i32
          %parallel_loop3A_225 = arith.constant 7 : i32
          %parallel_loop3A_226 = arith.index_cast %parallel_loop3A_225 : i32 to index
          %parallel_loop3A_227 = arith.index_cast %parallel_loop3A_224 : i32 to index
          %parallel_loop3A_228 = tpu.vector_load %arg11[%parallel_loop3A_226, %parallel_loop3A_227] {strides = array<i32>} : memref<8x1024xf32, #tpu.memory_space<vmem>>, vector<16xf32>,
          tpu.vector_store %arg11[%parallel_loop3A_226, %parallel_loop3A_227], %parallel_loop3A_222 {strides = array<i32>} : memref<8x1024xf32, #tpu.memory_space<vmem>>, vector<16xf32>,
        } {sc.loop_unroll_factor = 4 : i64, sc.parallel_access}
        %mul3A_144 = arith.constant 8 : i32
        %mul3A_145 = arith.muli %add3A_111, %mul3A_144 : i32
        %dma_start3A_146 = arith.constant 0 : i32
        %dma_start3A_147 = tpu.memref_slice %arg7[%add3A_98, %mul3A_145, %dma_start3A_146] : memref<50x1000x1024xf32, #tpu.memory_space<hbm>> -> memref<1x8x1024xf32, #tpu.memory_space<hbm>>
        %dma_start3A_148 = tpu.memref_squeeze %dma_start3A_147 : memref<1x8x1024xf32, #tpu.memory_space<hbm>> -> memref<8x1024xf32, #tpu.memory_space<hbm>>
        %dma_start3A_149 = arith.constant 0 : i32
        %dma_start3A_150 = tpu.memref_slice %arg7[%add3A_98, %mul3A_145, %dma_start3A_149] : memref<50x1000x1024xf32, #tpu.memory_space<hbm>> -> memref<1x8x1024xf32, #tpu.memory_space<hbm>>
        %dma_start3A_151 = tpu.memref_squeeze %dma_start3A_150 : memref<1x8x1024xf32, #tpu.memory_space<hbm>> -> memref<8x1024xf32, #tpu.memory_space<hbm>>
        tpu.enqueue_dma source(%arg11 : memref<8x1024xf32, #tpu.memory_space<vmem>>) target(%dma_start3A_151 : memref<8x1024xf32, #tpu.memory_space<hbm>>) target_semaphore(%arg23 : memref<!tpu.dma_semaphore, #tpu.memory_space<semaphore_mem>>)
      } else {
      }
      %add3A_117 = arith.constant 2 : i32
      %add3A_118 = arith.addi %mul3A_4, %add3A_117 : i32
      %lt3A_119 = arith.constant 125 : i32
      %lt3A_120 = arith.cmpi slt, %add3A_118, %lt3A_119 : i32
      %convert_element_type3A_121 = arith.extui %lt3A_120 : i1 to i32
      %cond3A_122 = arith.constant 0 : i32
      %cond3A_123 = arith.cmpi ne, %convert_element_type3A_121, %cond3A_122 : i32
      scf.if %cond3A_123 {
        %dma_wait3A_138 = arith.constant 0 : i32
        %dma_wait3A_139 = arith.constant 0 : i32
        %dma_wait3A_140 = arith.constant 0 : i32
        %dma_wait3A_141 = tpu.memref_slice %arg7[%dma_wait3A_138, %dma_wait3A_139, %dma_wait3A_140] : memref<50x1000x1024xf32, #tpu.memory_space<hbm>> -> memref<1x8x1024xf32, #tpu.memory_space<hbm>>
        %dma_wait3A_142 = tpu.memref_squeeze %dma_wait3A_141 : memref<1x8x1024xf32, #tpu.memory_space<hbm>> -> memref<8x1024xf32, #tpu.memory_space<hbm>>
        %dma_wait3A_143 = arith.constant 0 : i32
        %dma_wait3A_144 = arith.constant 0 : i32
        %dma_wait3A_145 = tpu.memref_slice %arg7[%dma_wait3A_138, %dma_wait3A_143, %dma_wait3A_144] : memref<50x1000x1024xf32, #tpu.memory_space<hbm>> -> memref<1x8x1024xf32, #tpu.memory_space<hbm>>
        %dma_wait3A_146 = tpu.memref_squeeze %dma_wait3A_145 : memref<1x8x1024xf32, #tpu.memory_space<hbm>> -> memref<8x1024xf32, #tpu.memory_space<hbm>>
        tpu.wait_dma2 semaphore(%arg22 : memref<!tpu.dma_semaphore, #tpu.memory_space<semaphore_mem>>) src(%arg10 : memref<8x1024xf32, #tpu.memory_space<vmem>>) dst(%dma_wait3A_146 : memref<8x1024xf32, #tpu.memory_space<hbm>>)
        %parallel_loop3A = arith.constant 0 : i32
        %parallel_loop3A_147 = arith.constant 64 : i32
        %parallel_loop3A_148 = arith.constant 1 : i32
        scf.for %parallel_loop3A_157 = %parallel_loop3A to %parallel_loop3A_147 step %parallel_loop3A_148  : i32 {
          %parallel_loop3A_158 = arith.constant 16 : i32
          %parallel_loop3A_159 = arith.muli %parallel_loop3A_157, %parallel_loop3A_158 : i32
          %parallel_loop3A_160 = arith.index_cast %parallel_loop3A_159 : i32 to index
          %parallel_loop3A_161 = tpu.vector_load %arg13[%parallel_loop3A_160] {strides = array<i32>} : memref<1024xi32, #tpu.memory_space<vmem>>, vector<16xi32>,
          %parallel_loop3A_162 = arith.constant 16 : i32
          %parallel_loop3A_163 = vector.broadcast %parallel_loop3A_162 : i32 to vector<16xi32>
          %parallel_loop3A_164 = tpu.vector_load_idx %arg9[%parallel_loop3A_163, %parallel_loop3A_161] : memref<32x1024xf32, #tpu.memory_space<vmem>>[vector<16xi32>, vector<16xi32>], vector<16xf32>,
          %parallel_loop3A_165 = arith.constant 16 : i32
          %parallel_loop3A_166 = arith.muli %parallel_loop3A_157, %parallel_loop3A_165 : i32
          %parallel_loop3A_167 = arith.constant 0 : i32
          %parallel_loop3A_168 = arith.index_cast %parallel_loop3A_167 : i32 to index
          %parallel_loop3A_169 = arith.index_cast %parallel_loop3A_166 : i32 to index
          %parallel_loop3A_170 = tpu.vector_load %arg10[%parallel_loop3A_168, %parallel_loop3A_169] {strides = array<i32>} : memref<8x1024xf32, #tpu.memory_space<vmem>>, vector<16xf32>,
          tpu.vector_store %arg10[%parallel_loop3A_168, %parallel_loop3A_169], %parallel_loop3A_164 {strides = array<i32>} : memref<8x1024xf32, #tpu.memory_space<vmem>>, vector<16xf32>,
          %parallel_loop3A_171 = arith.constant 17 : i32
          %parallel_loop3A_172 = vector.broadcast %parallel_loop3A_171 : i32 to vector<16xi32>
          %parallel_loop3A_173 = tpu.vector_load_idx %arg9[%parallel_loop3A_172, %parallel_loop3A_161] : memref<32x1024xf32, #tpu.memory_space<vmem>>[vector<16xi32>, vector<16xi32>], vector<16xf32>,
          %parallel_loop3A_174 = arith.constant 16 : i32
          %parallel_loop3A_175 = arith.muli %parallel_loop3A_157, %parallel_loop3A_174 : i32
          %parallel_loop3A_176 = arith.constant 1 : i32
          %parallel_loop3A_177 = arith.index_cast %parallel_loop3A_176 : i32 to index
          %parallel_loop3A_178 = arith.index_cast %parallel_loop3A_175 : i32 to index
          %parallel_loop3A_179 = tpu.vector_load %arg10[%parallel_loop3A_177, %parallel_loop3A_178] {strides = array<i32>} : memref<8x1024xf32, #tpu.memory_space<vmem>>, vector<16xf32>,
          tpu.vector_store %arg10[%parallel_loop3A_177, %parallel_loop3A_178], %parallel_loop3A_173 {strides = array<i32>} : memref<8x1024xf32, #tpu.memory_space<vmem>>, vector<16xf32>,
          %parallel_loop3A_180 = arith.constant 18 : i32
          %parallel_loop3A_181 = vector.broadcast %parallel_loop3A_180 : i32 to vector<16xi32>
          %parallel_loop3A_182 = tpu.vector_load_idx %arg9[%parallel_loop3A_181, %parallel_loop3A_161] : memref<32x1024xf32, #tpu.memory_space<vmem>>[vector<16xi32>, vector<16xi32>], vector<16xf32>,
          %parallel_loop3A_183 = arith.constant 16 : i32
          %parallel_loop3A_184 = arith.muli %parallel_loop3A_157, %parallel_loop3A_183 : i32
          %parallel_loop3A_185 = arith.constant 2 : i32
          %parallel_loop3A_186 = arith.index_cast %parallel_loop3A_185 : i32 to index
          %parallel_loop3A_187 = arith.index_cast %parallel_loop3A_184 : i32 to index
          %parallel_loop3A_188 = tpu.vector_load %arg10[%parallel_loop3A_186, %parallel_loop3A_187] {strides = array<i32>} : memref<8x1024xf32, #tpu.memory_space<vmem>>, vector<16xf32>,
          tpu.vector_store %arg10[%parallel_loop3A_186, %parallel_loop3A_187], %parallel_loop3A_182 {strides = array<i32>} : memref<8x1024xf32, #tpu.memory_space<vmem>>, vector<16xf32>,
          %parallel_loop3A_189 = arith.constant 19 : i32
          %parallel_loop3A_190 = vector.broadcast %parallel_loop3A_189 : i32 to vector<16xi32>
          %parallel_loop3A_191 = tpu.vector_load_idx %arg9[%parallel_loop3A_190, %parallel_loop3A_161] : memref<32x1024xf32, #tpu.memory_space<vmem>>[vector<16xi32>, vector<16xi32>], vector<16xf32>,
          %parallel_loop3A_192 = arith.constant 16 : i32
          %parallel_loop3A_193 = arith.muli %parallel_loop3A_157, %parallel_loop3A_192 : i32
          %parallel_loop3A_194 = arith.constant 3 : i32
          %parallel_loop3A_195 = arith.index_cast %parallel_loop3A_194 : i32 to index
          %parallel_loop3A_196 = arith.index_cast %parallel_loop3A_193 : i32 to index
          %parallel_loop3A_197 = tpu.vector_load %arg10[%parallel_loop3A_195, %parallel_loop3A_196] {strides = array<i32>} : memref<8x1024xf32, #tpu.memory_space<vmem>>, vector<16xf32>,
          tpu.vector_store %arg10[%parallel_loop3A_195, %parallel_loop3A_196], %parallel_loop3A_191 {strides = array<i32>} : memref<8x1024xf32, #tpu.memory_space<vmem>>, vector<16xf32>,
          %parallel_loop3A_198 = arith.constant 20 : i32
          %parallel_loop3A_199 = vector.broadcast %parallel_loop3A_198 : i32 to vector<16xi32>
          %parallel_loop3A_200 = tpu.vector_load_idx %arg9[%parallel_loop3A_199, %parallel_loop3A_161] : memref<32x1024xf32, #tpu.memory_space<vmem>>[vector<16xi32>, vector<16xi32>], vector<16xf32>,
          %parallel_loop3A_201 = arith.constant 16 : i32
          %parallel_loop3A_202 = arith.muli %parallel_loop3A_157, %parallel_loop3A_201 : i32
          %parallel_loop3A_203 = arith.constant 4 : i32
          %parallel_loop3A_204 = arith.index_cast %parallel_loop3A_203 : i32 to index
          %parallel_loop3A_205 = arith.index_cast %parallel_loop3A_202 : i32 to index
          %parallel_loop3A_206 = tpu.vector_load %arg10[%parallel_loop3A_204, %parallel_loop3A_205] {strides = array<i32>} : memref<8x1024xf32, #tpu.memory_space<vmem>>, vector<16xf32>,
          tpu.vector_store %arg10[%parallel_loop3A_204, %parallel_loop3A_205], %parallel_loop3A_200 {strides = array<i32>} : memref<8x1024xf32, #tpu.memory_space<vmem>>, vector<16xf32>,
          %parallel_loop3A_207 = arith.constant 21 : i32
          %parallel_loop3A_208 = vector.broadcast %parallel_loop3A_207 : i32 to vector<16xi32>
          %parallel_loop3A_209 = tpu.vector_load_idx %arg9[%parallel_loop3A_208, %parallel_loop3A_161] : memref<32x1024xf32, #tpu.memory_space<vmem>>[vector<16xi32>, vector<16xi32>], vector<16xf32>,
          %parallel_loop3A_210 = arith.constant 16 : i32
          %parallel_loop3A_211 = arith.muli %parallel_loop3A_157, %parallel_loop3A_210 : i32
          %parallel_loop3A_212 = arith.constant 5 : i32
          %parallel_loop3A_213 = arith.index_cast %parallel_loop3A_212 : i32 to index
          %parallel_loop3A_214 = arith.index_cast %parallel_loop3A_211 : i32 to index
          %parallel_loop3A_215 = tpu.vector_load %arg10[%parallel_loop3A_213, %parallel_loop3A_214] {strides = array<i32>} : memref<8x1024xf32, #tpu.memory_space<vmem>>, vector<16xf32>,
          tpu.vector_store %arg10[%parallel_loop3A_213, %parallel_loop3A_214], %parallel_loop3A_209 {strides = array<i32>} : memref<8x1024xf32, #tpu.memory_space<vmem>>, vector<16xf32>,
          %parallel_loop3A_216 = arith.constant 22 : i32
          %parallel_loop3A_217 = vector.broadcast %parallel_loop3A_216 : i32 to vector<16xi32>
          %parallel_loop3A_218 = tpu.vector_load_idx %arg9[%parallel_loop3A_217, %parallel_loop3A_161] : memref<32x1024xf32, #tpu.memory_space<vmem>>[vector<16xi32>, vector<16xi32>], vector<16xf32>,
          %parallel_loop3A_219 = arith.constant 16 : i32
          %parallel_loop3A_220 = arith.muli %parallel_loop3A_157, %parallel_loop3A_219 : i32
          %parallel_loop3A_221 = arith.constant 6 : i32
          %parallel_loop3A_222 = arith.index_cast %parallel_loop3A_221 : i32 to index
          %parallel_loop3A_223 = arith.index_cast %parallel_loop3A_220 : i32 to index
          %parallel_loop3A_224 = tpu.vector_load %arg10[%parallel_loop3A_222, %parallel_loop3A_223] {strides = array<i32>} : memref<8x1024xf32, #tpu.memory_space<vmem>>, vector<16xf32>,
          tpu.vector_store %arg10[%parallel_loop3A_222, %parallel_loop3A_223], %parallel_loop3A_218 {strides = array<i32>} : memref<8x1024xf32, #tpu.memory_space<vmem>>, vector<16xf32>,
          %parallel_loop3A_225 = arith.constant 23 : i32
          %parallel_loop3A_226 = vector.broadcast %parallel_loop3A_225 : i32 to vector<16xi32>
          %parallel_loop3A_227 = tpu.vector_load_idx %arg9[%parallel_loop3A_226, %parallel_loop3A_161] : memref<32x1024xf32, #tpu.memory_space<vmem>>[vector<16xi32>, vector<16xi32>], vector<16xf32>,
          %parallel_loop3A_228 = arith.constant 16 : i32
          %parallel_loop3A_229 = arith.muli %parallel_loop3A_157, %parallel_loop3A_228 : i32
          %parallel_loop3A_230 = arith.constant 7 : i32
          %parallel_loop3A_231 = arith.index_cast %parallel_loop3A_230 : i32 to index
          %parallel_loop3A_232 = arith.index_cast %parallel_loop3A_229 : i32 to index
          %parallel_loop3A_233 = tpu.vector_load %arg10[%parallel_loop3A_231, %parallel_loop3A_232] {strides = array<i32>} : memref<8x1024xf32, #tpu.memory_space<vmem>>, vector<16xf32>,
          tpu.vector_store %arg10[%parallel_loop3A_231, %parallel_loop3A_232], %parallel_loop3A_227 {strides = array<i32>} : memref<8x1024xf32, #tpu.memory_space<vmem>>, vector<16xf32>,
        } {sc.loop_unroll_factor = 4 : i64, sc.parallel_access}
        %mul3A_149 = arith.constant 8 : i32
        %mul3A_150 = arith.muli %add3A_118, %mul3A_149 : i32
        %dma_start3A_151 = arith.constant 0 : i32
        %dma_start3A_152 = tpu.memref_slice %arg7[%add3A_98, %mul3A_150, %dma_start3A_151] : memref<50x1000x1024xf32, #tpu.memory_space<hbm>> -> memref<1x8x1024xf32, #tpu.memory_space<hbm>>
        %dma_start3A_153 = tpu.memref_squeeze %dma_start3A_152 : memref<1x8x1024xf32, #tpu.memory_space<hbm>> -> memref<8x1024xf32, #tpu.memory_space<hbm>>
        %dma_start3A_154 = arith.constant 0 : i32
        %dma_start3A_155 = tpu.memref_slice %arg7[%add3A_98, %mul3A_150, %dma_start3A_154] : memref<50x1000x1024xf32, #tpu.memory_space<hbm>> -> memref<1x8x1024xf32, #tpu.memory_space<hbm>>
        %dma_start3A_156 = tpu.memref_squeeze %dma_start3A_155 : memref<1x8x1024xf32, #tpu.memory_space<hbm>> -> memref<8x1024xf32, #tpu.memory_space<hbm>>
        tpu.enqueue_dma source(%arg10 : memref<8x1024xf32, #tpu.memory_space<vmem>>) target(%dma_start3A_156 : memref<8x1024xf32, #tpu.memory_space<hbm>>) target_semaphore(%arg22 : memref<!tpu.dma_semaphore, #tpu.memory_space<semaphore_mem>>)
      } else {
      }
      %add3A_124 = arith.constant 3 : i32
      %add3A_125 = arith.addi %mul3A_4, %add3A_124 : i32
      %lt3A_126 = arith.constant 125 : i32
      %lt3A_127 = arith.cmpi slt, %add3A_125, %lt3A_126 : i32
      %convert_element_type3A_128 = arith.extui %lt3A_127 : i1 to i32
      %cond3A_129 = arith.constant 0 : i32
      %cond3A_130 = arith.cmpi ne, %convert_element_type3A_128, %cond3A_129 : i32
      scf.if %cond3A_130 {
        %dma_wait3A_138 = arith.constant 0 : i32
        %dma_wait3A_139 = arith.constant 0 : i32
        %dma_wait3A_140 = arith.constant 0 : i32
        %dma_wait3A_141 = tpu.memref_slice %arg7[%dma_wait3A_138, %dma_wait3A_139, %dma_wait3A_140] : memref<50x1000x1024xf32, #tpu.memory_space<hbm>> -> memref<1x8x1024xf32, #tpu.memory_space<hbm>>
        %dma_wait3A_142 = tpu.memref_squeeze %dma_wait3A_141 : memref<1x8x1024xf32, #tpu.memory_space<hbm>> -> memref<8x1024xf32, #tpu.memory_space<hbm>>
        %dma_wait3A_143 = arith.constant 0 : i32
        %dma_wait3A_144 = arith.constant 0 : i32
        %dma_wait3A_145 = tpu.memref_slice %arg7[%dma_wait3A_138, %dma_wait3A_143, %dma_wait3A_144] : memref<50x1000x1024xf32, #tpu.memory_space<hbm>> -> memref<1x8x1024xf32, #tpu.memory_space<hbm>>
        %dma_wait3A_146 = tpu.memref_squeeze %dma_wait3A_145 : memref<1x8x1024xf32, #tpu.memory_space<hbm>> -> memref<8x1024xf32, #tpu.memory_space<hbm>>
        tpu.wait_dma2 semaphore(%arg23 : memref<!tpu.dma_semaphore, #tpu.memory_space<semaphore_mem>>) src(%arg11 : memref<8x1024xf32, #tpu.memory_space<vmem>>) dst(%dma_wait3A_146 : memref<8x1024xf32, #tpu.memory_space<hbm>>)
        %parallel_loop3A = arith.constant 0 : i32
        %parallel_loop3A_147 = arith.constant 64 : i32
        %parallel_loop3A_148 = arith.constant 1 : i32
        scf.for %parallel_loop3A_157 = %parallel_loop3A to %parallel_loop3A_147 step %parallel_loop3A_148  : i32 {
          %parallel_loop3A_158 = arith.constant 16 : i32
          %parallel_loop3A_159 = arith.muli %parallel_loop3A_157, %parallel_loop3A_158 : i32
          %parallel_loop3A_160 = arith.index_cast %parallel_loop3A_159 : i32 to index
          %parallel_loop3A_161 = tpu.vector_load %arg13[%parallel_loop3A_160] {strides = array<i32>} : memref<1024xi32, #tpu.memory_space<vmem>>, vector<16xi32>,
          %parallel_loop3A_162 = arith.constant 24 : i32
          %parallel_loop3A_163 = vector.broadcast %parallel_loop3A_162 : i32 to vector<16xi32>
          %parallel_loop3A_164 = tpu.vector_load_idx %arg9[%parallel_loop3A_163, %parallel_loop3A_161] : memref<32x1024xf32, #tpu.memory_space<vmem>>[vector<16xi32>, vector<16xi32>], vector<16xf32>,
          %parallel_loop3A_165 = arith.constant 16 : i32
          %parallel_loop3A_166 = arith.muli %parallel_loop3A_157, %parallel_loop3A_165 : i32
          %parallel_loop3A_167 = arith.constant 0 : i32
          %parallel_loop3A_168 = arith.index_cast %parallel_loop3A_167 : i32 to index
          %parallel_loop3A_169 = arith.index_cast %parallel_loop3A_166 : i32 to index
          %parallel_loop3A_170 = tpu.vector_load %arg11[%parallel_loop3A_168, %parallel_loop3A_169] {strides = array<i32>} : memref<8x1024xf32, #tpu.memory_space<vmem>>, vector<16xf32>,
          tpu.vector_store %arg11[%parallel_loop3A_168, %parallel_loop3A_169], %parallel_loop3A_164 {strides = array<i32>} : memref<8x1024xf32, #tpu.memory_space<vmem>>, vector<16xf32>,
          %parallel_loop3A_171 = arith.constant 25 : i32
          %parallel_loop3A_172 = vector.broadcast %parallel_loop3A_171 : i32 to vector<16xi32>
          %parallel_loop3A_173 = tpu.vector_load_idx %arg9[%parallel_loop3A_172, %parallel_loop3A_161] : memref<32x1024xf32, #tpu.memory_space<vmem>>[vector<16xi32>, vector<16xi32>], vector<16xf32>,
          %parallel_loop3A_174 = arith.constant 16 : i32
          %parallel_loop3A_175 = arith.muli %parallel_loop3A_157, %parallel_loop3A_174 : i32
          %parallel_loop3A_176 = arith.constant 1 : i32
          %parallel_loop3A_177 = arith.index_cast %parallel_loop3A_176 : i32 to index
          %parallel_loop3A_178 = arith.index_cast %parallel_loop3A_175 : i32 to index
          %parallel_loop3A_179 = tpu.vector_load %arg11[%parallel_loop3A_177, %parallel_loop3A_178] {strides = array<i32>} : memref<8x1024xf32, #tpu.memory_space<vmem>>, vector<16xf32>,
          tpu.vector_store %arg11[%parallel_loop3A_177, %parallel_loop3A_178], %parallel_loop3A_173 {strides = array<i32>} : memref<8x1024xf32, #tpu.memory_space<vmem>>, vector<16xf32>,
          %parallel_loop3A_180 = arith.constant 26 : i32
          %parallel_loop3A_181 = vector.broadcast %parallel_loop3A_180 : i32 to vector<16xi32>
          %parallel_loop3A_182 = tpu.vector_load_idx %arg9[%parallel_loop3A_181, %parallel_loop3A_161] : memref<32x1024xf32, #tpu.memory_space<vmem>>[vector<16xi32>, vector<16xi32>], vector<16xf32>,
          %parallel_loop3A_183 = arith.constant 16 : i32
          %parallel_loop3A_184 = arith.muli %parallel_loop3A_157, %parallel_loop3A_183 : i32
          %parallel_loop3A_185 = arith.constant 2 : i32
          %parallel_loop3A_186 = arith.index_cast %parallel_loop3A_185 : i32 to index
          %parallel_loop3A_187 = arith.index_cast %parallel_loop3A_184 : i32 to index
          %parallel_loop3A_188 = tpu.vector_load %arg11[%parallel_loop3A_186, %parallel_loop3A_187] {strides = array<i32>} : memref<8x1024xf32, #tpu.memory_space<vmem>>, vector<16xf32>,
          tpu.vector_store %arg11[%parallel_loop3A_186, %parallel_loop3A_187], %parallel_loop3A_182 {strides = array<i32>} : memref<8x1024xf32, #tpu.memory_space<vmem>>, vector<16xf32>,
          %parallel_loop3A_189 = arith.constant 27 : i32
          %parallel_loop3A_190 = vector.broadcast %parallel_loop3A_189 : i32 to vector<16xi32>
          %parallel_loop3A_191 = tpu.vector_load_idx %arg9[%parallel_loop3A_190, %parallel_loop3A_161] : memref<32x1024xf32, #tpu.memory_space<vmem>>[vector<16xi32>, vector<16xi32>], vector<16xf32>,
          %parallel_loop3A_192 = arith.constant 16 : i32
          %parallel_loop3A_193 = arith.muli %parallel_loop3A_157, %parallel_loop3A_192 : i32
          %parallel_loop3A_194 = arith.constant 3 : i32
          %parallel_loop3A_195 = arith.index_cast %parallel_loop3A_194 : i32 to index
          %parallel_loop3A_196 = arith.index_cast %parallel_loop3A_193 : i32 to index
          %parallel_loop3A_197 = tpu.vector_load %arg11[%parallel_loop3A_195, %parallel_loop3A_196] {strides = array<i32>} : memref<8x1024xf32, #tpu.memory_space<vmem>>, vector<16xf32>,
          tpu.vector_store %arg11[%parallel_loop3A_195, %parallel_loop3A_196], %parallel_loop3A_191 {strides = array<i32>} : memref<8x1024xf32, #tpu.memory_space<vmem>>, vector<16xf32>,
          %parallel_loop3A_198 = arith.constant 28 : i32
          %parallel_loop3A_199 = vector.broadcast %parallel_loop3A_198 : i32 to vector<16xi32>
          %parallel_loop3A_200 = tpu.vector_load_idx %arg9[%parallel_loop3A_199, %parallel_loop3A_161] : memref<32x1024xf32, #tpu.memory_space<vmem>>[vector<16xi32>, vector<16xi32>], vector<16xf32>,
          %parallel_loop3A_201 = arith.constant 16 : i32
          %parallel_loop3A_202 = arith.muli %parallel_loop3A_157, %parallel_loop3A_201 : i32
          %parallel_loop3A_203 = arith.constant 4 : i32
          %parallel_loop3A_204 = arith.index_cast %parallel_loop3A_203 : i32 to index
          %parallel_loop3A_205 = arith.index_cast %parallel_loop3A_202 : i32 to index
          %parallel_loop3A_206 = tpu.vector_load %arg11[%parallel_loop3A_204, %parallel_loop3A_205] {strides = array<i32>} : memref<8x1024xf32, #tpu.memory_space<vmem>>, vector<16xf32>,
          tpu.vector_store %arg11[%parallel_loop3A_204, %parallel_loop3A_205], %parallel_loop3A_200 {strides = array<i32>} : memref<8x1024xf32, #tpu.memory_space<vmem>>, vector<16xf32>,
          %parallel_loop3A_207 = arith.constant 29 : i32
          %parallel_loop3A_208 = vector.broadcast %parallel_loop3A_207 : i32 to vector<16xi32>
          %parallel_loop3A_209 = tpu.vector_load_idx %arg9[%parallel_loop3A_208, %parallel_loop3A_161] : memref<32x1024xf32, #tpu.memory_space<vmem>>[vector<16xi32>, vector<16xi32>], vector<16xf32>,
          %parallel_loop3A_210 = arith.constant 16 : i32
          %parallel_loop3A_211 = arith.muli %parallel_loop3A_157, %parallel_loop3A_210 : i32
          %parallel_loop3A_212 = arith.constant 5 : i32
          %parallel_loop3A_213 = arith.index_cast %parallel_loop3A_212 : i32 to index
          %parallel_loop3A_214 = arith.index_cast %parallel_loop3A_211 : i32 to index
          %parallel_loop3A_215 = tpu.vector_load %arg11[%parallel_loop3A_213, %parallel_loop3A_214] {strides = array<i32>} : memref<8x1024xf32, #tpu.memory_space<vmem>>, vector<16xf32>,
          tpu.vector_store %arg11[%parallel_loop3A_213, %parallel_loop3A_214], %parallel_loop3A_209 {strides = array<i32>} : memref<8x1024xf32, #tpu.memory_space<vmem>>, vector<16xf32>,
          %parallel_loop3A_216 = arith.constant 30 : i32
          %parallel_loop3A_217 = vector.broadcast %parallel_loop3A_216 : i32 to vector<16xi32>
          %parallel_loop3A_218 = tpu.vector_load_idx %arg9[%parallel_loop3A_217, %parallel_loop3A_161] : memref<32x1024xf32, #tpu.memory_space<vmem>>[vector<16xi32>, vector<16xi32>], vector<16xf32>,
          %parallel_loop3A_219 = arith.constant 16 : i32
          %parallel_loop3A_220 = arith.muli %parallel_loop3A_157, %parallel_loop3A_219 : i32
          %parallel_loop3A_221 = arith.constant 6 : i32
          %parallel_loop3A_222 = arith.index_cast %parallel_loop3A_221 : i32 to index
          %parallel_loop3A_223 = arith.index_cast %parallel_loop3A_220 : i32 to index
          %parallel_loop3A_224 = tpu.vector_load %arg11[%parallel_loop3A_222, %parallel_loop3A_223] {strides = array<i32>} : memref<8x1024xf32, #tpu.memory_space<vmem>>, vector<16xf32>,
          tpu.vector_store %arg11[%parallel_loop3A_222, %parallel_loop3A_223], %parallel_loop3A_218 {strides = array<i32>} : memref<8x1024xf32, #tpu.memory_space<vmem>>, vector<16xf32>,
          %parallel_loop3A_225 = arith.constant 31 : i32
          %parallel_loop3A_226 = vector.broadcast %parallel_loop3A_225 : i32 to vector<16xi32>
          %parallel_loop3A_227 = tpu.vector_load_idx %arg9[%parallel_loop3A_226, %parallel_loop3A_161] : memref<32x1024xf32, #tpu.memory_space<vmem>>[vector<16xi32>, vector<16xi32>], vector<16xf32>,
          %parallel_loop3A_228 = arith.constant 16 : i32
          %parallel_loop3A_229 = arith.muli %parallel_loop3A_157, %parallel_loop3A_228 : i32
          %parallel_loop3A_230 = arith.constant 7 : i32
          %parallel_loop3A_231 = arith.index_cast %parallel_loop3A_230 : i32 to index
          %parallel_loop3A_232 = arith.index_cast %parallel_loop3A_229 : i32 to index
          %parallel_loop3A_233 = tpu.vector_load %arg11[%parallel_loop3A_231, %parallel_loop3A_232] {strides = array<i32>} : memref<8x1024xf32, #tpu.memory_space<vmem>>, vector<16xf32>,
          tpu.vector_store %arg11[%parallel_loop3A_231, %parallel_loop3A_232], %parallel_loop3A_227 {strides = array<i32>} : memref<8x1024xf32, #tpu.memory_space<vmem>>, vector<16xf32>,
        } {sc.loop_unroll_factor = 4 : i64, sc.parallel_access}
        %mul3A_149 = arith.constant 8 : i32
        %mul3A_150 = arith.muli %add3A_125, %mul3A_149 : i32
        %dma_start3A_151 = arith.constant 0 : i32
        %dma_start3A_152 = tpu.memref_slice %arg7[%add3A_98, %mul3A_150, %dma_start3A_151] : memref<50x1000x1024xf32, #tpu.memory_space<hbm>> -> memref<1x8x1024xf32, #tpu.memory_space<hbm>>
        %dma_start3A_153 = tpu.memref_squeeze %dma_start3A_152 : memref<1x8x1024xf32, #tpu.memory_space<hbm>> -> memref<8x1024xf32, #tpu.memory_space<hbm>>
        %dma_start3A_154 = arith.constant 0 : i32
        %dma_start3A_155 = tpu.memref_slice %arg7[%add3A_98, %mul3A_150, %dma_start3A_154] : memref<50x1000x1024xf32, #tpu.memory_space<hbm>> -> memref<1x8x1024xf32, #tpu.memory_space<hbm>>
        %dma_start3A_156 = tpu.memref_squeeze %dma_start3A_155 : memref<1x8x1024xf32, #tpu.memory_space<hbm>> -> memref<8x1024xf32, #tpu.memory_space<hbm>>
        tpu.enqueue_dma source(%arg11 : memref<8x1024xf32, #tpu.memory_space<vmem>>) target(%dma_start3A_156 : memref<8x1024xf32, #tpu.memory_space<hbm>>) target_semaphore(%arg23 : memref<!tpu.dma_semaphore, #tpu.memory_space<semaphore_mem>>)
      } else {
      }
      %add3A_131 = arith.constant 2 : i32
      %add3A_132 = arith.addi %add3A_98, %add3A_131 : i32
      %lt3A_133 = arith.constant 50 : i32
      %lt3A_134 = arith.cmpi slt, %add3A_132, %lt3A_133 : i32
      %convert_element_type3A_135 = arith.extui %lt3A_134 : i1 to i32
      %cond3A_136 = arith.constant 0 : i32
      %cond3A_137 = arith.cmpi ne, %convert_element_type3A_135, %cond3A_136 : i32
      scf.if %cond3A_137 {
        %add3A_138 = arith.constant 2 : i32
        %add3A_139 = arith.addi %add3A_98, %add3A_138 : i32
        %mul3A_140 = arith.constant 1024 : i32
        %mul3A_141 = arith.muli %add3A_139, %mul3A_140 : i32
        %dma_start3A_142 = tpu.memref_slice %arg2[%mul3A_141] : memref<51200xi32, #tpu.memory_space<hbm>> -> memref<1024xi32, #tpu.memory_space<hbm>>
        %dma_start3A_143 = tpu.memref_slice %arg2[%mul3A_141] : memref<51200xi32, #tpu.memory_space<hbm>> -> memref<1024xi32, #tpu.memory_space<hbm>>
        tpu.enqueue_dma source(%dma_start3A_143 : memref<1024xi32, #tpu.memory_space<hbm>>) target(%arg13 : memref<1024xi32, #tpu.memory_space<vmem>>) target_semaphore(%arg21 : memref<!tpu.dma_semaphore, #tpu.memory_space<semaphore_mem>>)
      } else {
      }
    }
    %scan3A_26 = arith.constant 25 : i32
    %add3A_27 = arith.constant 0 : i32
    %add3A_28 = arith.addi %mul3A_4, %add3A_27 : i32
    %lt3A = arith.constant 125 : i32
    %lt3A_29 = arith.cmpi slt, %add3A_28, %lt3A : i32
    %convert_element_type3A = arith.extui %lt3A_29 : i1 to i32
    %cond3A = arith.constant 0 : i32
    %cond3A_30 = arith.cmpi ne, %convert_element_type3A, %cond3A : i32
    scf.if %cond3A_30 {
      %dma_wait3A_51 = arith.constant 0 : i32
      %dma_wait3A_52 = arith.constant 0 : i32
      %dma_wait3A_53 = arith.constant 0 : i32
      %dma_wait3A_54 = tpu.memref_slice %arg7[%dma_wait3A_51, %dma_wait3A_52, %dma_wait3A_53] : memref<50x1000x1024xf32, #tpu.memory_space<hbm>> -> memref<1x8x1024xf32, #tpu.memory_space<hbm>>
      %dma_wait3A_55 = tpu.memref_squeeze %dma_wait3A_54 : memref<1x8x1024xf32, #tpu.memory_space<hbm>> -> memref<8x1024xf32, #tpu.memory_space<hbm>>
      %dma_wait3A_56 = arith.constant 0 : i32
      %dma_wait3A_57 = arith.constant 0 : i32
      %dma_wait3A_58 = tpu.memref_slice %arg7[%dma_wait3A_51, %dma_wait3A_56, %dma_wait3A_57] : memref<50x1000x1024xf32, #tpu.memory_space<hbm>> -> memref<1x8x1024xf32, #tpu.memory_space<hbm>>
      %dma_wait3A_59 = tpu.memref_squeeze %dma_wait3A_58 : memref<1x8x1024xf32, #tpu.memory_space<hbm>> -> memref<8x1024xf32, #tpu.memory_space<hbm>>
      tpu.wait_dma2 semaphore(%arg22 : memref<!tpu.dma_semaphore, #tpu.memory_space<semaphore_mem>>) src(%arg10 : memref<8x1024xf32, #tpu.memory_space<vmem>>) dst(%dma_wait3A_59 : memref<8x1024xf32, #tpu.memory_space<hbm>>)
    } else {
    }
    %add3A_31 = arith.constant 1 : i32
    %add3A_32 = arith.addi %mul3A_4, %add3A_31 : i32
    %lt3A_33 = arith.constant 125 : i32
    %lt3A_34 = arith.cmpi slt, %add3A_32, %lt3A_33 : i32
    %convert_element_type3A_35 = arith.extui %lt3A_34 : i1 to i32
    %cond3A_36 = arith.constant 0 : i32
    %cond3A_37 = arith.cmpi ne, %convert_element_type3A_35, %cond3A_36 : i32
    scf.if %cond3A_37 {
      %dma_wait3A_51 = arith.constant 0 : i32
      %dma_wait3A_52 = arith.constant 0 : i32
      %dma_wait3A_53 = arith.constant 0 : i32
      %dma_wait3A_54 = tpu.memref_slice %arg7[%dma_wait3A_51, %dma_wait3A_52, %dma_wait3A_53] : memref<50x1000x1024xf32, #tpu.memory_space<hbm>> -> memref<1x8x1024xf32, #tpu.memory_space<hbm>>
      %dma_wait3A_55 = tpu.memref_squeeze %dma_wait3A_54 : memref<1x8x1024xf32, #tpu.memory_space<hbm>> -> memref<8x1024xf32, #tpu.memory_space<hbm>>
      %dma_wait3A_56 = arith.constant 0 : i32
      %dma_wait3A_57 = arith.constant 0 : i32
      %dma_wait3A_58 = tpu.memref_slice %arg7[%dma_wait3A_51, %dma_wait3A_56, %dma_wait3A_57] : memref<50x1000x1024xf32, #tpu.memory_space<hbm>> -> memref<1x8x1024xf32, #tpu.memory_space<hbm>>
      %dma_wait3A_59 = tpu.memref_squeeze %dma_wait3A_58 : memref<1x8x1024xf32, #tpu.memory_space<hbm>> -> memref<8x1024xf32, #tpu.memory_space<hbm>>
      tpu.wait_dma2 semaphore(%arg23 : memref<!tpu.dma_semaphore, #tpu.memory_space<semaphore_mem>>) src(%arg11 : memref<8x1024xf32, #tpu.memory_space<vmem>>) dst(%dma_wait3A_59 : memref<8x1024xf32, #tpu.memory_space<hbm>>)
    } else {
    }
    %dma_wait3A = arith.constant 0 : i32
    %dma_wait3A_38 = tpu.memref_slice %arg5[%dma_wait3A] : memref<1024000xf32, #tpu.memory_space<hbm>> -> memref<1600xf32, #tpu.memory_space<hbm>>
    %dma_wait3A_39 = arith.constant 0 : i32
    %dma_wait3A_40 = tpu.memref_slice %arg5[%dma_wait3A_39] : memref<1024000xf32, #tpu.memory_space<hbm>> -> memref<1600xf32, #tpu.memory_space<hbm>>
    tpu.wait_dma2 semaphore(%arg24 : memref<!tpu.dma_semaphore, #tpu.memory_space<semaphore_mem>>) src(%dma_wait3A_40 : memref<1600xf32, #tpu.memory_space<hbm>>) dst(%arg18 : memref<1600xf32, #tpu.memory_space<vmem>>)
    %broadcast_in_dim3A = arith.constant 0.000000e+00 : f32
    %broadcast_in_dim3A_41 = vector.broadcast %broadcast_in_dim3A : f32 to vector<16xf32>
    %scan3A_42 = arith.constant 0 : i32
    %scan3A_43 = arith.constant 100 : i32
    %scan3A_44 = arith.addi %scan3A_42, %scan3A_43 : i32
    %scan3A_45 = arith.constant 1 : i32
    %scan3A_46 = scf.for %scan3A_51 = %scan3A_42 to %scan3A_44 step %scan3A_45 iter_args(%scan3A_52 = %broadcast_in_dim3A_41) -> (vector<16xf32>)  : i32 {
      %mul3A_53 = arith.constant 16 : i32
      %mul3A_54 = arith.muli %scan3A_51, %mul3A_53 : i32
      %get3A = arith.index_cast %mul3A_54 : i32 to index
      %get3A_55 = tpu.vector_load %arg14[%get3A] {strides = array<i32>} : memref<1600xi32, #tpu.memory_space<vmem>>, vector<16xi32>,
      %gather3A = tpu.vector_load_idx %arg16[%get3A_55] : memref<1024xf32, #tpu.memory_space<vmem>>[vector<16xi32>], vector<16xf32>,
      %mul3A_56 = arith.constant 16 : i32
      %mul3A_57 = arith.muli %scan3A_51, %mul3A_56 : i32
      %get3A_58 = arith.index_cast %mul3A_57 : i32 to index
      %get3A_59 = tpu.vector_load %arg18[%get3A_58] {strides = array<i32>} : memref<1600xf32, #tpu.memory_space<vmem>>, vector<16xf32>,
      %sub3A = arith.subf %gather3A, %get3A_59 : vector<16xf32>
      %add3A_60 = arith.addf %scan3A_52, %sub3A : vector<16xf32>
      scf.yield %add3A_60 : vector<16xf32>
    }
    %scan3A_47 = arith.constant 100 : i32
    %swap3A = arith.constant 0 : index
    %swap3A_48 = tpu.vector_load %arg19[%swap3A] {strides = array<i32>} : memref<16xf32, #tpu.memory_space<vmem>>, vector<16xf32>,
    tpu.vector_store %arg19[%swap3A], %scan3A_46 {strides = array<i32>} : memref<16xf32, #tpu.memory_space<vmem>>, vector<16xf32>,
    %mul3A_49 = arith.constant 16 : i32
    %mul3A_50 = arith.muli %add3A, %mul3A_49 : i32
    "tpu.region"() ({
      %run_scoped3A = tpu.sem_alloc : memref<!tpu.dma_semaphore, #tpu.memory_space<semaphore_mem>>
      %dma_start3A_51 = tpu.memref_slice %arg8[%mul3A_50] : memref<512xf32, #tpu.memory_space<hbm>> -> memref<16xf32, #tpu.memory_space<hbm>>
      %dma_start3A_52 = tpu.memref_slice %arg8[%mul3A_50] : memref<512xf32, #tpu.memory_space<hbm>> -> memref<16xf32, #tpu.memory_space<hbm>>
      tpu.enqueue_dma source(%arg19 : memref<16xf32, #tpu.memory_space<vmem>>) target(%dma_start3A_52 : memref<16xf32, #tpu.memory_space<hbm>>) target_semaphore(%run_scoped3A : memref<!tpu.dma_semaphore, #tpu.memory_space<semaphore_mem>>)
      %dma_wait3A_53 = tpu.memref_slice %arg8[%mul3A_50] : memref<512xf32, #tpu.memory_space<hbm>> -> memref<16xf32, #tpu.memory_space<hbm>>
      %dma_wait3A_54 = tpu.memref_slice %arg8[%mul3A_50] : memref<512xf32, #tpu.memory_space<hbm>> -> memref<16xf32, #tpu.memory_space<hbm>>
      tpu.wait_dma2 semaphore(%run_scoped3A : memref<!tpu.dma_semaphore, #tpu.memory_space<semaphore_mem>>) src(%arg19 : memref<16xf32, #tpu.memory_space<vmem>>) dst(%dma_wait3A_54 : memref<16xf32, #tpu.memory_space<hbm>>)
      tpu.yield
    }) : () -> ()
    return
  }
}

module attributes {stable_mosaic.version = 14 : i64} {
  func.func @_prep_body(%arg0: memref<1000x1000xf32, #tpu.memory_space<vmem>>, %arg1: memref<1024x1024xf32, #tpu.memory_space<vmem>>, %arg2: memref<1024xf32, #tpu.memory_space<vmem>>) attributes {dimension_semantics = [], scalar_prefetch = 0 : i64, scratch_operands = 0 : i64, tpu.core_type = #tpu.core_type<tc>} {
    %get3A = arith.constant 0 : index
    %get3A_0 = arith.constant 0 : index
    %get3A_1 = vector.load %arg0[%get3A, %get3A_0] : memref<1000x1000xf32, #tpu.memory_space<vmem>>, vector<1000x1000xf32>
    %reduce_max3A = arith.constant dense<0xFF800000> : vector<1000xf32>
    %reduce_max3A_2 = vector.multi_reduction <maximumf>, %get3A_1, %reduce_max3A [1] : vector<1000x1000xf32> to vector<1000xf32>
    %broadcast_in_dim3A = vector.shape_cast %reduce_max3A_2 : vector<1000xf32> to vector<1000x1xf32>
    %sub3A = vector.broadcast %broadcast_in_dim3A : vector<1000x1xf32> to vector<1000x1000xf32>
    %sub3A_3 = arith.subf %get3A_1, %sub3A : vector<1000x1000xf32>
    %exp3A = math.exp %sub3A_3 : vector<1000x1000xf32>
    %reduce_sum3A = arith.constant dense<0.000000e+00> : vector<1000xf32>
    %reduce_sum3A_4 = vector.multi_reduction <add>, %exp3A, %reduce_sum3A [1] : vector<1000x1000xf32> to vector<1000xf32>
    %broadcast_in_dim3A_5 = vector.shape_cast %reduce_sum3A_4 : vector<1000xf32> to vector<1000x1xf32>
    %log3A = math.log %broadcast_in_dim3A_5 : vector<1000x1xf32>
    %add3A = arith.addf %broadcast_in_dim3A, %log3A : vector<1000x1xf32>
    %squeeze3A = vector.shape_cast %add3A : vector<1000x1xf32> to vector<1000xf32>
    %jit3A = arith.constant 0 : i32
    %convert_element_type3A = arith.sitofp %jit3A : i32 to f32
    %pad3A = vector.broadcast %convert_element_type3A : f32 to vector<24xf32>
    %pad3A_6 = tpu.concatenate %squeeze3A, %pad3A in 0 : vector<1000xf32>, vector<24xf32> -> vector<1024xf32>
    %swap3A = arith.constant 0 : index
    %swap3A_7 = vector.load %arg2[%swap3A] : memref<1024xf32, #tpu.memory_space<vmem>>, vector<1024xf32>
    tpu.vector_store %arg2[%swap3A], %pad3A_6 {strides = array<i32>} : memref<1024xf32, #tpu.memory_space<vmem>>, vector<1024xf32>,
    %jit3A_8 = arith.constant 0 : i32
    %convert_element_type3A_9 = arith.sitofp %jit3A_8 : i32 to f32
    %pad3A_10 = vector.broadcast %convert_element_type3A_9 : f32 to vector<24x1000xf32>
    %pad3A_11 = tpu.concatenate %get3A_1, %pad3A_10 in 0 : vector<1000x1000xf32>, vector<24x1000xf32> -> vector<1024x1000xf32>
    %pad3A_12 = vector.broadcast %convert_element_type3A_9 : f32 to vector<1024x24xf32>
    %pad3A_13 = tpu.concatenate %pad3A_11, %pad3A_12 in 1 : vector<1024x1000xf32>, vector<1024x24xf32> -> vector<1024x1024xf32>
    %transpose3A = tpu.transpose %pad3A_13, [1, 0] : vector<1024x1024xf32> -> vector<1024x1024xf32>
    %swap3A_14 = arith.constant 0 : index
    %swap3A_15 = arith.constant 0 : index
    %swap3A_16 = vector.load %arg1[%swap3A_14, %swap3A_15] : memref<1024x1024xf32, #tpu.memory_space<vmem>>, vector<1024x1024xf32>
    tpu.vector_store %arg1[%swap3A_14, %swap3A_15], %transpose3A {strides = array<i32>} : memref<1024x1024xf32, #tpu.memory_space<vmem>>, vector<1024x1024xf32>,
    return
  }
}

</mosaic_0001>

<sc_bundles>
// kernel: kernel.4.cloned.1.call-start
scs
__scs_entry_jumppad:
0x0: {  	(pc) =	sbr.rel $0x88, $3  }
0x1: {  	(tag) =	ssettag $0x0;
	lr =	simm.s32 $0x1  }
0x2: {  	[smem:$0x3F9E] =	sst lr;
	_ =	strace $0xD0000000  }
0x3: {  	_ = 	snop  }
0x4: {  	_ = 	snop  }
0x5: {  	_ = 	snop  }
0x6: {  	_ = 	snop  }
0x7: {  	_ = 	snop  }
__scs_overlays_trampoline_lowered:
0x8: {  	[smem:$0x3FAD] =	sst s0  }
0x9: {  	[smem:$0x3FAE] =	sst s1  }
0xa: {  	[smem:$0x3FAF] =	sst s2  }
0xb: {  	[smem:$0x3FB0] =	sst s3  }
0xc: {  	[smem:$0x3FB1] =	sst s4  }
0xd: {  	[smem:$0x3FB2] =	sst s5  }
0xe: {  	[smem:$0x3FB3] =	sst s6  }
0xf: {  	[smem:$0x3FB4] =	sst s7  }
0x10: {  	[smem:$0x3FB5] =	sst s8  }
0x11: {  	[smem:$0x3FB6] =	sst s9;
	s0 =	simm.s32 @!p0 $0x0  }
0x12: {  	s1 =	sld [smem:$0x3F9C];
	s0 =	simm.s32 @p0 $0x1  }
0x13: {  	[smem:$0x3FB7] =	sst s0;
	s0 =	simm.s32 @!p1 $0x0  }
0x14: {  	s2 =	sld [smem:$0x3F9B];
	s0 =	simm.s32 @p1 $0x1  }
0x15: {  	[smem:$0x3FB8] =	sst s0;
	s0 =	simm.s32 @!p2 $0x0  }
0x16: {  	s3 =	sld [smem:$0x3FDB];
	s0 =	simm.s32 @p2 $0x1  }
0x17: {  	s4 =	simm.s32 $0x1BF5;
	[smem:$0x3FBA] =	sst s0  }
0x18: {  	s0 =	sld [smem:$0x3F9D];
	_ =	swait.ge [sflag:s4], $0x0  }
0x19: {  	s7 =	sld [smem:$0x3F9E]  }
0x1a: {  	s8 =	sadd.s32 $0xFFFFE003, lr  }
0x1b: {  	s9 =	sadd.s32 $0xFFFFFEF7, lr;
	s5 =	simm.s32 $0xFFFFFFFF;
	p2 =	slt.u32 s8, $0xFFFFF086  }
0x1c: {  	p1 =	slt.u32 s9, $0xF7A;
	s5 =	simm.s32 @!p2 $0x0  }
0x1d: {  	s5 =	simm.s32 @p1 $0x1;
	p0 =	seq.s32 s7, s2  }
0x1e: {  	s7 =	smul.u32 @!p0 $0xF7A, s2;
	p2 =	seq.s32 @!p0 s5, $0x0  }
0x1f: {  	s9 =	smul.u32 $0xF7A, s1;
	s8 =	simm.s32 @!p0 $0x1BF5;
	p2 =	por !p2, p0  }
0x20: {  	[sflag:s8] =	ssyncset.s32 @!p0 $0xFFFFF086;
	s6 =	sadd.s32 @!p0 s3, s7;
	s7 =	simm.s32 @!p0 $0x108  }
0x21: {  	s3 =	sadd.s32 s3, s9;
	s6 =	sadd.s32 @!p0 $0x88, s6;
	s7 =	simm.s32 @p2 $0x1082  }
0x22: {  	[simem:s7], [sflag:s8] =	dma.local @!p0 [hbm:s6], $0xF7A  }
0x23: {  	s9 =	sor.u32 $0xD0000000, s2;
	s6 =	simm.s32 $0x108;
	_ =	swait.ge @!p0 [sflag:s8], $0x0  }
0x24: {  	s3 =	sadd.s32 $0x88, s3;
	s6 =	simm.s32 @!p1 $0x1082;
	[sflag:s4] =	ssyncset.s32 $0xFFFFF086  }
0x25: {  	[simem:s6], [sflag:s4] =	dma.local [hbm:s3], $0xF7A  }
0x26: {  	[smem:$0x3F9E] =	sst s1;
	(tag) =	ssettag s2;
	_ =	strace s9  }
0x27: {  	s1 =	sld [smem:$0x3FAE]  }
0x28: {  	s2 =	sld [smem:$0x3FAF]  }
0x29: {  	s4 =	sld [smem:$0x3FB1]  }
0x2a: {  	p0 =	seq.s32 s5, $0x0;
	s5 =	sld [smem:$0x3FB2]  }
0x2b: {  	s6 =	sld [smem:$0x3FB3]  }
0x2c: {  	s7 =	sld [smem:$0x3FB4]  }
0x2d: {  	s3 =	simm.s32 $0x108;
	s8 =	sld [smem:$0x3FB5]  }
0x2e: {  	s3 =	simm.s32 @!p0 $0x1082;
	s9 =	sld [smem:$0x3FB6]  }
0x2f: {  	lr =	sadd.s32 s0, s3;
	s0 =	sld [smem:$0x3FAD]  }
0x30: {  	s3 =	sld [smem:$0x3FB0]  }
0x31: {  	[smem:$0x3FB9] =	sst s10  }
0x32: {  	s10 =	sld [smem:$0x3FB7];
	_ =	sdelay $0x3  }
0x33: {  	p0 =	seq.s32 s10, $0x1;
	s10 =	sld [smem:$0x3FB9];
	_ =	sdelay $0x3  }
0x34: {  	[smem:$0x3FB9] =	sst s10  }
0x35: {  	s10 =	sld [smem:$0x3FB8];
	_ =	sdelay $0x3  }
0x36: {  	p1 =	seq.s32 s10, $0x1;
	s10 =	sld [smem:$0x3FB9];
	_ =	sdelay $0x3  }
0x37: {  	[smem:$0x3FB9] =	sst s10  }
0x38: {  	s10 =	sld [smem:$0x3FBA]  }
0x39: {  	_ = 	snop;
	(pc) =	sbr.ind lr, $3  }
0x3a: {  	_ = 	snop  }
0x3b: {  	_ = 	snop  }
0x3c: {  	p2 =	seq.s32 s10, $0x1;
	s10 =	sld [smem:$0x3FB9]  }
0x3d: {  	_ =	shalt  }
0x3e: {  	_ =	shalt  }
0x3f: {  	_ =	shalt  }
0x40: {  	_ =	shalt  }
0x41: {  	_ =	shalt  }
0x42: {  	_ =	shalt  }
0x43: {  	_ =	shalt  }
0x44: {  	_ =	shalt  }
0x45: {  	_ =	shalt  }
0x46: {  	_ =	shalt  }
0x47: {  	_ =	shalt  }
0x48: {  	_ =	shalt  }
0x49: {  	_ =	shalt  }
0x4a: {  	_ =	shalt  }
0x4b: {  	_ =	shalt  }
0x4c: {  	_ =	shalt  }
0x4d: {  	_ =	shalt  }
0x4e: {  	_ =	shalt  }
0x4f: {  	_ =	shalt  }
0x50: {  	_ =	shalt  }
0x51: {  	_ =	shalt  }
0x52: {  	_ =	shalt  }
0x53: {  	_ =	shalt  }
0x54: {  	_ =	shalt  }
0x55: {  	_ =	shalt  }
0x56: {  	_ =	shalt  }
0x57: {  	_ =	shalt  }
0x58: {  	_ =	shalt  }
0x59: {  	_ =	shalt  }
0x5a: {  	_ =	shalt  }
0x5b: {  	_ =	shalt  }
0x5c: {  	_ =	shalt  }
0x5d: {  	_ =	shalt  }
0x5e: {  	_ =	shalt  }
0x5f: {  	_ =	shalt  }
0x60: {  	_ =	shalt  }
0x61: {  	_ =	shalt  }
0x62: {  	_ =	shalt  }
0x63: {  	_ =	shalt  }
0x64: {  	_ =	shalt  }
0x65: {  	_ =	shalt  }
0x66: {  	_ =	shalt  }
0x67: {  	_ =	shalt  }
0x68: {  	_ =	shalt  }
0x69: {  	_ =	shalt  }
0x6a: {  	_ =	shalt  }
0x6b: {  	_ =	shalt  }
0x6c: {  	_ =	shalt  }
0x6d: {  	_ =	shalt  }
0x6e: {  	_ =	shalt  }
0x6f: {  	_ =	shalt  }
0x70: {  	_ =	shalt  }
0x71: {  	_ =	shalt  }
0x72: {  	_ =	shalt  }
0x73: {  	_ =	shalt  }
0x74: {  	_ =	shalt  }
0x75: {  	_ =	shalt  }
0x76: {  	_ =	shalt  }
0x77: {  	_ =	shalt  }
0x78: {  	_ =	shalt  }
0x79: {  	_ =	shalt  }
0x7a: {  	_ =	shalt  }
0x7b: {  	_ =	shalt  }
0x7c: {  	_ =	shalt  }
0x7d: {  	_ =	shalt  }
0x7e: {  	_ =	shalt  }
0x7f: {  	_ =	shalt  }
0x80: {  	_ =	shalt  }
0x81: {  	_ =	shalt  }
0x82: {  	_ =	shalt  }
0x83: {  	_ =	shalt  }
0x84: {  	_ =	shalt  }
0x85: {  	_ =	shalt  }
0x86: {  	_ =	shalt  }
0x87: {  	_ =	shalt  }
.Lfunc_end0:
.L_simem_size_0:
called_computation_lowered:
.L_overlay_start_0:
0x88: {  	s2 =	sld [smem:$0x3FD9]  }
0x89: {  	s3 =	sld [smem:$0x3FFE];
	_ =	sdelay $0x1  }
0x8a: {  	s1 =	srdreg.scid  }
0x8b: {  	s0 =	sand.u32 $0x1, s1  }
0x8c: {  	s14 =	sshll.u32 s0, $0xA;
	s2 =	sadd.s32 s3, s2  }
0x8d: {  	s2 =	sadd.s32 s2, s14  }
0x8e: {  	[smem:$0x3FC5] =	sst s2  }
0x8f: {  	_ = 	snop  }
0x90: {  	s2 =	sld [smem:$0x3FD0];
	_ =	sdelay $0x2  }
0x91: {  	s15 =	simm.s32 $0xA;
	s4 =	simm.s32 $0x10  }
0x92: {  	[smem:s4], [sflag:s15] =	dma.local [hbm:s2], $0x1  }
0x93: {  	_ =	swait.eq [sflag:s15], $0x1  }
0x94: {  	[sflag:s15] =	ssyncset.done $0x0  }
0x95: {  	[sflag:s15] =	ssyncadd.s32 $0xFFFFFFFF  }
0x96: {  	s16 =	sld [smem:$0x10];
	(tm) =	ssettm $0x1  }
0x97: {  	s17 =	sld [smem:$0x3FFB];
	_ =	sdelay $0x3  }
0x98: {  	_ =	strace s17  }
0x99: {  	s3 =	sld [smem:$0x3FFC];
	_ =	sdelay $0x3  }
0x9a: {  	_ =	strace s3  }
0x9b: {  	s3 =	sld [smem:$0x3FFD];
	_ =	sdelay $0x3  }
0x9c: {  	_ =	strace s3  }
0x9d: {  	_ =	strace $0x8FFFFFFF  }
0x9e: {  	s18 =	sld [smem:$0x3FDB];
	_ =	sdelay $0x1  }
0x9f: {  	s19 =	simm.s32 $_scs_section_size  }
0xa0: {  	s5 =	simm.s32 $_size__tile_overlayer_lowered;
	s6 =	simm.s32 $_tile_overlayer_lowered  }
0xa1: {  	s22 =	simm.s32 $0x1BFF;
	s21 =	sshll.u32 s6, $0x1;
	s3 =	sadd.s32 s19, s18  }
0xa2: {  	s7 =	simm.s32 $0x0;
	s20 =	sshll.u32 s5, $0x1;
	s5 =	sadd.s32 s21, s3  }
0xa3: {  	[timem:s7], [sflag:s22] =	dma.local [hbm:s5], s20  }
0xa4: {  	_ =	swait.ge [sflag:s22], s20  }
0xa5: {  	s4 =	ssub.s32 $0x0, s20;
	[sflag:s22] =	ssyncset.done $0x0  }
0xa6: {  	[sflag:s22] =	ssyncadd.s32 s4;
	_ =	sdelay $0x1  }
0xa7: {  	s23 =	simm.s32 $0x1B8B  }
0xa8: {  	_ =	swait.ge [sflag:s23], $0x1  }
0xa9: {  	[sflag:s23] =	ssyncset.done $0x0  }
0xaa: {  	s25 =	simm.s32 $0x1B8E;
	s24 =	sld [smem:$0x3FFE];
	[sflag:s23] =	ssyncadd.s32 $0xFFFFFFFF  }
0xab: {  	s26 =	simm.s32 $execute0_lowered;
	[smem:$0x3FD2] =	sst s25  }
0xac: {  	s5 =	sshll.u32 s26, $0x1;
	_ =	strace $0x80000046;
	[dreg:$0x1] =	wrdreg $0xFFFFFFFF  }
0xad: {  	s28 =	simm.s32 $_size_execute0_lowered;
	s3 =	sadd.s32 s3, s5;
	[dreg:$0x0] =	wrdreg $0x0  }
0xae: {  	s5 =	sshll.u32 s28, $0x1;
	[dreg:$0x2] =	wrdreg s3  }
0xaf: {  	[dreg:$0x3] =	wrdreg s5  }
0xb0: {  	[dreg:$0x4] =	wrdreg $0xC0  }
0xb1: {  	_ =	task [dreg:s7], $0x5FFFF  }
0xb2: {  	[dreg:$0x1] =	wrdreg $0xFFFFFFFF  }
0xb3: {  	[dreg:$0x0] =	wrdreg $0x60  }
0xb4: {  	[dreg:$0x2] =	wrdreg s24  }
0xb5: {  	[dreg:$0x3] =	wrdreg s16  }
0xb6: {  	[dreg:$0x4] =	wrdreg $0x9  }
0xb7: {  	_ =	task.clear_ibuf [dreg:s7], $0x5FFFF;
	_ =	strace $0x90000046  }
0xb8: {  	s29 =	simm.s32 $0x9;
	_ =	strace $0x80000048  }
0xb9: {  	_ =	swait.ge [sflag:s29], $0x1  }
0xba: {  	[sflag:s29] =	ssyncadd.s32 $0xFFFFFFFF  }
0xbb: {  	_ =	strace $0x90000048  }
0xbc: {  	_ =	sfence  }
0xbd: {  	s30 =	sld [smem:$0x0];
	_ =	sdelay $0x2  }
0xbe: {  	s31 =	sshll.u32 s1, $0xD;
	s1 =	sshrl.u32 s1, $0x2  }
0xbf: {  	s3 =	sand.u32 $0x4000, s31;
	s1 =	sadd.s32 s1, s30  }
0xc0: {  	s0 =	sor.u32 s3, s0;
	s1 =	sshll.u32 s1, $0x11  }
0xc1: {  	s0 =	sor.u32 s1, s0  }
0xc2: {  	s0 =	sadd.s32 $0x8F2B, s0  }
0xc3: {  	[sflag:s0] =	ssyncadd.remote.s32 $0x1  }
0xc4: {  	_ =	sfence.sel $0xFFFF  }
0xc5: {  	[dreg:$0x0] =	wrdreg $0xFFFFFFFF;
	(pc) =	sbr.abs _section_cstart, $3  }
0xc6: {  	[dreg:$0x1] =	wrdreg $0xFFFFFFFF  }
0xc7: {  	_ =	task.clear_ibuf [dreg:s7], $0x2FFFF;
	_ =	strace $0x9FFFFFFF  }
0xc8: {  	(tm) =	ssettm $0x7FFFFFFF  }
0xc9: {  	_ =	shalt  }
tec
execute0_lowered:
.L_overlay_start_1:
0x0: {  	(tag) =	ssettag $0x1  }
0x1: {  	s0 =	rddreg [dreg:$0x0]  }
0x2: {  	s1 =	srdreg.scid;
	s23 =	rddreg [dreg:$0x1];
	s3 =	simm.s32 $0x0  }
0x3: {  	s2 =	stileid.u32;
	[smem:$0x7FF] =	sst s3;
	s8 =	sadd.s32 $0x24600, s0  }
0x4: {  	s16 =	sadd.s32 $0x21000, s0;
	_ =	strace $0x80000047;
	[dreg:$0x4] =	wrdreg s8  }
0x5: {  	s1 =	sand.u32 $0x1, s1;
	s15 =	sadd.s32 $0x21200, s0;
	[dreg:$0x5] =	wrdreg s16  }
0x6: {  	s4 =	sshll.u32 s2, $0x1;
	s22 =	sadd.s32 $0x21280, s0;
	[dreg:$0x3] =	wrdreg s15  }
0x7: {  	s29 =	sadd.s32 $0x21300, s0;
	s4 =	sor.u32 s1, s4;
	[dreg:$0xa] =	wrdreg s22  }
0x8: {  	s1 =	ssub.s32 $0x2, s1;
	[dreg:$0x10] =	wrdreg s29;
	s5 =	smul.u32 $0xC8, s4  }
0x9: {  	s7 =	sshll.u32 s4, $0xC;
	s17 =	sshll.u32 s4, $0x1;
	s20 =	sshll.u32 s4, $0xF  }
0xa: {  	s9 =	sshrl.u32 s1, $0x1;
	s25 =	sshllo.u32 s4, $0x2;
	[dreg:$0x8] =	wrdreg s20  }
0xb: {  	s18 =	sshll.u32 s4, $0x2;
	s28 =	sshll.u32 s25, $0xD;
	[dreg:$0xd] =	wrdreg s25  }
0xc: {  	p1 =	seq.s32 s4, $0x1F;
	s24 =	sor.u32 $0x2, s18;
	[dreg:$0xf] =	wrdreg s28  }
0xd: {  	s7 =	sadd.s32 s7, s0;
	s2 =	sadd.s32 s15, s5;
	[dreg:$0xb] =	wrdreg s24  }
0xe: {  	s8 =	sadd.s32 s17, s0;
	s21 =	sadd.s32 $0x1000, s7;
	[dreg:$0x6] =	wrdreg s2  }
0xf: {  	s1 =	ssub.s32 s1, s9;
	s26 =	sshll.u32 s24, $0xD;
	[dreg:$0x9] =	wrdreg s21  }
0x10: {  	s6 =	sadd.s32 s5, s0;
	s0 =	sadd.s32 $0x21380, s0;
	[dreg:$0xe] =	wrdreg s26  }
0x11: {  	p2 =	slt.u32 s24, $0x7D;
	s30 =	sadd.s32 $0x43A00, s8;
	[dreg:$0x11] =	wrdreg s0  }
0x12: {  	s31 =	smax.u32 s1, $0x1;
	p0 =	sgt.u32 s24, $0x7C;
	[dreg:$0x12] =	wrdreg s30  }
0x13: {  	s19 =	sadd.s32 $0x22C00, s6;
	[dreg:$0x13] =	wrdreg s31;
	s0 =	simm.s32 @!p0 $0x0  }
0x14: {  	[dreg:$0x7] =	wrdreg s19;
	s0 =	simm.s32 @p0 $0x1;
	p0 =	sgt.u32 s25, $0x7C  }
0x15: {  	s2 =	sor.u32 $0x2000, s20;
	[smem:$0x7FC] =	sst s0;
	s0 =	simm.s32 @!p0 $0x0  }
0x16: {  	s1 =	simm.s32 $0x0;
	[dreg:$0xc] =	wrdreg s2;
	s0 =	simm.s32 @p0 $0x1  }
0x17: {  	s21 =	simm.s32 $0xD500;
	s6 =	simm.s32 $0x6;
	[smem:$0x7FD] =	sst s0  }
.LBB2_1:
0x18: {  	[dreg:$0x14] =	wrdreg s1  }
0x19: {  	s0 =	rddreg [dreg:$0x5]  }
0x1a: {  	[tilespmem:s21], [sflag:$0x6] =	stream.linear.gather [hbm4b:s0+s3], $0x400, $0x38;
	[tilespmem:$0xE680] =	vst v63  }
0x1b: {  	_ =	swait.ge [sflag:s6], $0x400  }
0x1c: {  	[sflag:s6] =	ssyncset.done $0x0  }
0x1d: {  	s29 =	simm.s32 $0xC800;
	s28 =	rddreg [dreg:$0x6];
	[sflag:s6] =	ssyncadd.s32 $0xFFFFFC00  }
0x1e: {  	[tilespmem:s29], [sflag:$0x6] =	stream.linear.gather [hbm4b:s28+s3], $0x640, $0x38;
	[tilespmem:$0xE680] =	vst v63  }
0x1f: {  	_ =	swait.ge [sflag:s6], $0x640  }
0x20: {  	[sflag:s6] =	ssyncset.done $0x0  }
0x21: {  	s31 =	simm.s32 $0xCE80;
	s30 =	rddreg [dreg:$0x7];
	[sflag:s6] =	ssyncadd.s32 $0xFFFFF9C0  }
0x22: {  	[tilespmem:s31], [sflag:$0x6] =	stream.linear.gather [hbm4b:s30+s3], $0x640, $0x38;
	[tilespmem:$0xE680] =	vst v63  }
0x23: {  	_ =	swait.ge [sflag:s6], $0x640  }
0x24: {  	[sflag:s6] =	ssyncset.done $0x0  }
0x25: {  	s0 =	simm.s32 $0x0;
	[sflag:s6] =	ssyncadd.s32 $0xFFFFF9C0  }
0x26: {  	v0 =	vld [tilespmem:s0+$0xC800]  }
0x27: {  	s1 =	simm.s32 $0x40;
	v1 =	vld [tilespmem:s0+$0xCE80]  }
.LBB2_2:
0x28: {  	p0 =	sne.s32 s1, $0x18C0  }
.Ltmp0:
0x29: {  	_ = 	snop;
	(pc) =	sbr.rel @p0 .LBB2_2-.Ltmp0, $4  }
0x2a: {  	_ = 	snop  }
0x2b: {  	s4 =	sshra.s32 s1, $0x2;
	s1 =	sadd.s32 $0x40, s1;
	v2 =	vshll.u32 v0, $0xA  }
0x2c: {  	v0 =	vld [tilespmem:s4+$0xC800];
	v2 =	vadd.s32 v1, v2  }
0x2d: {  	v1 =	vld [tilespmem:s4+$0xCE80];
	[tilespmem:s0+$0xD900] =	vst v2;
	s0 =	smov.u32 s4  }
0x2e: {  	_ =	sdelay $0x2  }
0x2f: {  	v0 =	vshll.u32 v0, $0xA  }
0x30: {  	s24 =	rddreg [dreg:$0x4];
	v0 =	vadd.s32 v1, v0  }
0x31: {  	s1 =	simm.s32 $0x640;
	s2 =	simm.s32 $0xD900;
	s4 =	simm.s32 $0xDF80;
	[tilespmem:s0+$0xD900] =	vst v0  }
0x32: {  	[tilespmem:s4], [sflag:$0x5] =	stream.indirect.gather [hbm4b:s24+s1], $0x1, s2, s1, $0xb8;
	[tilespmem:$0xE680] =	vst v63  }
0x33: {  	s25 =	simm.s32 $0x0;
	s26 =	rddreg [dreg:$0x9]  }
0x34: {  	[tilespmem:s25], [sflag:$0x6] =	stream.linear.gather [hbm4b:s26+s25], $0x8000, $0x38;
	[tilespmem:$0xE680] =	vst v63  }
0x35: {  	_ =	swait.ge [sflag:s6], $0x8000  }
0x36: {  	[sflag:s6] =	ssyncset.done $0x0  }
0x37: {  	s29 =	simm.s32 $0xC000;
	s28 =	rddreg [dreg:$0x3];
	[sflag:s6] =	ssyncadd.s32 $0xFFFF8000  }
0x38: {  	[tilespmem:s29], [sflag:$0x1] =	stream.linear.gather [hbm4b:s28+s25], $0x400, $0x38;
	[tilespmem:$0xE680] =	vst v63  }
0x39: {  	s31 =	simm.s32 $0xC400;
	s5 =	simm.s32 $0x0;
	s30 =	rddreg [dreg:$0xa]  }
0x3a: {  	[tilespmem:s31], [sflag:$0x2] =	stream.linear.gather [hbm4b:s30+s25], $0x400, $0x38;
	[tilespmem:$0xE680] =	vst v63  }
.LBB2_4:
0x3b: {  	s0 =	simm.s32 $0x1  }
0x3c: {  	_ =	swait.ge [sflag:s0], $0x400  }
0x3d: {  	p0 =	seq.s32 s5, $0x0;
	[sflag:s0] =	ssyncset.done $0x0  }
0x3e: {  	s2 =	simm.s32 $0x0;
	[sflag:s0] =	ssyncadd.s32 $0xFFFFFC00;
	s0 =	simm.s32 @!p0 $0x3  }
0x3f: {  	s1 =	sand.u32 $0x40, s2;
	s4 =	sand.u32 $0x380, s2;
	_ =	swait.ge @!p0 [sflag:s0], $0x2000  }
0x40: {  	s4 =	sor.u32 $0xC000, s4;
	s6 =	sor.u32 $0x30, s1;
	[sflag:s0] =	ssyncset.done @!p0 $0x0  }
0x41: {  	s17 =	sor.u32 s6, s4;
	[sflag:s0] =	ssyncadd.s32 @!p0 $0xFFFFE000  }
0x42: {  	s7 =	simm.s32 $0xC000;
	v0 =	vld [tilespmem:s17+$0x0]  }
0x43: {  	s18 =	sor.u32 $0x10, s1;
	v1 =	vld [tilespmem:s7+$0x0]  }
0x44: {  	s8 =	sor.u32 $0x20, s1;
	s19 =	sor.u32 s18, s4  }
0x45: {  	s4 =	sor.u32 s8, s4;
	v2 =	vld [tilespmem:s19+$0x0]  }
0x46: {  	v3 =	vld [tilespmem:s4+$0x0]  }
0x47: {  	v4 =	vshll.u32 v0, $0x3  }
0x48: {  	v5 =	vshll.u32 v1, $0x3;
	v0 =	vand.u32 $0x7F, v0;
	v4 =	vand.u32 $0xFFFFFC00, v4  }
0x49: {  	v1 =	vand.u32 $0x7F, v1;
	v6 =	vand.u32 $0xFFFFFC00, v5;
	v5 =	vor.u32 v0, v4  }
0x4a: {  	v0 =	vor.u32 v1, v6;
	v1 =	vshll.u32 v2, $0x3  }
0x4b: {  	v4 =	vshll.u32 v3, $0x3;
	v2 =	vand.u32 $0x7F, v2;
	v1 =	vand.u32 $0xFFFFFC00, v1  }
0x4c: {  	v6 =	vand.u32 $0xFFFFFC00, v4;
	v4 =	vor.u32 v2, v1;
	v1 =	vand.u32 $0x7F, v3  }
0x4d: {  	v3 =	vor.u32 v1, v6  }
0x4e: {  	v1 =	vld.idx.msk [tilespmem:v5+s3+$0x0], $0xffff  }
0x4f: {  	v6 =	vor.u32 $0x80, v5;
	v2 =	vld.idx.msk [tilespmem:v0+s3+$0x0], $0xffff  }
0x50: {  	s20 =	sand.u32 $0x1C00, s2;
	v7 =	vor.u32 $0x80, v0  }
0x51: {  	s22 =	sor.u32 $0x8000, s20;
	v8 =	vld.idx.msk [tilespmem:v4+s3+$0x0], $0xffff  }
0x52: {  	s11 =	sor.u32 s6, s22;
	v9 =	vor.u32 $0x80, v4;
	v10 =	vld.idx.msk [tilespmem:v3+s3+$0x0], $0xffff  }
0x53: {  	s0 =	sor.u32 s1, s22;
	v11 =	vor.u32 $0x80, v3;
	[tilespmem:s11+$0x0] =	vst v1  }
0x54: {  	[tilespmem:s0+$0x0] =	vst v2;
	v1 =	vld.idx.msk [tilespmem:v6+s3+$0x0], $0xffff  }
0x55: {  	s24 =	sor.u32 s18, s22;
	v2 =	vld.idx.msk [tilespmem:v7+s3+$0x0], $0xffff;
	v6 =	vor.u32 $0x100, v5  }
0x56: {  	s8 =	sor.u32 s8, s22;
	v7 =	vor.u32 $0x100, v0;
	[tilespmem:s24+$0x0] =	vst v8  }
0x57: {  	v8 =	vld.idx.msk [tilespmem:v9+s3+$0x0], $0xffff;
	[tilespmem:s8+$0x0] =	vst v10  }
0x58: {  	v9 =	vor.u32 $0x100, v4;
	v10 =	vld.idx.msk [tilespmem:v11+s3+$0x0], $0xffff  }
0x59: {  	v11 =	vor.u32 $0x100, v3;
	[tilespmem:s11+$0x80] =	vst v1  }
0x5a: {  	[tilespmem:s0+$0x80] =	vst v2;
	v1 =	vld.idx.msk [tilespmem:v6+s3+$0x0], $0xffff  }
0x5b: {  	v2 =	vld.idx.msk [tilespmem:v7+s3+$0x0], $0xffff;
	v6 =	vor.u32 $0x180, v5  }
0x5c: {  	v7 =	vor.u32 $0x180, v0;
	[tilespmem:s24+$0x80] =	vst v8  }
0x5d: {  	v8 =	vld.idx.msk [tilespmem:v9+s3+$0x0], $0xffff;
	[tilespmem:s8+$0x80] =	vst v10  }
0x5e: {  	s25 =	simm.s32 $0xC040;
	s6 =	simm.s32 $0x40;
	v9 =	vor.u32 $0x180, v4;
	v10 =	vld.idx.msk [tilespmem:v11+s3+$0x0], $0xffff  }
0x5f: {  	s26 =	sand.u32 $0x40, s6;
	s28 =	sand.u32 $0x380, s6;
	v11 =	vld [tilespmem:s25+$0x0];
	[tilespmem:s11+$0x100] =	vst v1  }
0x60: {  	s12 =	sor.u32 $0xC000, s28;
	s10 =	sor.u32 $0x30, s26;
	[tilespmem:s0+$0x100] =	vst v2;
	v1 =	vld.idx.msk [tilespmem:v6+s3+$0x0], $0xffff  }
0x61: {  	s9 =	sor.u32 s10, s12;
	v2 =	vor.u32 $0x180, v3;
	v6 =	vld.idx.msk [tilespmem:v7+s3+$0x0], $0xffff  }
0x62: {  	s29 =	sor.u32 $0x10, s26;
	v7 =	vor.u32 $0x200, v5;
	[tilespmem:s24+$0x100] =	vst v8;
	v8 =	vld [tilespmem:s9+$0x0]  }
0x63: {  	s30 =	sor.u32 $0x20, s26;
	s13 =	sor.u32 s29, s12;
	v9 =	vld.idx.msk [tilespmem:v9+s3+$0x0], $0xffff  }
0x64: {  	s12 =	sor.u32 s30, s12;
	v13 =	vld [tilespmem:s13+$0x0];
	v12 =	vor.u32 $0x200, v4;
	v14 =	vshll.u32 v11, $0x3  }
0x65: {  	v15 =	vld [tilespmem:s12+$0x0];
	[tilespmem:s8+$0x100] =	vst v10;
	v10 =	vor.u32 $0x200, v0;
	v11 =	vand.u32 $0x7F, v11;
	v14 =	vand.u32 $0xFFFFFC00, v14  }
0x66: {  	p4 =	por $0x0, $0x0;
	v16 =	vld.idx.msk [tilespmem:v2+s3+$0x0], $0xffff;
	[tilespmem:s11+$0x180] =	vst v1;
	v1 =	vor.u32 v11, v14;
	s11 =	simm.s32 $0x1  }
0x67: {  	v11 =	vor.u32 $0x200, v3;
	v7 =	vld.idx.msk [tilespmem:v7+s3+$0x0], $0xffff;
	v2 =	vshll.u32 v8, $0x3;
	s11 =	simm.s32 @!p4 $0x0  }
0x68: {  	v8 =	vand.u32 $0x7F, v8;
	[tilespmem:s24+$0x180] =	vst v9;
	v2 =	vand.u32 $0xFFFFFC00, v2;
	s31 =	sshll.u32 s11, $0x6;
	v9 =	vor.u32 $0x280, v5  }
0x69: {  	v14 =	vor.u32 $0x280, v4;
	[tilespmem:s0+$0x180] =	vst v6;
	v6 =	vld.idx.msk [tilespmem:v12+s3+$0x0], $0xffff;
	v12 =	vshll.u32 v13, $0x3;
	v2 =	vor.u32 v8, v2;
	s1 =	sadd.s32 $0x0, s31  }
0x6a: {  	v8 =	vld.idx.msk [tilespmem:v10+s3+$0x0], $0xffff;
	v10 =	vshll.u32 v15, $0x3;
	v13 =	vand.u32 $0x7F, v13;
	v12 =	vand.u32 $0xFFFFFC00, v12;
	s0 =	sadd.s32 $0x30, s1  }
0x6b: {  	v10 =	vand.u32 $0xFFFFFC00, v10;
	[tilespmem:s8+$0x180] =	vst v16;
	v17 =	vld.idx.msk [tilespmem:v1+s3+$0x0], $0xffff;
	v21 =	vor.u32 v13, v12;
	v12 =	vand.u32 $0x7F, v15;
	s8 =	sor.u32 $0x200, s0  }
0x6c: {  	s12 =	sadd.s32 $0x10, s1;
	v11 =	vld.idx.msk [tilespmem:v11+s3+$0x0], $0xffff;
	v10 =	vor.u32 v12, v10;
	[tilespmem:s8+$0x8000] =	vst v7  }
0x6d: {  	s16 =	sor.u32 $0x200, s12;
	v7 =	vor.u32 $0x280, v0;
	v9 =	vld.idx.msk [tilespmem:v9+s3+$0x0], $0xffff  }
0x6e: {  	s11 =	simm.s32 $0x200;
	s19 =	sor.u32 $0x200, s1;
	v12 =	vor.u32 $0x280, v3;
	v13 =	vld.idx.msk [tilespmem:v2+s3+$0x0], $0xffff;
	[tilespmem:s16+$0x8000] =	vst v6  }
0x6f: {  	s20 =	sand.u32 $0x1C00, s11;
	s17 =	sadd.s32 $0x20, s1;
	[tilespmem:s19+$0x8000] =	vst v8;
	v8 =	vor.u32 $0x80, v1;
	v6 =	vld.idx.msk [tilespmem:v14+s3+$0x0], $0xffff  }
0x70: {  	s13 =	sor.u32 $0x8000, s20;
	s14 =	sor.u32 $0x200, s17;
	v14 =	vor.u32 $0x300, v5;
	v15 =	vld.idx.msk [tilespmem:v21+s3+$0x0], $0xffff  }
0x71: {  	v16 =	vor.u32 $0x80, v2;
	s19 =	sor.u32 s26, s13;
	[tilespmem:s14+$0x8000] =	vst v11;
	v18 =	vld.idx.msk [tilespmem:v10+s3+$0x0], $0xffff  }
0x72: {  	s22 =	sor.u32 $0x280, s0;
	v19 =	vor.u32 $0x80, v21;
	[tilespmem:s19+$0x0] =	vst v17;
	v22 =	vld.idx.msk [tilespmem:v7+s3+$0x0], $0xffff  }
0x73: {  	s18 =	sor.u32 s10, s13;
	v7 =	vor.u32 $0x80, v10;
	v11 =	vld.idx.msk [tilespmem:v12+s3+$0x0], $0xffff;
	[tilespmem:s22+$0x8000] =	vst v9  }
0x74: {  	s24 =	sor.u32 $0x280, s12;
	v9 =	vor.u32 $0x300, v4;
	[tilespmem:s18+$0x0] =	vst v13;
	v8 =	vld.idx.msk [tilespmem:v8+s3+$0x0], $0xffff  }
0x75: {  	s22 =	sor.u32 s29, s13;
	v13 =	vor.u32 $0x300, v3;
	v12 =	vld.idx.msk [tilespmem:v14+s3+$0x0], $0xffff;
	[tilespmem:s24+$0x8000] =	vst v6  }
0x76: {  	s7 =	sor.u32 s30, s13;
	v5 =	vor.u32 $0x380, v5;
	v16 =	vld.idx.msk [tilespmem:v16+s3+$0x0], $0xffff;
	[tilespmem:s22+$0x0] =	vst v15  }
0x77: {  	s25 =	sor.u32 $0x280, s17;
	v17 =	vor.u32 $0x100, v2;
	v15 =	vld.idx.msk [tilespmem:v19+s3+$0x0], $0xffff;
	[tilespmem:s7+$0x0] =	vst v18  }
0x78: {  	s29 =	sor.u32 $0x280, s1;
	v19 =	vor.u32 $0x100, v1;
	[tilespmem:s25+$0x8000] =	vst v11;
	v7 =	vld.idx.msk [tilespmem:v7+s3+$0x0], $0xffff  }
0x79: {  	s26 =	sor.u32 $0x300, s0;
	v6 =	vor.u32 $0x100, v21;
	[tilespmem:s29+$0x8000] =	vst v22;
	v23 =	vld.idx.msk [tilespmem:v9+s3+$0x0], $0xffff  }
0x7a: {  	v20 =	vor.u32 $0x100, v10;
	v14 =	vld.idx.msk [tilespmem:v13+s3+$0x0], $0xffff;
	[tilespmem:s26+$0x8000] =	vst v12  }
0x7b: {  	[tilespmem:s18+$0x80] =	vst v16;
	v16 =	vor.u32 $0x300, v0;
	v24 =	vld.idx.msk [tilespmem:v5+s3+$0x0], $0xffff  }
0x7c: {  	v25 =	vor.u32 $0x380, v4;
	[tilespmem:s19+$0x80] =	vst v8;
	v18 =	vld.idx.msk [tilespmem:v17+s3+$0x0], $0xffff  }
0x7d: {  	v4 =	vor.u32 $0x380, v21;
	v17 =	vld.idx.msk [tilespmem:v19+s3+$0x0], $0xffff;
	[tilespmem:s22+$0x80] =	vst v15  }
0x7e: {  	s28 =	sor.u32 s2, s2;
	s4 =	simm.s32 $0x4;
	s31 =	sor.u32 s11, s6;
	v11 =	vor.u32 $0x200, v21;
	v22 =	vor.u32 $0x180, v2;
	v13 =	vor.u32 $0x180, v21;
	v19 =	vld.idx.msk [tilespmem:v6+s3+$0x0], $0xffff;
	[tilespmem:s7+$0x80] =	vst v7  }
0x7f: {  	s15 =	sor.u32 $0x300, s1;
	s10 =	sor.u32 $0x380, s28;
	s30 =	sor.u32 $0x300, s12;
	v8 =	vor.u32 $0x280, v21;
	v6 =	vor.u32 $0x300, v21;
	v21 =	vor.u32 $0x180, v1;
	v20 =	vld.idx.msk [tilespmem:v20+s3+$0x0], $0xffff  }
0x80: {  	s20 =	sor.u32 $0x300, s17;
	s8 =	simm.s32 $0xC080;
	s0 =	sor.u32 $0x380, s0;
	v3 =	vor.u32 $0x380, v3;
	v9 =	vor.u32 $0x200, v10;
	v12 =	vor.u32 $0x180, v10;
	[tilespmem:s30+$0x8000] =	vst v23;
	v15 =	vld.idx.msk [tilespmem:v16+s3+$0x0], $0xffff  }
0x81: {  	s16 =	sor.u32 $0x380, s12;
	s12 =	sor.u32 $0x380, s31;
	s14 =	sor.u32 $0x380, s17;
	v5 =	vor.u32 $0x300, v10;
	v7 =	vor.u32 $0x280, v10;
	v10 =	vor.u32 $0x380, v10;
	v16 =	vld.idx.msk [tilespmem:v25+s3+$0x0], $0xffff;
	[tilespmem:s0+$0x8000] =	vst v24  }
.LBB2_5:
0x82: {  	v23 =	vld [tilespmem:s8+$0x0];
	[tilespmem:s18+$0x100] =	vst v18;
	s6 =	sadd.s32 $0x40, s6  }
0x83: {  	s4 =	sadd.s32 $0x4, s4;
	s0 =	sand.u32 $0x40, s6;
	s1 =	sand.u32 $0x380, s6;
	[tilespmem:s19+$0x100] =	vst v17;
	v17 =	vld.idx.msk [tilespmem:v22+s3+$0x0], $0xffff  }
0x84: {  	p5 =	slt.u32 s4, $0x3C;
	s9 =	sor.u32 $0xC000, s1;
	s1 =	sor.u32 $0x30, s0;
	v18 =	vld.idx.msk [tilespmem:v21+s3+$0x0], $0xffff;
	[tilespmem:s22+$0x100] =	vst v19  }
0x85: {  	s17 =	sor.u32 $0x10, s0;
	s13 =	sor.u32 $0x20, s0;
	v19 =	vor.u32 $0x200, v2;
	s24 =	sor.u32 s1, s9;
	v13 =	vld.idx.msk [tilespmem:v13+s3+$0x0], $0xffff;
	[tilespmem:s7+$0x100] =	vst v20  }
0x86: {  	v21 =	vor.u32 $0x200, v1;
	s25 =	sor.u32 s17, s9;
	s9 =	sor.u32 s13, s9;
	v20 =	vld [tilespmem:s24+$0x0];
	[tilespmem:s20+$0x8000] =	vst v14  }
0x87: {  	v14 =	vld [tilespmem:s25+$0x0];
	[tilespmem:s15+$0x8000] =	vst v15  }
0x88: {  	v15 =	vshll.u32 v23, $0x3;
	v22 =	vld [tilespmem:s9+$0x0];
	[tilespmem:s16+$0x8000] =	vst v16  }
0x89: {  	v16 =	vand.u32 $0x7F, v23;
	v15 =	vand.u32 $0xFFFFFC00, v15;
	v12 =	vld.idx.msk [tilespmem:v12+s3+$0x0], $0xffff;
	[tilespmem:s18+$0x180] =	vst v17;
	v17 =	vor.u32 $0x380, v0;
	v0 =	vmovc v1  }
0x8a: {  	p4 =	por !p4, !p4;
	s9 =	simm.s32 $0x1;
	v1 =	vor.u32 v16, v15;
	[tilespmem:s19+$0x180] =	vst v18;
	v15 =	vld.idx.msk [tilespmem:v19+s3+$0x0], $0xffff  }
0x8b: {  	s9 =	simm.s32 @!p4 $0x0;
	v16 =	vshll.u32 v20, $0x3;
	v18 =	vld.idx.msk [tilespmem:v21+s3+$0x0], $0xffff;
	[tilespmem:s22+$0x180] =	vst v13  }
0x8c: {  	s9 =	sshll.u32 s9, $0x6;
	v13 =	vand.u32 $0x7F, v20;
	v16 =	vand.u32 $0xFFFFFC00, v16;
	v19 =	vld.idx.msk [tilespmem:v11+s3+$0x0], $0xffff;
	v11 =	vor.u32 $0x280, v2  }
0x8d: {  	s15 =	sadd.s32 s9, s11;
	v20 =	vshll.u32 v14, $0x3;
	v21 =	vshll.u32 v22, $0x3;
	v16 =	vor.u32 v13, v16;
	v23 =	vld.idx.msk [tilespmem:v3+s3+$0x0], $0xffff;
	v3 =	vmovc v10  }
0x8e: {  	s16 =	sadd.s32 $0x10, s15;
	s18 =	sadd.s32 $0x20, s15;
	s25 =	sadd.s32 $0x30, s15;
	v10 =	vand.u32 $0x7F, v14;
	v13 =	vand.u32 $0xFFFFFC00, v20;
	v14 =	vand.u32 $0xFFFFFC00, v21;
	v17 =	vld.idx.msk [tilespmem:v17+s3+$0x0], $0xffff  }
0x8f: {  	s19 =	sor.u32 $0x200, s16;
	s9 =	sor.u32 $0x200, s25;
	v10 =	vor.u32 v10, v13;
	v13 =	vand.u32 $0x7F, v22;
	v21 =	vor.u32 $0x280, v0;
	v20 =	vld.idx.msk [tilespmem:v1+s3+$0x0], $0xffff;
	[tilespmem:s7+$0x180] =	vst v12;
	s7 =	sor.u32 $0x200, s18  }
0x90: {  	s20 =	sor.u32 $0x200, s15;
	s28 =	sor.u32 $0x280, s16;
	s26 =	sor.u32 $0x280, s18;
	v22 =	vor.u32 $0x80, v10;
	v24 =	vor.u32 $0x100, v10;
	v14 =	vor.u32 v13, v14;
	v25 =	vld.idx.msk [tilespmem:v9+s3+$0x0], $0xffff;
	[tilespmem:s9+$0x8000] =	vst v15  }
0x91: {  	s24 =	sor.u32 $0x280, s15;
	v13 =	vor.u32 $0x180, v10;
	v15 =	vor.u32 $0x80, v14;
	v26 =	vor.u32 $0x100, v14;
	s9 =	sor.u32 $0x300, s16;
	[tilespmem:s20+$0x8000] =	vst v18;
	s20 =	sor.u32 $0x300, s18;
	v18 =	vld.idx.msk [tilespmem:v11+s3+$0x0], $0xffff  }
0x92: {  	s15 =	sor.u32 $0x300, s15;
	v12 =	vor.u32 $0x180, v14;
	v9 =	vor.u32 $0x200, v14;
	s16 =	sor.u32 $0x380, s16;
	v11 =	vor.u32 $0x200, v10;
	s18 =	sor.u32 $0x380, s18;
	v27 =	vld.idx.msk [tilespmem:v16+s3+$0x0], $0xffff;
	[tilespmem:s19+$0x8000] =	vst v19  }
0x93: {  	v29 =	vor.u32 $0x300, v2;
	v19 =	vor.u32 $0x280, v14;
	v28 =	vld.idx.msk [tilespmem:v8+s3+$0x0], $0xffff;
	v8 =	vor.u32 $0x280, v10;
	[tilespmem:s14+$0x8000] =	vst v23;
	s14 =	smov.u32 s18  }
0x94: {  	s11 =	sadd.s32 $0x200, s11;
	v32 =	vor.u32 $0x80, v16;
	v30 =	vor.u32 $0x300, v10;
	v31 =	vor.u32 $0x300, v14;
	v23 =	vld.idx.msk [tilespmem:v10+s3+$0x0], $0xffff;
	[tilespmem:s10+$0x8000] =	vst v17;
	s10 =	smov.u32 s12  }
0x95: {  	v33 =	vor.u32 $0x380, v10;
	s18 =	sor.u32 s11, s6;
	s12 =	sand.u32 $0x1C00, s11;
	v17 =	vor.u32 $0x80, v1;
	v10 =	vor.u32 $0x380, v14;
	v34 =	vld.idx.msk [tilespmem:v14+s3+$0x0], $0xffff  }
0x96: {  	s29 =	sor.u32 $0x8000, s12;
	s12 =	sor.u32 $0x380, s18;
	v35 =	vld.idx.msk [tilespmem:v21+s3+$0x0], $0xffff;
	[tilespmem:s7+$0x8000] =	vst v25;
	s7 =	sor.u32 $0x280, s25  }
0x97: {  	s19 =	sor.u32 s0, s29;
	s22 =	sor.u32 s17, s29;
	s18 =	sor.u32 s1, s29;
	v14 =	vld.idx.msk [tilespmem:v7+s3+$0x0], $0xffff;
	[tilespmem:s7+$0x8000] =	vst v18;
	v7 =	vmov v19  }
0x98: {  	s7 =	sor.u32 s13, s29;
	[tilespmem:s18+$0x0] =	vst v27;
	v18 =	vld.idx.msk [tilespmem:v29+s3+$0x0], $0xffff  }
0x99: {  	[tilespmem:s19+$0x0] =	vst v20;
	v19 =	vld.idx.msk [tilespmem:v32+s3+$0x0], $0xffff  }
0x9a: {  	v20 =	vor.u32 $0x380, v2;
	v2 =	vmov v16;
	v17 =	vld.idx.msk [tilespmem:v17+s3+$0x0], $0xffff;
	[tilespmem:s22+$0x0] =	vst v23  }
0x9b: {  	v21 =	vor.u32 $0x100, v2;
	v16 =	vld.idx.msk [tilespmem:v22+s3+$0x0], $0xffff;
	[tilespmem:s7+$0x0] =	vst v34  }
0x9c: {  	v22 =	vor.u32 $0x100, v1;
	v15 =	vld.idx.msk [tilespmem:v15+s3+$0x0], $0xffff;
	[tilespmem:s28+$0x8000] =	vst v28  }
0x9d: {  	s0 =	sor.u32 $0x300, s25;
	v23 =	vld.idx.msk [tilespmem:v6+s3+$0x0], $0xffff;
	[tilespmem:s26+$0x8000] =	vst v14;
	v6 =	vmov v30  }
0x9e: {  	v14 =	vld.idx.msk [tilespmem:v5+s3+$0x0], $0xffff;
	[tilespmem:s0+$0x8000] =	vst v18;
	v5 =	vmov v31  }
0x9f: {  	v25 =	vor.u32 $0x300, v0;
	[tilespmem:s18+$0x80] =	vst v19;
	v27 =	vld.idx.msk [tilespmem:v20+s3+$0x0], $0xffff  }
0xa0: {  	[tilespmem:s19+$0x80] =	vst v17;
	v18 =	vld.idx.msk [tilespmem:v21+s3+$0x0], $0xffff  }
.Ltmp1:
0xa1: {  	v17 =	vld.idx.msk [tilespmem:v22+s3+$0x0], $0xffff;
	[tilespmem:s22+$0x80] =	vst v16;
	(pc) =	sbr.rel @p5 .LBB2_5-.Ltmp1, $4  }
0xa2: {  	v22 =	vor.u32 $0x180, v2;
	v19 =	vld.idx.msk [tilespmem:v24+s3+$0x0], $0xffff;
	[tilespmem:s7+$0x80] =	vst v15  }
0xa3: {  	v21 =	vor.u32 $0x180, v1;
	v20 =	vld.idx.msk [tilespmem:v26+s3+$0x0], $0xffff;
	[tilespmem:s24+$0x8000] =	vst v35  }
0xa4: {  	s0 =	sor.u32 $0x380, s25;
	v15 =	vld.idx.msk [tilespmem:v25+s3+$0x0], $0xffff;
	[tilespmem:s9+$0x8000] =	vst v23  }
0xa5: {  	s8 =	sadd.s32 $0x40, s8;
	v16 =	vld.idx.msk [tilespmem:v4+s3+$0x0], $0xffff;
	[tilespmem:s0+$0x8000] =	vst v27;
	v4 =	vmov v33  }
0xa6: {  	_ =	sdelay $0x2  }
0xa7: {  	[tilespmem:s18+$0x100] =	vst v18  }
0xa8: {  	v18 =	vld.idx.msk [tilespmem:v22+s3+$0x0], $0xffff;
	[tilespmem:s22+$0x100] =	vst v19  }
0xa9: {  	v53 =	vor.u32 $0x200, v2;
	v13 =	vld.idx.msk [tilespmem:v13+s3+$0x0], $0xffff;
	_ =	sdelay $0x1  }
0xaa: {  	[tilespmem:s7+$0x100] =	vst v20  }
0xab: {  	[tilespmem:s19+$0x100] =	vst v17;
	v12 =	vld.idx.msk [tilespmem:v12+s3+$0x0], $0xffff  }
0xac: {  	p3 =	por !p4, !p4;
	s0 =	simm.s32 $0x1;
	v17 =	vld.idx.msk [tilespmem:v21+s3+$0x0], $0xffff;
	[tilespmem:s18+$0x180] =	vst v18  }
0xad: {  	v54 =	vor.u32 $0x200, v1;
	s0 =	simm.s32 @!p3 $0x0;
	v18 =	vld.idx.msk [tilespmem:v53+s3+$0x0], $0xffff;
	[tilespmem:s22+$0x180] =	vst v13  }
0xae: {  	v55 =	vor.u32 $0x280, v2;
	s0 =	sshll.u32 s0, $0x6;
	v11 =	vld.idx.msk [tilespmem:v11+s3+$0x0], $0xffff  }
0xaf: {  	s0 =	sadd.s32 s0, s11  }
0xb0: {  	s1 =	sadd.s32 $0x30, s0;
	[tilespmem:s7+$0x180] =	vst v12  }
0xb1: {  	s4 =	sadd.s32 $0x10, s0;
	s6 =	sor.u32 $0x200, s1;
	[tilespmem:s19+$0x180] =	vst v17;
	v9 =	vld.idx.msk [tilespmem:v9+s3+$0x0], $0xffff  }
0xb2: {  	s8 =	sor.u32 $0x200, s4;
	v56 =	vld.idx.msk [tilespmem:v54+s3+$0x0], $0xffff;
	[tilespmem:s6+$0x8000] =	vst v18  }
0xb3: {  	v57 =	vor.u32 $0x280, v1;
	v13 =	vld.idx.msk [tilespmem:v55+s3+$0x0], $0xffff;
	[tilespmem:s8+$0x8000] =	vst v11  }
0xb4: {  	v58 =	vor.u32 $0x300, v2;
	s9 =	sadd.s32 $0x20, s0;
	v8 =	vld.idx.msk [tilespmem:v8+s3+$0x0], $0xffff  }
0xb5: {  	[tilespmem:s20+$0x8000] =	vst v14;
	s11 =	sor.u32 $0x200, s9  }
0xb6: {  	s13 =	sor.u32 $0x200, s0;
	[tilespmem:s11+$0x8000] =	vst v9  }
0xb7: {  	v0 =	vor.u32 $0x380, v0;
	s17 =	sor.u32 $0x280, s1;
	[tilespmem:s13+$0x8000] =	vst v56;
	v7 =	vld.idx.msk [tilespmem:v7+s3+$0x0], $0xffff  }
0xb8: {  	s18 =	sor.u32 $0x280, s4;
	v59 =	vld.idx.msk [tilespmem:v57+s3+$0x0], $0xffff;
	[tilespmem:s17+$0x8000] =	vst v13  }
0xb9: {  	v60 =	vor.u32 $0x300, v1;
	v11 =	vld.idx.msk [tilespmem:v58+s3+$0x0], $0xffff;
	[tilespmem:s18+$0x8000] =	vst v8  }
0xba: {  	v61 =	vor.u32 $0x380, v2;
	[tilespmem:s15+$0x8000] =	vst v15;
	v6 =	vld.idx.msk [tilespmem:v6+s3+$0x0], $0xffff  }
0xbb: {  	v3 =	vld.idx.msk [tilespmem:v3+s3+$0x0], $0xffff;
	[tilespmem:s16+$0x8000] =	vst v16;
	s19 =	sor.u32 $0x280, s9  }
0xbc: {  	s20 =	sor.u32 $0x280, s0;
	v0 =	vld.idx.msk [tilespmem:v0+s3+$0x0], $0xffff;
	[tilespmem:s19+$0x8000] =	vst v7  }
0xbd: {  	s22 =	sor.u32 $0x300, s1;
	[tilespmem:s20+$0x8000] =	vst v59;
	v5 =	vld.idx.msk [tilespmem:v5+s3+$0x0], $0xffff  }
0xbe: {  	s24 =	sor.u32 $0x300, s4;
	v62 =	vld.idx.msk [tilespmem:v60+s3+$0x0], $0xffff;
	[tilespmem:s22+$0x8000] =	vst v11  }
0xbf: {  	v63 =	vor.u32 $0x380, v1;
	v2 =	vld.idx.msk [tilespmem:v61+s3+$0x0], $0xffff;
	[tilespmem:s24+$0x8000] =	vst v6  }
0xc0: {  	[tilespmem:s14+$0x8000] =	vst v3;
	v4 =	vld.idx.msk [tilespmem:v4+s3+$0x0], $0xffff  }
0xc1: {  	s25 =	sor.u32 $0x300, s9;
	[tilespmem:s10+$0x8000] =	vst v0  }
0xc2: {  	s0 =	sor.u32 $0x300, s0;
	[tilespmem:s25+$0x8000] =	vst v5  }
0xc3: {  	s26 =	sor.u32 $0x380, s1;
	[tilespmem:s0+$0x8000] =	vst v62;
	v5 =	vld.idx.msk [tilespmem:v10+s3+$0x0], $0xffff  }
0xc4: {  	s28 =	sor.u32 $0x380, s4;
	v1 =	vld.idx.msk [tilespmem:v63+s3+$0x0], $0xffff;
	[tilespmem:s26+$0x8000] =	vst v2  }
0xc5: {  	s6 =	smul.u32 $0x1F4000, s5;
	[tilespmem:s28+$0x8000] =	vst v4  }
.Ltmp2:
0xc6: {  	s1 =	rddreg [dreg:$0x8];
	(pc) =	sbr.rel @!p1 .LBB2_8-.Ltmp2, $4  }
0xc7: {  	s29 =	sor.u32 $0x380, s9;
	s1 =	sadd.s32 s1, s6  }
0xc8: {  	[tilespmem:s29+$0x8000] =	vst v5;
	s30 =	sshrl.u32 s1, $0x3  }
0xc9: {  	s31 =	simm.s32 $0x8000;
	p5 =	por $0x0, $0x0;
	[tilespmem:s12+$0x8000] =	vst v1;
	s0 =	sadd.s32 s23, s30  }
0xca: {  	[hbm4b:s0+s3] =	stream.linear.scatter [tilespmem:s31], [sflag:$0x3], $0x2000, $0x38;
	[tilespmem:$0xE680] =	vst v63  }
.Ltmp3:
0xcb: {  	(pc) =	sbr.rel .LBB2_18-.Ltmp3, $3  }
0xcc: {  	_ =	sdelay $0x1  }
0xcd: {  	s12 =	simm.s32 $0x7E  }
0xce: {  	s14 =	simm.s32 $0x7F;
	p6 =	por $0x0, $0x0;
	p0 =	por $0x0, $0x0  }
.LBB2_8:
0xcf: {  	s0 =	simm.s32 @!p0 $0x4;
	s12 =	simm.s32 $0x0  }
0xd0: {  	_ =	swait.ge @!p0 [sflag:s0], $0x2000;
	s1 =	sand.u32 $0x40, s12;
	s4 =	sand.u32 $0x380, s12  }
0xd1: {  	[sflag:s0] =	ssyncset.done @!p0 $0x0;
	s4 =	sor.u32 $0xC000, s4;
	s7 =	sor.u32 $0x30, s1  }
0xd2: {  	[sflag:s0] =	ssyncadd.s32 @!p0 $0xFFFFE000;
	s9 =	sor.u32 s7, s4  }
0xd3: {  	s8 =	simm.s32 $0xC000;
	v0 =	vld [tilespmem:s9+$0x0]  }
0xd4: {  	s10 =	sor.u32 $0x10, s1;
	v1 =	vld [tilespmem:s8+$0x0]  }
0xd5: {  	s11 =	sor.u32 s10, s4  }
0xd6: {  	s9 =	sor.u32 $0x20, s1;
	v2 =	vld [tilespmem:s11+$0x0]  }
0xd7: {  	s4 =	sor.u32 s9, s4  }
0xd8: {  	v3 =	vld [tilespmem:s4+$0x0];
	v4 =	vshll.u32 v0, $0x3  }
0xd9: {  	v5 =	vshll.u32 v1, $0x3;
	v0 =	vand.u32 $0x7F, v0;
	v4 =	vand.u32 $0xFFFFFC00, v4  }
0xda: {  	v6 =	vand.u32 $0x7F, v1;
	v5 =	vand.u32 $0xFFFFFC00, v5;
	v1 =	vor.u32 v0, v4  }
0xdb: {  	v0 =	vor.u32 v6, v5;
	v6 =	vshll.u32 v2, $0x3;
	v4 =	vadd.s32 $0x2000, v1  }
0xdc: {  	v2 =	vand.u32 $0x7F, v2;
	v5 =	vadd.s32 $0x2000, v0;
	v6 =	vand.u32 $0xFFFFFC00, v6  }
0xdd: {  	v7 =	vshll.u32 v3, $0x3;
	v9 =	vor.u32 v2, v6  }
0xde: {  	v3 =	vand.u32 $0x7F, v3;
	v7 =	vand.u32 $0xFFFFFC00, v7;
	v2 =	vadd.s32 $0x2000, v9  }
0xdf: {  	v3 =	vor.u32 v3, v7  }
0xe0: {  	v6 =	vadd.s32 $0x2000, v3;
	v4 =	vld.idx.msk [tilespmem:v4+s3+$0x0], $0xffff  }
0xe1: {  	v7 =	vadd.s32 $0x2080, v1;
	v5 =	vld.idx.msk [tilespmem:v5+s3+$0x0], $0xffff  }
0xe2: {  	s13 =	sand.u32 $0x1C00, s12;
	v8 =	vadd.s32 $0x2080, v0  }
0xe3: {  	s4 =	sor.u32 $0xA000, s13;
	v2 =	vld.idx.msk [tilespmem:v2+s3+$0x0], $0xffff  }
0xe4: {  	s14 =	sor.u32 s7, s4;
	v10 =	vadd.s32 $0x2080, v9  }
0xe5: {  	s17 =	sor.u32 s1, s4;
	v6 =	vld.idx.msk [tilespmem:v6+s3+$0x0], $0xffff;
	[tilespmem:s14+$0x0] =	vst v4  }
0xe6: {  	v4 =	vadd.s32 $0x2080, v3;
	[tilespmem:s17+$0x0] =	vst v5;
	v5 =	vld.idx.msk [tilespmem:v7+s3+$0x0], $0xffff  }
0xe7: {  	s18 =	sor.u32 s10, s4;
	v7 =	vld.idx.msk [tilespmem:v8+s3+$0x0], $0xffff;
	v8 =	vadd.s32 $0x2100, v1  }
0xe8: {  	v11 =	vadd.s32 $0x2100, v0;
	[tilespmem:s18+$0x0] =	vst v2  }
0xe9: {  	s22 =	simm.s32 $0xC040;
	s19 =	sor.u32 s9, s4;
	v2 =	vld.idx.msk [tilespmem:v10+s3+$0x0], $0xffff  }
0xea: {  	v12 =	vld [tilespmem:s22+$0x0];
	s10 =	simm.s32 $0x40;
	[tilespmem:s19+$0x0] =	vst v6;
	v6 =	vadd.s32 $0x2100, v9  }
0xeb: {  	s4 =	sand.u32 $0x40, s10;
	s24 =	sand.u32 $0x380, s10;
	v4 =	vld.idx.msk [tilespmem:v4+s3+$0x0], $0xffff;
	[tilespmem:s14+$0x80] =	vst v5  }
0xec: {  	s9 =	sor.u32 $0xC000, s24;
	s15 =	sor.u32 $0x30, s4;
	v5 =	vadd.s32 $0x2100, v3;
	[tilespmem:s17+$0x80] =	vst v7;
	v7 =	vld.idx.msk [tilespmem:v8+s3+$0x0], $0xffff  }
0xed: {  	s11 =	sor.u32 s15, s9;
	v10 =	vadd.s32 $0x2180, v1;
	v8 =	vld.idx.msk [tilespmem:v11+s3+$0x0], $0xffff  }
0xee: {  	s29 =	sor.u32 $0x10, s4;
	v16 =	vld [tilespmem:s11+$0x0];
	v11 =	vadd.s32 $0x2180, v0;
	[tilespmem:s18+$0x80] =	vst v2  }
0xef: {  	s13 =	sor.u32 s29, s9;
	v2 =	vld.idx.msk [tilespmem:v6+s3+$0x0], $0xffff  }
0xf0: {  	v18 =	vld [tilespmem:s13+$0x0];
	v13 =	vadd.s32 $0x2180, v9;
	[tilespmem:s19+$0x80] =	vst v4  }
0xf1: {  	v17 =	vadd.s32 $0x2200, v1;
	v19 =	vadd.s32 $0x2200, v0;
	v14 =	vadd.s32 $0x2200, v9;
	v5 =	vld.idx.msk [tilespmem:v5+s3+$0x0], $0xffff;
	[tilespmem:s14+$0x100] =	vst v7  }
0xf2: {  	s16 =	sor.u32 $0x20, s4;
	v15 =	vadd.s32 $0x2180, v3;
	v6 =	vadd.s32 $0x2300, v9;
	v4 =	vshll.u32 v12, $0x3;
	[tilespmem:s17+$0x100] =	vst v8;
	v10 =	vld.idx.msk [tilespmem:v10+s3+$0x0], $0xffff  }
0xf3: {  	s9 =	sor.u32 s16, s9;
	v4 =	vand.u32 $0xFFFFFC00, v4;
	v8 =	vadd.s32 $0x2280, v9;
	v7 =	vand.u32 $0x7F, v12;
	v11 =	vld.idx.msk [tilespmem:v11+s3+$0x0], $0xffff  }
0xf4: {  	v12 =	vld [tilespmem:s9+$0x0];
	[tilespmem:s18+$0x100] =	vst v2;
	v2 =	vor.u32 v7, v4;
	v4 =	vadd.s32 $0x2380, v9;
	v9 =	vshll.u32 v16, $0x3  }
0xf5: {  	v16 =	vand.u32 $0x7F, v16;
	v13 =	vld.idx.msk [tilespmem:v13+s3+$0x0], $0xffff;
	v21 =	vadd.s32 $0x2000, v2;
	v9 =	vand.u32 $0xFFFFFC00, v9  }
0xf6: {  	v25 =	vadd.s32 $0x2280, v1;
	[tilespmem:s19+$0x100] =	vst v5;
	v9 =	vor.u32 v16, v9  }
0xf7: {  	p0 =	por $0x0, $0x0;
	s8 =	simm.s32 $0x1;
	v31 =	vadd.s32 $0x2280, v0;
	v20 =	vadd.s32 $0x2200, v3;
	v15 =	vld.idx.msk [tilespmem:v15+s3+$0x0], $0xffff;
	v29 =	vadd.s32 $0x2000, v9;
	[tilespmem:s14+$0x180] =	vst v10  }
0xf8: {  	s8 =	simm.s32 @!p0 $0x0;
	v7 =	vadd.s32 $0x2280, v3;
	v5 =	vadd.s32 $0x2300, v3;
	v3 =	vadd.s32 $0x2380, v3;
	[tilespmem:s17+$0x180] =	vst v11;
	v10 =	vld.idx.msk [tilespmem:v17+s3+$0x0], $0xffff  }
0xf9: {  	s26 =	sor.u32 s12, s12;
	s22 =	simm.s32 $0x4;
	s25 =	sshll.u32 s8, $0x6;
	v11 =	vshll.u32 v12, $0x3;
	v12 =	vand.u32 $0x7F, v12;
	v17 =	vshll.u32 v18, $0x3;
	v27 =	vld.idx.msk [tilespmem:v19+s3+$0x0], $0xffff  }
0xfa: {  	s8 =	simm.s32 $0xC080;
	s11 =	sor.u32 $0x380, s26;
	s14 =	sadd.s32 $0x0, s25;
	v11 =	vand.u32 $0xFFFFFC00, v11;
	v18 =	vand.u32 $0x7F, v18;
	v16 =	vand.u32 $0xFFFFFC00, v17;
	v17 =	vld.idx.msk [tilespmem:v21+s3+$0x0], $0xffff;
	[tilespmem:s18+$0x180] =	vst v13  }
0xfb: {  	s20 =	sadd.s32 $0x30, s14;
	s28 =	sadd.s32 $0x10, s14;
	s24 =	sadd.s32 $0x20, s14;
	v19 =	vadd.s32 $0x2080, v2;
	v12 =	vor.u32 v12, v11;
	v13 =	vor.u32 v18, v16;
	v23 =	vld.idx.msk [tilespmem:v14+s3+$0x0], $0xffff  }
0xfc: {  	s7 =	sor.u32 $0x200, s14;
	s31 =	sor.u32 $0x280, s14;
	s30 =	sor.u32 $0x200, s20;
	v26 =	vadd.s32 $0x2000, v12;
	v22 =	vadd.s32 $0x2080, v12;
	[tilespmem:s19+$0x180] =	vst v15;
	v28 =	vadd.s32 $0x2000, v13;
	v30 =	vld.idx.msk [tilespmem:v29+s3+$0x0], $0xffff  }
0xfd: {  	s26 =	sor.u32 $0x300, s14;
	s9 =	sor.u32 $0x200, s28;
	s1 =	sor.u32 $0x200, s24;
	v16 =	vadd.s32 $0x2100, v12;
	v14 =	vadd.s32 $0x2180, v12;
	v11 =	vadd.s32 $0x2200, v12;
	v24 =	vld.idx.msk [tilespmem:v20+s3+$0x0], $0xffff;
	[tilespmem:s30+$0xA000] =	vst v10  }
0xfe: {  	s17 =	sor.u32 $0x280, s28;
	s13 =	sor.u32 $0x280, s24;
	s18 =	sor.u32 $0x300, s28;
	v21 =	vadd.s32 $0x2080, v13;
	v18 =	vadd.s32 $0x2100, v13;
	v15 =	vadd.s32 $0x2180, v13;
	[tilespmem:s7+$0xA000] =	vst v27;
	v25 =	vld.idx.msk [tilespmem:v25+s3+$0x0], $0xffff  }
0xff: {  	s14 =	sor.u32 $0x380, s24;
	s19 =	sor.u32 $0x380, s28;
	v29 =	vadd.s32 $0x2300, v1;
	v20 =	vadd.s32 $0x2280, v13;
	s7 =	sor.u32 $0x300, s24;
	v10 =	vadd.s32 $0x2200, v13;
	v27 =	vld.idx.msk [tilespmem:v31+s3+$0x0], $0xffff  }
.LBB2_9:
0x100: {  	v31 =	vld [tilespmem:s8+$0x0];
	v32 =	vadd.s32 $0x2300, v13;
	v33 =	vadd.s32 $0x2280, v12;
	v34 =	vadd.s32 $0x2080, v9;
	s12 =	sadd.s32 $0x200, s12  }
0x101: {  	v13 =	vadd.s32 $0x2380, v13;
	v35 =	vadd.s32 $0x2300, v12;
	v12 =	vadd.s32 $0x2380, v12;
	s0 =	sand.u32 $0x1C00, s12;
	s24 =	sor.u32 s12, s10;
	v28 =	vld.idx.msk [tilespmem:v28+s3+$0x0], $0xffff;
	[tilespmem:s9+$0xA000] =	vst v23  }
0x102: {  	s28 =	sor.u32 $0xA000, s0;
	s25 =	sor.u32 $0x380, s24;
	v23 =	vld.idx.msk [tilespmem:v26+s3+$0x0], $0xffff;
	[tilespmem:s1+$0xA000] =	vst v24;
	s1 =	sor.u32 $0x280, s20  }
0x103: {  	s0 =	sor.u32 s4, s28;
	s30 =	sor.u32 s29, s28;
	s9 =	sor.u32 s15, s28;
	v24 =	vld.idx.msk [tilespmem:v8+s3+$0x0], $0xffff;
	[tilespmem:s1+$0xA000] =	vst v25;
	v8 =	vmov v20  }
0x104: {  	s1 =	sor.u32 s16, s28;
	[tilespmem:s9+$0x0] =	vst v30;
	v20 =	vld.idx.msk [tilespmem:v29+s3+$0x0], $0xffff  }
0x105: {  	[tilespmem:s0+$0x0] =	vst v17;
	v17 =	vld.idx.msk [tilespmem:v34+s3+$0x0], $0xffff  }
0x106: {  	v25 =	vadd.s32 $0x2380, v1;
	v1 =	vmov v9;
	v19 =	vld.idx.msk [tilespmem:v19+s3+$0x0], $0xffff;
	[tilespmem:s31+$0xA000] =	vst v27  }
0x107: {  	v9 =	vadd.s32 $0x2100, v1;
	[tilespmem:s30+$0x0] =	vst v28;
	v26 =	vld.idx.msk [tilespmem:v7+s3+$0x0], $0xffff;
	v7 =	vmov v33  }
0x108: {  	v27 =	vadd.s32 $0x2100, v2;
	v21 =	vld.idx.msk [tilespmem:v21+s3+$0x0], $0xffff;
	[tilespmem:s1+$0x0] =	vst v23  }
0x109: {  	s4 =	sor.u32 $0x300, s20;
	v22 =	vld.idx.msk [tilespmem:v22+s3+$0x0], $0xffff;
	[tilespmem:s17+$0xA000] =	vst v24  }
0x10a: {  	v23 =	vld.idx.msk [tilespmem:v6+s3+$0x0], $0xffff;
	[tilespmem:s4+$0xA000] =	vst v20;
	v6 =	vmov v32  }
0x10b: {  	[tilespmem:s9+$0x80] =	vst v17;
	v17 =	vld.idx.msk [tilespmem:v25+s3+$0x0], $0xffff  }
0x10c: {  	[tilespmem:s0+$0x80] =	vst v19;
	v9 =	vld.idx.msk [tilespmem:v9+s3+$0x0], $0xffff;
	v19 =	vadd.s32 $0x2300, v0  }
0x10d: {  	v20 =	vld.idx.msk [tilespmem:v27+s3+$0x0], $0xffff;
	[tilespmem:s13+$0xA000] =	vst v26  }
0x10e: {  	[tilespmem:s30+$0x80] =	vst v21;
	v21 =	vadd.s32 $0x2180, v1;
	v24 =	vld.idx.msk [tilespmem:v5+s3+$0x0], $0xffff;
	v5 =	vmov v35  }
0x10f: {  	v25 =	vadd.s32 $0x2180, v2;
	v18 =	vld.idx.msk [tilespmem:v18+s3+$0x0], $0xffff;
	[tilespmem:s1+$0x80] =	vst v22  }
0x110: {  	s4 =	sor.u32 $0x380, s20;
	v16 =	vld.idx.msk [tilespmem:v16+s3+$0x0], $0xffff;
	[tilespmem:s18+$0xA000] =	vst v23  }
0x111: {  	s10 =	sadd.s32 $0x40, s10;
	v19 =	vld.idx.msk [tilespmem:v19+s3+$0x0], $0xffff;
	[tilespmem:s4+$0xA000] =	vst v17  }
0x112: {  	s22 =	sadd.s32 $0x4, s22;
	s13 =	sand.u32 $0x380, s10;
	s4 =	sand.u32 $0x40, s10;
	[tilespmem:s9+$0x100] =	vst v9;
	v9 =	vld.idx.msk [tilespmem:v4+s3+$0x0], $0xffff;
	v4 =	vmov v13  }
0x113: {  	p3 =	slt.u32 s22, $0x3C;
	s13 =	sor.u32 $0xC000, s13;
	s15 =	sor.u32 $0x30, s4;
	[tilespmem:s0+$0x100] =	vst v20;
	v13 =	vld.idx.msk [tilespmem:v21+s3+$0x0], $0xffff  }
0x114: {  	s29 =	sor.u32 $0x10, s4;
	s16 =	sor.u32 $0x20, s4;
	s17 =	sor.u32 s15, s13;
	v17 =	vld.idx.msk [tilespmem:v25+s3+$0x0], $0xffff;
	[tilespmem:s7+$0xA000] =	vst v24  }
0x115: {  	s7 =	sor.u32 s29, s13;
	s13 =	sor.u32 s16, s13;
	v20 =	vld [tilespmem:s17+$0x0];
	[tilespmem:s30+$0x100] =	vst v18;
	v18 =	vadd.s32 $0x2200, v1  }
0x116: {  	v23 =	vadd.s32 $0x2200, v2;
	v21 =	vshll.u32 v31, $0x3;
	v22 =	vld [tilespmem:s7+$0x0];
	[tilespmem:s1+$0x100] =	vst v16  }
0x117: {  	v21 =	vand.u32 $0xFFFFFC00, v21;
	v16 =	vand.u32 $0x7F, v31;
	v24 =	vld [tilespmem:s13+$0x0];
	[tilespmem:s26+$0xA000] =	vst v19  }
0x118: {  	v19 =	vadd.s32 $0x2380, v0;
	v0 =	vmov v2;
	v2 =	vor.u32 v16, v21;
	v15 =	vld.idx.msk [tilespmem:v15+s3+$0x0], $0xffff;
	[tilespmem:s19+$0xA000] =	vst v9  }
0x119: {  	v16 =	vadd.s32 $0x2000, v2;
	v14 =	vld.idx.msk [tilespmem:v14+s3+$0x0], $0xffff;
	[tilespmem:s9+$0x180] =	vst v13  }
0x11a: {  	p0 =	por !p0, !p0;
	[tilespmem:s0+$0x180] =	vst v17;
	s0 =	simm.s32 $0x1  }
0x11b: {  	v9 =	vshll.u32 v20, $0x3;
	v18 =	vld.idx.msk [tilespmem:v18+s3+$0x0], $0xffff;
	s0 =	simm.s32 @!p0 $0x0  }
0x11c: {  	v17 =	vand.u32 $0x7F, v20;
	v13 =	vshll.u32 v22, $0x3;
	v9 =	vand.u32 $0xFFFFFC00, v9;
	v20 =	vld.idx.msk [tilespmem:v23+s3+$0x0], $0xffff;
	s0 =	sshll.u32 s0, $0x6  }
0x11d: {  	v25 =	vadd.s32 $0x2280, v1;
	v21 =	vshll.u32 v24, $0x3;
	v9 =	vor.u32 v17, v9;
	v27 =	vld.idx.msk [tilespmem:v3+s3+$0x0], $0xffff;
	v3 =	vmovc v12;
	s0 =	sadd.s32 s0, s12  }
0x11e: {  	v12 =	vand.u32 $0xFFFFFC00, v13;
	v21 =	vand.u32 $0xFFFFFC00, v21;
	v29 =	vadd.s32 $0x2000, v9;
	v31 =	vld.idx.msk [tilespmem:v19+s3+$0x0], $0xffff;
	s19 =	sadd.s32 $0x10, s0  }
0x11f: {  	v32 =	vadd.s32 $0x2280, v0;
	v13 =	vand.u32 $0x7F, v22;
	v17 =	vld.idx.msk [tilespmem:v16+s3+$0x0], $0xffff;
	v16 =	vand.u32 $0x7F, v24;
	[tilespmem:s30+$0x180] =	vst v15;
	s24 =	sadd.s32 $0x20, s0;
	s20 =	sadd.s32 $0x30, s0;
	s9 =	sor.u32 $0x200, s19  }
.Ltmp4:
0x120: {  	v19 =	vadd.s32 $0x2080, v2;
	v13 =	vor.u32 v13, v12;
	v12 =	vor.u32 v16, v21;
	v23 =	vld.idx.msk [tilespmem:v10+s3+$0x0], $0xffff;
	[tilespmem:s1+$0x180] =	vst v14;
	s1 =	sor.u32 $0x200, s24;
	s7 =	sor.u32 $0x200, s20;
	(pc) =	sbr.rel @p3 .LBB2_9-.Ltmp4, $4  }
0x121: {  	v28 =	vadd.s32 $0x2000, v13;
	s18 =	sor.u32 $0x200, s0;
	v21 =	vadd.s32 $0x2080, v13;
	s17 =	sor.u32 $0x280, s19;
	s13 =	sor.u32 $0x280, s24;
	v26 =	vadd.s32 $0x2000, v12;
	v24 =	vld.idx.msk [tilespmem:v11+s3+$0x0], $0xffff;
	[tilespmem:s7+$0xA000] =	vst v18  }
0x122: {  	s31 =	sor.u32 $0x280, s0;
	v18 =	vadd.s32 $0x2100, v13;
	v22 =	vadd.s32 $0x2080, v12;
	v16 =	vadd.s32 $0x2100, v12;
	s7 =	sor.u32 $0x300, s24;
	[tilespmem:s18+$0xA000] =	vst v20;
	s18 =	sor.u32 $0x300, s19;
	v25 =	vld.idx.msk [tilespmem:v25+s3+$0x0], $0xffff  }
0x123: {  	v15 =	vadd.s32 $0x2180, v13;
	s26 =	sor.u32 $0x300, s0;
	v10 =	vadd.s32 $0x2200, v13;
	v14 =	vadd.s32 $0x2180, v12;
	s19 =	sor.u32 $0x380, s19;
	v30 =	vld.idx.msk [tilespmem:v29+s3+$0x0], $0xffff;
	[tilespmem:s14+$0xA000] =	vst v27;
	s14 =	sor.u32 $0x380, s24  }
0x124: {  	s8 =	sadd.s32 $0x40, s8;
	v11 =	vadd.s32 $0x2200, v12;
	v20 =	vadd.s32 $0x2280, v13;
	v29 =	vadd.s32 $0x2300, v1;
	v27 =	vld.idx.msk [tilespmem:v32+s3+$0x0], $0xffff;
	[tilespmem:s11+$0xA000] =	vst v31;
	s11 =	smov.u32 s25  }
0x125: {  	_ =	sdelay $0x3  }
0x126: {  	v31 =	vadd.s32 $0x2080, v9;
	s0 =	sadd.s32 $0x200, s12;
	v28 =	vld.idx.msk [tilespmem:v28+s3+$0x0], $0xffff  }
0x127: {  	v26 =	vld.idx.msk [tilespmem:v26+s3+$0x0], $0xffff;
	s8 =	sand.u32 $0x1C00, s0  }
0x128: {  	s8 =	sor.u32 $0xA000, s8  }
0x129: {  	s30 =	sor.u32 s15, s8  }
0x12a: {  	s2 =	sor.u32 s29, s8;
	[tilespmem:s30+$0x0] =	vst v30  }
0x12b: {  	s16 =	sor.u32 s16, s8;
	v30 =	vld.idx.msk [tilespmem:v31+s3+$0x0], $0xffff;
	[tilespmem:s2+$0x0] =	vst v28  }
0x12c: {  	v63 =	vadd.s32 $0x2100, v9;
	s4 =	sor.u32 s4, s8;
	[tilespmem:s16+$0x0] =	vst v26;
	v21 =	vld.idx.msk [tilespmem:v21+s3+$0x0], $0xffff  }
0x12d: {  	[tilespmem:s4+$0x0] =	vst v17;
	v26 =	vld.idx.msk [tilespmem:v22+s3+$0x0], $0xffff  }
0x12e: {  	[tilespmem:s9+$0xA000] =	vst v23;
	v19 =	vld.idx.msk [tilespmem:v19+s3+$0x0], $0xffff  }
0x12f: {  	[tilespmem:s1+$0xA000] =	vst v24;
	v31 =	vadd.s32 $0x2100, v2  }
0x130: {  	[tilespmem:s30+$0x80] =	vst v30  }
0x131: {  	v32 =	vld.idx.msk [tilespmem:v63+s3+$0x0], $0xffff;
	[tilespmem:s2+$0x80] =	vst v21  }
0x132: {  	v33 =	vadd.s32 $0x2180, v9;
	[tilespmem:s16+$0x80] =	vst v26;
	v18 =	vld.idx.msk [tilespmem:v18+s3+$0x0], $0xffff  }
0x133: {  	s8 =	sor.u32 $0x280, s20;
	[tilespmem:s4+$0x80] =	vst v19;
	v16 =	vld.idx.msk [tilespmem:v16+s3+$0x0], $0xffff  }
0x134: {  	[tilespmem:s8+$0xA000] =	vst v25;
	v34 =	vld.idx.msk [tilespmem:v31+s3+$0x0], $0xffff  }
0x135: {  	v35 =	vadd.s32 $0x2180, v2;
	v8 =	vld.idx.msk [tilespmem:v8+s3+$0x0], $0xffff;
	[tilespmem:s31+$0xA000] =	vst v27  }
0x136: {  	v7 =	vld.idx.msk [tilespmem:v7+s3+$0x0], $0xffff;
	[tilespmem:s30+$0x100] =	vst v32  }
0x137: {  	v46 =	vadd.s32 $0x2300, v0;
	v21 =	vld.idx.msk [tilespmem:v33+s3+$0x0], $0xffff;
	[tilespmem:s2+$0x100] =	vst v18  }
0x138: {  	v37 =	vadd.s32 $0x2200, v9;
	[tilespmem:s16+$0x100] =	vst v16;
	v15 =	vld.idx.msk [tilespmem:v15+s3+$0x0], $0xffff  }
0x139: {  	[tilespmem:s4+$0x100] =	vst v34;
	v14 =	vld.idx.msk [tilespmem:v14+s3+$0x0], $0xffff  }
0x13a: {  	[tilespmem:s17+$0xA000] =	vst v8;
	v38 =	vld.idx.msk [tilespmem:v35+s3+$0x0], $0xffff  }
0x13b: {  	v39 =	vadd.s32 $0x2200, v2;
	v36 =	vld.idx.msk [tilespmem:v29+s3+$0x0], $0xffff;
	[tilespmem:s13+$0xA000] =	vst v7  }
0x13c: {  	p0 =	por !p0, !p0;
	s1 =	simm.s32 $0x1;
	v53 =	vld.idx.msk [tilespmem:v46+s3+$0x0], $0xffff;
	[tilespmem:s30+$0x180] =	vst v21  }
0x13d: {  	s1 =	simm.s32 @!p0 $0x0;
	v40 =	vld.idx.msk [tilespmem:v37+s3+$0x0], $0xffff;
	[tilespmem:s2+$0x180] =	vst v15  }
0x13e: {  	v41 =	vadd.s32 $0x2280, v9;
	s1 =	sshll.u32 s1, $0x6;
	[tilespmem:s16+$0x180] =	vst v14;
	v10 =	vld.idx.msk [tilespmem:v10+s3+$0x0], $0xffff  }
0x13f: {  	s9 =	sor.u32 $0x300, s20;
	s12 =	sadd.s32 s1, s0;
	[tilespmem:s4+$0x180] =	vst v38;
	v42 =	vld.idx.msk [tilespmem:v11+s3+$0x0], $0xffff  }
0x140: {  	v43 =	vadd.s32 $0x2280, v12;
	s1 =	sadd.s32 $0x30, s12;
	[tilespmem:s9+$0xA000] =	vst v36;
	v44 =	vld.idx.msk [tilespmem:v39+s3+$0x0], $0xffff  }
0x141: {  	v45 =	vadd.s32 $0x2280, v2;
	s24 =	sadd.s32 $0x10, s12;
	s25 =	sor.u32 $0x200, s1;
	v6 =	vld.idx.msk [tilespmem:v6+s3+$0x0], $0xffff;
	[tilespmem:s26+$0xA000] =	vst v53  }
0x142: {  	s28 =	sadd.s32 $0x20, s12;
	s29 =	sor.u32 $0x200, s24;
	v5 =	vld.idx.msk [tilespmem:v5+s3+$0x0], $0xffff;
	[tilespmem:s25+$0xA000] =	vst v40  }
0x143: {  	v1 =	vadd.s32 $0x2380, v1;
	s30 =	sor.u32 $0x200, s28;
	v15 =	vld.idx.msk [tilespmem:v41+s3+$0x0], $0xffff;
	[tilespmem:s29+$0xA000] =	vst v10  }
0x144: {  	v47 =	vadd.s32 $0x2300, v9;
	s31 =	sor.u32 $0x200, s12;
	[tilespmem:s30+$0xA000] =	vst v42;
	v48 =	vld.idx.msk [tilespmem:v20+s3+$0x0], $0xffff  }
0x145: {  	v49 =	vadd.s32 $0x2300, v13;
	[tilespmem:s31+$0xA000] =	vst v44;
	v50 =	vld.idx.msk [tilespmem:v43+s3+$0x0], $0xffff  }
0x146: {  	v51 =	vadd.s32 $0x2300, v12;
	[tilespmem:s18+$0xA000] =	vst v6;
	v52 =	vld.idx.msk [tilespmem:v45+s3+$0x0], $0xffff  }
0x147: {  	v54 =	vadd.s32 $0x2300, v2;
	s15 =	sor.u32 $0x280, s1;
	[tilespmem:s7+$0xA000] =	vst v5;
	v4 =	vld.idx.msk [tilespmem:v4+s3+$0x0], $0xffff  }
0x148: {  	v55 =	vadd.s32 $0x2380, v0;
	v1 =	vld.idx.msk [tilespmem:v1+s3+$0x0], $0xffff;
	s16 =	sor.u32 $0x280, s24;
	[tilespmem:s15+$0xA000] =	vst v15  }
0x149: {  	s17 =	sor.u32 $0x280, s28;
	v10 =	vld.idx.msk [tilespmem:v47+s3+$0x0], $0xffff;
	[tilespmem:s16+$0xA000] =	vst v48  }
0x14a: {  	v56 =	vadd.s32 $0x2380, v9;
	s18 =	sor.u32 $0x280, s12;
	[tilespmem:s17+$0xA000] =	vst v50;
	v57 =	vld.idx.msk [tilespmem:v49+s3+$0x0], $0xffff  }
0x14b: {  	v58 =	vadd.s32 $0x2380, v13;
	[tilespmem:s18+$0xA000] =	vst v52;
	v59 =	vld.idx.msk [tilespmem:v51+s3+$0x0], $0xffff  }
0x14c: {  	v60 =	vadd.s32 $0x2380, v12;
	[tilespmem:s19+$0xA000] =	vst v4;
	s2 =	sor.u32 $0x380, s20;
	v5 =	vld.idx.msk [tilespmem:v54+s3+$0x0], $0xffff  }
0x14d: {  	v61 =	vadd.s32 $0x2380, v2;
	v0 =	vld.idx.msk [tilespmem:v55+s3+$0x0], $0xffff;
	s19 =	sor.u32 $0x300, s1;
	[tilespmem:s2+$0xA000] =	vst v1  }
0x14e: {  	v3 =	vld.idx.msk [tilespmem:v3+s3+$0x0], $0xffff;
	s20 =	sor.u32 $0x300, s24;
	[tilespmem:s19+$0xA000] =	vst v10  }
0x14f: {  	s22 =	sor.u32 $0x300, s28;
	v62 =	vld.idx.msk [tilespmem:v56+s3+$0x0], $0xffff;
	[tilespmem:s20+$0xA000] =	vst v57  }
0x150: {  	s4 =	sor.u32 $0x300, s12;
	[tilespmem:s22+$0xA000] =	vst v59;
	v63 =	vld.idx.msk [tilespmem:v58+s3+$0x0], $0xffff  }
0x151: {  	[tilespmem:s4+$0xA000] =	vst v5;
	v1 =	vld.idx.msk [tilespmem:v60+s3+$0x0], $0xffff  }
0x152: {  	[tilespmem:s11+$0xA000] =	vst v0;
	v2 =	vld.idx.msk [tilespmem:v61+s3+$0x0], $0xffff  }
0x153: {  	s1 =	sor.u32 $0x380, s1;
	[tilespmem:s14+$0xA000] =	vst v3  }
0x154: {  	s24 =	sor.u32 $0x380, s24;
	[tilespmem:s1+$0xA000] =	vst v62  }
0x155: {  	s0 =	sor.u32 s0, s10;
	s25 =	sor.u32 $0x380, s28;
	[tilespmem:s24+$0xA000] =	vst v63  }
0x156: {  	s0 =	sor.u32 $0x380, s0;
	s2 =	rddreg [dreg:$0xc];
	[tilespmem:s25+$0xA000] =	vst v1  }
0x157: {  	[tilespmem:s0+$0xA000] =	vst v2  }
0x158: {  	s31 =	sld [smem:$0x7FC];
	_ =	sdelay $0x2  }
0x159: {  	p0 =	seq.s32 s31, $0x1  }
.Ltmp5:
0x15a: {  	_ = 	snop;
	(pc) =	sbr.rel @p0 .LBB2_14-.Ltmp5, $4  }
0x15b: {  	s26 =	sadd.s32 s2, s6  }
0x15c: {  	s28 =	sshrl.u32 s26, $0x3  }
0x15d: {  	s30 =	simm.s32 $0xA000;
	s29 =	sadd.s32 s23, s28  }
0x15e: {  	[hbm4b:s29+s3] =	stream.linear.scatter [tilespmem:s30], [sflag:$0x4], $0x2000, $0x38;
	[tilespmem:$0xE680] =	vst v63  }
0x15f: {  	s12 =	simm.s32 $0x0;
	s2 =	simm.s32 $0x3  }
0x160: {  	_ =	swait.ge [sflag:s2], $0x2000;
	s0 =	sand.u32 $0x40, s12;
	s1 =	sand.u32 $0x380, s12  }
0x161: {  	[sflag:s2] =	ssyncset.done $0x0;
	s1 =	sor.u32 $0xC000, s1;
	s4 =	sor.u32 $0x30, s0  }
0x162: {  	[sflag:s2] =	ssyncadd.s32 $0xFFFFE000;
	s7 =	sor.u32 s4, s1  }
0x163: {  	s8 =	simm.s32 $0xC000;
	v0 =	vld [tilespmem:s7+$0x0]  }
0x164: {  	s9 =	sor.u32 $0x10, s0;
	v1 =	vld [tilespmem:s8+$0x0]  }
0x165: {  	s15 =	sor.u32 s9, s1  }
0x166: {  	s10 =	sor.u32 $0x20, s0;
	v2 =	vld [tilespmem:s15+$0x0]  }
0x167: {  	s1 =	sor.u32 s10, s1  }
0x168: {  	v3 =	vld [tilespmem:s1+$0x0];
	v4 =	vshll.u32 v0, $0x3  }
0x169: {  	v5 =	vshll.u32 v1, $0x3;
	v0 =	vand.u32 $0x7F, v0;
	v4 =	vand.u32 $0xFFFFFC00, v4  }
0x16a: {  	v6 =	vand.u32 $0x7F, v1;
	v5 =	vand.u32 $0xFFFFFC00, v5;
	v1 =	vor.u32 v0, v4  }
0x16b: {  	v0 =	vor.u32 v6, v5;
	v6 =	vshll.u32 v2, $0x3;
	v4 =	vadd.s32 $0x4000, v1  }
0x16c: {  	v2 =	vand.u32 $0x7F, v2;
	v5 =	vadd.s32 $0x4000, v0;
	v6 =	vand.u32 $0xFFFFFC00, v6  }
0x16d: {  	v7 =	vshll.u32 v3, $0x3;
	v9 =	vor.u32 v2, v6  }
0x16e: {  	v3 =	vand.u32 $0x7F, v3;
	v7 =	vand.u32 $0xFFFFFC00, v7;
	v2 =	vadd.s32 $0x4000, v9  }
0x16f: {  	v3 =	vor.u32 v3, v7  }
0x170: {  	v6 =	vadd.s32 $0x4000, v3;
	v4 =	vld.idx.msk [tilespmem:v4+s3+$0x0], $0xffff  }
0x171: {  	v7 =	vadd.s32 $0x4080, v1;
	v5 =	vld.idx.msk [tilespmem:v5+s3+$0x0], $0xffff  }
0x172: {  	s16 =	sand.u32 $0x1C00, s12;
	v8 =	vadd.s32 $0x4080, v0  }
0x173: {  	s11 =	sor.u32 $0x8000, s16;
	v2 =	vld.idx.msk [tilespmem:v2+s3+$0x0], $0xffff  }
0x174: {  	s17 =	sor.u32 s4, s11;
	v10 =	vadd.s32 $0x4080, v9  }
0x175: {  	s18 =	sor.u32 s0, s11;
	v6 =	vld.idx.msk [tilespmem:v6+s3+$0x0], $0xffff;
	[tilespmem:s17+$0x0] =	vst v4  }
0x176: {  	v4 =	vadd.s32 $0x4080, v3;
	[tilespmem:s18+$0x0] =	vst v5;
	v5 =	vld.idx.msk [tilespmem:v7+s3+$0x0], $0xffff  }
0x177: {  	s1 =	sor.u32 s9, s11;
	v7 =	vld.idx.msk [tilespmem:v8+s3+$0x0], $0xffff;
	v8 =	vadd.s32 $0x4100, v1  }
0x178: {  	v11 =	vadd.s32 $0x4100, v0;
	[tilespmem:s1+$0x0] =	vst v2  }
0x179: {  	s20 =	simm.s32 $0xC040;
	s19 =	sor.u32 s10, s11;
	v2 =	vld.idx.msk [tilespmem:v10+s3+$0x0], $0xffff  }
0x17a: {  	s10 =	simm.s32 $0x40;
	v12 =	vld [tilespmem:s20+$0x0];
	[tilespmem:s19+$0x0] =	vst v6;
	v6 =	vadd.s32 $0x4100, v9  }
0x17b: {  	s4 =	sand.u32 $0x40, s10;
	s22 =	sand.u32 $0x380, s10;
	v4 =	vld.idx.msk [tilespmem:v4+s3+$0x0], $0xffff;
	[tilespmem:s17+$0x80] =	vst v5  }
0x17c: {  	s9 =	sor.u32 $0xC000, s22;
	s15 =	sor.u32 $0x30, s4;
	v5 =	vadd.s32 $0x4100, v3;
	[tilespmem:s18+$0x80] =	vst v7;
	v7 =	vld.idx.msk [tilespmem:v8+s3+$0x0], $0xffff  }
0x17d: {  	s24 =	sor.u32 s15, s9;
	v10 =	vadd.s32 $0x4180, v1;
	v8 =	vld.idx.msk [tilespmem:v11+s3+$0x0], $0xffff  }
0x17e: {  	s29 =	sor.u32 $0x10, s4;
	v16 =	vld [tilespmem:s24+$0x0];
	v11 =	vadd.s32 $0x4180, v0;
	[tilespmem:s1+$0x80] =	vst v2  }
0x17f: {  	s13 =	sor.u32 s29, s9;
	v2 =	vld.idx.msk [tilespmem:v6+s3+$0x0], $0xffff  }
0x180: {  	v18 =	vld [tilespmem:s13+$0x0];
	v13 =	vadd.s32 $0x4180, v9;
	[tilespmem:s19+$0x80] =	vst v4  }
0x181: {  	v15 =	vadd.s32 $0x4180, v3;
	v17 =	vadd.s32 $0x4200, v1;
	v19 =	vadd.s32 $0x4200, v0;
	v5 =	vld.idx.msk [tilespmem:v5+s3+$0x0], $0xffff;
	[tilespmem:s17+$0x100] =	vst v7  }
0x182: {  	s16 =	sor.u32 $0x20, s4;
	v14 =	vadd.s32 $0x4200, v9;
	v6 =	vadd.s32 $0x4300, v9;
	v4 =	vshll.u32 v12, $0x3;
	[tilespmem:s18+$0x100] =	vst v8;
	v10 =	vld.idx.msk [tilespmem:v10+s3+$0x0], $0xffff  }
0x183: {  	s9 =	sor.u32 s16, s9;
	v4 =	vand.u32 $0xFFFFFC00, v4;
	v8 =	vadd.s32 $0x4280, v9;
	v7 =	vand.u32 $0x7F, v12;
	v11 =	vld.idx.msk [tilespmem:v11+s3+$0x0], $0xffff  }
0x184: {  	v12 =	vld [tilespmem:s9+$0x0];
	[tilespmem:s1+$0x100] =	vst v2;
	v2 =	vor.u32 v7, v4;
	v4 =	vadd.s32 $0x4380, v9;
	v9 =	vshll.u32 v16, $0x3  }
0x185: {  	v16 =	vand.u32 $0x7F, v16;
	v13 =	vld.idx.msk [tilespmem:v13+s3+$0x0], $0xffff;
	v21 =	vadd.s32 $0x4000, v2;
	v9 =	vand.u32 $0xFFFFFC00, v9  }
0x186: {  	v20 =	vadd.s32 $0x4200, v3;
	[tilespmem:s19+$0x100] =	vst v5;
	v9 =	vor.u32 v16, v9  }
0x187: {  	p0 =	por $0x0, $0x0;
	s8 =	simm.s32 $0x1;
	v25 =	vadd.s32 $0x4280, v1;
	v31 =	vadd.s32 $0x4280, v0;
	v15 =	vld.idx.msk [tilespmem:v15+s3+$0x0], $0xffff;
	v29 =	vadd.s32 $0x4000, v9;
	[tilespmem:s17+$0x180] =	vst v10  }
0x188: {  	s26 =	sor.u32 s12, s12;
	s8 =	simm.s32 @!p0 $0x0;
	v7 =	vadd.s32 $0x4280, v3;
	v5 =	vadd.s32 $0x4300, v3;
	v3 =	vadd.s32 $0x4380, v3;
	[tilespmem:s18+$0x180] =	vst v11;
	v10 =	vld.idx.msk [tilespmem:v17+s3+$0x0], $0xffff  }
0x189: {  	s11 =	sor.u32 $0x380, s26;
	s25 =	sshll.u32 s8, $0x6;
	v11 =	vshll.u32 v12, $0x3;
	v12 =	vand.u32 $0x7F, v12;
	v17 =	vshll.u32 v18, $0x3;
	v27 =	vld.idx.msk [tilespmem:v19+s3+$0x0], $0xffff  }
0x18a: {  	s22 =	simm.s32 $0x4;
	s8 =	simm.s32 $0xC080;
	s14 =	sadd.s32 $0x0, s25;
	v11 =	vand.u32 $0xFFFFFC00, v11;
	v18 =	vand.u32 $0x7F, v18;
	v16 =	vand.u32 $0xFFFFFC00, v17;
	v17 =	vld.idx.msk [tilespmem:v21+s3+$0x0], $0xffff;
	[tilespmem:s1+$0x180] =	vst v13  }
0x18b: {  	s20 =	sadd.s32 $0x30, s14;
	s28 =	sadd.s32 $0x10, s14;
	s24 =	sadd.s32 $0x20, s14;
	v19 =	vadd.s32 $0x4080, v2;
	v12 =	vor.u32 v12, v11;
	v13 =	vor.u32 v18, v16;
	v23 =	vld.idx.msk [tilespmem:v14+s3+$0x0], $0xffff  }
0x18c: {  	s31 =	sor.u32 $0x280, s14;
	s26 =	sor.u32 $0x300, s14;
	s30 =	sor.u32 $0x200, s20;
	v26 =	vadd.s32 $0x4000, v12;
	v22 =	vadd.s32 $0x4080, v12;
	[tilespmem:s19+$0x180] =	vst v15;
	v28 =	vadd.s32 $0x4000, v13;
	v30 =	vld.idx.msk [tilespmem:v29+s3+$0x0], $0xffff  }
0x18d: {  	s7 =	sor.u32 $0x200, s14;
	s14 =	sor.u32 $0x380, s24;
	s9 =	sor.u32 $0x200, s28;
	v16 =	vadd.s32 $0x4100, v12;
	v14 =	vadd.s32 $0x4180, v12;
	v11 =	vadd.s32 $0x4200, v12;
	v24 =	vld.idx.msk [tilespmem:v20+s3+$0x0], $0xffff;
	[tilespmem:s30+$0x8000] =	vst v10  }
0x18e: {  	s13 =	sor.u32 $0x280, s24;
	s17 =	sor.u32 $0x280, s28;
	s18 =	sor.u32 $0x300, s28;
	v21 =	vadd.s32 $0x4080, v13;
	v18 =	vadd.s32 $0x4100, v13;
	v15 =	vadd.s32 $0x4180, v13;
	[tilespmem:s7+$0x8000] =	vst v27;
	v25 =	vld.idx.msk [tilespmem:v25+s3+$0x0], $0xffff  }
0x18f: {  	s1 =	sor.u32 $0x200, s24;
	s19 =	sor.u32 $0x380, s28;
	v29 =	vadd.s32 $0x4300, v1;
	v20 =	vadd.s32 $0x4280, v13;
	s7 =	sor.u32 $0x300, s24;
	v10 =	vadd.s32 $0x4200, v13;
	v27 =	vld.idx.msk [tilespmem:v31+s3+$0x0], $0xffff  }
.LBB2_12:
0x190: {  	v31 =	vld [tilespmem:s8+$0x0];
	v32 =	vadd.s32 $0x4300, v13;
	v33 =	vadd.s32 $0x4280, v12;
	v34 =	vadd.s32 $0x4080, v9;
	s12 =	sadd.s32 $0x200, s12  }
0x191: {  	v13 =	vadd.s32 $0x4380, v13;
	v35 =	vadd.s32 $0x4300, v12;
	v12 =	vadd.s32 $0x4380, v12;
	s0 =	sand.u32 $0x1C00, s12;
	s24 =	sor.u32 s12, s10;
	v28 =	vld.idx.msk [tilespmem:v28+s3+$0x0], $0xffff;
	[tilespmem:s9+$0x8000] =	vst v23  }
0x192: {  	s28 =	sor.u32 $0x8000, s0;
	s25 =	sor.u32 $0x380, s24;
	v23 =	vld.idx.msk [tilespmem:v26+s3+$0x0], $0xffff;
	[tilespmem:s1+$0x8000] =	vst v24;
	s1 =	sor.u32 $0x280, s20  }
0x193: {  	s0 =	sor.u32 s4, s28;
	s30 =	sor.u32 s29, s28;
	s9 =	sor.u32 s15, s28;
	v24 =	vld.idx.msk [tilespmem:v8+s3+$0x0], $0xffff;
	[tilespmem:s1+$0x8000] =	vst v25;
	v8 =	vmov v20  }
0x194: {  	s1 =	sor.u32 s16, s28;
	[tilespmem:s9+$0x0] =	vst v30;
	v20 =	vld.idx.msk [tilespmem:v29+s3+$0x0], $0xffff  }
0x195: {  	[tilespmem:s0+$0x0] =	vst v17;
	v17 =	vld.idx.msk [tilespmem:v34+s3+$0x0], $0xffff  }
0x196: {  	v25 =	vadd.s32 $0x4380, v1;
	v1 =	vmov v9;
	v19 =	vld.idx.msk [tilespmem:v19+s3+$0x0], $0xffff;
	[tilespmem:s31+$0x8000] =	vst v27  }
0x197: {  	v9 =	vadd.s32 $0x4100, v1;
	[tilespmem:s30+$0x0] =	vst v28;
	v26 =	vld.idx.msk [tilespmem:v7+s3+$0x0], $0xffff;
	v7 =	vmov v33  }
0x198: {  	v27 =	vadd.s32 $0x4100, v2;
	v21 =	vld.idx.msk [tilespmem:v21+s3+$0x0], $0xffff;
	[tilespmem:s1+$0x0] =	vst v23  }
0x199: {  	s4 =	sor.u32 $0x300, s20;
	v22 =	vld.idx.msk [tilespmem:v22+s3+$0x0], $0xffff;
	[tilespmem:s17+$0x8000] =	vst v24  }
0x19a: {  	v23 =	vld.idx.msk [tilespmem:v6+s3+$0x0], $0xffff;
	[tilespmem:s4+$0x8000] =	vst v20;
	v6 =	vmov v32  }
0x19b: {  	[tilespmem:s9+$0x80] =	vst v17;
	v17 =	vld.idx.msk [tilespmem:v25+s3+$0x0], $0xffff  }
0x19c: {  	[tilespmem:s0+$0x80] =	vst v19;
	v9 =	vld.idx.msk [tilespmem:v9+s3+$0x0], $0xffff;
	v19 =	vadd.s32 $0x4300, v0  }
0x19d: {  	v20 =	vld.idx.msk [tilespmem:v27+s3+$0x0], $0xffff;
	[tilespmem:s13+$0x8000] =	vst v26  }
0x19e: {  	[tilespmem:s30+$0x80] =	vst v21;
	v21 =	vadd.s32 $0x4180, v1;
	v24 =	vld.idx.msk [tilespmem:v5+s3+$0x0], $0xffff;
	v5 =	vmov v35  }
0x19f: {  	v25 =	vadd.s32 $0x4180, v2;
	v18 =	vld.idx.msk [tilespmem:v18+s3+$0x0], $0xffff;
	[tilespmem:s1+$0x80] =	vst v22  }
0x1a0: {  	s4 =	sor.u32 $0x380, s20;
	v16 =	vld.idx.msk [tilespmem:v16+s3+$0x0], $0xffff;
	[tilespmem:s18+$0x8000] =	vst v23  }
0x1a1: {  	s10 =	sadd.s32 $0x40, s10;
	v19 =	vld.idx.msk [tilespmem:v19+s3+$0x0], $0xffff;
	[tilespmem:s4+$0x8000] =	vst v17  }
0x1a2: {  	s22 =	sadd.s32 $0x4, s22;
	s13 =	sand.u32 $0x380, s10;
	s4 =	sand.u32 $0x40, s10;
	[tilespmem:s9+$0x100] =	vst v9;
	v9 =	vld.idx.msk [tilespmem:v4+s3+$0x0], $0xffff;
	v4 =	vmov v13  }
0x1a3: {  	p3 =	slt.u32 s22, $0x3C;
	s13 =	sor.u32 $0xC000, s13;
	s15 =	sor.u32 $0x30, s4;
	[tilespmem:s0+$0x100] =	vst v20;
	v13 =	vld.idx.msk [tilespmem:v21+s3+$0x0], $0xffff  }
0x1a4: {  	s29 =	sor.u32 $0x10, s4;
	s16 =	sor.u32 $0x20, s4;
	s17 =	sor.u32 s15, s13;
	v17 =	vld.idx.msk [tilespmem:v25+s3+$0x0], $0xffff;
	[tilespmem:s7+$0x8000] =	vst v24  }
0x1a5: {  	s7 =	sor.u32 s29, s13;
	s13 =	sor.u32 s16, s13;
	v20 =	vld [tilespmem:s17+$0x0];
	[tilespmem:s30+$0x100] =	vst v18;
	v18 =	vadd.s32 $0x4200, v1  }
0x1a6: {  	v23 =	vadd.s32 $0x4200, v2;
	v21 =	vshll.u32 v31, $0x3;
	v22 =	vld [tilespmem:s7+$0x0];
	[tilespmem:s1+$0x100] =	vst v16  }
0x1a7: {  	v21 =	vand.u32 $0xFFFFFC00, v21;
	v16 =	vand.u32 $0x7F, v31;
	v24 =	vld [tilespmem:s13+$0x0];
	[tilespmem:s26+$0x8000] =	vst v19  }
0x1a8: {  	v19 =	vadd.s32 $0x4380, v0;
	v0 =	vmov v2;
	v2 =	vor.u32 v16, v21;
	v15 =	vld.idx.msk [tilespmem:v15+s3+$0x0], $0xffff;
	[tilespmem:s19+$0x8000] =	vst v9  }
0x1a9: {  	v16 =	vadd.s32 $0x4000, v2;
	v14 =	vld.idx.msk [tilespmem:v14+s3+$0x0], $0xffff;
	[tilespmem:s9+$0x180] =	vst v13  }
0x1aa: {  	p0 =	por !p0, !p0;
	[tilespmem:s0+$0x180] =	vst v17;
	s0 =	simm.s32 $0x1  }
0x1ab: {  	v9 =	vshll.u32 v20, $0x3;
	v18 =	vld.idx.msk [tilespmem:v18+s3+$0x0], $0xffff;
	s0 =	simm.s32 @!p0 $0x0  }
0x1ac: {  	v17 =	vand.u32 $0x7F, v20;
	v13 =	vshll.u32 v22, $0x3;
	v9 =	vand.u32 $0xFFFFFC00, v9;
	v20 =	vld.idx.msk [tilespmem:v23+s3+$0x0], $0xffff;
	s0 =	sshll.u32 s0, $0x6  }
0x1ad: {  	v25 =	vadd.s32 $0x4280, v1;
	v21 =	vshll.u32 v24, $0x3;
	v9 =	vor.u32 v17, v9;
	v27 =	vld.idx.msk [tilespmem:v3+s3+$0x0], $0xffff;
	v3 =	vmovc v12;
	s0 =	sadd.s32 s0, s12  }
0x1ae: {  	v12 =	vand.u32 $0xFFFFFC00, v13;
	v21 =	vand.u32 $0xFFFFFC00, v21;
	v29 =	vadd.s32 $0x4000, v9;
	v31 =	vld.idx.msk [tilespmem:v19+s3+$0x0], $0xffff;
	s19 =	sadd.s32 $0x10, s0  }
0x1af: {  	v32 =	vadd.s32 $0x4280, v0;
	v13 =	vand.u32 $0x7F, v22;
	v17 =	vld.idx.msk [tilespmem:v16+s3+$0x0], $0xffff;
	v16 =	vand.u32 $0x7F, v24;
	[tilespmem:s30+$0x180] =	vst v15;
	s24 =	sadd.s32 $0x20, s0;
	s20 =	sadd.s32 $0x30, s0;
	s9 =	sor.u32 $0x200, s19  }
.Ltmp6:
0x1b0: {  	v19 =	vadd.s32 $0x4080, v2;
	v13 =	vor.u32 v13, v12;
	v12 =	vor.u32 v16, v21;
	v23 =	vld.idx.msk [tilespmem:v10+s3+$0x0], $0xffff;
	[tilespmem:s1+$0x180] =	vst v14;
	s1 =	sor.u32 $0x200, s24;
	s7 =	sor.u32 $0x200, s20;
	(pc) =	sbr.rel @p3 .LBB2_12-.Ltmp6, $4  }
0x1b1: {  	v28 =	vadd.s32 $0x4000, v13;
	s18 =	sor.u32 $0x200, s0;
	v21 =	vadd.s32 $0x4080, v13;
	s17 =	sor.u32 $0x280, s19;
	s13 =	sor.u32 $0x280, s24;
	v26 =	vadd.s32 $0x4000, v12;
	v24 =	vld.idx.msk [tilespmem:v11+s3+$0x0], $0xffff;
	[tilespmem:s7+$0x8000] =	vst v18  }
0x1b2: {  	s31 =	sor.u32 $0x280, s0;
	v18 =	vadd.s32 $0x4100, v13;
	v22 =	vadd.s32 $0x4080, v12;
	v16 =	vadd.s32 $0x4100, v12;
	s7 =	sor.u32 $0x300, s24;
	[tilespmem:s18+$0x8000] =	vst v20;
	s18 =	sor.u32 $0x300, s19;
	v25 =	vld.idx.msk [tilespmem:v25+s3+$0x0], $0xffff  }
0x1b3: {  	v15 =	vadd.s32 $0x4180, v13;
	s26 =	sor.u32 $0x300, s0;
	v10 =	vadd.s32 $0x4200, v13;
	v14 =	vadd.s32 $0x4180, v12;
	s19 =	sor.u32 $0x380, s19;
	v30 =	vld.idx.msk [tilespmem:v29+s3+$0x0], $0xffff;
	[tilespmem:s14+$0x8000] =	vst v27;
	s14 =	sor.u32 $0x380, s24  }
0x1b4: {  	s8 =	sadd.s32 $0x40, s8;
	v11 =	vadd.s32 $0x4200, v12;
	v20 =	vadd.s32 $0x4280, v13;
	v29 =	vadd.s32 $0x4300, v1;
	v27 =	vld.idx.msk [tilespmem:v32+s3+$0x0], $0xffff;
	[tilespmem:s11+$0x8000] =	vst v31;
	s11 =	smov.u32 s25  }
0x1b5: {  	_ =	sdelay $0x3  }
0x1b6: {  	v31 =	vadd.s32 $0x4080, v9;
	s0 =	sadd.s32 $0x200, s12;
	v28 =	vld.idx.msk [tilespmem:v28+s3+$0x0], $0xffff  }
0x1b7: {  	s8 =	sand.u32 $0x1C00, s0  }
0x1b8: {  	s8 =	sor.u32 $0x8000, s8  }
0x1b9: {  	v26 =	vld.idx.msk [tilespmem:v26+s3+$0x0], $0xffff;
	s28 =	sor.u32 s15, s8  }
0x1ba: {  	s29 =	sor.u32 s29, s8;
	[tilespmem:s28+$0x0] =	vst v30  }
0x1bb: {  	v30 =	vld.idx.msk [tilespmem:v31+s3+$0x0], $0xffff;
	[tilespmem:s29+$0x0] =	vst v28  }
0x1bc: {  	v63 =	vadd.s32 $0x4100, v9;
	[tilespmem:s9+$0x8000] =	vst v23;
	v21 =	vld.idx.msk [tilespmem:v21+s3+$0x0], $0xffff  }
0x1bd: {  	[tilespmem:s1+$0x8000] =	vst v24;
	s16 =	sor.u32 s16, s8  }
0x1be: {  	s4 =	sor.u32 s4, s8;
	[tilespmem:s16+$0x0] =	vst v26  }
0x1bf: {  	[tilespmem:s4+$0x0] =	vst v17;
	v26 =	vld.idx.msk [tilespmem:v22+s3+$0x0], $0xffff  }
0x1c0: {  	v19 =	vld.idx.msk [tilespmem:v19+s3+$0x0], $0xffff;
	[tilespmem:s28+$0x80] =	vst v30  }
0x1c1: {  	s30 =	sor.u32 $0x280, s20;
	v31 =	vadd.s32 $0x4100, v2;
	v32 =	vld.idx.msk [tilespmem:v63+s3+$0x0], $0xffff;
	[tilespmem:s29+$0x80] =	vst v21  }
0x1c2: {  	v33 =	vadd.s32 $0x4180, v9;
	[tilespmem:s30+$0x8000] =	vst v25;
	v18 =	vld.idx.msk [tilespmem:v18+s3+$0x0], $0xffff  }
0x1c3: {  	v8 =	vld.idx.msk [tilespmem:v8+s3+$0x0], $0xffff;
	[tilespmem:s31+$0x8000] =	vst v27  }
0x1c4: {  	v7 =	vld.idx.msk [tilespmem:v7+s3+$0x0], $0xffff;
	[tilespmem:s16+$0x80] =	vst v26  }
0x1c5: {  	v46 =	vadd.s32 $0x4300, v0;
	[tilespmem:s4+$0x80] =	vst v19;
	v16 =	vld.idx.msk [tilespmem:v16+s3+$0x0], $0xffff  }
0x1c6: {  	v34 =	vld.idx.msk [tilespmem:v31+s3+$0x0], $0xffff;
	[tilespmem:s28+$0x100] =	vst v32  }
0x1c7: {  	v35 =	vadd.s32 $0x4180, v2;
	v21 =	vld.idx.msk [tilespmem:v33+s3+$0x0], $0xffff;
	[tilespmem:s29+$0x100] =	vst v18  }
0x1c8: {  	v37 =	vadd.s32 $0x4200, v9;
	[tilespmem:s17+$0x8000] =	vst v8;
	v15 =	vld.idx.msk [tilespmem:v15+s3+$0x0], $0xffff  }
0x1c9: {  	v36 =	vld.idx.msk [tilespmem:v29+s3+$0x0], $0xffff;
	[tilespmem:s13+$0x8000] =	vst v7  }
0x1ca: {  	v53 =	vld.idx.msk [tilespmem:v46+s3+$0x0], $0xffff;
	[tilespmem:s16+$0x100] =	vst v16  }
0x1cb: {  	[tilespmem:s4+$0x100] =	vst v34;
	v14 =	vld.idx.msk [tilespmem:v14+s3+$0x0], $0xffff  }
0x1cc: {  	p0 =	por !p0, !p0;
	s1 =	simm.s32 $0x1;
	v38 =	vld.idx.msk [tilespmem:v35+s3+$0x0], $0xffff;
	[tilespmem:s28+$0x180] =	vst v21  }
0x1cd: {  	s2 =	sor.u32 $0x300, s20;
	v39 =	vadd.s32 $0x4200, v2;
	s1 =	simm.s32 @!p0 $0x0;
	v40 =	vld.idx.msk [tilespmem:v37+s3+$0x0], $0xffff;
	[tilespmem:s29+$0x180] =	vst v15  }
0x1ce: {  	v41 =	vadd.s32 $0x4280, v9;
	s1 =	sshll.u32 s1, $0x6;
	[tilespmem:s2+$0x8000] =	vst v36;
	v10 =	vld.idx.msk [tilespmem:v10+s3+$0x0], $0xffff  }
0x1cf: {  	s8 =	sadd.s32 s1, s0;
	v6 =	vld.idx.msk [tilespmem:v6+s3+$0x0], $0xffff;
	[tilespmem:s26+$0x8000] =	vst v53  }
0x1d0: {  	v1 =	vadd.s32 $0x4380, v1;
	s1 =	sadd.s32 $0x30, s8;
	v5 =	vld.idx.msk [tilespmem:v5+s3+$0x0], $0xffff;
	[tilespmem:s16+$0x180] =	vst v14  }
0x1d1: {  	v55 =	vadd.s32 $0x4380, v0;
	s12 =	sadd.s32 $0x10, s8;
	s25 =	sor.u32 $0x200, s1;
	[tilespmem:s4+$0x180] =	vst v38;
	v42 =	vld.idx.msk [tilespmem:v11+s3+$0x0], $0xffff  }
0x1d2: {  	v43 =	vadd.s32 $0x4280, v12;
	v44 =	vld.idx.msk [tilespmem:v39+s3+$0x0], $0xffff;
	s29 =	sor.u32 $0x200, s12;
	[tilespmem:s25+$0x8000] =	vst v40  }
0x1d3: {  	v45 =	vadd.s32 $0x4280, v2;
	v15 =	vld.idx.msk [tilespmem:v41+s3+$0x0], $0xffff;
	[tilespmem:s29+$0x8000] =	vst v10  }
0x1d4: {  	v47 =	vadd.s32 $0x4300, v9;
	[tilespmem:s18+$0x8000] =	vst v6;
	s28 =	sadd.s32 $0x20, s8;
	v48 =	vld.idx.msk [tilespmem:v20+s3+$0x0], $0xffff  }
0x1d5: {  	v49 =	vadd.s32 $0x4300, v13;
	v1 =	vld.idx.msk [tilespmem:v1+s3+$0x0], $0xffff;
	[tilespmem:s7+$0x8000] =	vst v5;
	s30 =	sor.u32 $0x200, s28  }
0x1d6: {  	s31 =	sor.u32 $0x200, s8;
	v0 =	vld.idx.msk [tilespmem:v55+s3+$0x0], $0xffff;
	[tilespmem:s30+$0x8000] =	vst v42  }
0x1d7: {  	s15 =	sor.u32 $0x280, s1;
	[tilespmem:s31+$0x8000] =	vst v44;
	v50 =	vld.idx.msk [tilespmem:v43+s3+$0x0], $0xffff  }
0x1d8: {  	v51 =	vadd.s32 $0x4300, v12;
	s16 =	sor.u32 $0x280, s12;
	v52 =	vld.idx.msk [tilespmem:v45+s3+$0x0], $0xffff;
	[tilespmem:s15+$0x8000] =	vst v15  }
0x1d9: {  	v54 =	vadd.s32 $0x4300, v2;
	s2 =	sor.u32 $0x380, s20;
	v10 =	vld.idx.msk [tilespmem:v47+s3+$0x0], $0xffff;
	[tilespmem:s16+$0x8000] =	vst v48  }
0x1da: {  	v56 =	vadd.s32 $0x4380, v9;
	[tilespmem:s2+$0x8000] =	vst v1;
	v57 =	vld.idx.msk [tilespmem:v49+s3+$0x0], $0xffff  }
0x1db: {  	v58 =	vadd.s32 $0x4380, v13;
	v4 =	vld.idx.msk [tilespmem:v4+s3+$0x0], $0xffff;
	[tilespmem:s11+$0x8000] =	vst v0;
	s17 =	sor.u32 $0x280, s28  }
0x1dc: {  	s18 =	sor.u32 $0x280, s8;
	v3 =	vld.idx.msk [tilespmem:v3+s3+$0x0], $0xffff;
	[tilespmem:s17+$0x8000] =	vst v50  }
0x1dd: {  	s20 =	sor.u32 $0x300, s1;
	[tilespmem:s18+$0x8000] =	vst v52;
	v59 =	vld.idx.msk [tilespmem:v51+s3+$0x0], $0xffff  }
0x1de: {  	v60 =	vadd.s32 $0x4380, v12;
	s22 =	sor.u32 $0x300, s12;
	v5 =	vld.idx.msk [tilespmem:v54+s3+$0x0], $0xffff;
	[tilespmem:s20+$0x8000] =	vst v10  }
0x1df: {  	v61 =	vadd.s32 $0x4380, v2;
	v62 =	vld.idx.msk [tilespmem:v56+s3+$0x0], $0xffff;
	[tilespmem:s22+$0x8000] =	vst v57  }
0x1e0: {  	[tilespmem:s19+$0x8000] =	vst v4;
	v63 =	vld.idx.msk [tilespmem:v58+s3+$0x0], $0xffff  }
0x1e1: {  	[tilespmem:s14+$0x8000] =	vst v3;
	s24 =	sor.u32 $0x300, s28  }
0x1e2: {  	s4 =	sor.u32 $0x300, s8;
	[tilespmem:s24+$0x8000] =	vst v59  }
0x1e3: {  	s1 =	sor.u32 $0x380, s1;
	[tilespmem:s4+$0x8000] =	vst v5;
	v1 =	vld.idx.msk [tilespmem:v60+s3+$0x0], $0xffff  }
0x1e4: {  	s25 =	sor.u32 $0x380, s12;
	v2 =	vld.idx.msk [tilespmem:v61+s3+$0x0], $0xffff;
	[tilespmem:s1+$0x8000] =	vst v62  }
0x1e5: {  	[tilespmem:s25+$0x8000] =	vst v63  }
0x1e6: {  	s2 =	rddreg [dreg:$0xe]  }
0x1e7: {  	s0 =	sor.u32 s0, s10;
	s26 =	sor.u32 $0x380, s28;
	s28 =	sadd.s32 s2, s6  }
0x1e8: {  	s0 =	sor.u32 $0x380, s0;
	[tilespmem:s26+$0x8000] =	vst v1;
	s29 =	sshrl.u32 s28, $0x3  }
0x1e9: {  	s31 =	simm.s32 $0x8000;
	[tilespmem:s0+$0x8000] =	vst v2;
	s30 =	sadd.s32 s23, s29  }
0x1ea: {  	[hbm4b:s30+s3] =	stream.linear.scatter [tilespmem:s31], [sflag:$0x3], $0x2000, $0x38;
	[tilespmem:$0xE680] =	vst v63  }
.LBB2_14:
0x1eb: {  	s0 =	sld [smem:$0x7FD];
	_ =	sdelay $0x2  }
0x1ec: {  	p3 =	seq.s32 s0, $0x1  }
.Ltmp7:
0x1ed: {  	_ = 	snop;
	(pc) =	sbr.rel @p3 .LBB2_18-.Ltmp7, $3  }
0x1ee: {  	_ =	sdelay $0x1  }
0x1ef: {  	s14 =	rddreg [dreg:$0xd]  }
0x1f0: {  	p6 =	por $0x0, $0x0;
	s12 =	rddreg [dreg:$0xb];
	p0 =	por p2, p2  }
0x1f1: {  	s12 =	simm.s32 $0x0;
	s2 =	simm.s32 $0x4  }
0x1f2: {  	_ =	swait.ge [sflag:s2], $0x2000;
	s0 =	sand.u32 $0x40, s12;
	s1 =	sand.u32 $0x380, s12  }
0x1f3: {  	[sflag:s2] =	ssyncset.done $0x0;
	s1 =	sor.u32 $0xC000, s1;
	s4 =	sor.u32 $0x30, s0  }
0x1f4: {  	[sflag:s2] =	ssyncadd.s32 $0xFFFFE000;
	s7 =	sor.u32 s4, s1  }
0x1f5: {  	s8 =	simm.s32 $0xC000;
	v0 =	vld [tilespmem:s7+$0x0]  }
0x1f6: {  	s9 =	sor.u32 $0x10, s0;
	v1 =	vld [tilespmem:s8+$0x0]  }
0x1f7: {  	s15 =	sor.u32 s9, s1  }
0x1f8: {  	s10 =	sor.u32 $0x20, s0;
	v2 =	vld [tilespmem:s15+$0x0]  }
0x1f9: {  	s1 =	sor.u32 s10, s1  }
0x1fa: {  	v3 =	vld [tilespmem:s1+$0x0];
	v4 =	vshll.u32 v0, $0x3  }
0x1fb: {  	v5 =	vshll.u32 v1, $0x3;
	v0 =	vand.u32 $0x7F, v0;
	v4 =	vand.u32 $0xFFFFFC00, v4  }
0x1fc: {  	v6 =	vand.u32 $0x7F, v1;
	v5 =	vand.u32 $0xFFFFFC00, v5;
	v1 =	vor.u32 v0, v4  }
0x1fd: {  	v0 =	vor.u32 v6, v5;
	v6 =	vshll.u32 v2, $0x3;
	v4 =	vadd.s32 $0x6000, v1  }
0x1fe: {  	v2 =	vand.u32 $0x7F, v2;
	v5 =	vadd.s32 $0x6000, v0;
	v6 =	vand.u32 $0xFFFFFC00, v6  }
0x1ff: {  	v7 =	vshll.u32 v3, $0x3;
	v9 =	vor.u32 v2, v6  }
0x200: {  	v3 =	vand.u32 $0x7F, v3;
	v7 =	vand.u32 $0xFFFFFC00, v7;
	v2 =	vadd.s32 $0x6000, v9  }
0x201: {  	v3 =	vor.u32 v3, v7  }
0x202: {  	v6 =	vadd.s32 $0x6000, v3;
	v4 =	vld.idx.msk [tilespmem:v4+s3+$0x0], $0xffff  }
0x203: {  	v7 =	vadd.s32 $0x6080, v1;
	v5 =	vld.idx.msk [tilespmem:v5+s3+$0x0], $0xffff  }
0x204: {  	s16 =	sand.u32 $0x1C00, s12;
	v8 =	vadd.s32 $0x6080, v0  }
0x205: {  	s11 =	sor.u32 $0xA000, s16;
	v2 =	vld.idx.msk [tilespmem:v2+s3+$0x0], $0xffff  }
0x206: {  	s17 =	sor.u32 s4, s11;
	v10 =	vadd.s32 $0x6080, v9  }
0x207: {  	s18 =	sor.u32 s0, s11;
	v6 =	vld.idx.msk [tilespmem:v6+s3+$0x0], $0xffff;
	[tilespmem:s17+$0x0] =	vst v4  }
0x208: {  	v4 =	vadd.s32 $0x6080, v3;
	[tilespmem:s18+$0x0] =	vst v5;
	v5 =	vld.idx.msk [tilespmem:v7+s3+$0x0], $0xffff  }
0x209: {  	s1 =	sor.u32 s9, s11;
	v7 =	vld.idx.msk [tilespmem:v8+s3+$0x0], $0xffff;
	v8 =	vadd.s32 $0x6100, v1  }
0x20a: {  	v11 =	vadd.s32 $0x6100, v0;
	[tilespmem:s1+$0x0] =	vst v2  }
0x20b: {  	s20 =	simm.s32 $0xC040;
	s19 =	sor.u32 s10, s11;
	v2 =	vld.idx.msk [tilespmem:v10+s3+$0x0], $0xffff  }
0x20c: {  	s10 =	simm.s32 $0x40;
	v12 =	vld [tilespmem:s20+$0x0];
	[tilespmem:s19+$0x0] =	vst v6;
	v6 =	vadd.s32 $0x6100, v9  }
0x20d: {  	s4 =	sand.u32 $0x40, s10;
	s22 =	sand.u32 $0x380, s10;
	v4 =	vld.idx.msk [tilespmem:v4+s3+$0x0], $0xffff;
	[tilespmem:s17+$0x80] =	vst v5  }
0x20e: {  	s9 =	sor.u32 $0xC000, s22;
	s15 =	sor.u32 $0x30, s4;
	v5 =	vadd.s32 $0x6100, v3;
	[tilespmem:s18+$0x80] =	vst v7;
	v7 =	vld.idx.msk [tilespmem:v8+s3+$0x0], $0xffff  }
0x20f: {  	s24 =	sor.u32 s15, s9;
	v10 =	vadd.s32 $0x6180, v1;
	v8 =	vld.idx.msk [tilespmem:v11+s3+$0x0], $0xffff  }
0x210: {  	s29 =	sor.u32 $0x10, s4;
	v16 =	vld [tilespmem:s24+$0x0];
	v11 =	vadd.s32 $0x6180, v0;
	[tilespmem:s1+$0x80] =	vst v2  }
0x211: {  	s13 =	sor.u32 s29, s9;
	v2 =	vld.idx.msk [tilespmem:v6+s3+$0x0], $0xffff  }
0x212: {  	v18 =	vld [tilespmem:s13+$0x0];
	v13 =	vadd.s32 $0x6180, v9;
	[tilespmem:s19+$0x80] =	vst v4  }
0x213: {  	v15 =	vadd.s32 $0x6180, v3;
	v17 =	vadd.s32 $0x6200, v1;
	v19 =	vadd.s32 $0x6200, v0;
	v5 =	vld.idx.msk [tilespmem:v5+s3+$0x0], $0xffff;
	[tilespmem:s17+$0x100] =	vst v7  }
0x214: {  	s16 =	sor.u32 $0x20, s4;
	v14 =	vadd.s32 $0x6200, v9;
	v6 =	vadd.s32 $0x6300, v9;
	v4 =	vshll.u32 v12, $0x3;
	[tilespmem:s18+$0x100] =	vst v8;
	v10 =	vld.idx.msk [tilespmem:v10+s3+$0x0], $0xffff  }
0x215: {  	s9 =	sor.u32 s16, s9;
	v4 =	vand.u32 $0xFFFFFC00, v4;
	v8 =	vadd.s32 $0x6280, v9;
	v7 =	vand.u32 $0x7F, v12;
	v11 =	vld.idx.msk [tilespmem:v11+s3+$0x0], $0xffff  }
0x216: {  	v12 =	vld [tilespmem:s9+$0x0];
	[tilespmem:s1+$0x100] =	vst v2;
	v2 =	vor.u32 v7, v4;
	v4 =	vadd.s32 $0x6380, v9;
	v9 =	vshll.u32 v16, $0x3  }
0x217: {  	v16 =	vand.u32 $0x7F, v16;
	v13 =	vld.idx.msk [tilespmem:v13+s3+$0x0], $0xffff;
	v21 =	vadd.s32 $0x6000, v2;
	v9 =	vand.u32 $0xFFFFFC00, v9  }
0x218: {  	v20 =	vadd.s32 $0x6200, v3;
	[tilespmem:s19+$0x100] =	vst v5;
	v9 =	vor.u32 v16, v9  }
0x219: {  	p0 =	por $0x0, $0x0;
	s8 =	simm.s32 $0x1;
	v25 =	vadd.s32 $0x6280, v1;
	v31 =	vadd.s32 $0x6280, v0;
	v15 =	vld.idx.msk [tilespmem:v15+s3+$0x0], $0xffff;
	v29 =	vadd.s32 $0x6000, v9;
	[tilespmem:s17+$0x180] =	vst v10  }
0x21a: {  	s26 =	sor.u32 s12, s12;
	s8 =	simm.s32 @!p0 $0x0;
	v7 =	vadd.s32 $0x6280, v3;
	v5 =	vadd.s32 $0x6300, v3;
	v3 =	vadd.s32 $0x6380, v3;
	[tilespmem:s18+$0x180] =	vst v11;
	v10 =	vld.idx.msk [tilespmem:v17+s3+$0x0], $0xffff  }
0x21b: {  	s11 =	sor.u32 $0x380, s26;
	s25 =	sshll.u32 s8, $0x6;
	v11 =	vshll.u32 v12, $0x3;
	v12 =	vand.u32 $0x7F, v12;
	v17 =	vshll.u32 v18, $0x3;
	v27 =	vld.idx.msk [tilespmem:v19+s3+$0x0], $0xffff  }
0x21c: {  	s22 =	simm.s32 $0x4;
	s8 =	simm.s32 $0xC080;
	s14 =	sadd.s32 $0x0, s25;
	v11 =	vand.u32 $0xFFFFFC00, v11;
	v18 =	vand.u32 $0x7F, v18;
	v16 =	vand.u32 $0xFFFFFC00, v17;
	v17 =	vld.idx.msk [tilespmem:v21+s3+$0x0], $0xffff;
	[tilespmem:s1+$0x180] =	vst v13  }
0x21d: {  	s20 =	sadd.s32 $0x30, s14;
	s28 =	sadd.s32 $0x10, s14;
	s24 =	sadd.s32 $0x20, s14;
	v19 =	vadd.s32 $0x6080, v2;
	v12 =	vor.u32 v12, v11;
	v13 =	vor.u32 v18, v16;
	v23 =	vld.idx.msk [tilespmem:v14+s3+$0x0], $0xffff  }
0x21e: {  	s31 =	sor.u32 $0x280, s14;
	s26 =	sor.u32 $0x300, s14;
	s30 =	sor.u32 $0x200, s20;
	v26 =	vadd.s32 $0x6000, v12;
	v22 =	vadd.s32 $0x6080, v12;
	[tilespmem:s19+$0x180] =	vst v15;
	v28 =	vadd.s32 $0x6000, v13;
	v30 =	vld.idx.msk [tilespmem:v29+s3+$0x0], $0xffff  }
0x21f: {  	s7 =	sor.u32 $0x200, s14;
	s14 =	sor.u32 $0x380, s24;
	s9 =	sor.u32 $0x200, s28;
	v16 =	vadd.s32 $0x6100, v12;
	v14 =	vadd.s32 $0x6180, v12;
	v11 =	vadd.s32 $0x6200, v12;
	v24 =	vld.idx.msk [tilespmem:v20+s3+$0x0], $0xffff;
	[tilespmem:s30+$0xA000] =	vst v10  }
0x220: {  	s13 =	sor.u32 $0x280, s24;
	s17 =	sor.u32 $0x280, s28;
	s18 =	sor.u32 $0x300, s28;
	v21 =	vadd.s32 $0x6080, v13;
	v18 =	vadd.s32 $0x6100, v13;
	v15 =	vadd.s32 $0x6180, v13;
	[tilespmem:s7+$0xA000] =	vst v27;
	v25 =	vld.idx.msk [tilespmem:v25+s3+$0x0], $0xffff  }
0x221: {  	s1 =	sor.u32 $0x200, s24;
	s19 =	sor.u32 $0x380, s28;
	v29 =	vadd.s32 $0x6300, v1;
	v20 =	vadd.s32 $0x6280, v13;
	s7 =	sor.u32 $0x300, s24;
	v10 =	vadd.s32 $0x6200, v13;
	v27 =	vld.idx.msk [tilespmem:v31+s3+$0x0], $0xffff  }
.LBB2_16:
0x222: {  	v31 =	vld [tilespmem:s8+$0x0];
	v32 =	vadd.s32 $0x6300, v13;
	v33 =	vadd.s32 $0x6280, v12;
	v34 =	vadd.s32 $0x6080, v9;
	s12 =	sadd.s32 $0x200, s12  }
0x223: {  	v13 =	vadd.s32 $0x6380, v13;
	v35 =	vadd.s32 $0x6300, v12;
	v12 =	vadd.s32 $0x6380, v12;
	s0 =	sand.u32 $0x1C00, s12;
	s24 =	sor.u32 s12, s10;
	v28 =	vld.idx.msk [tilespmem:v28+s3+$0x0], $0xffff;
	[tilespmem:s9+$0xA000] =	vst v23  }
0x224: {  	s28 =	sor.u32 $0xA000, s0;
	s25 =	sor.u32 $0x380, s24;
	v23 =	vld.idx.msk [tilespmem:v26+s3+$0x0], $0xffff;
	[tilespmem:s1+$0xA000] =	vst v24;
	s1 =	sor.u32 $0x280, s20  }
0x225: {  	s0 =	sor.u32 s4, s28;
	s30 =	sor.u32 s29, s28;
	s9 =	sor.u32 s15, s28;
	v24 =	vld.idx.msk [tilespmem:v8+s3+$0x0], $0xffff;
	[tilespmem:s1+$0xA000] =	vst v25;
	v8 =	vmov v20  }
0x226: {  	s1 =	sor.u32 s16, s28;
	[tilespmem:s9+$0x0] =	vst v30;
	v20 =	vld.idx.msk [tilespmem:v29+s3+$0x0], $0xffff  }
0x227: {  	[tilespmem:s0+$0x0] =	vst v17;
	v17 =	vld.idx.msk [tilespmem:v34+s3+$0x0], $0xffff  }
0x228: {  	v25 =	vadd.s32 $0x6380, v1;
	v1 =	vmov v9;
	v19 =	vld.idx.msk [tilespmem:v19+s3+$0x0], $0xffff;
	[tilespmem:s31+$0xA000] =	vst v27  }
0x229: {  	v9 =	vadd.s32 $0x6100, v1;
	[tilespmem:s30+$0x0] =	vst v28;
	v26 =	vld.idx.msk [tilespmem:v7+s3+$0x0], $0xffff;
	v7 =	vmov v33  }
0x22a: {  	v27 =	vadd.s32 $0x6100, v2;
	v21 =	vld.idx.msk [tilespmem:v21+s3+$0x0], $0xffff;
	[tilespmem:s1+$0x0] =	vst v23  }
0x22b: {  	s4 =	sor.u32 $0x300, s20;
	v22 =	vld.idx.msk [tilespmem:v22+s3+$0x0], $0xffff;
	[tilespmem:s17+$0xA000] =	vst v24  }
0x22c: {  	v23 =	vld.idx.msk [tilespmem:v6+s3+$0x0], $0xffff;
	[tilespmem:s4+$0xA000] =	vst v20;
	v6 =	vmov v32  }
0x22d: {  	[tilespmem:s9+$0x80] =	vst v17;
	v17 =	vld.idx.msk [tilespmem:v25+s3+$0x0], $0xffff  }
0x22e: {  	[tilespmem:s0+$0x80] =	vst v19;
	v9 =	vld.idx.msk [tilespmem:v9+s3+$0x0], $0xffff;
	v19 =	vadd.s32 $0x6300, v0  }
0x22f: {  	v20 =	vld.idx.msk [tilespmem:v27+s3+$0x0], $0xffff;
	[tilespmem:s13+$0xA000] =	vst v26  }
0x230: {  	[tilespmem:s30+$0x80] =	vst v21;
	v21 =	vadd.s32 $0x6180, v1;
	v24 =	vld.idx.msk [tilespmem:v5+s3+$0x0], $0xffff;
	v5 =	vmov v35  }
0x231: {  	v25 =	vadd.s32 $0x6180, v2;
	v18 =	vld.idx.msk [tilespmem:v18+s3+$0x0], $0xffff;
	[tilespmem:s1+$0x80] =	vst v22  }
0x232: {  	s4 =	sor.u32 $0x380, s20;
	v16 =	vld.idx.msk [tilespmem:v16+s3+$0x0], $0xffff;
	[tilespmem:s18+$0xA000] =	vst v23  }
0x233: {  	s10 =	sadd.s32 $0x40, s10;
	v19 =	vld.idx.msk [tilespmem:v19+s3+$0x0], $0xffff;
	[tilespmem:s4+$0xA000] =	vst v17  }
0x234: {  	s22 =	sadd.s32 $0x4, s22;
	s13 =	sand.u32 $0x380, s10;
	s4 =	sand.u32 $0x40, s10;
	[tilespmem:s9+$0x100] =	vst v9;
	v9 =	vld.idx.msk [tilespmem:v4+s3+$0x0], $0xffff;
	v4 =	vmov v13  }
0x235: {  	p3 =	slt.u32 s22, $0x3C;
	s13 =	sor.u32 $0xC000, s13;
	s15 =	sor.u32 $0x30, s4;
	[tilespmem:s0+$0x100] =	vst v20;
	v13 =	vld.idx.msk [tilespmem:v21+s3+$0x0], $0xffff  }
0x236: {  	s29 =	sor.u32 $0x10, s4;
	s16 =	sor.u32 $0x20, s4;
	s17 =	sor.u32 s15, s13;
	v17 =	vld.idx.msk [tilespmem:v25+s3+$0x0], $0xffff;
	[tilespmem:s7+$0xA000] =	vst v24  }
0x237: {  	s7 =	sor.u32 s29, s13;
	s13 =	sor.u32 s16, s13;
	v20 =	vld [tilespmem:s17+$0x0];
	[tilespmem:s30+$0x100] =	vst v18;
	v18 =	vadd.s32 $0x6200, v1  }
0x238: {  	v23 =	vadd.s32 $0x6200, v2;
	v21 =	vshll.u32 v31, $0x3;
	v22 =	vld [tilespmem:s7+$0x0];
	[tilespmem:s1+$0x100] =	vst v16  }
0x239: {  	v21 =	vand.u32 $0xFFFFFC00, v21;
	v16 =	vand.u32 $0x7F, v31;
	v24 =	vld [tilespmem:s13+$0x0];
	[tilespmem:s26+$0xA000] =	vst v19  }
0x23a: {  	v19 =	vadd.s32 $0x6380, v0;
	v0 =	vmov v2;
	v2 =	vor.u32 v16, v21;
	v15 =	vld.idx.msk [tilespmem:v15+s3+$0x0], $0xffff;
	[tilespmem:s19+$0xA000] =	vst v9  }
0x23b: {  	v16 =	vadd.s32 $0x6000, v2;
	v14 =	vld.idx.msk [tilespmem:v14+s3+$0x0], $0xffff;
	[tilespmem:s9+$0x180] =	vst v13  }
0x23c: {  	p0 =	por !p0, !p0;
	[tilespmem:s0+$0x180] =	vst v17;
	s0 =	simm.s32 $0x1  }
0x23d: {  	v9 =	vshll.u32 v20, $0x3;
	v18 =	vld.idx.msk [tilespmem:v18+s3+$0x0], $0xffff;
	s0 =	simm.s32 @!p0 $0x0  }
0x23e: {  	v17 =	vand.u32 $0x7F, v20;
	v13 =	vshll.u32 v22, $0x3;
	v9 =	vand.u32 $0xFFFFFC00, v9;
	v20 =	vld.idx.msk [tilespmem:v23+s3+$0x0], $0xffff;
	s0 =	sshll.u32 s0, $0x6  }
0x23f: {  	v25 =	vadd.s32 $0x6280, v1;
	v21 =	vshll.u32 v24, $0x3;
	v9 =	vor.u32 v17, v9;
	v27 =	vld.idx.msk [tilespmem:v3+s3+$0x0], $0xffff;
	v3 =	vmovc v12;
	s0 =	sadd.s32 s0, s12  }
0x240: {  	v12 =	vand.u32 $0xFFFFFC00, v13;
	v21 =	vand.u32 $0xFFFFFC00, v21;
	v29 =	vadd.s32 $0x6000, v9;
	v31 =	vld.idx.msk [tilespmem:v19+s3+$0x0], $0xffff;
	s19 =	sadd.s32 $0x10, s0  }
0x241: {  	v32 =	vadd.s32 $0x6280, v0;
	v13 =	vand.u32 $0x7F, v22;
	v17 =	vld.idx.msk [tilespmem:v16+s3+$0x0], $0xffff;
	v16 =	vand.u32 $0x7F, v24;
	[tilespmem:s30+$0x180] =	vst v15;
	s24 =	sadd.s32 $0x20, s0;
	s20 =	sadd.s32 $0x30, s0;
	s9 =	sor.u32 $0x200, s19  }
.Ltmp8:
0x242: {  	v19 =	vadd.s32 $0x6080, v2;
	v13 =	vor.u32 v13, v12;
	v12 =	vor.u32 v16, v21;
	v23 =	vld.idx.msk [tilespmem:v10+s3+$0x0], $0xffff;
	[tilespmem:s1+$0x180] =	vst v14;
	s1 =	sor.u32 $0x200, s24;
	s7 =	sor.u32 $0x200, s20;
	(pc) =	sbr.rel @p3 .LBB2_16-.Ltmp8, $4  }
0x243: {  	v28 =	vadd.s32 $0x6000, v13;
	s18 =	sor.u32 $0x200, s0;
	v21 =	vadd.s32 $0x6080, v13;
	s17 =	sor.u32 $0x280, s19;
	s13 =	sor.u32 $0x280, s24;
	v26 =	vadd.s32 $0x6000, v12;
	v24 =	vld.idx.msk [tilespmem:v11+s3+$0x0], $0xffff;
	[tilespmem:s7+$0xA000] =	vst v18  }
0x244: {  	s31 =	sor.u32 $0x280, s0;
	v18 =	vadd.s32 $0x6100, v13;
	v22 =	vadd.s32 $0x6080, v12;
	v16 =	vadd.s32 $0x6100, v12;
	s7 =	sor.u32 $0x300, s24;
	[tilespmem:s18+$0xA000] =	vst v20;
	s18 =	sor.u32 $0x300, s19;
	v25 =	vld.idx.msk [tilespmem:v25+s3+$0x0], $0xffff  }
0x245: {  	v15 =	vadd.s32 $0x6180, v13;
	s26 =	sor.u32 $0x300, s0;
	v10 =	vadd.s32 $0x6200, v13;
	v14 =	vadd.s32 $0x6180, v12;
	s19 =	sor.u32 $0x380, s19;
	v30 =	vld.idx.msk [tilespmem:v29+s3+$0x0], $0xffff;
	[tilespmem:s14+$0xA000] =	vst v27;
	s14 =	sor.u32 $0x380, s24  }
0x246: {  	s8 =	sadd.s32 $0x40, s8;
	v11 =	vadd.s32 $0x6200, v12;
	v20 =	vadd.s32 $0x6280, v13;
	v29 =	vadd.s32 $0x6300, v1;
	v27 =	vld.idx.msk [tilespmem:v32+s3+$0x0], $0xffff;
	[tilespmem:s11+$0xA000] =	vst v31;
	s11 =	smov.u32 s25  }
0x247: {  	_ =	sdelay $0x3  }
0x248: {  	v31 =	vadd.s32 $0x6080, v9;
	s0 =	sadd.s32 $0x200, s12;
	v28 =	vld.idx.msk [tilespmem:v28+s3+$0x0], $0xffff  }
0x249: {  	v26 =	vld.idx.msk [tilespmem:v26+s3+$0x0], $0xffff;
	s8 =	sand.u32 $0x1C00, s0  }
0x24a: {  	s8 =	sor.u32 $0xA000, s8  }
0x24b: {  	s28 =	sor.u32 s15, s8  }
0x24c: {  	s29 =	sor.u32 s29, s8;
	[tilespmem:s28+$0x0] =	vst v30  }
0x24d: {  	s16 =	sor.u32 s16, s8;
	v30 =	vld.idx.msk [tilespmem:v31+s3+$0x0], $0xffff;
	[tilespmem:s29+$0x0] =	vst v28  }
0x24e: {  	v63 =	vadd.s32 $0x6100, v9;
	s4 =	sor.u32 s4, s8;
	[tilespmem:s16+$0x0] =	vst v26;
	v21 =	vld.idx.msk [tilespmem:v21+s3+$0x0], $0xffff  }
0x24f: {  	[tilespmem:s4+$0x0] =	vst v17;
	v26 =	vld.idx.msk [tilespmem:v22+s3+$0x0], $0xffff  }
0x250: {  	[tilespmem:s9+$0xA000] =	vst v23;
	v19 =	vld.idx.msk [tilespmem:v19+s3+$0x0], $0xffff  }
0x251: {  	[tilespmem:s1+$0xA000] =	vst v24;
	v31 =	vadd.s32 $0x6100, v2  }
0x252: {  	[tilespmem:s28+$0x80] =	vst v30  }
0x253: {  	v32 =	vld.idx.msk [tilespmem:v63+s3+$0x0], $0xffff;
	[tilespmem:s29+$0x80] =	vst v21  }
0x254: {  	v33 =	vadd.s32 $0x6180, v9;
	[tilespmem:s16+$0x80] =	vst v26;
	v18 =	vld.idx.msk [tilespmem:v18+s3+$0x0], $0xffff  }
0x255: {  	s30 =	sor.u32 $0x280, s20;
	[tilespmem:s4+$0x80] =	vst v19;
	v16 =	vld.idx.msk [tilespmem:v16+s3+$0x0], $0xffff  }
0x256: {  	[tilespmem:s30+$0xA000] =	vst v25;
	v34 =	vld.idx.msk [tilespmem:v31+s3+$0x0], $0xffff  }
0x257: {  	v35 =	vadd.s32 $0x6180, v2;
	v8 =	vld.idx.msk [tilespmem:v8+s3+$0x0], $0xffff;
	[tilespmem:s31+$0xA000] =	vst v27  }
0x258: {  	v7 =	vld.idx.msk [tilespmem:v7+s3+$0x0], $0xffff;
	[tilespmem:s28+$0x100] =	vst v32  }
0x259: {  	v46 =	vadd.s32 $0x6300, v0;
	v21 =	vld.idx.msk [tilespmem:v33+s3+$0x0], $0xffff;
	[tilespmem:s29+$0x100] =	vst v18  }
0x25a: {  	v37 =	vadd.s32 $0x6200, v9;
	[tilespmem:s16+$0x100] =	vst v16;
	v15 =	vld.idx.msk [tilespmem:v15+s3+$0x0], $0xffff  }
0x25b: {  	[tilespmem:s4+$0x100] =	vst v34;
	v14 =	vld.idx.msk [tilespmem:v14+s3+$0x0], $0xffff  }
0x25c: {  	[tilespmem:s17+$0xA000] =	vst v8;
	v38 =	vld.idx.msk [tilespmem:v35+s3+$0x0], $0xffff  }
0x25d: {  	v39 =	vadd.s32 $0x6200, v2;
	v36 =	vld.idx.msk [tilespmem:v29+s3+$0x0], $0xffff;
	[tilespmem:s13+$0xA000] =	vst v7  }
0x25e: {  	p0 =	por !p0, !p0;
	s1 =	simm.s32 $0x1;
	v53 =	vld.idx.msk [tilespmem:v46+s3+$0x0], $0xffff;
	[tilespmem:s28+$0x180] =	vst v21  }
0x25f: {  	s1 =	simm.s32 @!p0 $0x0;
	v40 =	vld.idx.msk [tilespmem:v37+s3+$0x0], $0xffff;
	[tilespmem:s29+$0x180] =	vst v15  }
0x260: {  	v41 =	vadd.s32 $0x6280, v9;
	s1 =	sshll.u32 s1, $0x6;
	[tilespmem:s16+$0x180] =	vst v14;
	v10 =	vld.idx.msk [tilespmem:v10+s3+$0x0], $0xffff  }
0x261: {  	s2 =	sor.u32 $0x300, s20;
	s8 =	sadd.s32 s1, s0;
	[tilespmem:s4+$0x180] =	vst v38;
	v42 =	vld.idx.msk [tilespmem:v11+s3+$0x0], $0xffff  }
0x262: {  	v43 =	vadd.s32 $0x6280, v12;
	s1 =	sadd.s32 $0x30, s8;
	[tilespmem:s2+$0xA000] =	vst v36;
	v44 =	vld.idx.msk [tilespmem:v39+s3+$0x0], $0xffff  }
0x263: {  	v45 =	vadd.s32 $0x6280, v2;
	s12 =	sadd.s32 $0x10, s8;
	s25 =	sor.u32 $0x200, s1;
	v6 =	vld.idx.msk [tilespmem:v6+s3+$0x0], $0xffff;
	[tilespmem:s26+$0xA000] =	vst v53  }
0x264: {  	v1 =	vadd.s32 $0x6380, v1;
	v5 =	vld.idx.msk [tilespmem:v5+s3+$0x0], $0xffff;
	s28 =	sadd.s32 $0x20, s8;
	s29 =	sor.u32 $0x200, s12;
	[tilespmem:s25+$0xA000] =	vst v40  }
0x265: {  	v55 =	vadd.s32 $0x6380, v0;
	s30 =	sor.u32 $0x200, s28;
	v15 =	vld.idx.msk [tilespmem:v41+s3+$0x0], $0xffff;
	[tilespmem:s29+$0xA000] =	vst v10  }
0x266: {  	v47 =	vadd.s32 $0x6300, v9;
	s31 =	sor.u32 $0x200, s8;
	[tilespmem:s30+$0xA000] =	vst v42;
	v48 =	vld.idx.msk [tilespmem:v20+s3+$0x0], $0xffff  }
0x267: {  	v49 =	vadd.s32 $0x6300, v13;
	[tilespmem:s31+$0xA000] =	vst v44;
	v50 =	vld.idx.msk [tilespmem:v43+s3+$0x0], $0xffff  }
0x268: {  	v51 =	vadd.s32 $0x6300, v12;
	[tilespmem:s18+$0xA000] =	vst v6;
	v52 =	vld.idx.msk [tilespmem:v45+s3+$0x0], $0xffff  }
0x269: {  	v54 =	vadd.s32 $0x6300, v2;
	s15 =	sor.u32 $0x280, s1;
	v1 =	vld.idx.msk [tilespmem:v1+s3+$0x0], $0xffff;
	[tilespmem:s7+$0xA000] =	vst v5  }
0x26a: {  	v0 =	vld.idx.msk [tilespmem:v55+s3+$0x0], $0xffff;
	s16 =	sor.u32 $0x280, s12;
	[tilespmem:s15+$0xA000] =	vst v15  }
0x26b: {  	s17 =	sor.u32 $0x280, s28;
	v10 =	vld.idx.msk [tilespmem:v47+s3+$0x0], $0xffff;
	[tilespmem:s16+$0xA000] =	vst v48  }
0x26c: {  	v56 =	vadd.s32 $0x6380, v9;
	s18 =	sor.u32 $0x280, s8;
	[tilespmem:s17+$0xA000] =	vst v50;
	v57 =	vld.idx.msk [tilespmem:v49+s3+$0x0], $0xffff  }
0x26d: {  	v58 =	vadd.s32 $0x6380, v13;
	s2 =	sor.u32 $0x380, s20;
	[tilespmem:s18+$0xA000] =	vst v52;
	v59 =	vld.idx.msk [tilespmem:v51+s3+$0x0], $0xffff  }
0x26e: {  	v60 =	vadd.s32 $0x6380, v12;
	[tilespmem:s2+$0xA000] =	vst v1;
	v5 =	vld.idx.msk [tilespmem:v54+s3+$0x0], $0xffff  }
0x26f: {  	v61 =	vadd.s32 $0x6380, v2;
	s20 =	sor.u32 $0x300, s1;
	v4 =	vld.idx.msk [tilespmem:v4+s3+$0x0], $0xffff;
	[tilespmem:s11+$0xA000] =	vst v0  }
0x270: {  	s22 =	sor.u32 $0x300, s12;
	v3 =	vld.idx.msk [tilespmem:v3+s3+$0x0], $0xffff;
	[tilespmem:s20+$0xA000] =	vst v10  }
0x271: {  	s24 =	sor.u32 $0x300, s28;
	v62 =	vld.idx.msk [tilespmem:v56+s3+$0x0], $0xffff;
	[tilespmem:s22+$0xA000] =	vst v57  }
0x272: {  	s4 =	sor.u32 $0x300, s8;
	[tilespmem:s24+$0xA000] =	vst v59;
	v63 =	vld.idx.msk [tilespmem:v58+s3+$0x0], $0xffff  }
0x273: {  	[tilespmem:s4+$0xA000] =	vst v5;
	v1 =	vld.idx.msk [tilespmem:v60+s3+$0x0], $0xffff  }
0x274: {  	[tilespmem:s19+$0xA000] =	vst v4;
	v2 =	vld.idx.msk [tilespmem:v61+s3+$0x0], $0xffff  }
0x275: {  	s1 =	sor.u32 $0x380, s1;
	[tilespmem:s14+$0xA000] =	vst v3  }
0x276: {  	s25 =	sor.u32 $0x380, s12;
	[tilespmem:s1+$0xA000] =	vst v62  }
0x277: {  	s0 =	sor.u32 s0, s10;
	s26 =	sor.u32 $0x380, s28;
	[tilespmem:s25+$0xA000] =	vst v63  }
0x278: {  	s0 =	sor.u32 $0x380, s0;
	s2 =	rddreg [dreg:$0xf];
	[tilespmem:s26+$0xA000] =	vst v1  }
0x279: {  	p6 =	por $0x1, $0x1;
	[tilespmem:s0+$0xA000] =	vst v2;
	s28 =	sadd.s32 s2, s6  }
0x27a: {  	p0 =	por $0x1, $0x1;
	s14 =	rddreg [dreg:$0xd];
	s29 =	sshrl.u32 s28, $0x3  }
0x27b: {  	s31 =	simm.s32 $0xA000;
	s12 =	rddreg [dreg:$0xb];
	s30 =	sadd.s32 s23, s29  }
0x27c: {  	[hbm4b:s30+s3] =	stream.linear.scatter [tilespmem:s31], [sflag:$0x4], $0x2000, $0x38;
	[tilespmem:$0xE680] =	vst v63  }
.LBB2_18:
0x27d: {  	p4 =	seq.s32 s5, $0x18  }
0x27e: {  	s1 =	rddreg [dreg:$0x10];
	s25 =	simm.s32 $0x2;
	s0 =	sshll.u32 @!p4 s5, $0x8  }
0x27f: {  	s4 =	simm.s32 @!p4 $0xC000;
	s0 =	sadd.s32 @!p4 s0, s1;
	s1 =	simm.s32 @!p4 $0x0  }
0x280: {  	[tilespmem:s4], [sflag:$0x1] =	stream.linear.gather @!p4 [hbm4b:s0+s1], $0x400, $0x38;
	[tilespmem:$0xE680] =	vst v63  }
0x281: {  	_ =	swait.ge [sflag:s25], $0x400  }
0x282: {  	[sflag:s25] =	ssyncset.done $0x0  }
0x283: {  	s2 =	simm.s32 $0x3;
	s4 =	simm.s32 $0x0;
	[sflag:s25] =	ssyncadd.s32 $0xFFFFFC00  }
0x284: {  	s26 =	sand.u32 $0x40, s4;
	s28 =	sand.u32 $0x380, s4;
	_ =	swait.ge [sflag:s2], $0x2000  }
0x285: {  	s1 =	sor.u32 $0xC400, s28;
	s7 =	sor.u32 $0x30, s26;
	[sflag:s2] =	ssyncset.done $0x0  }
0x286: {  	s8 =	sor.u32 s7, s1;
	[sflag:s2] =	ssyncadd.s32 $0xFFFFE000  }
0x287: {  	s9 =	simm.s32 $0xC400;
	v0 =	vld [tilespmem:s8+$0x0]  }
0x288: {  	s30 =	sor.u32 $0x10, s26;
	v1 =	vld [tilespmem:s9+$0x0]  }
0x289: {  	s31 =	sor.u32 $0x20, s26;
	s10 =	sor.u32 s30, s1  }
0x28a: {  	s1 =	sor.u32 s31, s1;
	v2 =	vld [tilespmem:s10+$0x0]  }
0x28b: {  	v3 =	vld [tilespmem:s1+$0x0]  }
0x28c: {  	v4 =	vshll.u32 v0, $0x3  }
0x28d: {  	v5 =	vshll.u32 v1, $0x3;
	v0 =	vand.u32 $0x7F, v0;
	v4 =	vand.u32 $0xFFFFFC00, v4  }
0x28e: {  	v1 =	vand.u32 $0x7F, v1;
	v6 =	vand.u32 $0xFFFFFC00, v5;
	v5 =	vor.u32 v0, v4  }
0x28f: {  	v0 =	vor.u32 v1, v6;
	v1 =	vshll.u32 v2, $0x3  }
0x290: {  	v4 =	vshll.u32 v3, $0x3;
	v2 =	vand.u32 $0x7F, v2;
	v1 =	vand.u32 $0xFFFFFC00, v1  }
0x291: {  	v6 =	vand.u32 $0xFFFFFC00, v4;
	v4 =	vor.u32 v2, v1;
	v1 =	vand.u32 $0x7F, v3  }
0x292: {  	v3 =	vor.u32 v1, v6  }
0x293: {  	v1 =	vld.idx.msk [tilespmem:v5+s3+$0x0], $0xffff  }
0x294: {  	v6 =	vor.u32 $0x80, v5;
	v2 =	vld.idx.msk [tilespmem:v0+s3+$0x0], $0xffff  }
0x295: {  	s2 =	sand.u32 $0x1C00, s4;
	v7 =	vor.u32 $0x80, v0  }
0x296: {  	s1 =	sor.u32 $0x8000, s2;
	v8 =	vld.idx.msk [tilespmem:v4+s3+$0x0], $0xffff  }
0x297: {  	s13 =	sor.u32 s7, s1;
	v9 =	vor.u32 $0x80, v4;
	v10 =	vld.idx.msk [tilespmem:v3+s3+$0x0], $0xffff  }
0x298: {  	s0 =	sor.u32 s26, s1;
	v11 =	vor.u32 $0x80, v3;
	[tilespmem:s13+$0x0] =	vst v1  }
0x299: {  	[tilespmem:s0+$0x0] =	vst v2;
	v1 =	vld.idx.msk [tilespmem:v6+s3+$0x0], $0xffff  }
0x29a: {  	s16 =	sor.u32 s30, s1;
	v2 =	vld.idx.msk [tilespmem:v7+s3+$0x0], $0xffff;
	v6 =	vor.u32 $0x100, v5  }
0x29b: {  	s9 =	sor.u32 s31, s1;
	v7 =	vor.u32 $0x100, v0;
	[tilespmem:s16+$0x0] =	vst v8  }
0x29c: {  	v8 =	vld.idx.msk [tilespmem:v9+s3+$0x0], $0xffff;
	[tilespmem:s9+$0x0] =	vst v10  }
0x29d: {  	v9 =	vor.u32 $0x100, v4;
	v10 =	vld.idx.msk [tilespmem:v11+s3+$0x0], $0xffff  }
0x29e: {  	v11 =	vor.u32 $0x100, v3;
	[tilespmem:s13+$0x80] =	vst v1  }
0x29f: {  	[tilespmem:s0+$0x80] =	vst v2;
	v1 =	vld.idx.msk [tilespmem:v6+s3+$0x0], $0xffff  }
0x2a0: {  	v2 =	vld.idx.msk [tilespmem:v7+s3+$0x0], $0xffff;
	v6 =	vor.u32 $0x180, v5  }
0x2a1: {  	v7 =	vor.u32 $0x180, v0;
	[tilespmem:s16+$0x80] =	vst v8  }
0x2a2: {  	v8 =	vld.idx.msk [tilespmem:v9+s3+$0x0], $0xffff;
	[tilespmem:s9+$0x80] =	vst v10  }
0x2a3: {  	s10 =	simm.s32 $0x40;
	s7 =	simm.s32 $0xC440;
	v9 =	vor.u32 $0x180, v4;
	v10 =	vld.idx.msk [tilespmem:v11+s3+$0x0], $0xffff  }
0x2a4: {  	s8 =	sand.u32 $0x40, s10;
	s22 =	sand.u32 $0x380, s10;
	v11 =	vld [tilespmem:s7+$0x0];
	[tilespmem:s13+$0x100] =	vst v1  }
0x2a5: {  	s1 =	sor.u32 $0xC400, s22;
	s15 =	sor.u32 $0x30, s8;
	[tilespmem:s0+$0x100] =	vst v2;
	v1 =	vld.idx.msk [tilespmem:v6+s3+$0x0], $0xffff  }
0x2a6: {  	s11 =	sor.u32 s15, s1;
	v2 =	vor.u32 $0x180, v3;
	v6 =	vld.idx.msk [tilespmem:v7+s3+$0x0], $0xffff  }
0x2a7: {  	s24 =	sor.u32 $0x10, s8;
	v7 =	vor.u32 $0x200, v5;
	[tilespmem:s16+$0x100] =	vst v8;
	v8 =	vld [tilespmem:s11+$0x0]  }
0x2a8: {  	s26 =	sor.u32 $0x20, s8;
	s17 =	sor.u32 s24, s1;
	v9 =	vld.idx.msk [tilespmem:v9+s3+$0x0], $0xffff  }
0x2a9: {  	s1 =	sor.u32 s26, s1;
	v13 =	vld [tilespmem:s17+$0x0];
	v12 =	vor.u32 $0x200, v4;
	v14 =	vshll.u32 v11, $0x3  }
0x2aa: {  	v15 =	vld [tilespmem:s1+$0x0];
	[tilespmem:s9+$0x100] =	vst v10;
	v10 =	vor.u32 $0x200, v0;
	v11 =	vand.u32 $0x7F, v11;
	v14 =	vand.u32 $0xFFFFFC00, v14  }
0x2ab: {  	s1 =	simm.s32 $0x1;
	v16 =	vld.idx.msk [tilespmem:v2+s3+$0x0], $0xffff;
	[tilespmem:s13+$0x180] =	vst v1;
	v1 =	vor.u32 v11, v14  }
0x2ac: {  	s1 =	simm.s32 @!p5 $0x0;
	v11 =	vor.u32 $0x200, v3;
	v7 =	vld.idx.msk [tilespmem:v7+s3+$0x0], $0xffff;
	v2 =	vshll.u32 v8, $0x3  }
0x2ad: {  	s1 =	sshll.u32 s1, $0x6;
	v8 =	vand.u32 $0x7F, v8;
	[tilespmem:s16+$0x180] =	vst v9;
	v2 =	vand.u32 $0xFFFFFC00, v2;
	v9 =	vor.u32 $0x280, v5  }
0x2ae: {  	s1 =	sadd.s32 $0x0, s1;
	v14 =	vor.u32 $0x280, v4;
	[tilespmem:s0+$0x180] =	vst v6;
	v6 =	vld.idx.msk [tilespmem:v12+s3+$0x0], $0xffff;
	v12 =	vshll.u32 v13, $0x3;
	v2 =	vor.u32 v8, v2  }
0x2af: {  	s0 =	sadd.s32 $0x30, s1;
	v8 =	vld.idx.msk [tilespmem:v10+s3+$0x0], $0xffff;
	v10 =	vshll.u32 v15, $0x3;
	v13 =	vand.u32 $0x7F, v13;
	v12 =	vand.u32 $0xFFFFFC00, v12  }
0x2b0: {  	s28 =	sor.u32 $0x200, s0;
	v10 =	vand.u32 $0xFFFFFC00, v10;
	[tilespmem:s9+$0x180] =	vst v16;
	v17 =	vld.idx.msk [tilespmem:v1+s3+$0x0], $0xffff;
	v21 =	vor.u32 v13, v12;
	v12 =	vand.u32 $0x7F, v15  }
0x2b1: {  	s9 =	sadd.s32 $0x10, s1;
	v11 =	vld.idx.msk [tilespmem:v11+s3+$0x0], $0xffff;
	v10 =	vor.u32 v12, v10;
	[tilespmem:s28+$0x8000] =	vst v7  }
0x2b2: {  	s30 =	sor.u32 $0x200, s9;
	v7 =	vor.u32 $0x280, v0;
	v9 =	vld.idx.msk [tilespmem:v9+s3+$0x0], $0xffff  }
0x2b3: {  	s19 =	simm.s32 $0x200;
	s31 =	sor.u32 $0x200, s1;
	v12 =	vor.u32 $0x280, v3;
	v13 =	vld.idx.msk [tilespmem:v2+s3+$0x0], $0xffff;
	[tilespmem:s30+$0x8000] =	vst v6  }
0x2b4: {  	s18 =	sand.u32 $0x1C00, s19;
	s13 =	sadd.s32 $0x20, s1;
	[tilespmem:s31+$0x8000] =	vst v8;
	v8 =	vor.u32 $0x80, v1;
	v6 =	vld.idx.msk [tilespmem:v14+s3+$0x0], $0xffff  }
0x2b5: {  	s2 =	sor.u32 $0x200, s13;
	s16 =	sor.u32 $0x8000, s18;
	v14 =	vor.u32 $0x300, v5;
	v15 =	vld.idx.msk [tilespmem:v21+s3+$0x0], $0xffff  }
0x2b6: {  	s25 =	sor.u32 s8, s16;
	v16 =	vor.u32 $0x80, v2;
	[tilespmem:s2+$0x8000] =	vst v11;
	v18 =	vld.idx.msk [tilespmem:v10+s3+$0x0], $0xffff  }
0x2b7: {  	s20 =	sor.u32 $0x280, s0;
	v19 =	vor.u32 $0x80, v21;
	[tilespmem:s25+$0x0] =	vst v17;
	v22 =	vld.idx.msk [tilespmem:v7+s3+$0x0], $0xffff  }
0x2b8: {  	s18 =	sor.u32 s15, s16;
	v7 =	vor.u32 $0x80, v10;
	v11 =	vld.idx.msk [tilespmem:v12+s3+$0x0], $0xffff;
	[tilespmem:s20+$0x8000] =	vst v9  }
0x2b9: {  	s22 =	sor.u32 $0x280, s9;
	v9 =	vor.u32 $0x300, v4;
	[tilespmem:s18+$0x0] =	vst v13;
	v8 =	vld.idx.msk [tilespmem:v8+s3+$0x0], $0xffff  }
0x2ba: {  	s29 =	sor.u32 s24, s16;
	v13 =	vor.u32 $0x300, v3;
	v12 =	vld.idx.msk [tilespmem:v14+s3+$0x0], $0xffff;
	[tilespmem:s22+$0x8000] =	vst v6  }
0x2bb: {  	s8 =	sor.u32 s26, s16;
	v5 =	vor.u32 $0x380, v5;
	v16 =	vld.idx.msk [tilespmem:v16+s3+$0x0], $0xffff;
	[tilespmem:s29+$0x0] =	vst v15  }
0x2bc: {  	s24 =	sor.u32 $0x280, s13;
	v17 =	vor.u32 $0x100, v2;
	v15 =	vld.idx.msk [tilespmem:v19+s3+$0x0], $0xffff;
	[tilespmem:s8+$0x0] =	vst v18  }
0x2bd: {  	s28 =	sor.u32 $0x280, s1;
	v19 =	vor.u32 $0x100, v1;
	[tilespmem:s24+$0x8000] =	vst v11;
	v7 =	vld.idx.msk [tilespmem:v7+s3+$0x0], $0xffff  }
0x2be: {  	s26 =	sor.u32 $0x300, s0;
	v6 =	vor.u32 $0x100, v21;
	[tilespmem:s28+$0x8000] =	vst v22;
	v23 =	vld.idx.msk [tilespmem:v9+s3+$0x0], $0xffff  }
0x2bf: {  	v20 =	vor.u32 $0x100, v10;
	v14 =	vld.idx.msk [tilespmem:v13+s3+$0x0], $0xffff;
	[tilespmem:s26+$0x8000] =	vst v12  }
0x2c0: {  	[tilespmem:s18+$0x80] =	vst v16;
	v16 =	vor.u32 $0x300, v0;
	v24 =	vld.idx.msk [tilespmem:v5+s3+$0x0], $0xffff  }
0x2c1: {  	v25 =	vor.u32 $0x380, v4;
	[tilespmem:s25+$0x80] =	vst v8;
	v18 =	vld.idx.msk [tilespmem:v17+s3+$0x0], $0xffff  }
0x2c2: {  	s4 =	sor.u32 s4, s4;
	v4 =	vor.u32 $0x380, v21;
	v17 =	vld.idx.msk [tilespmem:v19+s3+$0x0], $0xffff;
	[tilespmem:s29+$0x80] =	vst v15  }
0x2c3: {  	s7 =	simm.s32 $0x4;
	s11 =	sor.u32 $0x380, s4;
	v11 =	vor.u32 $0x200, v21;
	v22 =	vor.u32 $0x180, v2;
	v13 =	vor.u32 $0x180, v21;
	v19 =	vld.idx.msk [tilespmem:v6+s3+$0x0], $0xffff;
	[tilespmem:s8+$0x80] =	vst v7  }
0x2c4: {  	s4 =	sor.u32 $0x380, s13;
	s16 =	sor.u32 $0x300, s1;
	s30 =	sor.u32 $0x300, s9;
	v8 =	vor.u32 $0x280, v21;
	v6 =	vor.u32 $0x300, v21;
	v21 =	vor.u32 $0x180, v1;
	v20 =	vld.idx.msk [tilespmem:v20+s3+$0x0], $0xffff  }
0x2c5: {  	s0 =	sor.u32 $0x380, s0;
	s15 =	simm.s32 $0xC480;
	s31 =	sor.u32 s19, s10;
	v3 =	vor.u32 $0x380, v3;
	v9 =	vor.u32 $0x200, v10;
	v12 =	vor.u32 $0x180, v10;
	[tilespmem:s30+$0x8000] =	vst v23;
	v15 =	vld.idx.msk [tilespmem:v16+s3+$0x0], $0xffff  }
0x2c6: {  	s20 =	sor.u32 $0x380, s31;
	s22 =	sor.u32 $0x380, s9;
	s26 =	sor.u32 $0x300, s13;
	v5 =	vor.u32 $0x300, v10;
	v7 =	vor.u32 $0x280, v10;
	v10 =	vor.u32 $0x380, v10;
	v16 =	vld.idx.msk [tilespmem:v25+s3+$0x0], $0xffff;
	[tilespmem:s0+$0x8000] =	vst v24  }
.LBB2_19:
0x2c7: {  	v23 =	vld [tilespmem:s15+$0x0];
	[tilespmem:s18+$0x100] =	vst v18;
	s10 =	sadd.s32 $0x40, s10  }
0x2c8: {  	s7 =	sadd.s32 $0x4, s7;
	s0 =	sand.u32 $0x40, s10;
	s1 =	sand.u32 $0x380, s10;
	[tilespmem:s25+$0x100] =	vst v17;
	v17 =	vld.idx.msk [tilespmem:v22+s3+$0x0], $0xffff  }
0x2c9: {  	p3 =	slt.u32 s7, $0x3C;
	s9 =	sor.u32 $0xC400, s1;
	s1 =	sor.u32 $0x30, s0;
	v18 =	vld.idx.msk [tilespmem:v21+s3+$0x0], $0xffff;
	[tilespmem:s29+$0x100] =	vst v19  }
0x2ca: {  	s17 =	sor.u32 $0x10, s0;
	s13 =	sor.u32 $0x20, s0;
	v19 =	vor.u32 $0x200, v2;
	s24 =	sor.u32 s1, s9;
	v13 =	vld.idx.msk [tilespmem:v13+s3+$0x0], $0xffff;
	[tilespmem:s8+$0x100] =	vst v20  }
0x2cb: {  	v21 =	vor.u32 $0x200, v1;
	s28 =	sor.u32 s17, s9;
	s9 =	sor.u32 s13, s9;
	v20 =	vld [tilespmem:s24+$0x0];
	[tilespmem:s26+$0x8000] =	vst v14  }
0x2cc: {  	v14 =	vld [tilespmem:s28+$0x0];
	[tilespmem:s16+$0x8000] =	vst v15  }
0x2cd: {  	v15 =	vshll.u32 v23, $0x3;
	v22 =	vld [tilespmem:s9+$0x0];
	[tilespmem:s22+$0x8000] =	vst v16  }
0x2ce: {  	v16 =	vand.u32 $0x7F, v23;
	v15 =	vand.u32 $0xFFFFFC00, v15;
	v12 =	vld.idx.msk [tilespmem:v12+s3+$0x0], $0xffff;
	[tilespmem:s18+$0x180] =	vst v17;
	v17 =	vor.u32 $0x380, v0;
	v0 =	vmovc v1  }
0x2cf: {  	p5 =	por !p5, !p5;
	s9 =	simm.s32 $0x1;
	v1 =	vor.u32 v16, v15;
	[tilespmem:s25+$0x180] =	vst v18;
	v15 =	vld.idx.msk [tilespmem:v19+s3+$0x0], $0xffff  }
0x2d0: {  	s9 =	simm.s32 @!p5 $0x0;
	v16 =	vshll.u32 v20, $0x3;
	v18 =	vld.idx.msk [tilespmem:v21+s3+$0x0], $0xffff;
	[tilespmem:s29+$0x180] =	vst v13  }
0x2d1: {  	s9 =	sshll.u32 s9, $0x6;
	v13 =	vand.u32 $0x7F, v20;
	v16 =	vand.u32 $0xFFFFFC00, v16;
	v19 =	vld.idx.msk [tilespmem:v11+s3+$0x0], $0xffff;
	v11 =	vor.u32 $0x280, v2  }
0x2d2: {  	s16 =	sadd.s32 s9, s19;
	v20 =	vshll.u32 v14, $0x3;
	v21 =	vshll.u32 v22, $0x3;
	v16 =	vor.u32 v13, v16;
	v23 =	vld.idx.msk [tilespmem:v3+s3+$0x0], $0xffff;
	v3 =	vmovc v10  }
0x2d3: {  	s18 =	sadd.s32 $0x10, s16;
	s25 =	sadd.s32 $0x20, s16;
	s30 =	sadd.s32 $0x30, s16;
	v10 =	vand.u32 $0x7F, v14;
	v13 =	vand.u32 $0xFFFFFC00, v20;
	v14 =	vand.u32 $0xFFFFFC00, v21;
	v17 =	vld.idx.msk [tilespmem:v17+s3+$0x0], $0xffff  }
0x2d4: {  	s22 =	sor.u32 $0x200, s18;
	s9 =	sor.u32 $0x200, s30;
	v10 =	vor.u32 v10, v13;
	v13 =	vand.u32 $0x7F, v22;
	v21 =	vor.u32 $0x280, v0;
	v20 =	vld.idx.msk [tilespmem:v1+s3+$0x0], $0xffff;
	[tilespmem:s8+$0x180] =	vst v12;
	s8 =	sor.u32 $0x200, s25  }
0x2d5: {  	s24 =	sor.u32 $0x200, s16;
	s31 =	sor.u32 $0x280, s18;
	s28 =	sor.u32 $0x280, s25;
	v22 =	vor.u32 $0x80, v10;
	v24 =	vor.u32 $0x100, v10;
	v14 =	vor.u32 v13, v14;
	v25 =	vld.idx.msk [tilespmem:v9+s3+$0x0], $0xffff;
	[tilespmem:s9+$0x8000] =	vst v15  }
0x2d6: {  	s26 =	sor.u32 $0x300, s25;
	v13 =	vor.u32 $0x180, v10;
	v15 =	vor.u32 $0x80, v14;
	v26 =	vor.u32 $0x100, v14;
	s9 =	sor.u32 $0x300, s18;
	[tilespmem:s24+$0x8000] =	vst v18;
	s24 =	sor.u32 $0x280, s16;
	v18 =	vld.idx.msk [tilespmem:v11+s3+$0x0], $0xffff  }
0x2d7: {  	v12 =	vor.u32 $0x180, v14;
	v9 =	vor.u32 $0x200, v14;
	v11 =	vor.u32 $0x200, v10;
	s16 =	sor.u32 $0x300, s16;
	v27 =	vld.idx.msk [tilespmem:v16+s3+$0x0], $0xffff;
	[tilespmem:s22+$0x8000] =	vst v19;
	s22 =	sor.u32 $0x380, s18;
	s18 =	sor.u32 $0x380, s25  }
0x2d8: {  	v29 =	vor.u32 $0x300, v2;
	v19 =	vor.u32 $0x280, v14;
	v28 =	vld.idx.msk [tilespmem:v8+s3+$0x0], $0xffff;
	v8 =	vor.u32 $0x280, v10;
	[tilespmem:s4+$0x8000] =	vst v23;
	s4 =	smov.u32 s18  }
0x2d9: {  	s19 =	sadd.s32 $0x200, s19;
	v32 =	vor.u32 $0x80, v16;
	v30 =	vor.u32 $0x300, v10;
	v31 =	vor.u32 $0x300, v14;
	v23 =	vld.idx.msk [tilespmem:v10+s3+$0x0], $0xffff;
	[tilespmem:s11+$0x8000] =	vst v17;
	s11 =	smov.u32 s20  }
0x2da: {  	v33 =	vor.u32 $0x380, v10;
	s18 =	sand.u32 $0x1C00, s19;
	v17 =	vor.u32 $0x80, v1;
	s20 =	sor.u32 s19, s10;
	v10 =	vor.u32 $0x380, v14;
	v34 =	vld.idx.msk [tilespmem:v14+s3+$0x0], $0xffff  }
0x2db: {  	s2 =	sor.u32 $0x8000, s18;
	s20 =	sor.u32 $0x380, s20;
	v35 =	vld.idx.msk [tilespmem:v21+s3+$0x0], $0xffff;
	[tilespmem:s8+$0x8000] =	vst v25;
	s8 =	sor.u32 $0x280, s30  }
0x2dc: {  	s25 =	sor.u32 s0, s2;
	s29 =	sor.u32 s17, s2;
	s18 =	sor.u32 s1, s2;
	v14 =	vld.idx.msk [tilespmem:v7+s3+$0x0], $0xffff;
	[tilespmem:s8+$0x8000] =	vst v18;
	v7 =	vmov v19  }
0x2dd: {  	s8 =	sor.u32 s13, s2;
	[tilespmem:s18+$0x0] =	vst v27;
	v18 =	vld.idx.msk [tilespmem:v29+s3+$0x0], $0xffff  }
0x2de: {  	[tilespmem:s25+$0x0] =	vst v20;
	v19 =	vld.idx.msk [tilespmem:v32+s3+$0x0], $0xffff  }
0x2df: {  	v20 =	vor.u32 $0x380, v2;
	v2 =	vmov v16;
	v17 =	vld.idx.msk [tilespmem:v17+s3+$0x0], $0xffff;
	[tilespmem:s29+$0x0] =	vst v23  }
0x2e0: {  	v21 =	vor.u32 $0x100, v2;
	v16 =	vld.idx.msk [tilespmem:v22+s3+$0x0], $0xffff;
	[tilespmem:s8+$0x0] =	vst v34  }
0x2e1: {  	v22 =	vor.u32 $0x100, v1;
	v15 =	vld.idx.msk [tilespmem:v15+s3+$0x0], $0xffff;
	[tilespmem:s31+$0x8000] =	vst v28  }
0x2e2: {  	s0 =	sor.u32 $0x300, s30;
	v23 =	vld.idx.msk [tilespmem:v6+s3+$0x0], $0xffff;
	[tilespmem:s28+$0x8000] =	vst v14;
	v6 =	vmov v30  }
0x2e3: {  	v14 =	vld.idx.msk [tilespmem:v5+s3+$0x0], $0xffff;
	[tilespmem:s0+$0x8000] =	vst v18;
	v5 =	vmov v31  }
0x2e4: {  	v25 =	vor.u32 $0x300, v0;
	[tilespmem:s18+$0x80] =	vst v19;
	v27 =	vld.idx.msk [tilespmem:v20+s3+$0x0], $0xffff  }
0x2e5: {  	[tilespmem:s25+$0x80] =	vst v17;
	v18 =	vld.idx.msk [tilespmem:v21+s3+$0x0], $0xffff  }
.Ltmp9:
0x2e6: {  	v17 =	vld.idx.msk [tilespmem:v22+s3+$0x0], $0xffff;
	[tilespmem:s29+$0x80] =	vst v16;
	(pc) =	sbr.rel @p3 .LBB2_19-.Ltmp9, $4  }
0x2e7: {  	v22 =	vor.u32 $0x180, v2;
	v19 =	vld.idx.msk [tilespmem:v24+s3+$0x0], $0xffff;
	[tilespmem:s8+$0x80] =	vst v15  }
0x2e8: {  	v21 =	vor.u32 $0x180, v1;
	v20 =	vld.idx.msk [tilespmem:v26+s3+$0x0], $0xffff;
	[tilespmem:s24+$0x8000] =	vst v35  }
0x2e9: {  	s0 =	sor.u32 $0x380, s30;
	v15 =	vld.idx.msk [tilespmem:v25+s3+$0x0], $0xffff;
	[tilespmem:s9+$0x8000] =	vst v23  }
0x2ea: {  	s15 =	sadd.s32 $0x40, s15;
	v16 =	vld.idx.msk [tilespmem:v4+s3+$0x0], $0xffff;
	[tilespmem:s0+$0x8000] =	vst v27;
	v4 =	vmov v33  }
0x2eb: {  	_ =	sdelay $0x2  }
0x2ec: {  	[tilespmem:s18+$0x100] =	vst v18  }
0x2ed: {  	v18 =	vld.idx.msk [tilespmem:v22+s3+$0x0], $0xffff;
	[tilespmem:s29+$0x100] =	vst v19  }
0x2ee: {  	v53 =	vor.u32 $0x200, v2;
	v13 =	vld.idx.msk [tilespmem:v13+s3+$0x0], $0xffff;
	_ =	sdelay $0x1  }
0x2ef: {  	[tilespmem:s8+$0x100] =	vst v20  }
0x2f0: {  	[tilespmem:s25+$0x100] =	vst v17;
	v12 =	vld.idx.msk [tilespmem:v12+s3+$0x0], $0xffff  }
0x2f1: {  	p3 =	por !p5, !p5;
	s0 =	simm.s32 $0x1;
	v17 =	vld.idx.msk [tilespmem:v21+s3+$0x0], $0xffff;
	[tilespmem:s18+$0x180] =	vst v18  }
0x2f2: {  	v54 =	vor.u32 $0x200, v1;
	s0 =	simm.s32 @!p3 $0x0;
	v18 =	vld.idx.msk [tilespmem:v53+s3+$0x0], $0xffff;
	[tilespmem:s29+$0x180] =	vst v13  }
0x2f3: {  	v55 =	vor.u32 $0x280, v2;
	s0 =	sshll.u32 s0, $0x6;
	v11 =	vld.idx.msk [tilespmem:v11+s3+$0x0], $0xffff  }
0x2f4: {  	s0 =	sadd.s32 s0, s19  }
0x2f5: {  	s1 =	sadd.s32 $0x30, s0;
	[tilespmem:s8+$0x180] =	vst v12  }
0x2f6: {  	s2 =	sadd.s32 $0x10, s0;
	s7 =	sor.u32 $0x200, s1;
	[tilespmem:s25+$0x180] =	vst v17;
	v9 =	vld.idx.msk [tilespmem:v9+s3+$0x0], $0xffff  }
0x2f7: {  	s9 =	sor.u32 $0x200, s2;
	v56 =	vld.idx.msk [tilespmem:v54+s3+$0x0], $0xffff;
	[tilespmem:s7+$0x8000] =	vst v18  }
0x2f8: {  	v57 =	vor.u32 $0x280, v1;
	v13 =	vld.idx.msk [tilespmem:v55+s3+$0x0], $0xffff;
	[tilespmem:s9+$0x8000] =	vst v11  }
0x2f9: {  	v58 =	vor.u32 $0x300, v2;
	s31 =	sadd.s32 $0x20, s0;
	v8 =	vld.idx.msk [tilespmem:v8+s3+$0x0], $0xffff  }
0x2fa: {  	[tilespmem:s26+$0x8000] =	vst v14;
	s10 =	sor.u32 $0x200, s31  }
0x2fb: {  	s13 =	sor.u32 $0x200, s0;
	[tilespmem:s10+$0x8000] =	vst v9  }
0x2fc: {  	v0 =	vor.u32 $0x380, v0;
	s15 =	sor.u32 $0x280, s1;
	[tilespmem:s13+$0x8000] =	vst v56;
	v7 =	vld.idx.msk [tilespmem:v7+s3+$0x0], $0xffff  }
0x2fd: {  	s17 =	sor.u32 $0x280, s2;
	v59 =	vld.idx.msk [tilespmem:v57+s3+$0x0], $0xffff;
	[tilespmem:s15+$0x8000] =	vst v13  }
0x2fe: {  	v60 =	vor.u32 $0x300, v1;
	v11 =	vld.idx.msk [tilespmem:v58+s3+$0x0], $0xffff;
	[tilespmem:s17+$0x8000] =	vst v8  }
0x2ff: {  	v61 =	vor.u32 $0x380, v2;
	[tilespmem:s16+$0x8000] =	vst v15;
	v6 =	vld.idx.msk [tilespmem:v6+s3+$0x0], $0xffff  }
0x300: {  	v3 =	vld.idx.msk [tilespmem:v3+s3+$0x0], $0xffff;
	[tilespmem:s22+$0x8000] =	vst v16;
	s18 =	sor.u32 $0x280, s31  }
0x301: {  	s19 =	sor.u32 $0x280, s0;
	v0 =	vld.idx.msk [tilespmem:v0+s3+$0x0], $0xffff;
	[tilespmem:s18+$0x8000] =	vst v7  }
0x302: {  	s22 =	sor.u32 $0x300, s1;
	[tilespmem:s19+$0x8000] =	vst v59;
	v5 =	vld.idx.msk [tilespmem:v5+s3+$0x0], $0xffff  }
0x303: {  	s24 =	sor.u32 $0x300, s2;
	v62 =	vld.idx.msk [tilespmem:v60+s3+$0x0], $0xffff;
	[tilespmem:s22+$0x8000] =	vst v11  }
0x304: {  	v63 =	vor.u32 $0x380, v1;
	v2 =	vld.idx.msk [tilespmem:v61+s3+$0x0], $0xffff;
	[tilespmem:s24+$0x8000] =	vst v6  }
0x305: {  	[tilespmem:s4+$0x8000] =	vst v3;
	v4 =	vld.idx.msk [tilespmem:v4+s3+$0x0], $0xffff  }
0x306: {  	s25 =	sor.u32 $0x300, s31;
	[tilespmem:s11+$0x8000] =	vst v0  }
0x307: {  	s0 =	sor.u32 $0x300, s0;
	[tilespmem:s25+$0x8000] =	vst v5  }
0x308: {  	s26 =	sor.u32 $0x380, s1;
	[tilespmem:s0+$0x8000] =	vst v62;
	v5 =	vld.idx.msk [tilespmem:v10+s3+$0x0], $0xffff  }
0x309: {  	s28 =	sor.u32 $0x380, s2;
	v1 =	vld.idx.msk [tilespmem:v63+s3+$0x0], $0xffff;
	[tilespmem:s26+$0x8000] =	vst v2  }
0x30a: {  	[tilespmem:s28+$0x8000] =	vst v4  }
.Ltmp10:
0x30b: {  	s6 =	sadd.s32 $0xFA000, s6;
	s1 =	rddreg [dreg:$0x8];
	(pc) =	sbr.rel @p1 .LBB2_24-.Ltmp10, $4  }
0x30c: {  	s29 =	sor.u32 $0x380, s31;
	s1 =	sadd.s32 s1, s6  }
0x30d: {  	[tilespmem:s29+$0x8000] =	vst v5;
	s30 =	sshrl.u32 s1, $0x3  }
0x30e: {  	s31 =	simm.s32 $0x8000;
	[tilespmem:s20+$0x8000] =	vst v1;
	s0 =	sadd.s32 s23, s30  }
0x30f: {  	[hbm4b:s0+s3] =	stream.linear.scatter [tilespmem:s31], [sflag:$0x3], $0x2000, $0x38;
	[tilespmem:$0xE680] =	vst v63  }
0x310: {  	s11 =	simm.s32 $0x0;
	s4 =	simm.s32 $0x4  }
0x311: {  	_ =	swait.ge [sflag:s4], $0x2000;
	s0 =	sand.u32 $0x40, s11;
	s1 =	sand.u32 $0x380, s11  }
0x312: {  	[sflag:s4] =	ssyncset.done $0x0;
	s1 =	sor.u32 $0xC400, s1;
	s2 =	sor.u32 $0x30, s0  }
0x313: {  	[sflag:s4] =	ssyncadd.s32 $0xFFFFE000;
	s16 =	sor.u32 s2, s1  }
0x314: {  	s7 =	simm.s32 $0xC400;
	v0 =	vld [tilespmem:s16+$0x0]  }
0x315: {  	s17 =	sor.u32 $0x10, s0;
	v1 =	vld [tilespmem:s7+$0x0]  }
0x316: {  	s8 =	sor.u32 s17, s1  }
0x317: {  	s18 =	sor.u32 $0x20, s0;
	v2 =	vld [tilespmem:s8+$0x0]  }
0x318: {  	s1 =	sor.u32 s18, s1  }
0x319: {  	v3 =	vld [tilespmem:s1+$0x0];
	v4 =	vshll.u32 v0, $0x3  }
0x31a: {  	v5 =	vshll.u32 v1, $0x3;
	v0 =	vand.u32 $0x7F, v0;
	v4 =	vand.u32 $0xFFFFFC00, v4  }
0x31b: {  	v6 =	vand.u32 $0x7F, v1;
	v5 =	vand.u32 $0xFFFFFC00, v5;
	v1 =	vor.u32 v0, v4  }
0x31c: {  	v0 =	vor.u32 v6, v5;
	v6 =	vshll.u32 v2, $0x3;
	v4 =	vadd.s32 $0x2000, v1  }
0x31d: {  	v2 =	vand.u32 $0x7F, v2;
	v5 =	vadd.s32 $0x2000, v0;
	v6 =	vand.u32 $0xFFFFFC00, v6  }
0x31e: {  	v7 =	vshll.u32 v3, $0x3;
	v9 =	vor.u32 v2, v6  }
0x31f: {  	v3 =	vand.u32 $0x7F, v3;
	v7 =	vand.u32 $0xFFFFFC00, v7;
	v2 =	vadd.s32 $0x2000, v9  }
0x320: {  	v3 =	vor.u32 v3, v7  }
0x321: {  	v6 =	vadd.s32 $0x2000, v3;
	v4 =	vld.idx.msk [tilespmem:v4+s3+$0x0], $0xffff  }
0x322: {  	v7 =	vadd.s32 $0x2080, v1;
	v5 =	vld.idx.msk [tilespmem:v5+s3+$0x0], $0xffff  }
0x323: {  	s19 =	sand.u32 $0x1C00, s11;
	v8 =	vadd.s32 $0x2080, v0  }
0x324: {  	s10 =	sor.u32 $0xA000, s19;
	v2 =	vld.idx.msk [tilespmem:v2+s3+$0x0], $0xffff  }
0x325: {  	s9 =	sor.u32 s2, s10;
	v10 =	vadd.s32 $0x2080, v9  }
0x326: {  	s20 =	sor.u32 s0, s10;
	v6 =	vld.idx.msk [tilespmem:v6+s3+$0x0], $0xffff;
	[tilespmem:s9+$0x0] =	vst v4  }
0x327: {  	v4 =	vadd.s32 $0x2080, v3;
	[tilespmem:s20+$0x0] =	vst v5;
	v5 =	vld.idx.msk [tilespmem:v7+s3+$0x0], $0xffff  }
0x328: {  	s1 =	sor.u32 s17, s10;
	v7 =	vld.idx.msk [tilespmem:v8+s3+$0x0], $0xffff;
	v8 =	vadd.s32 $0x2100, v1  }
0x329: {  	v11 =	vadd.s32 $0x2100, v0;
	[tilespmem:s1+$0x0] =	vst v2  }
0x32a: {  	s23 =	simm.s32 $0xC440;
	s22 =	sor.u32 s18, s10;
	v2 =	vld.idx.msk [tilespmem:v10+s3+$0x0], $0xffff  }
0x32b: {  	v12 =	vld [tilespmem:s23+$0x0];
	s10 =	simm.s32 $0x40;
	[tilespmem:s22+$0x0] =	vst v6;
	v6 =	vadd.s32 $0x2100, v9  }
0x32c: {  	s4 =	sand.u32 $0x40, s10;
	s24 =	sand.u32 $0x380, s10;
	v4 =	vld.idx.msk [tilespmem:v4+s3+$0x0], $0xffff;
	[tilespmem:s9+$0x80] =	vst v5  }
0x32d: {  	s2 =	sor.u32 $0xC400, s24;
	s16 =	sor.u32 $0x30, s4;
	v5 =	vadd.s32 $0x2100, v3;
	[tilespmem:s20+$0x80] =	vst v7;
	v7 =	vld.idx.msk [tilespmem:v8+s3+$0x0], $0xffff  }
0x32e: {  	s13 =	sor.u32 s16, s2;
	v10 =	vadd.s32 $0x2180, v1;
	v8 =	vld.idx.msk [tilespmem:v11+s3+$0x0], $0xffff  }
0x32f: {  	s7 =	sor.u32 $0x10, s4;
	v16 =	vld [tilespmem:s13+$0x0];
	v11 =	vadd.s32 $0x2180, v0;
	[tilespmem:s1+$0x80] =	vst v2  }
0x330: {  	s15 =	sor.u32 s7, s2;
	v2 =	vld.idx.msk [tilespmem:v6+s3+$0x0], $0xffff  }
0x331: {  	v18 =	vld [tilespmem:s15+$0x0];
	v13 =	vadd.s32 $0x2180, v9;
	[tilespmem:s22+$0x80] =	vst v4  }
0x332: {  	v15 =	vadd.s32 $0x2180, v3;
	v17 =	vadd.s32 $0x2200, v1;
	v19 =	vadd.s32 $0x2200, v0;
	v5 =	vld.idx.msk [tilespmem:v5+s3+$0x0], $0xffff;
	[tilespmem:s9+$0x100] =	vst v7  }
0x333: {  	s30 =	sor.u32 $0x20, s4;
	v14 =	vadd.s32 $0x2200, v9;
	v6 =	vadd.s32 $0x2300, v9;
	v4 =	vshll.u32 v12, $0x3;
	[tilespmem:s20+$0x100] =	vst v8;
	v10 =	vld.idx.msk [tilespmem:v10+s3+$0x0], $0xffff  }
0x334: {  	s2 =	sor.u32 s30, s2;
	v4 =	vand.u32 $0xFFFFFC00, v4;
	v8 =	vadd.s32 $0x2280, v9;
	v7 =	vand.u32 $0x7F, v12;
	v11 =	vld.idx.msk [tilespmem:v11+s3+$0x0], $0xffff  }
0x335: {  	v12 =	vld [tilespmem:s2+$0x0];
	[tilespmem:s1+$0x100] =	vst v2;
	v2 =	vor.u32 v7, v4;
	v4 =	vadd.s32 $0x2380, v9;
	v9 =	vshll.u32 v16, $0x3  }
0x336: {  	v16 =	vand.u32 $0x7F, v16;
	v13 =	vld.idx.msk [tilespmem:v13+s3+$0x0], $0xffff;
	v21 =	vadd.s32 $0x2000, v2;
	v9 =	vand.u32 $0xFFFFFC00, v9  }
0x337: {  	v20 =	vadd.s32 $0x2200, v3;
	[tilespmem:s22+$0x100] =	vst v5;
	v9 =	vor.u32 v16, v9  }
0x338: {  	p5 =	por $0x0, $0x0;
	v25 =	vadd.s32 $0x2280, v1;
	v31 =	vadd.s32 $0x2280, v0;
	s2 =	simm.s32 $0x1;
	v15 =	vld.idx.msk [tilespmem:v15+s3+$0x0], $0xffff;
	v29 =	vadd.s32 $0x2000, v9;
	[tilespmem:s9+$0x180] =	vst v10  }
0x339: {  	s25 =	sor.u32 s11, s11;
	s2 =	simm.s32 @!p5 $0x0;
	v7 =	vadd.s32 $0x2280, v3;
	v5 =	vadd.s32 $0x2300, v3;
	v3 =	vadd.s32 $0x2380, v3;
	[tilespmem:s20+$0x180] =	vst v11;
	v10 =	vld.idx.msk [tilespmem:v17+s3+$0x0], $0xffff  }
0x33a: {  	s19 =	sor.u32 $0x380, s25;
	s2 =	sshll.u32 s2, $0x6;
	v11 =	vshll.u32 v12, $0x3;
	v12 =	vand.u32 $0x7F, v12;
	v17 =	vshll.u32 v18, $0x3;
	v27 =	vld.idx.msk [tilespmem:v19+s3+$0x0], $0xffff  }
0x33b: {  	s25 =	simm.s32 $0xC480;
	s15 =	simm.s32 $0x4;
	s2 =	sadd.s32 $0x0, s2;
	v11 =	vand.u32 $0xFFFFFC00, v11;
	v18 =	vand.u32 $0x7F, v18;
	v16 =	vand.u32 $0xFFFFFC00, v17;
	v17 =	vld.idx.msk [tilespmem:v21+s3+$0x0], $0xffff;
	[tilespmem:s1+$0x180] =	vst v13  }
0x33c: {  	s29 =	sadd.s32 $0x30, s2;
	s18 =	sadd.s32 $0x10, s2;
	s31 =	sor.u32 $0x200, s2;
	v19 =	vadd.s32 $0x2080, v2;
	v12 =	vor.u32 v12, v11;
	v13 =	vor.u32 v18, v16;
	v23 =	vld.idx.msk [tilespmem:v14+s3+$0x0], $0xffff  }
0x33d: {  	s24 =	sor.u32 $0x280, s2;
	s26 =	sor.u32 $0x200, s29;
	s20 =	sadd.s32 $0x20, s2;
	v26 =	vadd.s32 $0x2000, v12;
	v22 =	vadd.s32 $0x2080, v12;
	[tilespmem:s22+$0x180] =	vst v15;
	v28 =	vadd.s32 $0x2000, v13;
	v30 =	vld.idx.msk [tilespmem:v29+s3+$0x0], $0xffff  }
0x33e: {  	s28 =	sor.u32 $0x200, s18;
	s9 =	sor.u32 $0x200, s20;
	s17 =	sor.u32 $0x280, s20;
	v16 =	vadd.s32 $0x2100, v12;
	v14 =	vadd.s32 $0x2180, v12;
	v11 =	vadd.s32 $0x2200, v12;
	v24 =	vld.idx.msk [tilespmem:v20+s3+$0x0], $0xffff;
	[tilespmem:s26+$0xA000] =	vst v10  }
0x33f: {  	s13 =	sor.u32 $0x300, s18;
	s8 =	sor.u32 $0x300, s20;
	s20 =	sor.u32 $0x380, s20;
	v21 =	vadd.s32 $0x2080, v13;
	v18 =	vadd.s32 $0x2100, v13;
	v15 =	vadd.s32 $0x2180, v13;
	[tilespmem:s31+$0xA000] =	vst v27;
	v25 =	vld.idx.msk [tilespmem:v25+s3+$0x0], $0xffff  }
0x340: {  	s1 =	sor.u32 $0x280, s18;
	s22 =	sor.u32 $0x300, s2;
	v29 =	vadd.s32 $0x2300, v1;
	v20 =	vadd.s32 $0x2280, v13;
	v10 =	vadd.s32 $0x2200, v13;
	s26 =	sor.u32 $0x380, s18;
	v27 =	vld.idx.msk [tilespmem:v31+s3+$0x0], $0xffff  }
.LBB2_22:
0x341: {  	v31 =	vld [tilespmem:s25+$0x0];
	v32 =	vadd.s32 $0x2300, v13;
	v33 =	vadd.s32 $0x2280, v12;
	v34 =	vadd.s32 $0x2080, v9;
	s11 =	sadd.s32 $0x200, s11  }
0x342: {  	v13 =	vadd.s32 $0x2380, v13;
	v35 =	vadd.s32 $0x2300, v12;
	v12 =	vadd.s32 $0x2380, v12;
	s0 =	sand.u32 $0x1C00, s11;
	s2 =	sor.u32 s11, s10;
	v28 =	vld.idx.msk [tilespmem:v28+s3+$0x0], $0xffff;
	[tilespmem:s28+$0xA000] =	vst v23  }
0x343: {  	s31 =	sor.u32 $0xA000, s0;
	s18 =	sor.u32 $0x380, s2;
	v23 =	vld.idx.msk [tilespmem:v26+s3+$0x0], $0xffff;
	[tilespmem:s9+$0xA000] =	vst v24;
	s2 =	sor.u32 $0x280, s29  }
0x344: {  	s9 =	sor.u32 s4, s31;
	s0 =	sor.u32 s7, s31;
	s28 =	sor.u32 s16, s31;
	v24 =	vld.idx.msk [tilespmem:v8+s3+$0x0], $0xffff;
	[tilespmem:s2+$0xA000] =	vst v25;
	v8 =	vmov v20  }
0x345: {  	s31 =	sor.u32 s30, s31;
	[tilespmem:s28+$0x0] =	vst v30;
	v20 =	vld.idx.msk [tilespmem:v29+s3+$0x0], $0xffff  }
0x346: {  	[tilespmem:s9+$0x0] =	vst v17;
	v17 =	vld.idx.msk [tilespmem:v34+s3+$0x0], $0xffff  }
0x347: {  	v25 =	vadd.s32 $0x2380, v1;
	v1 =	vmov v9;
	v19 =	vld.idx.msk [tilespmem:v19+s3+$0x0], $0xffff;
	[tilespmem:s24+$0xA000] =	vst v27  }
0x348: {  	v9 =	vadd.s32 $0x2100, v1;
	[tilespmem:s0+$0x0] =	vst v28;
	v26 =	vld.idx.msk [tilespmem:v7+s3+$0x0], $0xffff;
	v7 =	vmov v33  }
0x349: {  	v27 =	vadd.s32 $0x2100, v2;
	v21 =	vld.idx.msk [tilespmem:v21+s3+$0x0], $0xffff;
	[tilespmem:s31+$0x0] =	vst v23  }
0x34a: {  	v22 =	vld.idx.msk [tilespmem:v22+s3+$0x0], $0xffff;
	[tilespmem:s1+$0xA000] =	vst v24;
	s1 =	sor.u32 $0x300, s29  }
0x34b: {  	v23 =	vld.idx.msk [tilespmem:v6+s3+$0x0], $0xffff;
	[tilespmem:s1+$0xA000] =	vst v20;
	v6 =	vmov v32  }
0x34c: {  	[tilespmem:s28+$0x80] =	vst v17;
	v17 =	vld.idx.msk [tilespmem:v25+s3+$0x0], $0xffff  }
0x34d: {  	[tilespmem:s9+$0x80] =	vst v19;
	v9 =	vld.idx.msk [tilespmem:v9+s3+$0x0], $0xffff;
	v19 =	vadd.s32 $0x2300, v0  }
0x34e: {  	v20 =	vld.idx.msk [tilespmem:v27+s3+$0x0], $0xffff;
	[tilespmem:s17+$0xA000] =	vst v26  }
0x34f: {  	[tilespmem:s0+$0x80] =	vst v21;
	v21 =	vadd.s32 $0x2180, v1;
	v24 =	vld.idx.msk [tilespmem:v5+s3+$0x0], $0xffff;
	v5 =	vmov v35  }
0x350: {  	v25 =	vadd.s32 $0x2180, v2;
	v18 =	vld.idx.msk [tilespmem:v18+s3+$0x0], $0xffff;
	[tilespmem:s31+$0x80] =	vst v22  }
0x351: {  	s1 =	sor.u32 $0x380, s29;
	v16 =	vld.idx.msk [tilespmem:v16+s3+$0x0], $0xffff;
	[tilespmem:s13+$0xA000] =	vst v23  }
0x352: {  	s10 =	sadd.s32 $0x40, s10;
	v19 =	vld.idx.msk [tilespmem:v19+s3+$0x0], $0xffff;
	[tilespmem:s1+$0xA000] =	vst v17  }
0x353: {  	s15 =	sadd.s32 $0x4, s15;
	s4 =	sand.u32 $0x40, s10;
	s1 =	sand.u32 $0x380, s10;
	[tilespmem:s28+$0x100] =	vst v9;
	v9 =	vld.idx.msk [tilespmem:v4+s3+$0x0], $0xffff;
	v4 =	vmov v13  }
0x354: {  	p3 =	slt.u32 s15, $0x3C;
	s16 =	sor.u32 $0x30, s4;
	s1 =	sor.u32 $0xC400, s1;
	[tilespmem:s9+$0x100] =	vst v20;
	v13 =	vld.idx.msk [tilespmem:v21+s3+$0x0], $0xffff  }
0x355: {  	s7 =	sor.u32 $0x10, s4;
	s30 =	sor.u32 $0x20, s4;
	s2 =	sor.u32 s16, s1;
	v17 =	vld.idx.msk [tilespmem:v25+s3+$0x0], $0xffff;
	[tilespmem:s8+$0xA000] =	vst v24  }
0x356: {  	s8 =	sor.u32 s7, s1;
	s1 =	sor.u32 s30, s1;
	v20 =	vld [tilespmem:s2+$0x0];
	[tilespmem:s0+$0x100] =	vst v18;
	v18 =	vadd.s32 $0x2200, v1  }
0x357: {  	v23 =	vadd.s32 $0x2200, v2;
	v21 =	vshll.u32 v31, $0x3;
	v22 =	vld [tilespmem:s8+$0x0];
	[tilespmem:s31+$0x100] =	vst v16  }
0x358: {  	v21 =	vand.u32 $0xFFFFFC00, v21;
	v16 =	vand.u32 $0x7F, v31;
	v24 =	vld [tilespmem:s1+$0x0];
	[tilespmem:s22+$0xA000] =	vst v19  }
0x359: {  	v19 =	vadd.s32 $0x2380, v0;
	v0 =	vmov v2;
	v2 =	vor.u32 v16, v21;
	v15 =	vld.idx.msk [tilespmem:v15+s3+$0x0], $0xffff;
	[tilespmem:s26+$0xA000] =	vst v9  }
0x35a: {  	p5 =	por !p5, !p5;
	s1 =	simm.s32 $0x1;
	v16 =	vadd.s32 $0x2000, v2;
	v14 =	vld.idx.msk [tilespmem:v14+s3+$0x0], $0xffff;
	[tilespmem:s28+$0x180] =	vst v13  }
0x35b: {  	s1 =	simm.s32 @!p5 $0x0;
	v9 =	vshll.u32 v20, $0x3;
	[tilespmem:s9+$0x180] =	vst v17;
	v18 =	vld.idx.msk [tilespmem:v18+s3+$0x0], $0xffff  }
0x35c: {  	s1 =	sshll.u32 s1, $0x6;
	v17 =	vand.u32 $0x7F, v20;
	v13 =	vshll.u32 v22, $0x3;
	v9 =	vand.u32 $0xFFFFFC00, v9;
	v20 =	vld.idx.msk [tilespmem:v23+s3+$0x0], $0xffff  }
0x35d: {  	v25 =	vadd.s32 $0x2280, v1;
	s2 =	sadd.s32 s1, s11;
	v21 =	vshll.u32 v24, $0x3;
	v9 =	vor.u32 v17, v9;
	v27 =	vld.idx.msk [tilespmem:v3+s3+$0x0], $0xffff;
	v3 =	vmovc v12  }
0x35e: {  	s23 =	sadd.s32 $0x20, s2;
	v12 =	vand.u32 $0xFFFFFC00, v13;
	v21 =	vand.u32 $0xFFFFFC00, v21;
	v29 =	vadd.s32 $0x2000, v9;
	v31 =	vld.idx.msk [tilespmem:v19+s3+$0x0], $0xffff  }
0x35f: {  	v32 =	vadd.s32 $0x2280, v0;
	s29 =	sadd.s32 $0x30, s2;
	v13 =	vand.u32 $0x7F, v22;
	s9 =	sor.u32 $0x200, s23;
	v17 =	vld.idx.msk [tilespmem:v16+s3+$0x0], $0xffff;
	v16 =	vand.u32 $0x7F, v24;
	[tilespmem:s0+$0x180] =	vst v15;
	s0 =	sadd.s32 $0x10, s2  }
.Ltmp11:
0x360: {  	s8 =	sor.u32 $0x200, s29;
	v19 =	vadd.s32 $0x2080, v2;
	v13 =	vor.u32 v13, v12;
	v12 =	vor.u32 v16, v21;
	v23 =	vld.idx.msk [tilespmem:v10+s3+$0x0], $0xffff;
	s28 =	sor.u32 $0x200, s0;
	[tilespmem:s31+$0x180] =	vst v14;
	(pc) =	sbr.rel @p3 .LBB2_22-.Ltmp11, $4  }
0x361: {  	s13 =	sor.u32 $0x200, s2;
	s17 =	sor.u32 $0x280, s23;
	v28 =	vadd.s32 $0x2000, v13;
	v21 =	vadd.s32 $0x2080, v13;
	s1 =	sor.u32 $0x280, s0;
	v26 =	vadd.s32 $0x2000, v12;
	v24 =	vld.idx.msk [tilespmem:v11+s3+$0x0], $0xffff;
	[tilespmem:s8+$0xA000] =	vst v18  }
0x362: {  	s24 =	sor.u32 $0x280, s2;
	v18 =	vadd.s32 $0x2100, v13;
	v22 =	vadd.s32 $0x2080, v12;
	v16 =	vadd.s32 $0x2100, v12;
	s8 =	sor.u32 $0x300, s23;
	[tilespmem:s13+$0xA000] =	vst v20;
	s13 =	sor.u32 $0x300, s0;
	v25 =	vld.idx.msk [tilespmem:v25+s3+$0x0], $0xffff  }
0x363: {  	s22 =	sor.u32 $0x300, s2;
	v15 =	vadd.s32 $0x2180, v13;
	v10 =	vadd.s32 $0x2200, v13;
	s26 =	sor.u32 $0x380, s0;
	v14 =	vadd.s32 $0x2180, v12;
	v30 =	vld.idx.msk [tilespmem:v29+s3+$0x0], $0xffff;
	[tilespmem:s20+$0xA000] =	vst v27;
	s20 =	sor.u32 $0x380, s23  }
0x364: {  	s25 =	sadd.s32 $0x40, s25;
	v11 =	vadd.s32 $0x2200, v12;
	v20 =	vadd.s32 $0x2280, v13;
	v29 =	vadd.s32 $0x2300, v1;
	v27 =	vld.idx.msk [tilespmem:v32+s3+$0x0], $0xffff;
	[tilespmem:s19+$0xA000] =	vst v31;
	s19 =	smov.u32 s18  }
0x365: {  	_ =	sdelay $0x3  }
0x366: {  	v31 =	vadd.s32 $0x2080, v9;
	s0 =	sadd.s32 $0x200, s11;
	v28 =	vld.idx.msk [tilespmem:v28+s3+$0x0], $0xffff  }
0x367: {  	s2 =	sand.u32 $0x1C00, s0  }
0x368: {  	s2 =	sor.u32 $0xA000, s2  }
0x369: {  	v26 =	vld.idx.msk [tilespmem:v26+s3+$0x0], $0xffff;
	s18 =	sor.u32 s16, s2  }
0x36a: {  	s7 =	sor.u32 s7, s2;
	[tilespmem:s18+$0x0] =	vst v30  }
0x36b: {  	v30 =	vld.idx.msk [tilespmem:v31+s3+$0x0], $0xffff;
	[tilespmem:s7+$0x0] =	vst v28  }
0x36c: {  	v63 =	vadd.s32 $0x2100, v9;
	[tilespmem:s28+$0xA000] =	vst v23;
	s15 =	sor.u32 s30, s2;
	s2 =	sor.u32 s4, s2;
	v21 =	vld.idx.msk [tilespmem:v21+s3+$0x0], $0xffff  }
0x36d: {  	[tilespmem:s2+$0x0] =	vst v17  }
0x36e: {  	[tilespmem:s15+$0x0] =	vst v26;
	v19 =	vld.idx.msk [tilespmem:v19+s3+$0x0], $0xffff  }
0x36f: {  	[tilespmem:s9+$0xA000] =	vst v24;
	v31 =	vadd.s32 $0x2100, v2;
	v26 =	vld.idx.msk [tilespmem:v22+s3+$0x0], $0xffff  }
0x370: {  	[tilespmem:s18+$0x80] =	vst v30  }
0x371: {  	s23 =	sor.u32 $0x280, s29;
	v32 =	vld.idx.msk [tilespmem:v63+s3+$0x0], $0xffff;
	[tilespmem:s7+$0x80] =	vst v21  }
0x372: {  	v33 =	vadd.s32 $0x2180, v9;
	[tilespmem:s23+$0xA000] =	vst v25;
	v18 =	vld.idx.msk [tilespmem:v18+s3+$0x0], $0xffff  }
0x373: {  	v8 =	vld.idx.msk [tilespmem:v8+s3+$0x0], $0xffff;
	[tilespmem:s2+$0x80] =	vst v19  }
0x374: {  	[tilespmem:s15+$0x80] =	vst v26;
	v34 =	vld.idx.msk [tilespmem:v31+s3+$0x0], $0xffff  }
0x375: {  	v35 =	vadd.s32 $0x2180, v2;
	[tilespmem:s24+$0xA000] =	vst v27;
	v16 =	vld.idx.msk [tilespmem:v16+s3+$0x0], $0xffff  }
0x376: {  	v7 =	vld.idx.msk [tilespmem:v7+s3+$0x0], $0xffff;
	[tilespmem:s18+$0x100] =	vst v32  }
0x377: {  	v46 =	vadd.s32 $0x2300, v0;
	v21 =	vld.idx.msk [tilespmem:v33+s3+$0x0], $0xffff;
	[tilespmem:s7+$0x100] =	vst v18  }
0x378: {  	v37 =	vadd.s32 $0x2200, v9;
	[tilespmem:s1+$0xA000] =	vst v8;
	v15 =	vld.idx.msk [tilespmem:v15+s3+$0x0], $0xffff  }
0x379: {  	v36 =	vld.idx.msk [tilespmem:v29+s3+$0x0], $0xffff;
	[tilespmem:s2+$0x100] =	vst v34  }
0x37a: {  	[tilespmem:s15+$0x100] =	vst v16;
	v38 =	vld.idx.msk [tilespmem:v35+s3+$0x0], $0xffff  }
0x37b: {  	[tilespmem:s17+$0xA000] =	vst v7;
	v14 =	vld.idx.msk [tilespmem:v14+s3+$0x0], $0xffff  }
0x37c: {  	p3 =	por !p5, !p5;
	v53 =	vld.idx.msk [tilespmem:v46+s3+$0x0], $0xffff;
	s1 =	simm.s32 $0x1;
	[tilespmem:s18+$0x180] =	vst v21  }
0x37d: {  	v39 =	vadd.s32 $0x2200, v2;
	s24 =	sor.u32 $0x300, s29;
	s1 =	simm.s32 @!p3 $0x0;
	v40 =	vld.idx.msk [tilespmem:v37+s3+$0x0], $0xffff;
	[tilespmem:s7+$0x180] =	vst v15  }
0x37e: {  	v41 =	vadd.s32 $0x2280, v9;
	[tilespmem:s24+$0xA000] =	vst v36;
	s1 =	sshll.u32 s1, $0x6;
	v10 =	vld.idx.msk [tilespmem:v10+s3+$0x0], $0xffff  }
0x37f: {  	v6 =	vld.idx.msk [tilespmem:v6+s3+$0x0], $0xffff;
	[tilespmem:s2+$0x180] =	vst v38;
	s2 =	sadd.s32 s1, s0  }
0x380: {  	v1 =	vadd.s32 $0x2380, v1;
	v5 =	vld.idx.msk [tilespmem:v5+s3+$0x0], $0xffff;
	[tilespmem:s15+$0x180] =	vst v14;
	s1 =	sadd.s32 $0x30, s2  }
0x381: {  	v55 =	vadd.s32 $0x2380, v0;
	[tilespmem:s22+$0xA000] =	vst v53;
	s4 =	sadd.s32 $0x10, s2;
	v42 =	vld.idx.msk [tilespmem:v11+s3+$0x0], $0xffff;
	s25 =	sor.u32 $0x200, s1  }
0x382: {  	v43 =	vadd.s32 $0x2280, v12;
	v44 =	vld.idx.msk [tilespmem:v39+s3+$0x0], $0xffff;
	s28 =	sor.u32 $0x200, s4;
	[tilespmem:s25+$0xA000] =	vst v40  }
0x383: {  	v45 =	vadd.s32 $0x2280, v2;
	v15 =	vld.idx.msk [tilespmem:v41+s3+$0x0], $0xffff;
	[tilespmem:s28+$0xA000] =	vst v10  }
0x384: {  	v47 =	vadd.s32 $0x2300, v9;
	[tilespmem:s13+$0xA000] =	vst v6;
	s9 =	sadd.s32 $0x20, s2;
	v48 =	vld.idx.msk [tilespmem:v20+s3+$0x0], $0xffff  }
0x385: {  	v49 =	vadd.s32 $0x2300, v13;
	v1 =	vld.idx.msk [tilespmem:v1+s3+$0x0], $0xffff;
	[tilespmem:s8+$0xA000] =	vst v5;
	s30 =	sor.u32 $0x200, s9  }
0x386: {  	v0 =	vld.idx.msk [tilespmem:v55+s3+$0x0], $0xffff;
	s31 =	sor.u32 $0x200, s2;
	[tilespmem:s30+$0xA000] =	vst v42  }
0x387: {  	s15 =	sor.u32 $0x280, s1;
	[tilespmem:s31+$0xA000] =	vst v44;
	v50 =	vld.idx.msk [tilespmem:v43+s3+$0x0], $0xffff  }
0x388: {  	v51 =	vadd.s32 $0x2300, v12;
	s16 =	sor.u32 $0x280, s4;
	v52 =	vld.idx.msk [tilespmem:v45+s3+$0x0], $0xffff;
	[tilespmem:s15+$0xA000] =	vst v15  }
0x389: {  	v54 =	vadd.s32 $0x2300, v2;
	s13 =	sor.u32 $0x380, s29;
	v10 =	vld.idx.msk [tilespmem:v47+s3+$0x0], $0xffff;
	[tilespmem:s16+$0xA000] =	vst v48  }
0x38a: {  	v56 =	vadd.s32 $0x2380, v9;
	[tilespmem:s13+$0xA000] =	vst v1;
	v57 =	vld.idx.msk [tilespmem:v49+s3+$0x0], $0xffff  }
0x38b: {  	v58 =	vadd.s32 $0x2380, v13;
	v4 =	vld.idx.msk [tilespmem:v4+s3+$0x0], $0xffff;
	[tilespmem:s19+$0xA000] =	vst v0;
	s17 =	sor.u32 $0x280, s9  }
0x38c: {  	v3 =	vld.idx.msk [tilespmem:v3+s3+$0x0], $0xffff;
	s18 =	sor.u32 $0x280, s2;
	[tilespmem:s17+$0xA000] =	vst v50  }
0x38d: {  	s23 =	sor.u32 $0x300, s1;
	[tilespmem:s18+$0xA000] =	vst v52;
	v59 =	vld.idx.msk [tilespmem:v51+s3+$0x0], $0xffff  }
0x38e: {  	v60 =	vadd.s32 $0x2380, v12;
	s24 =	sor.u32 $0x300, s4;
	v5 =	vld.idx.msk [tilespmem:v54+s3+$0x0], $0xffff;
	[tilespmem:s23+$0xA000] =	vst v10  }
0x38f: {  	v61 =	vadd.s32 $0x2380, v2;
	v62 =	vld.idx.msk [tilespmem:v56+s3+$0x0], $0xffff;
	[tilespmem:s24+$0xA000] =	vst v57  }
0x390: {  	[tilespmem:s26+$0xA000] =	vst v4;
	v63 =	vld.idx.msk [tilespmem:v58+s3+$0x0], $0xffff  }
0x391: {  	[tilespmem:s20+$0xA000] =	vst v3;
	s25 =	sor.u32 $0x300, s9  }
0x392: {  	s2 =	sor.u32 $0x300, s2;
	[tilespmem:s25+$0xA000] =	vst v59  }
0x393: {  	s1 =	sor.u32 $0x380, s1;
	[tilespmem:s2+$0xA000] =	vst v5;
	v1 =	vld.idx.msk [tilespmem:v60+s3+$0x0], $0xffff  }
0x394: {  	s26 =	sor.u32 $0x380, s4;
	v2 =	vld.idx.msk [tilespmem:v61+s3+$0x0], $0xffff;
	[tilespmem:s1+$0xA000] =	vst v62  }
0x395: {  	[tilespmem:s26+$0xA000] =	vst v63  }
0x396: {  	s2 =	rddreg [dreg:$0xc]  }
0x397: {  	s0 =	sor.u32 s0, s10;
	s28 =	sor.u32 $0x380, s9;
	s2 =	sadd.s32 s2, s6  }
0x398: {  	s0 =	sor.u32 $0x380, s0;
	s23 =	rddreg [dreg:$0x1];
	[tilespmem:s28+$0xA000] =	vst v1;
	s29 =	sshrl.u32 s2, $0x3  }
0x399: {  	s31 =	simm.s32 $0xA000;
	[tilespmem:s0+$0xA000] =	vst v2;
	s30 =	sadd.s32 s23, s29  }
0x39a: {  	[hbm4b:s30+s3] =	stream.linear.scatter [tilespmem:s31], [sflag:$0x4], $0x2000, $0x38;
	[tilespmem:$0xE680] =	vst v63  }
.LBB2_24:
.Ltmp12:
0x39b: {  	(pc) =	sbr.rel @!p0 .LBB2_28-.Ltmp12, $1  }
0x39c: {  	_ =	sdelay $0x3  }
0x39d: {  	s11 =	simm.s32 $0x0;
	s4 =	simm.s32 $0x3  }
0x39e: {  	_ =	swait.ge [sflag:s4], $0x2000;
	s0 =	sand.u32 $0x40, s11;
	s1 =	sand.u32 $0x380, s11  }
0x39f: {  	[sflag:s4] =	ssyncset.done $0x0;
	s1 =	sor.u32 $0xC400, s1;
	s2 =	sor.u32 $0x30, s0  }
0x3a0: {  	[sflag:s4] =	ssyncadd.s32 $0xFFFFE000;
	s24 =	sor.u32 s2, s1  }
0x3a1: {  	s7 =	simm.s32 $0xC400;
	v0 =	vld [tilespmem:s24+$0x0]  }
0x3a2: {  	s25 =	sor.u32 $0x10, s0;
	v1 =	vld [tilespmem:s7+$0x0]  }
0x3a3: {  	s8 =	sor.u32 s25, s1  }
0x3a4: {  	s26 =	sor.u32 $0x20, s0;
	v2 =	vld [tilespmem:s8+$0x0]  }
0x3a5: {  	s1 =	sor.u32 s26, s1  }
0x3a6: {  	v3 =	vld [tilespmem:s1+$0x0];
	v4 =	vshll.u32 v0, $0x3  }
0x3a7: {  	v5 =	vshll.u32 v1, $0x3;
	v0 =	vand.u32 $0x7F, v0;
	v4 =	vand.u32 $0xFFFFFC00, v4  }
0x3a8: {  	v6 =	vand.u32 $0x7F, v1;
	v5 =	vand.u32 $0xFFFFFC00, v5;
	v1 =	vor.u32 v0, v4  }
0x3a9: {  	v0 =	vor.u32 v6, v5;
	v6 =	vshll.u32 v2, $0x3;
	v4 =	vadd.s32 $0x4000, v1  }
0x3aa: {  	v2 =	vand.u32 $0x7F, v2;
	v5 =	vadd.s32 $0x4000, v0;
	v6 =	vand.u32 $0xFFFFFC00, v6  }
0x3ab: {  	v7 =	vshll.u32 v3, $0x3;
	v9 =	vor.u32 v2, v6  }
0x3ac: {  	v3 =	vand.u32 $0x7F, v3;
	v7 =	vand.u32 $0xFFFFFC00, v7;
	v2 =	vadd.s32 $0x4000, v9  }
0x3ad: {  	v3 =	vor.u32 v3, v7  }
0x3ae: {  	v6 =	vadd.s32 $0x4000, v3;
	v4 =	vld.idx.msk [tilespmem:v4+s3+$0x0], $0xffff  }
0x3af: {  	v7 =	vadd.s32 $0x4080, v1;
	v5 =	vld.idx.msk [tilespmem:v5+s3+$0x0], $0xffff  }
0x3b0: {  	s31 =	sand.u32 $0x1C00, s11;
	v8 =	vadd.s32 $0x4080, v0  }
0x3b1: {  	s10 =	sor.u32 $0x8000, s31;
	v2 =	vld.idx.msk [tilespmem:v2+s3+$0x0], $0xffff  }
0x3b2: {  	s9 =	sor.u32 s2, s10;
	v10 =	vadd.s32 $0x4080, v9  }
0x3b3: {  	s0 =	sor.u32 s0, s10;
	v6 =	vld.idx.msk [tilespmem:v6+s3+$0x0], $0xffff;
	[tilespmem:s9+$0x0] =	vst v4  }
0x3b4: {  	v4 =	vadd.s32 $0x4080, v3;
	[tilespmem:s0+$0x0] =	vst v5;
	v5 =	vld.idx.msk [tilespmem:v7+s3+$0x0], $0xffff  }
0x3b5: {  	s1 =	sor.u32 s25, s10;
	v7 =	vld.idx.msk [tilespmem:v8+s3+$0x0], $0xffff;
	v8 =	vadd.s32 $0x4100, v1  }
0x3b6: {  	v11 =	vadd.s32 $0x4100, v0;
	[tilespmem:s1+$0x0] =	vst v2  }
0x3b7: {  	s23 =	simm.s32 $0xC440;
	s17 =	sor.u32 s26, s10;
	v2 =	vld.idx.msk [tilespmem:v10+s3+$0x0], $0xffff  }
0x3b8: {  	v12 =	vld [tilespmem:s23+$0x0];
	s10 =	simm.s32 $0x40;
	[tilespmem:s17+$0x0] =	vst v6;
	v6 =	vadd.s32 $0x4100, v9  }
0x3b9: {  	s4 =	sand.u32 $0x40, s10;
	s24 =	sand.u32 $0x380, s10;
	v4 =	vld.idx.msk [tilespmem:v4+s3+$0x0], $0xffff;
	[tilespmem:s9+$0x80] =	vst v5  }
0x3ba: {  	s2 =	sor.u32 $0xC400, s24;
	s16 =	sor.u32 $0x30, s4;
	v5 =	vadd.s32 $0x4100, v3;
	[tilespmem:s0+$0x80] =	vst v7;
	v7 =	vld.idx.msk [tilespmem:v8+s3+$0x0], $0xffff  }
0x3bb: {  	s13 =	sor.u32 s16, s2;
	v10 =	vadd.s32 $0x4180, v1;
	v8 =	vld.idx.msk [tilespmem:v11+s3+$0x0], $0xffff  }
0x3bc: {  	s7 =	sor.u32 $0x10, s4;
	v16 =	vld [tilespmem:s13+$0x0];
	v11 =	vadd.s32 $0x4180, v0;
	[tilespmem:s1+$0x80] =	vst v2  }
0x3bd: {  	s15 =	sor.u32 s7, s2;
	v2 =	vld.idx.msk [tilespmem:v6+s3+$0x0], $0xffff  }
0x3be: {  	v18 =	vld [tilespmem:s15+$0x0];
	v13 =	vadd.s32 $0x4180, v9;
	[tilespmem:s17+$0x80] =	vst v4  }
0x3bf: {  	v15 =	vadd.s32 $0x4180, v3;
	v17 =	vadd.s32 $0x4200, v1;
	v19 =	vadd.s32 $0x4200, v0;
	v5 =	vld.idx.msk [tilespmem:v5+s3+$0x0], $0xffff;
	[tilespmem:s9+$0x100] =	vst v7  }
0x3c0: {  	s30 =	sor.u32 $0x20, s4;
	v14 =	vadd.s32 $0x4200, v9;
	v6 =	vadd.s32 $0x4300, v9;
	v4 =	vshll.u32 v12, $0x3;
	[tilespmem:s0+$0x100] =	vst v8;
	v10 =	vld.idx.msk [tilespmem:v10+s3+$0x0], $0xffff  }
0x3c1: {  	s2 =	sor.u32 s30, s2;
	v4 =	vand.u32 $0xFFFFFC00, v4;
	v8 =	vadd.s32 $0x4280, v9;
	v7 =	vand.u32 $0x7F, v12;
	v11 =	vld.idx.msk [tilespmem:v11+s3+$0x0], $0xffff  }
0x3c2: {  	v12 =	vld [tilespmem:s2+$0x0];
	[tilespmem:s1+$0x100] =	vst v2;
	v2 =	vor.u32 v7, v4;
	v4 =	vadd.s32 $0x4380, v9;
	v9 =	vshll.u32 v16, $0x3  }
0x3c3: {  	v16 =	vand.u32 $0x7F, v16;
	v13 =	vld.idx.msk [tilespmem:v13+s3+$0x0], $0xffff;
	v21 =	vadd.s32 $0x4000, v2;
	v9 =	vand.u32 $0xFFFFFC00, v9  }
0x3c4: {  	v20 =	vadd.s32 $0x4200, v3;
	[tilespmem:s17+$0x100] =	vst v5;
	v9 =	vor.u32 v16, v9  }
0x3c5: {  	p0 =	por $0x0, $0x0;
	v25 =	vadd.s32 $0x4280, v1;
	v31 =	vadd.s32 $0x4280, v0;
	s2 =	simm.s32 $0x1;
	v15 =	vld.idx.msk [tilespmem:v15+s3+$0x0], $0xffff;
	v29 =	vadd.s32 $0x4000, v9;
	[tilespmem:s9+$0x180] =	vst v10  }
0x3c6: {  	s25 =	sor.u32 s11, s11;
	s2 =	simm.s32 @!p0 $0x0;
	v7 =	vadd.s32 $0x4280, v3;
	v5 =	vadd.s32 $0x4300, v3;
	v3 =	vadd.s32 $0x4380, v3;
	[tilespmem:s0+$0x180] =	vst v11;
	v10 =	vld.idx.msk [tilespmem:v17+s3+$0x0], $0xffff  }
0x3c7: {  	s19 =	sor.u32 $0x380, s25;
	s2 =	sshll.u32 s2, $0x6;
	v11 =	vshll.u32 v12, $0x3;
	v12 =	vand.u32 $0x7F, v12;
	v17 =	vshll.u32 v18, $0x3;
	v27 =	vld.idx.msk [tilespmem:v19+s3+$0x0], $0xffff  }
0x3c8: {  	s25 =	simm.s32 $0xC480;
	s15 =	simm.s32 $0x4;
	s2 =	sadd.s32 $0x0, s2;
	v11 =	vand.u32 $0xFFFFFC00, v11;
	v18 =	vand.u32 $0x7F, v18;
	v16 =	vand.u32 $0xFFFFFC00, v17;
	v17 =	vld.idx.msk [tilespmem:v21+s3+$0x0], $0xffff;
	[tilespmem:s1+$0x180] =	vst v13  }
0x3c9: {  	s22 =	sadd.s32 $0x30, s2;
	s18 =	sadd.s32 $0x10, s2;
	s20 =	sadd.s32 $0x20, s2;
	v19 =	vadd.s32 $0x4080, v2;
	v12 =	vor.u32 v12, v11;
	v13 =	vor.u32 v18, v16;
	v23 =	vld.idx.msk [tilespmem:v14+s3+$0x0], $0xffff  }
0x3ca: {  	s31 =	sor.u32 $0x200, s2;
	s24 =	sor.u32 $0x280, s2;
	s26 =	sor.u32 $0x200, s22;
	v26 =	vadd.s32 $0x4000, v12;
	v22 =	vadd.s32 $0x4080, v12;
	[tilespmem:s17+$0x180] =	vst v15;
	v28 =	vadd.s32 $0x4000, v13;
	v30 =	vld.idx.msk [tilespmem:v29+s3+$0x0], $0xffff  }
0x3cb: {  	s29 =	sor.u32 $0x300, s2;
	s13 =	sor.u32 $0x300, s18;
	s8 =	sor.u32 $0x300, s20;
	v16 =	vadd.s32 $0x4100, v12;
	v14 =	vadd.s32 $0x4180, v12;
	v11 =	vadd.s32 $0x4200, v12;
	v24 =	vld.idx.msk [tilespmem:v20+s3+$0x0], $0xffff;
	[tilespmem:s26+$0x8000] =	vst v10  }
0x3cc: {  	s28 =	sor.u32 $0x200, s18;
	s9 =	sor.u32 $0x200, s20;
	s1 =	sor.u32 $0x280, s18;
	v21 =	vadd.s32 $0x4080, v13;
	v18 =	vadd.s32 $0x4100, v13;
	v15 =	vadd.s32 $0x4180, v13;
	[tilespmem:s31+$0x8000] =	vst v27;
	v25 =	vld.idx.msk [tilespmem:v25+s3+$0x0], $0xffff  }
0x3cd: {  	s17 =	sor.u32 $0x280, s20;
	s20 =	sor.u32 $0x380, s20;
	v29 =	vadd.s32 $0x4300, v1;
	v20 =	vadd.s32 $0x4280, v13;
	v10 =	vadd.s32 $0x4200, v13;
	s26 =	sor.u32 $0x380, s18;
	v27 =	vld.idx.msk [tilespmem:v31+s3+$0x0], $0xffff  }
.LBB2_26:
0x3ce: {  	v31 =	vld [tilespmem:s25+$0x0];
	v32 =	vadd.s32 $0x4300, v13;
	v33 =	vadd.s32 $0x4280, v12;
	v34 =	vadd.s32 $0x4080, v9;
	s11 =	sadd.s32 $0x200, s11  }
0x3cf: {  	v13 =	vadd.s32 $0x4380, v13;
	v35 =	vadd.s32 $0x4300, v12;
	v12 =	vadd.s32 $0x4380, v12;
	s0 =	sand.u32 $0x1C00, s11;
	s2 =	sor.u32 s11, s10;
	v28 =	vld.idx.msk [tilespmem:v28+s3+$0x0], $0xffff;
	[tilespmem:s28+$0x8000] =	vst v23  }
0x3d0: {  	s23 =	sor.u32 $0x8000, s0;
	s18 =	sor.u32 $0x380, s2;
	v23 =	vld.idx.msk [tilespmem:v26+s3+$0x0], $0xffff;
	[tilespmem:s9+$0x8000] =	vst v24;
	s2 =	sor.u32 $0x280, s22  }
0x3d1: {  	s9 =	sor.u32 s4, s23;
	s0 =	sor.u32 s7, s23;
	s28 =	sor.u32 s16, s23;
	v24 =	vld.idx.msk [tilespmem:v8+s3+$0x0], $0xffff;
	[tilespmem:s2+$0x8000] =	vst v25;
	v8 =	vmov v20  }
0x3d2: {  	s31 =	sor.u32 s30, s23;
	[tilespmem:s28+$0x0] =	vst v30;
	v20 =	vld.idx.msk [tilespmem:v29+s3+$0x0], $0xffff  }
0x3d3: {  	[tilespmem:s9+$0x0] =	vst v17;
	v17 =	vld.idx.msk [tilespmem:v34+s3+$0x0], $0xffff  }
0x3d4: {  	v25 =	vadd.s32 $0x4380, v1;
	v1 =	vmov v9;
	v19 =	vld.idx.msk [tilespmem:v19+s3+$0x0], $0xffff;
	[tilespmem:s24+$0x8000] =	vst v27  }
0x3d5: {  	v9 =	vadd.s32 $0x4100, v1;
	[tilespmem:s0+$0x0] =	vst v28;
	v26 =	vld.idx.msk [tilespmem:v7+s3+$0x0], $0xffff;
	v7 =	vmov v33  }
0x3d6: {  	v27 =	vadd.s32 $0x4100, v2;
	v21 =	vld.idx.msk [tilespmem:v21+s3+$0x0], $0xffff;
	[tilespmem:s31+$0x0] =	vst v23  }
0x3d7: {  	v22 =	vld.idx.msk [tilespmem:v22+s3+$0x0], $0xffff;
	[tilespmem:s1+$0x8000] =	vst v24;
	s1 =	sor.u32 $0x300, s22  }
0x3d8: {  	v23 =	vld.idx.msk [tilespmem:v6+s3+$0x0], $0xffff;
	[tilespmem:s1+$0x8000] =	vst v20;
	v6 =	vmov v32  }
0x3d9: {  	[tilespmem:s28+$0x80] =	vst v17;
	v17 =	vld.idx.msk [tilespmem:v25+s3+$0x0], $0xffff  }
0x3da: {  	[tilespmem:s9+$0x80] =	vst v19;
	v9 =	vld.idx.msk [tilespmem:v9+s3+$0x0], $0xffff;
	v19 =	vadd.s32 $0x4300, v0  }
0x3db: {  	v20 =	vld.idx.msk [tilespmem:v27+s3+$0x0], $0xffff;
	[tilespmem:s17+$0x8000] =	vst v26  }
0x3dc: {  	[tilespmem:s0+$0x80] =	vst v21;
	v21 =	vadd.s32 $0x4180, v1;
	v24 =	vld.idx.msk [tilespmem:v5+s3+$0x0], $0xffff;
	v5 =	vmov v35  }
0x3dd: {  	v25 =	vadd.s32 $0x4180, v2;
	v18 =	vld.idx.msk [tilespmem:v18+s3+$0x0], $0xffff;
	[tilespmem:s31+$0x80] =	vst v22  }
0x3de: {  	s1 =	sor.u32 $0x380, s22;
	v16 =	vld.idx.msk [tilespmem:v16+s3+$0x0], $0xffff;
	[tilespmem:s13+$0x8000] =	vst v23  }
0x3df: {  	s10 =	sadd.s32 $0x40, s10;
	v19 =	vld.idx.msk [tilespmem:v19+s3+$0x0], $0xffff;
	[tilespmem:s1+$0x8000] =	vst v17  }
0x3e0: {  	s15 =	sadd.s32 $0x4, s15;
	s4 =	sand.u32 $0x40, s10;
	s1 =	sand.u32 $0x380, s10;
	[tilespmem:s28+$0x100] =	vst v9;
	v9 =	vld.idx.msk [tilespmem:v4+s3+$0x0], $0xffff;
	v4 =	vmov v13  }
0x3e1: {  	p3 =	slt.u32 s15, $0x3C;
	s16 =	sor.u32 $0x30, s4;
	s1 =	sor.u32 $0xC400, s1;
	[tilespmem:s9+$0x100] =	vst v20;
	v13 =	vld.idx.msk [tilespmem:v21+s3+$0x0], $0xffff  }
0x3e2: {  	s7 =	sor.u32 $0x10, s4;
	s30 =	sor.u32 $0x20, s4;
	s2 =	sor.u32 s16, s1;
	v17 =	vld.idx.msk [tilespmem:v25+s3+$0x0], $0xffff;
	[tilespmem:s8+$0x8000] =	vst v24  }
0x3e3: {  	s8 =	sor.u32 s7, s1;
	s1 =	sor.u32 s30, s1;
	v20 =	vld [tilespmem:s2+$0x0];
	[tilespmem:s0+$0x100] =	vst v18;
	v18 =	vadd.s32 $0x4200, v1  }
0x3e4: {  	v23 =	vadd.s32 $0x4200, v2;
	v21 =	vshll.u32 v31, $0x3;
	v22 =	vld [tilespmem:s8+$0x0];
	[tilespmem:s31+$0x100] =	vst v16  }
0x3e5: {  	v21 =	vand.u32 $0xFFFFFC00, v21;
	v16 =	vand.u32 $0x7F, v31;
	v24 =	vld [tilespmem:s1+$0x0];
	[tilespmem:s29+$0x8000] =	vst v19  }
0x3e6: {  	v19 =	vadd.s32 $0x4380, v0;
	v0 =	vmov v2;
	v2 =	vor.u32 v16, v21;
	v15 =	vld.idx.msk [tilespmem:v15+s3+$0x0], $0xffff;
	[tilespmem:s26+$0x8000] =	vst v9  }
0x3e7: {  	p0 =	por !p0, !p0;
	s1 =	simm.s32 $0x1;
	v16 =	vadd.s32 $0x4000, v2;
	v14 =	vld.idx.msk [tilespmem:v14+s3+$0x0], $0xffff;
	[tilespmem:s28+$0x180] =	vst v13  }
0x3e8: {  	s1 =	simm.s32 @!p0 $0x0;
	v9 =	vshll.u32 v20, $0x3;
	[tilespmem:s9+$0x180] =	vst v17;
	v18 =	vld.idx.msk [tilespmem:v18+s3+$0x0], $0xffff  }
0x3e9: {  	s1 =	sshll.u32 s1, $0x6;
	v17 =	vand.u32 $0x7F, v20;
	v13 =	vshll.u32 v22, $0x3;
	v9 =	vand.u32 $0xFFFFFC00, v9;
	v20 =	vld.idx.msk [tilespmem:v23+s3+$0x0], $0xffff  }
0x3ea: {  	v25 =	vadd.s32 $0x4280, v1;
	s2 =	sadd.s32 s1, s11;
	v21 =	vshll.u32 v24, $0x3;
	v9 =	vor.u32 v17, v9;
	v27 =	vld.idx.msk [tilespmem:v3+s3+$0x0], $0xffff;
	v3 =	vmovc v12  }
0x3eb: {  	s23 =	sadd.s32 $0x20, s2;
	v12 =	vand.u32 $0xFFFFFC00, v13;
	v21 =	vand.u32 $0xFFFFFC00, v21;
	v29 =	vadd.s32 $0x4000, v9;
	v31 =	vld.idx.msk [tilespmem:v19+s3+$0x0], $0xffff  }
0x3ec: {  	v32 =	vadd.s32 $0x4280, v0;
	s22 =	sadd.s32 $0x30, s2;
	v13 =	vand.u32 $0x7F, v22;
	s9 =	sor.u32 $0x200, s23;
	v17 =	vld.idx.msk [tilespmem:v16+s3+$0x0], $0xffff;
	v16 =	vand.u32 $0x7F, v24;
	[tilespmem:s0+$0x180] =	vst v15;
	s0 =	sadd.s32 $0x10, s2  }
.Ltmp13:
0x3ed: {  	s8 =	sor.u32 $0x200, s22;
	v19 =	vadd.s32 $0x4080, v2;
	v13 =	vor.u32 v13, v12;
	v12 =	vor.u32 v16, v21;
	v23 =	vld.idx.msk [tilespmem:v10+s3+$0x0], $0xffff;
	s28 =	sor.u32 $0x200, s0;
	[tilespmem:s31+$0x180] =	vst v14;
	(pc) =	sbr.rel @p3 .LBB2_26-.Ltmp13, $4  }
0x3ee: {  	s13 =	sor.u32 $0x200, s2;
	s17 =	sor.u32 $0x280, s23;
	v28 =	vadd.s32 $0x4000, v13;
	v21 =	vadd.s32 $0x4080, v13;
	s1 =	sor.u32 $0x280, s0;
	v26 =	vadd.s32 $0x4000, v12;
	v24 =	vld.idx.msk [tilespmem:v11+s3+$0x0], $0xffff;
	[tilespmem:s8+$0x8000] =	vst v18  }
0x3ef: {  	s24 =	sor.u32 $0x280, s2;
	v18 =	vadd.s32 $0x4100, v13;
	v22 =	vadd.s32 $0x4080, v12;
	v16 =	vadd.s32 $0x4100, v12;
	s8 =	sor.u32 $0x300, s23;
	[tilespmem:s13+$0x8000] =	vst v20;
	s13 =	sor.u32 $0x300, s0;
	v25 =	vld.idx.msk [tilespmem:v25+s3+$0x0], $0xffff  }
0x3f0: {  	s29 =	sor.u32 $0x300, s2;
	v15 =	vadd.s32 $0x4180, v13;
	v10 =	vadd.s32 $0x4200, v13;
	s26 =	sor.u32 $0x380, s0;
	v14 =	vadd.s32 $0x4180, v12;
	v30 =	vld.idx.msk [tilespmem:v29+s3+$0x0], $0xffff;
	[tilespmem:s20+$0x8000] =	vst v27;
	s20 =	sor.u32 $0x380, s23  }
0x3f1: {  	s25 =	sadd.s32 $0x40, s25;
	v11 =	vadd.s32 $0x4200, v12;
	v20 =	vadd.s32 $0x4280, v13;
	v29 =	vadd.s32 $0x4300, v1;
	v27 =	vld.idx.msk [tilespmem:v32+s3+$0x0], $0xffff;
	[tilespmem:s19+$0x8000] =	vst v31;
	s19 =	smov.u32 s18  }
0x3f2: {  	_ =	sdelay $0x2  }
0x3f3: {  	v31 =	vadd.s32 $0x4080, v9;
	s0 =	sadd.s32 $0x200, s11  }
0x3f4: {  	v28 =	vld.idx.msk [tilespmem:v28+s3+$0x0], $0xffff;
	s2 =	sand.u32 $0x1C00, s0  }
0x3f5: {  	v26 =	vld.idx.msk [tilespmem:v26+s3+$0x0], $0xffff;
	s2 =	sor.u32 $0x8000, s2  }
0x3f6: {  	s18 =	sor.u32 s16, s2  }
0x3f7: {  	s7 =	sor.u32 s7, s2;
	s15 =	sor.u32 s30, s2;
	s2 =	sor.u32 s4, s2;
	[tilespmem:s18+$0x0] =	vst v30  }
0x3f8: {  	[tilespmem:s2+$0x0] =	vst v17;
	v30 =	vld.idx.msk [tilespmem:v31+s3+$0x0], $0xffff  }
0x3f9: {  	v63 =	vadd.s32 $0x4100, v9;
	[tilespmem:s7+$0x0] =	vst v28;
	v19 =	vld.idx.msk [tilespmem:v19+s3+$0x0], $0xffff  }
0x3fa: {  	[tilespmem:s15+$0x0] =	vst v26;
	v31 =	vadd.s32 $0x4100, v2;
	v21 =	vld.idx.msk [tilespmem:v21+s3+$0x0], $0xffff  }
0x3fb: {  	[tilespmem:s28+$0x8000] =	vst v23;
	v26 =	vld.idx.msk [tilespmem:v22+s3+$0x0], $0xffff  }
0x3fc: {  	[tilespmem:s9+$0x8000] =	vst v24  }
0x3fd: {  	[tilespmem:s18+$0x80] =	vst v30  }
0x3fe: {  	[tilespmem:s2+$0x80] =	vst v19;
	v32 =	vld.idx.msk [tilespmem:v63+s3+$0x0], $0xffff  }
0x3ff: {  	v33 =	vadd.s32 $0x4180, v9;
	[tilespmem:s7+$0x80] =	vst v21;
	v34 =	vld.idx.msk [tilespmem:v31+s3+$0x0], $0xffff  }
0x400: {  	s23 =	sor.u32 $0x280, s22;
	v35 =	vadd.s32 $0x4180, v2;
	[tilespmem:s15+$0x80] =	vst v26;
	v18 =	vld.idx.msk [tilespmem:v18+s3+$0x0], $0xffff  }
0x401: {  	[tilespmem:s23+$0x8000] =	vst v25;
	v16 =	vld.idx.msk [tilespmem:v16+s3+$0x0], $0xffff  }
0x402: {  	v8 =	vld.idx.msk [tilespmem:v8+s3+$0x0], $0xffff;
	[tilespmem:s24+$0x8000] =	vst v27  }
0x403: {  	v7 =	vld.idx.msk [tilespmem:v7+s3+$0x0], $0xffff;
	[tilespmem:s18+$0x100] =	vst v32  }
0x404: {  	[tilespmem:s2+$0x100] =	vst v34;
	v21 =	vld.idx.msk [tilespmem:v33+s3+$0x0], $0xffff  }
0x405: {  	v37 =	vadd.s32 $0x4200, v9;
	[tilespmem:s7+$0x100] =	vst v18;
	v38 =	vld.idx.msk [tilespmem:v35+s3+$0x0], $0xffff  }
0x406: {  	v39 =	vadd.s32 $0x4200, v2;
	[tilespmem:s15+$0x100] =	vst v16;
	v15 =	vld.idx.msk [tilespmem:v15+s3+$0x0], $0xffff  }
0x407: {  	[tilespmem:s1+$0x8000] =	vst v8;
	v14 =	vld.idx.msk [tilespmem:v14+s3+$0x0], $0xffff  }
0x408: {  	v36 =	vld.idx.msk [tilespmem:v29+s3+$0x0], $0xffff;
	[tilespmem:s17+$0x8000] =	vst v7  }
0x409: {  	p0 =	por !p0, !p0;
	v46 =	vadd.s32 $0x4300, v0;
	s1 =	simm.s32 $0x1;
	v6 =	vld.idx.msk [tilespmem:v6+s3+$0x0], $0xffff;
	[tilespmem:s18+$0x180] =	vst v21  }
0x40a: {  	s1 =	simm.s32 @!p0 $0x0;
	[tilespmem:s2+$0x180] =	vst v38;
	v40 =	vld.idx.msk [tilespmem:v37+s3+$0x0], $0xffff  }
0x40b: {  	v41 =	vadd.s32 $0x4280, v9;
	s1 =	sshll.u32 s1, $0x6;
	[tilespmem:s7+$0x180] =	vst v15;
	v44 =	vld.idx.msk [tilespmem:v39+s3+$0x0], $0xffff  }
0x40c: {  	s25 =	sor.u32 $0x300, s22;
	v45 =	vadd.s32 $0x4280, v2;
	s2 =	sadd.s32 s1, s0;
	[tilespmem:s15+$0x180] =	vst v14;
	v10 =	vld.idx.msk [tilespmem:v10+s3+$0x0], $0xffff  }
0x40d: {  	[tilespmem:s25+$0x8000] =	vst v36;
	s1 =	sadd.s32 $0x30, s2;
	v42 =	vld.idx.msk [tilespmem:v11+s3+$0x0], $0xffff  }
0x40e: {  	v43 =	vadd.s32 $0x4280, v12;
	v53 =	vld.idx.msk [tilespmem:v46+s3+$0x0], $0xffff;
	[tilespmem:s13+$0x8000] =	vst v6;
	s28 =	sor.u32 $0x200, s1  }
0x40f: {  	v55 =	vadd.s32 $0x4380, v0;
	v5 =	vld.idx.msk [tilespmem:v5+s3+$0x0], $0xffff;
	s4 =	sadd.s32 $0x10, s2;
	s13 =	sor.u32 $0x200, s2;
	[tilespmem:s28+$0x8000] =	vst v40  }
0x410: {  	s9 =	sadd.s32 $0x20, s2;
	s30 =	sor.u32 $0x200, s4;
	[tilespmem:s13+$0x8000] =	vst v44;
	v15 =	vld.idx.msk [tilespmem:v41+s3+$0x0], $0xffff  }
0x411: {  	v47 =	vadd.s32 $0x4300, v9;
	s31 =	sor.u32 $0x200, s9;
	[tilespmem:s30+$0x8000] =	vst v10;
	v52 =	vld.idx.msk [tilespmem:v45+s3+$0x0], $0xffff  }
0x412: {  	v54 =	vadd.s32 $0x4300, v2;
	[tilespmem:s31+$0x8000] =	vst v42;
	v48 =	vld.idx.msk [tilespmem:v20+s3+$0x0], $0xffff  }
0x413: {  	v49 =	vadd.s32 $0x4300, v13;
	[tilespmem:s29+$0x8000] =	vst v53;
	v50 =	vld.idx.msk [tilespmem:v43+s3+$0x0], $0xffff  }
0x414: {  	v51 =	vadd.s32 $0x4300, v12;
	v0 =	vld.idx.msk [tilespmem:v55+s3+$0x0], $0xffff;
	[tilespmem:s8+$0x8000] =	vst v5;
	s16 =	sor.u32 $0x280, s1  }
0x415: {  	v1 =	vadd.s32 $0x4380, v1;
	v4 =	vld.idx.msk [tilespmem:v4+s3+$0x0], $0xffff;
	s15 =	sor.u32 $0x380, s22;
	s22 =	sor.u32 $0x280, s2;
	[tilespmem:s16+$0x8000] =	vst v15  }
0x416: {  	s17 =	sor.u32 $0x280, s4;
	[tilespmem:s22+$0x8000] =	vst v52;
	v10 =	vld.idx.msk [tilespmem:v47+s3+$0x0], $0xffff  }
0x417: {  	v56 =	vadd.s32 $0x4380, v9;
	s18 =	sor.u32 $0x280, s9;
	[tilespmem:s17+$0x8000] =	vst v48;
	v5 =	vld.idx.msk [tilespmem:v54+s3+$0x0], $0xffff  }
0x418: {  	v61 =	vadd.s32 $0x4380, v2;
	[tilespmem:s18+$0x8000] =	vst v50;
	v57 =	vld.idx.msk [tilespmem:v49+s3+$0x0], $0xffff  }
0x419: {  	v58 =	vadd.s32 $0x4380, v13;
	[tilespmem:s19+$0x8000] =	vst v0;
	v59 =	vld.idx.msk [tilespmem:v51+s3+$0x0], $0xffff  }
0x41a: {  	v60 =	vadd.s32 $0x4380, v12;
	v1 =	vld.idx.msk [tilespmem:v1+s3+$0x0], $0xffff;
	[tilespmem:s26+$0x8000] =	vst v4;
	s23 =	sor.u32 $0x300, s1  }
0x41b: {  	v3 =	vld.idx.msk [tilespmem:v3+s3+$0x0], $0xffff;
	s2 =	sor.u32 $0x300, s2;
	[tilespmem:s23+$0x8000] =	vst v10  }
0x41c: {  	s24 =	sor.u32 $0x300, s4;
	[tilespmem:s2+$0x8000] =	vst v5;
	v62 =	vld.idx.msk [tilespmem:v56+s3+$0x0], $0xffff  }
0x41d: {  	s25 =	sor.u32 $0x300, s9;
	[tilespmem:s24+$0x8000] =	vst v57;
	v2 =	vld.idx.msk [tilespmem:v61+s3+$0x0], $0xffff  }
0x41e: {  	[tilespmem:s25+$0x8000] =	vst v59;
	v63 =	vld.idx.msk [tilespmem:v58+s3+$0x0], $0xffff  }
0x41f: {  	[tilespmem:s15+$0x8000] =	vst v1;
	v1 =	vld.idx.msk [tilespmem:v60+s3+$0x0], $0xffff  }
0x420: {  	[tilespmem:s20+$0x8000] =	vst v3;
	s0 =	sor.u32 s0, s10;
	s1 =	sor.u32 $0x380, s1  }
0x421: {  	s0 =	sor.u32 $0x380, s0;
	s28 =	sshll.u32 s12, $0xD;
	[tilespmem:s1+$0x8000] =	vst v62  }
0x422: {  	s26 =	sor.u32 $0x380, s4;
	s1 =	sadd.s32 s6, s28;
	[tilespmem:s0+$0x8000] =	vst v2  }
0x423: {  	s29 =	sor.u32 $0x380, s9;
	s23 =	rddreg [dreg:$0x1];
	[tilespmem:s26+$0x8000] =	vst v63;
	s1 =	sshrl.u32 s1, $0x3  }
0x424: {  	s31 =	simm.s32 $0x8000;
	[tilespmem:s29+$0x8000] =	vst v1;
	s30 =	sadd.s32 s23, s1  }
0x425: {  	[hbm4b:s30+s3] =	stream.linear.scatter [tilespmem:s31], [sflag:$0x3], $0x2000, $0x38;
	[tilespmem:$0xE680] =	vst v63  }
.LBB2_28:
.Ltmp14:
0x426: {  	(pc) =	sbr.rel @!p6 .LBB2_32-.Ltmp14, $1  }
0x427: {  	_ =	sdelay $0x3  }
0x428: {  	s11 =	simm.s32 $0x0;
	s4 =	simm.s32 $0x4  }
0x429: {  	_ =	swait.ge [sflag:s4], $0x2000;
	s0 =	sand.u32 $0x40, s11;
	s1 =	sand.u32 $0x380, s11  }
0x42a: {  	[sflag:s4] =	ssyncset.done $0x0;
	s1 =	sor.u32 $0xC400, s1;
	s2 =	sor.u32 $0x30, s0  }
0x42b: {  	[sflag:s4] =	ssyncadd.s32 $0xFFFFE000;
	s17 =	sor.u32 s2, s1  }
0x42c: {  	s7 =	simm.s32 $0xC400;
	v0 =	vld [tilespmem:s17+$0x0]  }
0x42d: {  	s18 =	sor.u32 $0x10, s0;
	v1 =	vld [tilespmem:s7+$0x0]  }
0x42e: {  	s8 =	sor.u32 s18, s1  }
0x42f: {  	s19 =	sor.u32 $0x20, s0;
	v2 =	vld [tilespmem:s8+$0x0]  }
0x430: {  	s1 =	sor.u32 s19, s1  }
0x431: {  	v3 =	vld [tilespmem:s1+$0x0];
	v4 =	vshll.u32 v0, $0x3  }
0x432: {  	v5 =	vshll.u32 v1, $0x3;
	v0 =	vand.u32 $0x7F, v0;
	v4 =	vand.u32 $0xFFFFFC00, v4  }
0x433: {  	v6 =	vand.u32 $0x7F, v1;
	v5 =	vand.u32 $0xFFFFFC00, v5;
	v1 =	vor.u32 v0, v4  }
0x434: {  	v0 =	vor.u32 v6, v5;
	v6 =	vshll.u32 v2, $0x3;
	v4 =	vadd.s32 $0x6000, v1  }
0x435: {  	v2 =	vand.u32 $0x7F, v2;
	v5 =	vadd.s32 $0x6000, v0;
	v6 =	vand.u32 $0xFFFFFC00, v6  }
0x436: {  	v7 =	vshll.u32 v3, $0x3;
	v9 =	vor.u32 v2, v6  }
0x437: {  	v3 =	vand.u32 $0x7F, v3;
	v7 =	vand.u32 $0xFFFFFC00, v7;
	v2 =	vadd.s32 $0x6000, v9  }
0x438: {  	v3 =	vor.u32 v3, v7  }
0x439: {  	v6 =	vadd.s32 $0x6000, v3;
	v4 =	vld.idx.msk [tilespmem:v4+s3+$0x0], $0xffff  }
0x43a: {  	v7 =	vadd.s32 $0x6080, v1;
	v5 =	vld.idx.msk [tilespmem:v5+s3+$0x0], $0xffff  }
0x43b: {  	s20 =	sand.u32 $0x1C00, s11;
	v8 =	vadd.s32 $0x6080, v0  }
0x43c: {  	s10 =	sor.u32 $0xA000, s20;
	v2 =	vld.idx.msk [tilespmem:v2+s3+$0x0], $0xffff  }
0x43d: {  	s9 =	sor.u32 s2, s10;
	v10 =	vadd.s32 $0x6080, v9  }
0x43e: {  	s22 =	sor.u32 s0, s10;
	v6 =	vld.idx.msk [tilespmem:v6+s3+$0x0], $0xffff;
	[tilespmem:s9+$0x0] =	vst v4  }
0x43f: {  	v4 =	vadd.s32 $0x6080, v3;
	[tilespmem:s22+$0x0] =	vst v5;
	v5 =	vld.idx.msk [tilespmem:v7+s3+$0x0], $0xffff  }
0x440: {  	s1 =	sor.u32 s18, s10;
	v7 =	vld.idx.msk [tilespmem:v8+s3+$0x0], $0xffff;
	v8 =	vadd.s32 $0x6100, v1  }
0x441: {  	v11 =	vadd.s32 $0x6100, v0;
	[tilespmem:s1+$0x0] =	vst v2  }
0x442: {  	s24 =	simm.s32 $0xC440;
	s23 =	sor.u32 s19, s10;
	v2 =	vld.idx.msk [tilespmem:v10+s3+$0x0], $0xffff  }
0x443: {  	v12 =	vld [tilespmem:s24+$0x0];
	s10 =	simm.s32 $0x40;
	[tilespmem:s23+$0x0] =	vst v6;
	v6 =	vadd.s32 $0x6100, v9  }
0x444: {  	s4 =	sand.u32 $0x40, s10;
	s25 =	sand.u32 $0x380, s10;
	v4 =	vld.idx.msk [tilespmem:v4+s3+$0x0], $0xffff;
	[tilespmem:s9+$0x80] =	vst v5  }
0x445: {  	s2 =	sor.u32 $0xC400, s25;
	s16 =	sor.u32 $0x30, s4;
	v5 =	vadd.s32 $0x6100, v3;
	[tilespmem:s22+$0x80] =	vst v7;
	v7 =	vld.idx.msk [tilespmem:v8+s3+$0x0], $0xffff  }
0x446: {  	s12 =	sor.u32 s16, s2;
	v10 =	vadd.s32 $0x6180, v1;
	v8 =	vld.idx.msk [tilespmem:v11+s3+$0x0], $0xffff  }
0x447: {  	s7 =	sor.u32 $0x10, s4;
	v16 =	vld [tilespmem:s12+$0x0];
	v11 =	vadd.s32 $0x6180, v0;
	[tilespmem:s1+$0x80] =	vst v2  }
0x448: {  	s13 =	sor.u32 s7, s2;
	v2 =	vld.idx.msk [tilespmem:v6+s3+$0x0], $0xffff  }
0x449: {  	v18 =	vld [tilespmem:s13+$0x0];
	v13 =	vadd.s32 $0x6180, v9;
	[tilespmem:s23+$0x80] =	vst v4  }
0x44a: {  	v15 =	vadd.s32 $0x6180, v3;
	v17 =	vadd.s32 $0x6200, v1;
	v19 =	vadd.s32 $0x6200, v0;
	v5 =	vld.idx.msk [tilespmem:v5+s3+$0x0], $0xffff;
	[tilespmem:s9+$0x100] =	vst v7  }
0x44b: {  	s29 =	sor.u32 $0x20, s4;
	v14 =	vadd.s32 $0x6200, v9;
	v6 =	vadd.s32 $0x6300, v9;
	v4 =	vshll.u32 v12, $0x3;
	[tilespmem:s22+$0x100] =	vst v8;
	v10 =	vld.idx.msk [tilespmem:v10+s3+$0x0], $0xffff  }
0x44c: {  	s2 =	sor.u32 s29, s2;
	v4 =	vand.u32 $0xFFFFFC00, v4;
	v8 =	vadd.s32 $0x6280, v9;
	v7 =	vand.u32 $0x7F, v12;
	v11 =	vld.idx.msk [tilespmem:v11+s3+$0x0], $0xffff  }
0x44d: {  	v12 =	vld [tilespmem:s2+$0x0];
	[tilespmem:s1+$0x100] =	vst v2;
	v2 =	vor.u32 v7, v4;
	v4 =	vadd.s32 $0x6380, v9;
	v9 =	vshll.u32 v16, $0x3  }
0x44e: {  	v16 =	vand.u32 $0x7F, v16;
	v13 =	vld.idx.msk [tilespmem:v13+s3+$0x0], $0xffff;
	v21 =	vadd.s32 $0x6000, v2;
	v9 =	vand.u32 $0xFFFFFC00, v9  }
0x44f: {  	v20 =	vadd.s32 $0x6200, v3;
	[tilespmem:s23+$0x100] =	vst v5;
	v9 =	vor.u32 v16, v9  }
0x450: {  	p0 =	por $0x0, $0x0;
	v25 =	vadd.s32 $0x6280, v1;
	v31 =	vadd.s32 $0x6280, v0;
	s2 =	simm.s32 $0x1;
	v15 =	vld.idx.msk [tilespmem:v15+s3+$0x0], $0xffff;
	v29 =	vadd.s32 $0x6000, v9;
	[tilespmem:s9+$0x180] =	vst v10  }
0x451: {  	s2 =	simm.s32 @!p0 $0x0;
	v7 =	vadd.s32 $0x6280, v3;
	v5 =	vadd.s32 $0x6300, v3;
	v3 =	vadd.s32 $0x6380, v3;
	[tilespmem:s22+$0x180] =	vst v11;
	v10 =	vld.idx.msk [tilespmem:v17+s3+$0x0], $0xffff  }
0x452: {  	s15 =	simm.s32 $0x4;
	s26 =	sor.u32 s11, s11;
	s2 =	sshll.u32 s2, $0x6;
	v11 =	vshll.u32 v12, $0x3;
	v12 =	vand.u32 $0x7F, v12;
	v17 =	vshll.u32 v18, $0x3;
	v27 =	vld.idx.msk [tilespmem:v19+s3+$0x0], $0xffff  }
0x453: {  	s25 =	simm.s32 $0xC480;
	s12 =	sor.u32 $0x380, s26;
	s2 =	sadd.s32 $0x0, s2;
	v11 =	vand.u32 $0xFFFFFC00, v11;
	v18 =	vand.u32 $0x7F, v18;
	v16 =	vand.u32 $0xFFFFFC00, v17;
	v17 =	vld.idx.msk [tilespmem:v21+s3+$0x0], $0xffff;
	[tilespmem:s1+$0x180] =	vst v13  }
0x454: {  	s18 =	sadd.s32 $0x10, s2;
	s19 =	sadd.s32 $0x20, s2;
	s22 =	sadd.s32 $0x30, s2;
	v19 =	vadd.s32 $0x6080, v2;
	v12 =	vor.u32 v12, v11;
	v13 =	vor.u32 v18, v16;
	v23 =	vld.idx.msk [tilespmem:v14+s3+$0x0], $0xffff  }
0x455: {  	s31 =	sor.u32 $0x200, s2;
	s26 =	sor.u32 $0x300, s2;
	s30 =	sor.u32 $0x200, s22;
	v26 =	vadd.s32 $0x6000, v12;
	v22 =	vadd.s32 $0x6080, v12;
	[tilespmem:s23+$0x180] =	vst v15;
	v28 =	vadd.s32 $0x6000, v13;
	v30 =	vld.idx.msk [tilespmem:v29+s3+$0x0], $0xffff  }
0x456: {  	s24 =	sor.u32 $0x280, s2;
	s28 =	sor.u32 $0x200, s18;
	s17 =	sor.u32 $0x280, s19;
	v16 =	vadd.s32 $0x6100, v12;
	v14 =	vadd.s32 $0x6180, v12;
	v11 =	vadd.s32 $0x6200, v12;
	v24 =	vld.idx.msk [tilespmem:v20+s3+$0x0], $0xffff;
	[tilespmem:s30+$0xA000] =	vst v10  }
0x457: {  	s13 =	sor.u32 $0x300, s18;
	s8 =	sor.u32 $0x300, s19;
	s20 =	sor.u32 $0x380, s18;
	v21 =	vadd.s32 $0x6080, v13;
	v18 =	vadd.s32 $0x6100, v13;
	v15 =	vadd.s32 $0x6180, v13;
	[tilespmem:s31+$0xA000] =	vst v27;
	v25 =	vld.idx.msk [tilespmem:v25+s3+$0x0], $0xffff  }
0x458: {  	s9 =	sor.u32 $0x200, s19;
	s19 =	sor.u32 $0x380, s19;
	s1 =	sor.u32 $0x280, s18;
	v29 =	vadd.s32 $0x6300, v1;
	v20 =	vadd.s32 $0x6280, v13;
	v10 =	vadd.s32 $0x6200, v13;
	v27 =	vld.idx.msk [tilespmem:v31+s3+$0x0], $0xffff  }
.LBB2_30:
0x459: {  	v31 =	vld [tilespmem:s25+$0x0];
	v32 =	vadd.s32 $0x6300, v13;
	v33 =	vadd.s32 $0x6280, v12;
	v34 =	vadd.s32 $0x6080, v9;
	s11 =	sadd.s32 $0x200, s11  }
0x45a: {  	v13 =	vadd.s32 $0x6380, v13;
	v35 =	vadd.s32 $0x6300, v12;
	v12 =	vadd.s32 $0x6380, v12;
	s0 =	sand.u32 $0x1C00, s11;
	s2 =	sor.u32 s11, s10;
	v28 =	vld.idx.msk [tilespmem:v28+s3+$0x0], $0xffff;
	[tilespmem:s28+$0xA000] =	vst v23  }
0x45b: {  	s23 =	sor.u32 $0xA000, s0;
	s18 =	sor.u32 $0x380, s2;
	v23 =	vld.idx.msk [tilespmem:v26+s3+$0x0], $0xffff;
	[tilespmem:s9+$0xA000] =	vst v24;
	s2 =	sor.u32 $0x280, s22  }
0x45c: {  	s9 =	sor.u32 s4, s23;
	s0 =	sor.u32 s7, s23;
	s28 =	sor.u32 s16, s23;
	v24 =	vld.idx.msk [tilespmem:v8+s3+$0x0], $0xffff;
	[tilespmem:s2+$0xA000] =	vst v25;
	v8 =	vmov v20  }
0x45d: {  	s30 =	sor.u32 s29, s23;
	[tilespmem:s28+$0x0] =	vst v30;
	v20 =	vld.idx.msk [tilespmem:v29+s3+$0x0], $0xffff  }
0x45e: {  	[tilespmem:s9+$0x0] =	vst v17;
	v17 =	vld.idx.msk [tilespmem:v34+s3+$0x0], $0xffff  }
0x45f: {  	v25 =	vadd.s32 $0x6380, v1;
	v1 =	vmov v9;
	v19 =	vld.idx.msk [tilespmem:v19+s3+$0x0], $0xffff;
	[tilespmem:s24+$0xA000] =	vst v27  }
0x460: {  	v9 =	vadd.s32 $0x6100, v1;
	[tilespmem:s0+$0x0] =	vst v28;
	v26 =	vld.idx.msk [tilespmem:v7+s3+$0x0], $0xffff;
	v7 =	vmov v33  }
0x461: {  	v27 =	vadd.s32 $0x6100, v2;
	v21 =	vld.idx.msk [tilespmem:v21+s3+$0x0], $0xffff;
	[tilespmem:s30+$0x0] =	vst v23  }
0x462: {  	v22 =	vld.idx.msk [tilespmem:v22+s3+$0x0], $0xffff;
	[tilespmem:s1+$0xA000] =	vst v24;
	s1 =	sor.u32 $0x300, s22  }
0x463: {  	v23 =	vld.idx.msk [tilespmem:v6+s3+$0x0], $0xffff;
	[tilespmem:s1+$0xA000] =	vst v20;
	v6 =	vmov v32  }
0x464: {  	[tilespmem:s28+$0x80] =	vst v17;
	v17 =	vld.idx.msk [tilespmem:v25+s3+$0x0], $0xffff  }
0x465: {  	[tilespmem:s9+$0x80] =	vst v19;
	v9 =	vld.idx.msk [tilespmem:v9+s3+$0x0], $0xffff;
	v19 =	vadd.s32 $0x6300, v0  }
0x466: {  	v20 =	vld.idx.msk [tilespmem:v27+s3+$0x0], $0xffff;
	[tilespmem:s17+$0xA000] =	vst v26  }
0x467: {  	[tilespmem:s0+$0x80] =	vst v21;
	v21 =	vadd.s32 $0x6180, v1;
	v24 =	vld.idx.msk [tilespmem:v5+s3+$0x0], $0xffff;
	v5 =	vmov v35  }
0x468: {  	v25 =	vadd.s32 $0x6180, v2;
	v18 =	vld.idx.msk [tilespmem:v18+s3+$0x0], $0xffff;
	[tilespmem:s30+$0x80] =	vst v22  }
0x469: {  	s1 =	sor.u32 $0x380, s22;
	v16 =	vld.idx.msk [tilespmem:v16+s3+$0x0], $0xffff;
	[tilespmem:s13+$0xA000] =	vst v23  }
0x46a: {  	s10 =	sadd.s32 $0x40, s10;
	v19 =	vld.idx.msk [tilespmem:v19+s3+$0x0], $0xffff;
	[tilespmem:s1+$0xA000] =	vst v17  }
0x46b: {  	s15 =	sadd.s32 $0x4, s15;
	s4 =	sand.u32 $0x40, s10;
	s1 =	sand.u32 $0x380, s10;
	[tilespmem:s28+$0x100] =	vst v9;
	v9 =	vld.idx.msk [tilespmem:v4+s3+$0x0], $0xffff;
	v4 =	vmov v13  }
0x46c: {  	p3 =	slt.u32 s15, $0x3C;
	s16 =	sor.u32 $0x30, s4;
	s1 =	sor.u32 $0xC400, s1;
	[tilespmem:s9+$0x100] =	vst v20;
	v13 =	vld.idx.msk [tilespmem:v21+s3+$0x0], $0xffff  }
0x46d: {  	s7 =	sor.u32 $0x10, s4;
	s29 =	sor.u32 $0x20, s4;
	s2 =	sor.u32 s16, s1;
	v17 =	vld.idx.msk [tilespmem:v25+s3+$0x0], $0xffff;
	[tilespmem:s8+$0xA000] =	vst v24  }
0x46e: {  	s8 =	sor.u32 s7, s1;
	s1 =	sor.u32 s29, s1;
	v20 =	vld [tilespmem:s2+$0x0];
	[tilespmem:s0+$0x100] =	vst v18;
	v18 =	vadd.s32 $0x6200, v1  }
0x46f: {  	v23 =	vadd.s32 $0x6200, v2;
	v21 =	vshll.u32 v31, $0x3;
	v22 =	vld [tilespmem:s8+$0x0];
	[tilespmem:s30+$0x100] =	vst v16  }
0x470: {  	v21 =	vand.u32 $0xFFFFFC00, v21;
	v16 =	vand.u32 $0x7F, v31;
	v24 =	vld [tilespmem:s1+$0x0];
	[tilespmem:s26+$0xA000] =	vst v19  }
0x471: {  	v19 =	vadd.s32 $0x6380, v0;
	v0 =	vmov v2;
	v2 =	vor.u32 v16, v21;
	v15 =	vld.idx.msk [tilespmem:v15+s3+$0x0], $0xffff;
	[tilespmem:s20+$0xA000] =	vst v9  }
0x472: {  	p0 =	por !p0, !p0;
	s1 =	simm.s32 $0x1;
	v16 =	vadd.s32 $0x6000, v2;
	v14 =	vld.idx.msk [tilespmem:v14+s3+$0x0], $0xffff;
	[tilespmem:s28+$0x180] =	vst v13  }
0x473: {  	s1 =	simm.s32 @!p0 $0x0;
	v9 =	vshll.u32 v20, $0x3;
	[tilespmem:s9+$0x180] =	vst v17;
	v18 =	vld.idx.msk [tilespmem:v18+s3+$0x0], $0xffff  }
0x474: {  	s1 =	sshll.u32 s1, $0x6;
	v17 =	vand.u32 $0x7F, v20;
	v13 =	vshll.u32 v22, $0x3;
	v9 =	vand.u32 $0xFFFFFC00, v9;
	v20 =	vld.idx.msk [tilespmem:v23+s3+$0x0], $0xffff  }
0x475: {  	v25 =	vadd.s32 $0x6280, v1;
	s2 =	sadd.s32 s1, s11;
	v21 =	vshll.u32 v24, $0x3;
	v9 =	vor.u32 v17, v9;
	v27 =	vld.idx.msk [tilespmem:v3+s3+$0x0], $0xffff;
	v3 =	vmovc v12  }
0x476: {  	s23 =	sadd.s32 $0x20, s2;
	v12 =	vand.u32 $0xFFFFFC00, v13;
	v21 =	vand.u32 $0xFFFFFC00, v21;
	v29 =	vadd.s32 $0x6000, v9;
	v31 =	vld.idx.msk [tilespmem:v19+s3+$0x0], $0xffff  }
0x477: {  	v32 =	vadd.s32 $0x6280, v0;
	s22 =	sadd.s32 $0x30, s2;
	v13 =	vand.u32 $0x7F, v22;
	s9 =	sor.u32 $0x200, s23;
	v17 =	vld.idx.msk [tilespmem:v16+s3+$0x0], $0xffff;
	v16 =	vand.u32 $0x7F, v24;
	[tilespmem:s0+$0x180] =	vst v15;
	s0 =	sadd.s32 $0x10, s2  }
.Ltmp15:
0x478: {  	s8 =	sor.u32 $0x200, s22;
	v19 =	vadd.s32 $0x6080, v2;
	v13 =	vor.u32 v13, v12;
	v12 =	vor.u32 v16, v21;
	v23 =	vld.idx.msk [tilespmem:v10+s3+$0x0], $0xffff;
	s28 =	sor.u32 $0x200, s0;
	[tilespmem:s30+$0x180] =	vst v14;
	(pc) =	sbr.rel @p3 .LBB2_30-.Ltmp15, $4  }
0x479: {  	s13 =	sor.u32 $0x200, s2;
	s17 =	sor.u32 $0x280, s23;
	v28 =	vadd.s32 $0x6000, v13;
	v21 =	vadd.s32 $0x6080, v13;
	s1 =	sor.u32 $0x280, s0;
	v26 =	vadd.s32 $0x6000, v12;
	v24 =	vld.idx.msk [tilespmem:v11+s3+$0x0], $0xffff;
	[tilespmem:s8+$0xA000] =	vst v18  }
0x47a: {  	s24 =	sor.u32 $0x280, s2;
	v18 =	vadd.s32 $0x6100, v13;
	v22 =	vadd.s32 $0x6080, v12;
	v16 =	vadd.s32 $0x6100, v12;
	s8 =	sor.u32 $0x300, s23;
	[tilespmem:s13+$0xA000] =	vst v20;
	s13 =	sor.u32 $0x300, s0;
	v25 =	vld.idx.msk [tilespmem:v25+s3+$0x0], $0xffff  }
0x47b: {  	s26 =	sor.u32 $0x300, s2;
	v15 =	vadd.s32 $0x6180, v13;
	v10 =	vadd.s32 $0x6200, v13;
	s20 =	sor.u32 $0x380, s0;
	v14 =	vadd.s32 $0x6180, v12;
	v30 =	vld.idx.msk [tilespmem:v29+s3+$0x0], $0xffff;
	[tilespmem:s19+$0xA000] =	vst v27;
	s19 =	sor.u32 $0x380, s23  }
0x47c: {  	s25 =	sadd.s32 $0x40, s25;
	v11 =	vadd.s32 $0x6200, v12;
	v20 =	vadd.s32 $0x6280, v13;
	v29 =	vadd.s32 $0x6300, v1;
	v27 =	vld.idx.msk [tilespmem:v32+s3+$0x0], $0xffff;
	[tilespmem:s12+$0xA000] =	vst v31;
	s12 =	smov.u32 s18  }
0x47d: {  	_ =	sdelay $0x2  }
0x47e: {  	v31 =	vadd.s32 $0x6080, v9;
	s0 =	sadd.s32 $0x200, s11  }
0x47f: {  	v28 =	vld.idx.msk [tilespmem:v28+s3+$0x0], $0xffff;
	s2 =	sand.u32 $0x1C00, s0  }
0x480: {  	v26 =	vld.idx.msk [tilespmem:v26+s3+$0x0], $0xffff;
	s2 =	sor.u32 $0xA000, s2  }
0x481: {  	s25 =	sor.u32 s16, s2  }
0x482: {  	s7 =	sor.u32 s7, s2;
	s15 =	sor.u32 s29, s2;
	s2 =	sor.u32 s4, s2;
	[tilespmem:s25+$0x0] =	vst v30  }
0x483: {  	[tilespmem:s2+$0x0] =	vst v17;
	v30 =	vld.idx.msk [tilespmem:v31+s3+$0x0], $0xffff  }
0x484: {  	v63 =	vadd.s32 $0x6100, v9;
	[tilespmem:s7+$0x0] =	vst v28;
	v19 =	vld.idx.msk [tilespmem:v19+s3+$0x0], $0xffff  }
0x485: {  	[tilespmem:s15+$0x0] =	vst v26;
	v31 =	vadd.s32 $0x6100, v2;
	v21 =	vld.idx.msk [tilespmem:v21+s3+$0x0], $0xffff  }
0x486: {  	[tilespmem:s28+$0xA000] =	vst v23;
	v26 =	vld.idx.msk [tilespmem:v22+s3+$0x0], $0xffff  }
0x487: {  	[tilespmem:s9+$0xA000] =	vst v24  }
0x488: {  	[tilespmem:s25+$0x80] =	vst v30  }
0x489: {  	[tilespmem:s2+$0x80] =	vst v19;
	v32 =	vld.idx.msk [tilespmem:v63+s3+$0x0], $0xffff  }
0x48a: {  	v33 =	vadd.s32 $0x6180, v9;
	[tilespmem:s7+$0x80] =	vst v21;
	v34 =	vld.idx.msk [tilespmem:v31+s3+$0x0], $0xffff  }
0x48b: {  	s30 =	sor.u32 $0x280, s22;
	v35 =	vadd.s32 $0x6180, v2;
	[tilespmem:s15+$0x80] =	vst v26;
	v18 =	vld.idx.msk [tilespmem:v18+s3+$0x0], $0xffff  }
0x48c: {  	[tilespmem:s30+$0xA000] =	vst v25;
	v16 =	vld.idx.msk [tilespmem:v16+s3+$0x0], $0xffff  }
0x48d: {  	v8 =	vld.idx.msk [tilespmem:v8+s3+$0x0], $0xffff;
	[tilespmem:s24+$0xA000] =	vst v27  }
0x48e: {  	v7 =	vld.idx.msk [tilespmem:v7+s3+$0x0], $0xffff;
	[tilespmem:s25+$0x100] =	vst v32  }
0x48f: {  	[tilespmem:s2+$0x100] =	vst v34;
	v21 =	vld.idx.msk [tilespmem:v33+s3+$0x0], $0xffff  }
0x490: {  	v37 =	vadd.s32 $0x6200, v9;
	[tilespmem:s7+$0x100] =	vst v18;
	v38 =	vld.idx.msk [tilespmem:v35+s3+$0x0], $0xffff  }
0x491: {  	v39 =	vadd.s32 $0x6200, v2;
	[tilespmem:s15+$0x100] =	vst v16;
	v15 =	vld.idx.msk [tilespmem:v15+s3+$0x0], $0xffff  }
0x492: {  	[tilespmem:s1+$0xA000] =	vst v8;
	v14 =	vld.idx.msk [tilespmem:v14+s3+$0x0], $0xffff  }
0x493: {  	v36 =	vld.idx.msk [tilespmem:v29+s3+$0x0], $0xffff;
	[tilespmem:s17+$0xA000] =	vst v7  }
0x494: {  	p0 =	por !p0, !p0;
	v46 =	vadd.s32 $0x6300, v0;
	s1 =	simm.s32 $0x1;
	v6 =	vld.idx.msk [tilespmem:v6+s3+$0x0], $0xffff;
	[tilespmem:s25+$0x180] =	vst v21  }
0x495: {  	s1 =	simm.s32 @!p0 $0x0;
	[tilespmem:s2+$0x180] =	vst v38;
	v40 =	vld.idx.msk [tilespmem:v37+s3+$0x0], $0xffff  }
0x496: {  	v41 =	vadd.s32 $0x6280, v9;
	s1 =	sshll.u32 s1, $0x6;
	[tilespmem:s7+$0x180] =	vst v15;
	v44 =	vld.idx.msk [tilespmem:v39+s3+$0x0], $0xffff  }
0x497: {  	s31 =	sor.u32 $0x300, s22;
	v45 =	vadd.s32 $0x6280, v2;
	s4 =	sadd.s32 s1, s0;
	[tilespmem:s15+$0x180] =	vst v14;
	v10 =	vld.idx.msk [tilespmem:v10+s3+$0x0], $0xffff  }
0x498: {  	[tilespmem:s31+$0xA000] =	vst v36;
	s1 =	sadd.s32 $0x30, s4;
	v42 =	vld.idx.msk [tilespmem:v11+s3+$0x0], $0xffff  }
0x499: {  	v43 =	vadd.s32 $0x6280, v12;
	v53 =	vld.idx.msk [tilespmem:v46+s3+$0x0], $0xffff;
	s28 =	sor.u32 $0x200, s1;
	[tilespmem:s13+$0xA000] =	vst v6  }
0x49a: {  	v55 =	vadd.s32 $0x6380, v0;
	v5 =	vld.idx.msk [tilespmem:v5+s3+$0x0], $0xffff;
	s9 =	sadd.s32 $0x10, s4;
	s13 =	sor.u32 $0x200, s4;
	[tilespmem:s28+$0xA000] =	vst v40  }
0x49b: {  	s29 =	sadd.s32 $0x20, s4;
	s30 =	sor.u32 $0x200, s9;
	[tilespmem:s13+$0xA000] =	vst v44;
	v15 =	vld.idx.msk [tilespmem:v41+s3+$0x0], $0xffff  }
0x49c: {  	v47 =	vadd.s32 $0x6300, v9;
	s31 =	sor.u32 $0x200, s29;
	[tilespmem:s30+$0xA000] =	vst v10;
	v52 =	vld.idx.msk [tilespmem:v45+s3+$0x0], $0xffff  }
0x49d: {  	v54 =	vadd.s32 $0x6300, v2;
	[tilespmem:s31+$0xA000] =	vst v42;
	v48 =	vld.idx.msk [tilespmem:v20+s3+$0x0], $0xffff  }
0x49e: {  	v49 =	vadd.s32 $0x6300, v13;
	[tilespmem:s26+$0xA000] =	vst v53;
	v50 =	vld.idx.msk [tilespmem:v43+s3+$0x0], $0xffff  }
0x49f: {  	v51 =	vadd.s32 $0x6300, v12;
	s16 =	sor.u32 $0x280, s1;
	v0 =	vld.idx.msk [tilespmem:v55+s3+$0x0], $0xffff;
	[tilespmem:s8+$0xA000] =	vst v5  }
0x4a0: {  	v1 =	vadd.s32 $0x6380, v1;
	v4 =	vld.idx.msk [tilespmem:v4+s3+$0x0], $0xffff;
	s15 =	sor.u32 $0x380, s22;
	s22 =	sor.u32 $0x280, s4;
	[tilespmem:s16+$0xA000] =	vst v15  }
0x4a1: {  	s17 =	sor.u32 $0x280, s9;
	[tilespmem:s22+$0xA000] =	vst v52;
	v10 =	vld.idx.msk [tilespmem:v47+s3+$0x0], $0xffff  }
0x4a2: {  	v56 =	vadd.s32 $0x6380, v9;
	s18 =	sor.u32 $0x280, s29;
	[tilespmem:s17+$0xA000] =	vst v48;
	v5 =	vld.idx.msk [tilespmem:v54+s3+$0x0], $0xffff  }
0x4a3: {  	v61 =	vadd.s32 $0x6380, v2;
	[tilespmem:s18+$0xA000] =	vst v50;
	v57 =	vld.idx.msk [tilespmem:v49+s3+$0x0], $0xffff  }
0x4a4: {  	v58 =	vadd.s32 $0x6380, v13;
	[tilespmem:s12+$0xA000] =	vst v0;
	v59 =	vld.idx.msk [tilespmem:v51+s3+$0x0], $0xffff  }
0x4a5: {  	v60 =	vadd.s32 $0x6380, v12;
	v1 =	vld.idx.msk [tilespmem:v1+s3+$0x0], $0xffff;
	s23 =	sor.u32 $0x300, s1;
	[tilespmem:s20+$0xA000] =	vst v4  }
0x4a6: {  	v3 =	vld.idx.msk [tilespmem:v3+s3+$0x0], $0xffff;
	s2 =	sor.u32 $0x300, s4;
	[tilespmem:s23+$0xA000] =	vst v10  }
0x4a7: {  	s24 =	sor.u32 $0x300, s9;
	[tilespmem:s2+$0xA000] =	vst v5;
	v62 =	vld.idx.msk [tilespmem:v56+s3+$0x0], $0xffff  }
0x4a8: {  	s25 =	sor.u32 $0x300, s29;
	[tilespmem:s24+$0xA000] =	vst v57;
	v2 =	vld.idx.msk [tilespmem:v61+s3+$0x0], $0xffff  }
0x4a9: {  	[tilespmem:s25+$0xA000] =	vst v59;
	v63 =	vld.idx.msk [tilespmem:v58+s3+$0x0], $0xffff  }
0x4aa: {  	[tilespmem:s15+$0xA000] =	vst v1;
	v1 =	vld.idx.msk [tilespmem:v60+s3+$0x0], $0xffff  }
0x4ab: {  	s0 =	sor.u32 s0, s10;
	s1 =	sor.u32 $0x380, s1;
	[tilespmem:s19+$0xA000] =	vst v3  }
0x4ac: {  	s0 =	sor.u32 $0x380, s0;
	s28 =	sshll.u32 s14, $0xD;
	[tilespmem:s1+$0xA000] =	vst v62  }
0x4ad: {  	s26 =	sor.u32 $0x380, s9;
	s1 =	sadd.s32 s6, s28;
	[tilespmem:s0+$0xA000] =	vst v2  }
0x4ae: {  	s29 =	sor.u32 $0x380, s29;
	s23 =	rddreg [dreg:$0x1];
	[tilespmem:s26+$0xA000] =	vst v63;
	s1 =	sshrl.u32 s1, $0x3  }
0x4af: {  	s31 =	simm.s32 $0xA000;
	[tilespmem:s29+$0xA000] =	vst v1;
	s30 =	sadd.s32 s23, s1  }
0x4b0: {  	[hbm4b:s30+s3] =	stream.linear.scatter [tilespmem:s31], [sflag:$0x4], $0x2000, $0x38;
	[tilespmem:$0xE680] =	vst v63  }
.LBB2_32:
.Ltmp16:
0x4b1: {  	(pc) =	sbr.rel @p4 .LBB2_34-.Ltmp16, $1  }
0x4b2: {  	_ =	sdelay $0x3  }
.Ltmp17:
0x4b3: {  	(pc) =	sbr.rel .LBB2_4-.Ltmp17, $4  }
0x4b4: {  	_ = 	snop  }
0x4b5: {  	s0 =	sshll.u32 s5, $0x8;
	s1 =	rddreg [dreg:$0x11]  }
0x4b6: {  	s31 =	simm.s32 $0xC400;
	s5 =	sadd.s32 $0x1, s5;
	s0 =	sadd.s32 s0, s1  }
0x4b7: {  	[tilespmem:s31], [sflag:$0x2] =	stream.linear.gather [hbm4b:s0+s3], $0x400, $0x38;
	[tilespmem:$0xE680] =	vst v63  }
.LBB2_34:
0x4b8: {  	s0 =	simm.s32 $0x3  }
0x4b9: {  	_ =	swait.ge [sflag:s0], $0x2000  }
0x4ba: {  	[sflag:s0] =	ssyncset.done $0x0  }
0x4bb: {  	[sflag:s0] =	ssyncadd.s32 $0xFFFFE000;
	s0 =	simm.s32 @!p1 $0x4  }
0x4bc: {  	_ =	swait.ge @!p1 [sflag:s0], $0x2000  }
0x4bd: {  	[sflag:s0] =	ssyncset.done @!p1 $0x0  }
0x4be: {  	s30 =	simm.s32 $0x5;
	[sflag:s0] =	ssyncadd.s32 @!p1 $0xFFFFE000  }
0x4bf: {  	_ =	swait.ge [sflag:s30], $0x640  }
0x4c0: {  	[sflag:s30] =	ssyncset.done $0x0  }
0x4c1: {  	s31 =	simm.s32 $0x0;
	[sflag:s30] =	ssyncadd.s32 $0xFFFFF9C0  }
0x4c2: {  	v2 =	vld [tilespmem:s31+$0xC800];
	_ =	sdelay $0x6  }
0x4c3: {  	v1 =	vld [tilespmem:s31+$0xDF80]  }
0x4c4: {  	v0 =	vimm.f32 $0.0e+00;
	s1 =	simm.s32 $0x80;
	s0 =	simm.s32 $0x10;
	v2 =	vld.idx.msk [tilespmem:v2+s21+$0x0], $0xffff  }
.LBB2_35:
0x4c5: {  	p0 =	sne.s32 s1, $0x18C0;
	v3 =	vld [tilespmem:s0+$0xC800];
	_ =	sdelay $0x3  }
.Ltmp18:
0x4c6: {  	(pc) =	sbr.rel @p0 .LBB2_35-.Ltmp18, $3  }
0x4c7: {  	v2 =	vsub.f32 v2, v1;
	_ =	sdelay $0x1  }
0x4c8: {  	v0 =	vadd.f32 v2, v0;
	v1 =	vld [tilespmem:s0+$0xDF80]  }
0x4c9: {  	s0 =	sshra.s32 s1, $0x2;
	s1 =	sadd.s32 $0x40, s1;
	v2 =	vld.idx.msk [tilespmem:v3+s21+$0x0], $0xffff  }
0x4ca: {  	v3 =	vld [tilespmem:s0+$0xC800];
	_ =	sdelay $0x6  }
0x4cb: {  	v4 =	vld [tilespmem:s0+$0xDF80]  }
0x4cc: {  	v3 =	vld.idx.msk [tilespmem:v3+s21+$0x0], $0xffff;
	_ =	sdelay $0x2  }
0x4cd: {  	v1 =	vsub.f32 v2, v1;
	_ =	sdelay $0x1  }
0x4ce: {  	v0 =	vadd.f32 v1, v0;
	v63 =	vsub.f32 v3, v4;
	_ =	sdelay $0x1  }
0x4cf: {  	v0 =	vadd.f32 v63, v0;
	_ =	sdelay $0x1  }
0x4d0: {  	s29 =	rddreg [dreg:$0x12];
	s1 =	simm.s32 $0xE600;
	s6 =	simm.s32 $0x6;
	[tilespmem:$0xE600] =	vst v0  }
0x4d1: {  	[hbm4b:s29+s3] =	stream.linear.scatter [tilespmem:s1], [sflag:$0x6], $0x10, $0x38;
	[tilespmem:$0xE680] =	vst v63  }
0x4d2: {  	_ =	swait.ge [sflag:s6], $0x10  }
0x4d3: {  	s30 =	rddreg [dreg:$0x14]  }
0x4d4: {  	s31 =	rddreg [dreg:$0x13];
	s1 =	sadd.s32 $0x1, s30  }
0x4d5: {  	p0 =	sne.s32 s1, s31  }
.Ltmp19:
0x4d6: {  	_ = 	snop;
	(pc) =	sbr.rel @p0 .LBB2_1-.Ltmp19, $3  }
0x4d7: {  	_ =	sdelay $0x1  }
0x4d8: {  	[sflag:s6] =	ssyncset.done $0x0  }
0x4d9: {  	[sflag:s6] =	ssyncadd.s32 $0xFFFFFFF0  }
0x4da: {  	_ =	sfence.sel $0x180000  }
0x4db: {  	[bflag:$0x0] =	sbarrier.arrive $0xFFFF  }
0x4dc: {  	_ =	strace $0x90000047  }
0x4dd: {  	s0 =	stileid.u32;
	[bflag:$0x2] =	sbarrier.arrive $0xFFFF  }
0x4de: {  	p0 =	sne.s32 s0, $0x0;
	s0 =	rddreg [dreg:$0x2]  }
0x4df: {  	s0 =	sadd.s32 @!p0 $0x100000, s0  }
0x4e0: {  	[sflag:s0] =	ssyncadd.tile.s32 @!p0 $0x1;
	_ =	shalt  }
.Lfunc_end2:
_tile_overlayer_lowered:
.L_overlay_start_2:
0x4e1: {  	(tag) =	ssettag $0x2  }
0x4e2: {  	s0 =	rddreg [dreg:$0x0];
	s2 =	stileid.u32  }
0x4e3: {  	s1 =	rddreg [dreg:$0x1];
	p0 =	sne.s32 s2, $0x0  }
0x4e4: {  	s3 =	rddreg [dreg:$0x2];
	[bflag:$0x3] =	sbarrier.arrive $0xFFFF;
	s2 =	simm.s32 @!p0 $0x1C06  }
0x4e5: {  	[timem:s3], [sflag:s2] =	dma.local @!p0 [hbm:s0], s1  }
0x4e6: {  	s0 =	simm.s32 @!p0 $0x6  }
0x4e7: {  	_ =	swait.ge @!p0 [sflag:s0], s1  }
0x4e8: {  	s1 =	ssub.s32 @!p0 $0x0, s1;
	[sflag:s0] =	ssyncset.done @!p0 $0x0  }
0x4e9: {  	[sflag:s0] =	ssyncadd.s32 @!p0 s1  }
0x4ea: {  	[bflag:$0x3] =	sbarrier.arrive $0xFFFF  }
0x4eb: {  	_ =	shalt  }

</sc_bundles>
